<compile_context>
chip_gen: v7x
topology: tpu7x:2x2x1
jax: 0.10.2.dev20260603
libtpu: 0.0.44.dev20260713+nightly
codegen_flags: <defaults>
</compile_context>

<pallas_src>
import jax
import jax.numpy as jnp
from jax import lax
from jax.experimental import pallas as pl
from jax.experimental.pallas import tpu as pltpu
from jax.experimental.pallas import tpu_sc as plsc

N = 49688
D = 128
B = 8
P = 512
E = B * P
NW = 32
EPW = E // NW
RBLK = 8192
NB = -(-N // RBLK)
NPAD = NB * RBLK
TAIL = N - (NB - 1) * RBLK
NBUF = 6
L = 16

_SC_MESH = plsc.VectorSubcoreMesh(
    core_axis_name="c", subcore_axis_name="s", num_cores=2, num_subcores=16)
_SC_PARAMS = pltpu.CompilerParams(needs_layout_passes=False)



def _sc_compute_body(nodes_hbm, x_hbm, table_hbm, alpha_hbm,
                     upd_hbm, fidx_hbm,
                     nsamp_v, idx_v, xsrc_v, fidx_v, aidx_v, tbl_v, x_v, ar_v,
                     a_v, sem1, sem2, sem3):
    c = lax.axis_index("c")
    s = lax.axis_index("s")
    wid = s * 2 + c
    base = wid * EPW
    sb = base // P
    off = base - sb * P
    pltpu.sync_copy(nodes_hbm.at[sb], nsamp_v)
    boff = sb * N
    for j in range(EPW // L):
        sl = pl.ds(j * L, L)
        v = nsamp_v[pl.ds(off + j * L, L)]
        idx_v[sl] = v
        fidx_v[sl] = v + boff
        aidx_v[sl] = lax.shift_right_logical(v, 7)
    pltpu.sync_copy(fidx_v, fidx_hbm.at[pl.ds(base, EPW)])

    ent = [idx_v[pl.ds(g * L, L)] for g in range(EPW // L)]

    def q_body(q, lq):
        nq = plsc.load_gather(nsamp_v, [jnp.full((L,), q, jnp.int32)])
        return tuple(
            jnp.where(ent[g] == nq, q, lq[g]) for g in range(EPW // L))

    lq = lax.fori_loop(0, P, q_body,
                       tuple(jnp.zeros((L,), jnp.int32)
                             for _ in range(EPW // L)))
    xoff = sb * P
    for g in range(EPW // L):
        xsrc_v[pl.ds(g * L, L)] = lq[g] + xoff

    cp1 = pltpu.async_copy(table_hbm.at[idx_v], tbl_v, sem1)
    cp2 = pltpu.async_copy(x_hbm.at[xsrc_v], x_v, sem2)
    cp3 = pltpu.async_copy(alpha_hbm.at[aidx_v], ar_v, sem3)
    cp3.wait()
    for g in range(EPW // L):
        sl = pl.ds(g * L, L)
        ent = lax.iota(jnp.int32, L) + g * L
        cols = idx_v[sl] & 127
        a_v[sl] = plsc.load_gather(ar_v, [ent, cols])
    cp1.wait()
    cp2.wait()

    def row_body(i, carry):
        a = plsc.load_gather(a_v, [jnp.full((L,), i, jnp.int32)])
        for j in range(D // L):
            sl = pl.ds(j * L, L)
            t = tbl_v[i, sl]
            xx = x_v[i, sl]
            tbl_v[i, sl] = t + a * (xx - t)
        return carry

    lax.fori_loop(0, EPW, row_body, 0)
    pltpu.sync_copy(tbl_v, upd_hbm.at[pl.ds(base, EPW)])


_sc_compute = pl.kernel(
    _sc_compute_body,
    out_type=(
        jax.ShapeDtypeStruct((E, D), jnp.float32),
        jax.ShapeDtypeStruct((E,), jnp.int32),
    ),
    mesh=_SC_MESH,
    compiler_params=_SC_PARAMS,
    scratch_types=[
        pltpu.VMEM((P,), jnp.int32),
        pltpu.VMEM((EPW,), jnp.int32),
        pltpu.VMEM((EPW,), jnp.int32),
        pltpu.VMEM((EPW,), jnp.int32),
        pltpu.VMEM((EPW,), jnp.int32),
        pltpu.VMEM((EPW, D), jnp.float32),
        pltpu.VMEM((EPW, D), jnp.float32),
        pltpu.VMEM((EPW, D), jnp.float32),
        pltpu.VMEM((EPW,), jnp.float32),
        pltpu.SemaphoreType.DMA,
        pltpu.SemaphoreType.DMA,
        pltpu.SemaphoreType.DMA,
    ],
)



def _blk(j):
    return TAIL if j == NB - 1 else RBLK


def _dense_body(tbl_hbm, out_hbm, buf, insem, outsem):
    def start_in(j):
        k = j % NBUF
        pltpu.make_async_copy(
            tbl_hbm.at[pl.ds(j * RBLK, _blk(j))],
            buf.at[k, pl.ds(0, _blk(j))], insem.at[k]).start()

    def wait_in(j):
        k = j % NBUF
        pltpu.make_async_copy(
            tbl_hbm.at[pl.ds(j * RBLK, _blk(j))],
            buf.at[k, pl.ds(0, _blk(j))], insem.at[k]).wait()

    def out_cps(j):
        k = j % NBUF
        return [
            pltpu.make_async_copy(
                buf.at[k, pl.ds(0, _blk(j))],
                out_hbm.at[b, pl.ds(j * RBLK, _blk(j))], outsem.at[k])
            for b in range(B)
        ]

    for j in range(min(NBUF - 2, NB)):
        start_in(j)
    for j in range(NB):
        wait_in(j)
        for cp in out_cps(j):
            cp.start()
        if j - 2 >= 0 and j + NBUF - 2 < NB:
            for cp in out_cps(j - 2):
                cp.wait()
        if j + NBUF - 2 < NB:
            start_in(j + NBUF - 2)
    for j in range(max(NB - NBUF, 0), NB):
        for cp in out_cps(j):
            cp.wait()


def _dense_copy(table):
    return pl.pallas_call(
        _dense_body,
        in_specs=[pl.BlockSpec(memory_space=pl.ANY)],
        out_specs=pl.BlockSpec(memory_space=pl.ANY),
        out_shape=jax.ShapeDtypeStruct((B, N, D), jnp.float32),
        scratch_shapes=[
            pltpu.VMEM((NBUF, RBLK, D), jnp.float32),
            pltpu.SemaphoreType.DMA((NBUF,)),
            pltpu.SemaphoreType.DMA((NBUF,)),
        ],
    )(table)



def _sc_scatter_body(out_hbm, upd_hbm, fidx_hbm, fidx_v, upd_v, sem1, sem2):
    c = lax.axis_index("c")
    s = lax.axis_index("s")
    wid = s * 2 + c
    base = wid * EPW
    cp = pltpu.async_copy(upd_hbm.at[pl.ds(base, EPW)], upd_v, sem1)
    pltpu.sync_copy(fidx_hbm.at[pl.ds(base, EPW)], fidx_v)
    cp.wait()
    pltpu.async_copy(upd_v, out_hbm.at[fidx_v], sem2).wait()


_sc_scatter = pl.kernel(
    _sc_scatter_body,
    out_type=(),
    mesh=_SC_MESH,
    compiler_params=_SC_PARAMS,
    scratch_types=[
        pltpu.VMEM((EPW,), jnp.int32),
        pltpu.VMEM((EPW, D), jnp.float32),
        pltpu.SemaphoreType.DMA,
        pltpu.SemaphoreType.DMA,
    ],
)


def kernel(nodes, x, table, alpha):
    alpha2d = jnp.pad(alpha.reshape(N), (0, NPAD - N)).reshape(NPAD // D, D)
    upd, fidx = _sc_compute(nodes, x, table, alpha2d)
    dense = _dense_copy(table)
    out_ref = jax.new_ref(dense.reshape(B * N, D))
    _sc_scatter(out_ref, upd, fidx)
    return out_ref[...].reshape(B, N, D)

# --- scband reference (transcript-rebuilt; emitter-appended) ---
"""Pipeline reference for scband-global-gated-update-49709951483915 (READ-ONLY COPY).

The authoritative reference and input builder live on the scoring server;
editing this copy changes nothing except your own understanding.
"""

import jax, jax.numpy as jnp
import numpy as np

N_ITEMS = 49688
EMB_DIM = 128
BATCH = 8
NODES_PER = 512


def setup_inputs(seed: int = 0) -> dict:
    key = jax.random.key(seed)
    k1, k2, k3, k4 = jax.random.split(key, 4)
    nodes = jax.random.randint(k1, (BATCH, NODES_PER), 0, N_ITEMS, dtype=jnp.int32)
    x = jax.random.normal(k2, (BATCH * NODES_PER, EMB_DIM), dtype=jnp.float32)
    # learned parameters: embedding table (from the wrapped nn.Embedding) and gate alpha
    table = jax.random.normal(k3, (N_ITEMS, EMB_DIM), dtype=jnp.float32) * 0.02
    alpha = jax.random.uniform(k4, (N_ITEMS, 1), dtype=jnp.float32)
    return {"nodes": nodes, "x": x, "table": table, "alpha": alpha}


def reference(nodes, x, table, alpha):
    # nodes: int[B, P] (each row = node ids active in that sample)
    # x: float[B*P, d] flat concatenation of per-sample node features
    B, P = nodes.shape
    d = x.shape[1]
    feats = x.reshape(B, P, d)

    def per_sample(node, feat):
        # beta[node] = 1 (scatter-overwrite of mask)
        beta = jnp.zeros((N_ITEMS, 1), dtype=x.dtype).at[node].set(1.0)
        # gated copy of the full embedding matrix
        embed = (1.0 - beta * alpha) * table
        # embed[node, :] = embed[node, :] + alpha[node] * node_features
        upd = embed[node] + alpha[node] * feat
        embed = embed.at[node].set(upd)
        return embed

    batch_embedding = jax.vmap(per_sample)(nodes, feats)  # [B, N_ITEMS, d]
    return batch_embedding

if __name__ == "__main__":
    import jax
    _d = setup_inputs()
    print(jax.jit(kernel)(*tuple(_d.values())))

</pallas_src>

<mosaic_0001>
#map = affine_map<(d0, d1) -> (0, 0)>
#map1 = affine_map<(d0, d1) -> (0)>
module attributes {stable_mosaic.version = 14 : i64} {
  func.func @_sc_compute_body(%arg0: i32, %arg1: i32, %arg2: memref<8x512xi32, #tpu.memory_space<hbm>>, %arg3: memref<4096x128xf32, #tpu.memory_space<hbm>>, %arg4: memref<49688x128xf32, #tpu.memory_space<hbm>>, %arg5: memref<448x128xf32, #tpu.memory_space<hbm>>, %arg6: memref<4096x128xf32, #tpu.memory_space<hbm>>, %arg7: memref<4096xi32, #tpu.memory_space<hbm>>, %arg8: memref<512xi32, #tpu.memory_space<vmem>>, %arg9: memref<128xi32, #tpu.memory_space<vmem>>, %arg10: memref<128xi32, #tpu.memory_space<vmem>>, %arg11: memref<128xi32, #tpu.memory_space<vmem>>, %arg12: memref<128xi32, #tpu.memory_space<vmem>>, %arg13: memref<128x128xf32, #tpu.memory_space<vmem>>, %arg14: memref<128x128xf32, #tpu.memory_space<vmem>>, %arg15: memref<128x128xf32, #tpu.memory_space<vmem>>, %arg16: memref<128xf32, #tpu.memory_space<vmem>>, %arg17: memref<!tpu.dma_semaphore, #tpu.memory_space<semaphore_mem>>, %arg18: memref<!tpu.dma_semaphore, #tpu.memory_space<semaphore_mem>>, %arg19: memref<!tpu.dma_semaphore, #tpu.memory_space<semaphore_mem>>) attributes {dimension_semantics = [#tpu.dimension_semantics<core_parallel>, #tpu.dimension_semantics<subcore_parallel>], iteration_bounds = array<i64: 2, 16>, scalar_prefetch = 0 : i64, scratch_operands = 12 : i64, tpu.core_type = #tpu.core_type<sc_vector_subcore>, window_params = [{transform_indices = #map}, {transform_indices = #map}, {transform_indices = #map}, {transform_indices = #map}, {transform_indices = #map}, {transform_indices = #map1}]} {
    %mul3A = arith.constant 2 : i32
    %mul3A_0 = arith.muli %arg1, %mul3A : i32
    %add3A = arith.addi %mul3A_0, %arg0 : i32
    %mul3A_1 = arith.constant 128 : i32
    %mul3A_2 = arith.muli %add3A, %mul3A_1 : i32
    %jit3A = arith.constant 512 : i32
    %div3A = arith.divsi %mul3A_2, %jit3A : i32
    %sign3A = arith.constant 0 : i32
    %sign3A_3 = arith.cmpi sgt, %mul3A_2, %sign3A : i32
    %sign3A_4 = arith.extui %sign3A_3 : i1 to i32
    %sign3A_5 = arith.constant 0 : i32
    %sign3A_6 = arith.cmpi slt, %mul3A_2, %sign3A_5 : i32
    %sign3A_7 = arith.extui %sign3A_6 : i1 to i32
    %sign3A_8 = arith.subi %sign3A_4, %sign3A_7 : i32
    %sign3A_9 = arith.constant 0 : i32
    %sign3A_10 = arith.cmpi sgt, %jit3A, %sign3A_9 : i32
    %sign3A_11 = arith.extui %sign3A_10 : i1 to i32
    %sign3A_12 = arith.constant 0 : i32
    %sign3A_13 = arith.cmpi slt, %jit3A, %sign3A_12 : i32
    %sign3A_14 = arith.extui %sign3A_13 : i1 to i32
    %sign3A_15 = arith.subi %sign3A_11, %sign3A_14 : i32
    %ne3A = arith.cmpi ne, %sign3A_8, %sign3A_15 : i32
    %rem3A = arith.remsi %mul3A_2, %jit3A : i32
    %ne3A_16 = arith.constant 0 : i32
    %ne3A_17 = arith.cmpi ne, %rem3A, %ne3A_16 : i32
    %and3A = arith.andi %ne3A, %ne3A_17 : i1
    %sub3A = arith.constant 1 : i32
    %sub3A_18 = arith.subi %div3A, %sub3A : i32
    %select_n3A = arith.select %and3A, %sub3A_18, %div3A : i32
    %mul3A_19 = arith.constant 512 : i32
    %mul3A_20 = arith.muli %select_n3A, %mul3A_19 : i32
    %sub3A_21 = arith.subi %mul3A_2, %mul3A_20 : i32
    "tpu.region"() ({
      %run_scoped3A = tpu.sem_alloc : memref<!tpu.dma_semaphore, #tpu.memory_space<semaphore_mem>>
      %dma_start3A_327 = arith.constant 0 : i32
      %dma_start3A_328 = tpu.memref_slice %arg2[%select_n3A, %dma_start3A_327] : memref<8x512xi32, #tpu.memory_space<hbm>> -> memref<1x512xi32, #tpu.memory_space<hbm>>
      %dma_start3A_329 = tpu.memref_squeeze %dma_start3A_328 : memref<1x512xi32, #tpu.memory_space<hbm>> -> memref<512xi32, #tpu.memory_space<hbm>>
      %dma_start3A_330 = arith.constant 0 : i32
      %dma_start3A_331 = tpu.memref_slice %arg2[%select_n3A, %dma_start3A_330] : memref<8x512xi32, #tpu.memory_space<hbm>> -> memref<1x512xi32, #tpu.memory_space<hbm>>
      %dma_start3A_332 = tpu.memref_squeeze %dma_start3A_331 : memref<1x512xi32, #tpu.memory_space<hbm>> -> memref<512xi32, #tpu.memory_space<hbm>>
      tpu.enqueue_dma source(%dma_start3A_332 : memref<512xi32, #tpu.memory_space<hbm>>) target(%arg8 : memref<512xi32, #tpu.memory_space<vmem>>) target_semaphore(%run_scoped3A : memref<!tpu.dma_semaphore, #tpu.memory_space<semaphore_mem>>)
      %dma_wait3A_333 = arith.constant 0 : i32
      %dma_wait3A_334 = tpu.memref_slice %arg2[%select_n3A, %dma_wait3A_333] : memref<8x512xi32, #tpu.memory_space<hbm>> -> memref<1x512xi32, #tpu.memory_space<hbm>>
      %dma_wait3A_335 = tpu.memref_squeeze %dma_wait3A_334 : memref<1x512xi32, #tpu.memory_space<hbm>> -> memref<512xi32, #tpu.memory_space<hbm>>
      %dma_wait3A_336 = arith.constant 0 : i32
      %dma_wait3A_337 = tpu.memref_slice %arg2[%select_n3A, %dma_wait3A_336] : memref<8x512xi32, #tpu.memory_space<hbm>> -> memref<1x512xi32, #tpu.memory_space<hbm>>
      %dma_wait3A_338 = tpu.memref_squeeze %dma_wait3A_337 : memref<1x512xi32, #tpu.memory_space<hbm>> -> memref<512xi32, #tpu.memory_space<hbm>>
      tpu.wait_dma2 semaphore(%run_scoped3A : memref<!tpu.dma_semaphore, #tpu.memory_space<semaphore_mem>>) src(%dma_wait3A_338 : memref<512xi32, #tpu.memory_space<hbm>>) dst(%arg8 : memref<512xi32, #tpu.memory_space<vmem>>)
      tpu.yield
    }) : () -> ()
    %mul3A_22 = arith.constant 49688 : i32
    %mul3A_23 = arith.muli %select_n3A, %mul3A_22 : i32
    %add3A_24 = arith.constant 0 : i32
    %add3A_25 = arith.addi %sub3A_21, %add3A_24 : i32
    %get3A = arith.index_cast %add3A_25 : i32 to index
    %get3A_26 = tpu.vector_load %arg8[%get3A] {strides = array<i32>} : memref<512xi32, #tpu.memory_space<vmem>>, vector<16xi32>,
    %swap3A = arith.constant 0 : index
    %swap3A_27 = tpu.vector_load %arg9[%swap3A] {strides = array<i32>} : memref<128xi32, #tpu.memory_space<vmem>>, vector<16xi32>,
    tpu.vector_store %arg9[%swap3A], %get3A_26 {strides = array<i32>} : memref<128xi32, #tpu.memory_space<vmem>>, vector<16xi32>,
    %add3A_28 = vector.broadcast %mul3A_23 : i32 to vector<16xi32>
    %add3A_29 = arith.addi %get3A_26, %add3A_28 : vector<16xi32>
    %swap3A_30 = arith.constant 0 : index
    %swap3A_31 = tpu.vector_load %arg11[%swap3A_30] {strides = array<i32>} : memref<128xi32, #tpu.memory_space<vmem>>, vector<16xi32>,
    tpu.vector_store %arg11[%swap3A_30], %add3A_29 {strides = array<i32>} : memref<128xi32, #tpu.memory_space<vmem>>, vector<16xi32>,
    %shift_right_logical3A = arith.constant 7 : i32
    %shift_right_logical3A_32 = vector.broadcast %shift_right_logical3A : i32 to vector<16xi32>
    %shift_right_logical3A_33 = arith.shrui %get3A_26, %shift_right_logical3A_32 : vector<16xi32>
    %swap3A_34 = arith.constant 0 : index
    %swap3A_35 = tpu.vector_load %arg12[%swap3A_34] {strides = array<i32>} : memref<128xi32, #tpu.memory_space<vmem>>, vector<16xi32>,
    tpu.vector_store %arg12[%swap3A_34], %shift_right_logical3A_33 {strides = array<i32>} : memref<128xi32, #tpu.memory_space<vmem>>, vector<16xi32>,
    %add3A_36 = arith.constant 16 : i32
    %add3A_37 = arith.addi %sub3A_21, %add3A_36 : i32
    %get3A_38 = arith.index_cast %add3A_37 : i32 to index
    %get3A_39 = tpu.vector_load %arg8[%get3A_38] {strides = array<i32>} : memref<512xi32, #tpu.memory_space<vmem>>, vector<16xi32>,
    %swap3A_40 = arith.constant 16 : index
    %swap3A_41 = tpu.vector_load %arg9[%swap3A_40] {strides = array<i32>} : memref<128xi32, #tpu.memory_space<vmem>>, vector<16xi32>,
    tpu.vector_store %arg9[%swap3A_40], %get3A_39 {strides = array<i32>} : memref<128xi32, #tpu.memory_space<vmem>>, vector<16xi32>,
    %add3A_42 = vector.broadcast %mul3A_23 : i32 to vector<16xi32>
    %add3A_43 = arith.addi %get3A_39, %add3A_42 : vector<16xi32>
    %swap3A_44 = arith.constant 16 : index
    %swap3A_45 = tpu.vector_load %arg11[%swap3A_44] {strides = array<i32>} : memref<128xi32, #tpu.memory_space<vmem>>, vector<16xi32>,
    tpu.vector_store %arg11[%swap3A_44], %add3A_43 {strides = array<i32>} : memref<128xi32, #tpu.memory_space<vmem>>, vector<16xi32>,
    %shift_right_logical3A_46 = arith.constant 7 : i32
    %shift_right_logical3A_47 = vector.broadcast %shift_right_logical3A_46 : i32 to vector<16xi32>
    %shift_right_logical3A_48 = arith.shrui %get3A_39, %shift_right_logical3A_47 : vector<16xi32>
    %swap3A_49 = arith.constant 16 : index
    %swap3A_50 = tpu.vector_load %arg12[%swap3A_49] {strides = array<i32>} : memref<128xi32, #tpu.memory_space<vmem>>, vector<16xi32>,
    tpu.vector_store %arg12[%swap3A_49], %shift_right_logical3A_48 {strides = array<i32>} : memref<128xi32, #tpu.memory_space<vmem>>, vector<16xi32>,
    %add3A_51 = arith.constant 32 : i32
    %add3A_52 = arith.addi %sub3A_21, %add3A_51 : i32
    %get3A_53 = arith.index_cast %add3A_52 : i32 to index
    %get3A_54 = tpu.vector_load %arg8[%get3A_53] {strides = array<i32>} : memref<512xi32, #tpu.memory_space<vmem>>, vector<16xi32>,
    %swap3A_55 = arith.constant 32 : index
    %swap3A_56 = tpu.vector_load %arg9[%swap3A_55] {strides = array<i32>} : memref<128xi32, #tpu.memory_space<vmem>>, vector<16xi32>,
    tpu.vector_store %arg9[%swap3A_55], %get3A_54 {strides = array<i32>} : memref<128xi32, #tpu.memory_space<vmem>>, vector<16xi32>,
    %add3A_57 = vector.broadcast %mul3A_23 : i32 to vector<16xi32>
    %add3A_58 = arith.addi %get3A_54, %add3A_57 : vector<16xi32>
    %swap3A_59 = arith.constant 32 : index
    %swap3A_60 = tpu.vector_load %arg11[%swap3A_59] {strides = array<i32>} : memref<128xi32, #tpu.memory_space<vmem>>, vector<16xi32>,
    tpu.vector_store %arg11[%swap3A_59], %add3A_58 {strides = array<i32>} : memref<128xi32, #tpu.memory_space<vmem>>, vector<16xi32>,
    %shift_right_logical3A_61 = arith.constant 7 : i32
    %shift_right_logical3A_62 = vector.broadcast %shift_right_logical3A_61 : i32 to vector<16xi32>
    %shift_right_logical3A_63 = arith.shrui %get3A_54, %shift_right_logical3A_62 : vector<16xi32>
    %swap3A_64 = arith.constant 32 : index
    %swap3A_65 = tpu.vector_load %arg12[%swap3A_64] {strides = array<i32>} : memref<128xi32, #tpu.memory_space<vmem>>, vector<16xi32>,
    tpu.vector_store %arg12[%swap3A_64], %shift_right_logical3A_63 {strides = array<i32>} : memref<128xi32, #tpu.memory_space<vmem>>, vector<16xi32>,
    %add3A_66 = arith.constant 48 : i32
    %add3A_67 = arith.addi %sub3A_21, %add3A_66 : i32
    %get3A_68 = arith.index_cast %add3A_67 : i32 to index
    %get3A_69 = tpu.vector_load %arg8[%get3A_68] {strides = array<i32>} : memref<512xi32, #tpu.memory_space<vmem>>, vector<16xi32>,
    %swap3A_70 = arith.constant 48 : index
    %swap3A_71 = tpu.vector_load %arg9[%swap3A_70] {strides = array<i32>} : memref<128xi32, #tpu.memory_space<vmem>>, vector<16xi32>,
    tpu.vector_store %arg9[%swap3A_70], %get3A_69 {strides = array<i32>} : memref<128xi32, #tpu.memory_space<vmem>>, vector<16xi32>,
    %add3A_72 = vector.broadcast %mul3A_23 : i32 to vector<16xi32>
    %add3A_73 = arith.addi %get3A_69, %add3A_72 : vector<16xi32>
    %swap3A_74 = arith.constant 48 : index
    %swap3A_75 = tpu.vector_load %arg11[%swap3A_74] {strides = array<i32>} : memref<128xi32, #tpu.memory_space<vmem>>, vector<16xi32>,
    tpu.vector_store %arg11[%swap3A_74], %add3A_73 {strides = array<i32>} : memref<128xi32, #tpu.memory_space<vmem>>, vector<16xi32>,
    %shift_right_logical3A_76 = arith.constant 7 : i32
    %shift_right_logical3A_77 = vector.broadcast %shift_right_logical3A_76 : i32 to vector<16xi32>
    %shift_right_logical3A_78 = arith.shrui %get3A_69, %shift_right_logical3A_77 : vector<16xi32>
    %swap3A_79 = arith.constant 48 : index
    %swap3A_80 = tpu.vector_load %arg12[%swap3A_79] {strides = array<i32>} : memref<128xi32, #tpu.memory_space<vmem>>, vector<16xi32>,
    tpu.vector_store %arg12[%swap3A_79], %shift_right_logical3A_78 {strides = array<i32>} : memref<128xi32, #tpu.memory_space<vmem>>, vector<16xi32>,
    %add3A_81 = arith.constant 64 : i32
    %add3A_82 = arith.addi %sub3A_21, %add3A_81 : i32
    %get3A_83 = arith.index_cast %add3A_82 : i32 to index
    %get3A_84 = tpu.vector_load %arg8[%get3A_83] {strides = array<i32>} : memref<512xi32, #tpu.memory_space<vmem>>, vector<16xi32>,
    %swap3A_85 = arith.constant 64 : index
    %swap3A_86 = tpu.vector_load %arg9[%swap3A_85] {strides = array<i32>} : memref<128xi32, #tpu.memory_space<vmem>>, vector<16xi32>,
    tpu.vector_store %arg9[%swap3A_85], %get3A_84 {strides = array<i32>} : memref<128xi32, #tpu.memory_space<vmem>>, vector<16xi32>,
    %add3A_87 = vector.broadcast %mul3A_23 : i32 to vector<16xi32>
    %add3A_88 = arith.addi %get3A_84, %add3A_87 : vector<16xi32>
    %swap3A_89 = arith.constant 64 : index
    %swap3A_90 = tpu.vector_load %arg11[%swap3A_89] {strides = array<i32>} : memref<128xi32, #tpu.memory_space<vmem>>, vector<16xi32>,
    tpu.vector_store %arg11[%swap3A_89], %add3A_88 {strides = array<i32>} : memref<128xi32, #tpu.memory_space<vmem>>, vector<16xi32>,
    %shift_right_logical3A_91 = arith.constant 7 : i32
    %shift_right_logical3A_92 = vector.broadcast %shift_right_logical3A_91 : i32 to vector<16xi32>
    %shift_right_logical3A_93 = arith.shrui %get3A_84, %shift_right_logical3A_92 : vector<16xi32>
    %swap3A_94 = arith.constant 64 : index
    %swap3A_95 = tpu.vector_load %arg12[%swap3A_94] {strides = array<i32>} : memref<128xi32, #tpu.memory_space<vmem>>, vector<16xi32>,
    tpu.vector_store %arg12[%swap3A_94], %shift_right_logical3A_93 {strides = array<i32>} : memref<128xi32, #tpu.memory_space<vmem>>, vector<16xi32>,
    %add3A_96 = arith.constant 80 : i32
    %add3A_97 = arith.addi %sub3A_21, %add3A_96 : i32
    %get3A_98 = arith.index_cast %add3A_97 : i32 to index
    %get3A_99 = tpu.vector_load %arg8[%get3A_98] {strides = array<i32>} : memref<512xi32, #tpu.memory_space<vmem>>, vector<16xi32>,
    %swap3A_100 = arith.constant 80 : index
    %swap3A_101 = tpu.vector_load %arg9[%swap3A_100] {strides = array<i32>} : memref<128xi32, #tpu.memory_space<vmem>>, vector<16xi32>,
    tpu.vector_store %arg9[%swap3A_100], %get3A_99 {strides = array<i32>} : memref<128xi32, #tpu.memory_space<vmem>>, vector<16xi32>,
    %add3A_102 = vector.broadcast %mul3A_23 : i32 to vector<16xi32>
    %add3A_103 = arith.addi %get3A_99, %add3A_102 : vector<16xi32>
    %swap3A_104 = arith.constant 80 : index
    %swap3A_105 = tpu.vector_load %arg11[%swap3A_104] {strides = array<i32>} : memref<128xi32, #tpu.memory_space<vmem>>, vector<16xi32>,
    tpu.vector_store %arg11[%swap3A_104], %add3A_103 {strides = array<i32>} : memref<128xi32, #tpu.memory_space<vmem>>, vector<16xi32>,
    %shift_right_logical3A_106 = arith.constant 7 : i32
    %shift_right_logical3A_107 = vector.broadcast %shift_right_logical3A_106 : i32 to vector<16xi32>
    %shift_right_logical3A_108 = arith.shrui %get3A_99, %shift_right_logical3A_107 : vector<16xi32>
    %swap3A_109 = arith.constant 80 : index
    %swap3A_110 = tpu.vector_load %arg12[%swap3A_109] {strides = array<i32>} : memref<128xi32, #tpu.memory_space<vmem>>, vector<16xi32>,
    tpu.vector_store %arg12[%swap3A_109], %shift_right_logical3A_108 {strides = array<i32>} : memref<128xi32, #tpu.memory_space<vmem>>, vector<16xi32>,
    %add3A_111 = arith.constant 96 : i32
    %add3A_112 = arith.addi %sub3A_21, %add3A_111 : i32
    %get3A_113 = arith.index_cast %add3A_112 : i32 to index
    %get3A_114 = tpu.vector_load %arg8[%get3A_113] {strides = array<i32>} : memref<512xi32, #tpu.memory_space<vmem>>, vector<16xi32>,
    %swap3A_115 = arith.constant 96 : index
    %swap3A_116 = tpu.vector_load %arg9[%swap3A_115] {strides = array<i32>} : memref<128xi32, #tpu.memory_space<vmem>>, vector<16xi32>,
    tpu.vector_store %arg9[%swap3A_115], %get3A_114 {strides = array<i32>} : memref<128xi32, #tpu.memory_space<vmem>>, vector<16xi32>,
    %add3A_117 = vector.broadcast %mul3A_23 : i32 to vector<16xi32>
    %add3A_118 = arith.addi %get3A_114, %add3A_117 : vector<16xi32>
    %swap3A_119 = arith.constant 96 : index
    %swap3A_120 = tpu.vector_load %arg11[%swap3A_119] {strides = array<i32>} : memref<128xi32, #tpu.memory_space<vmem>>, vector<16xi32>,
    tpu.vector_store %arg11[%swap3A_119], %add3A_118 {strides = array<i32>} : memref<128xi32, #tpu.memory_space<vmem>>, vector<16xi32>,
    %shift_right_logical3A_121 = arith.constant 7 : i32
    %shift_right_logical3A_122 = vector.broadcast %shift_right_logical3A_121 : i32 to vector<16xi32>
    %shift_right_logical3A_123 = arith.shrui %get3A_114, %shift_right_logical3A_122 : vector<16xi32>
    %swap3A_124 = arith.constant 96 : index
    %swap3A_125 = tpu.vector_load %arg12[%swap3A_124] {strides = array<i32>} : memref<128xi32, #tpu.memory_space<vmem>>, vector<16xi32>,
    tpu.vector_store %arg12[%swap3A_124], %shift_right_logical3A_123 {strides = array<i32>} : memref<128xi32, #tpu.memory_space<vmem>>, vector<16xi32>,
    %add3A_126 = arith.constant 112 : i32
    %add3A_127 = arith.addi %sub3A_21, %add3A_126 : i32
    %get3A_128 = arith.index_cast %add3A_127 : i32 to index
    %get3A_129 = tpu.vector_load %arg8[%get3A_128] {strides = array<i32>} : memref<512xi32, #tpu.memory_space<vmem>>, vector<16xi32>,
    %swap3A_130 = arith.constant 112 : index
    %swap3A_131 = tpu.vector_load %arg9[%swap3A_130] {strides = array<i32>} : memref<128xi32, #tpu.memory_space<vmem>>, vector<16xi32>,
    tpu.vector_store %arg9[%swap3A_130], %get3A_129 {strides = array<i32>} : memref<128xi32, #tpu.memory_space<vmem>>, vector<16xi32>,
    %add3A_132 = vector.broadcast %mul3A_23 : i32 to vector<16xi32>
    %add3A_133 = arith.addi %get3A_129, %add3A_132 : vector<16xi32>
    %swap3A_134 = arith.constant 112 : index
    %swap3A_135 = tpu.vector_load %arg11[%swap3A_134] {strides = array<i32>} : memref<128xi32, #tpu.memory_space<vmem>>, vector<16xi32>,
    tpu.vector_store %arg11[%swap3A_134], %add3A_133 {strides = array<i32>} : memref<128xi32, #tpu.memory_space<vmem>>, vector<16xi32>,
    %shift_right_logical3A_136 = arith.constant 7 : i32
    %shift_right_logical3A_137 = vector.broadcast %shift_right_logical3A_136 : i32 to vector<16xi32>
    %shift_right_logical3A_138 = arith.shrui %get3A_129, %shift_right_logical3A_137 : vector<16xi32>
    %swap3A_139 = arith.constant 112 : index
    %swap3A_140 = tpu.vector_load %arg12[%swap3A_139] {strides = array<i32>} : memref<128xi32, #tpu.memory_space<vmem>>, vector<16xi32>,
    tpu.vector_store %arg12[%swap3A_139], %shift_right_logical3A_138 {strides = array<i32>} : memref<128xi32, #tpu.memory_space<vmem>>, vector<16xi32>,
    "tpu.region"() ({
      %run_scoped3A = tpu.sem_alloc : memref<!tpu.dma_semaphore, #tpu.memory_space<semaphore_mem>>
      %dma_start3A_327 = tpu.memref_slice %arg7[%mul3A_2] : memref<4096xi32, #tpu.memory_space<hbm>> -> memref<128xi32, #tpu.memory_space<hbm>>
      %dma_start3A_328 = tpu.memref_slice %arg7[%mul3A_2] : memref<4096xi32, #tpu.memory_space<hbm>> -> memref<128xi32, #tpu.memory_space<hbm>>
      tpu.enqueue_dma source(%arg11 : memref<128xi32, #tpu.memory_space<vmem>>) target(%dma_start3A_328 : memref<128xi32, #tpu.memory_space<hbm>>) target_semaphore(%run_scoped3A : memref<!tpu.dma_semaphore, #tpu.memory_space<semaphore_mem>>)
      %dma_wait3A_329 = tpu.memref_slice %arg7[%mul3A_2] : memref<4096xi32, #tpu.memory_space<hbm>> -> memref<128xi32, #tpu.memory_space<hbm>>
      %dma_wait3A_330 = tpu.memref_slice %arg7[%mul3A_2] : memref<4096xi32, #tpu.memory_space<hbm>> -> memref<128xi32, #tpu.memory_space<hbm>>
      tpu.wait_dma2 semaphore(%run_scoped3A : memref<!tpu.dma_semaphore, #tpu.memory_space<semaphore_mem>>) src(%arg11 : memref<128xi32, #tpu.memory_space<vmem>>) dst(%dma_wait3A_330 : memref<128xi32, #tpu.memory_space<hbm>>)
      tpu.yield
    }) : () -> ()
    %get3A_141 = arith.constant 0 : index
    %get3A_142 = tpu.vector_load %arg9[%get3A_141] {strides = array<i32>} : memref<128xi32, #tpu.memory_space<vmem>>, vector<16xi32>,
    %get3A_143 = arith.constant 16 : index
    %get3A_144 = tpu.vector_load %arg9[%get3A_143] {strides = array<i32>} : memref<128xi32, #tpu.memory_space<vmem>>, vector<16xi32>,
    %get3A_145 = arith.constant 32 : index
    %get3A_146 = tpu.vector_load %arg9[%get3A_145] {strides = array<i32>} : memref<128xi32, #tpu.memory_space<vmem>>, vector<16xi32>,
    %get3A_147 = arith.constant 48 : index
    %get3A_148 = tpu.vector_load %arg9[%get3A_147] {strides = array<i32>} : memref<128xi32, #tpu.memory_space<vmem>>, vector<16xi32>,
    %get3A_149 = arith.constant 64 : index
    %get3A_150 = tpu.vector_load %arg9[%get3A_149] {strides = array<i32>} : memref<128xi32, #tpu.memory_space<vmem>>, vector<16xi32>,
    %get3A_151 = arith.constant 80 : index
    %get3A_152 = tpu.vector_load %arg9[%get3A_151] {strides = array<i32>} : memref<128xi32, #tpu.memory_space<vmem>>, vector<16xi32>,
    %get3A_153 = arith.constant 96 : index
    %get3A_154 = tpu.vector_load %arg9[%get3A_153] {strides = array<i32>} : memref<128xi32, #tpu.memory_space<vmem>>, vector<16xi32>,
    %get3A_155 = arith.constant 112 : index
    %get3A_156 = tpu.vector_load %arg9[%get3A_155] {strides = array<i32>} : memref<128xi32, #tpu.memory_space<vmem>>, vector<16xi32>,
    %broadcast_in_dim3A = arith.constant 0 : i32
    %broadcast_in_dim3A_157 = vector.broadcast %broadcast_in_dim3A : i32 to vector<16xi32>
    %broadcast_in_dim3A_158 = arith.constant 0 : i32
    %broadcast_in_dim3A_159 = vector.broadcast %broadcast_in_dim3A_158 : i32 to vector<16xi32>
    %broadcast_in_dim3A_160 = arith.constant 0 : i32
    %broadcast_in_dim3A_161 = vector.broadcast %broadcast_in_dim3A_160 : i32 to vector<16xi32>
    %broadcast_in_dim3A_162 = arith.constant 0 : i32
    %broadcast_in_dim3A_163 = vector.broadcast %broadcast_in_dim3A_162 : i32 to vector<16xi32>
    %broadcast_in_dim3A_164 = arith.constant 0 : i32
    %broadcast_in_dim3A_165 = vector.broadcast %broadcast_in_dim3A_164 : i32 to vector<16xi32>
    %broadcast_in_dim3A_166 = arith.constant 0 : i32
    %broadcast_in_dim3A_167 = vector.broadcast %broadcast_in_dim3A_166 : i32 to vector<16xi32>
    %broadcast_in_dim3A_168 = arith.constant 0 : i32
    %broadcast_in_dim3A_169 = vector.broadcast %broadcast_in_dim3A_168 : i32 to vector<16xi32>
    %broadcast_in_dim3A_170 = arith.constant 0 : i32
    %broadcast_in_dim3A_171 = vector.broadcast %broadcast_in_dim3A_170 : i32 to vector<16xi32>
    %scan3A = arith.constant 0 : i32
    %scan3A_172 = arith.constant 512 : i32
    %scan3A_173 = arith.addi %scan3A, %scan3A_172 : i32
    %scan3A_174 = arith.constant 1 : i32
    %scan3A_175:8 = scf.for %scan3A_327 = %scan3A to %scan3A_173 step %scan3A_174 iter_args(%scan3A_328 = %broadcast_in_dim3A_157, %scan3A_329 = %broadcast_in_dim3A_159, %scan3A_330 = %broadcast_in_dim3A_161, %scan3A_331 = %broadcast_in_dim3A_163, %scan3A_332 = %broadcast_in_dim3A_165, %scan3A_333 = %broadcast_in_dim3A_167, %scan3A_334 = %broadcast_in_dim3A_169, %scan3A_335 = %broadcast_in_dim3A_171) -> (vector<16xi32>, vector<16xi32>, vector<16xi32>, vector<16xi32>, vector<16xi32>, vector<16xi32>, vector<16xi32>, vector<16xi32>)  : i32 {
      %broadcast_in_dim3A_336 = vector.broadcast %scan3A_327 : i32 to vector<16xi32>
      %gather3A_337 = tpu.vector_load_idx %arg8[%broadcast_in_dim3A_336] : memref<512xi32, #tpu.memory_space<vmem>>[vector<16xi32>], vector<16xi32>,
      %eq3A = arith.cmpi eq, %get3A_142, %gather3A_337 : vector<16xi32>
      %broadcast_in_dim3A_338 = vector.broadcast %scan3A_327 : i32 to vector<16xi32>
      %select_n3A_339 = arith.select %eq3A, %broadcast_in_dim3A_338, %scan3A_328 : vector<16xi1>, vector<16xi32>
      %eq3A_340 = arith.cmpi eq, %get3A_144, %gather3A_337 : vector<16xi32>
      %broadcast_in_dim3A_341 = vector.broadcast %scan3A_327 : i32 to vector<16xi32>
      %select_n3A_342 = arith.select %eq3A_340, %broadcast_in_dim3A_341, %scan3A_329 : vector<16xi1>, vector<16xi32>
      %eq3A_343 = arith.cmpi eq, %get3A_146, %gather3A_337 : vector<16xi32>
      %broadcast_in_dim3A_344 = vector.broadcast %scan3A_327 : i32 to vector<16xi32>
      %select_n3A_345 = arith.select %eq3A_343, %broadcast_in_dim3A_344, %scan3A_330 : vector<16xi1>, vector<16xi32>
      %eq3A_346 = arith.cmpi eq, %get3A_148, %gather3A_337 : vector<16xi32>
      %broadcast_in_dim3A_347 = vector.broadcast %scan3A_327 : i32 to vector<16xi32>
      %select_n3A_348 = arith.select %eq3A_346, %broadcast_in_dim3A_347, %scan3A_331 : vector<16xi1>, vector<16xi32>
      %eq3A_349 = arith.cmpi eq, %get3A_150, %gather3A_337 : vector<16xi32>
      %broadcast_in_dim3A_350 = vector.broadcast %scan3A_327 : i32 to vector<16xi32>
      %select_n3A_351 = arith.select %eq3A_349, %broadcast_in_dim3A_350, %scan3A_332 : vector<16xi1>, vector<16xi32>
      %eq3A_352 = arith.cmpi eq, %get3A_152, %gather3A_337 : vector<16xi32>
      %broadcast_in_dim3A_353 = vector.broadcast %scan3A_327 : i32 to vector<16xi32>
      %select_n3A_354 = arith.select %eq3A_352, %broadcast_in_dim3A_353, %scan3A_333 : vector<16xi1>, vector<16xi32>
      %eq3A_355 = arith.cmpi eq, %get3A_154, %gather3A_337 : vector<16xi32>
      %broadcast_in_dim3A_356 = vector.broadcast %scan3A_327 : i32 to vector<16xi32>
      %select_n3A_357 = arith.select %eq3A_355, %broadcast_in_dim3A_356, %scan3A_334 : vector<16xi1>, vector<16xi32>
      %eq3A_358 = arith.cmpi eq, %get3A_156, %gather3A_337 : vector<16xi32>
      %broadcast_in_dim3A_359 = vector.broadcast %scan3A_327 : i32 to vector<16xi32>
      %select_n3A_360 = arith.select %eq3A_358, %broadcast_in_dim3A_359, %scan3A_335 : vector<16xi1>, vector<16xi32>
      scf.yield %select_n3A_339, %select_n3A_342, %select_n3A_345, %select_n3A_348, %select_n3A_351, %select_n3A_354, %select_n3A_357, %select_n3A_360 : vector<16xi32>, vector<16xi32>, vector<16xi32>, vector<16xi32>, vector<16xi32>, vector<16xi32>, vector<16xi32>, vector<16xi32>
    }
    %scan3A_176 = arith.constant 512 : i32
    %mul3A_177 = arith.constant 512 : i32
    %mul3A_178 = arith.muli %select_n3A, %mul3A_177 : i32
    %add3A_179 = vector.broadcast %mul3A_178 : i32 to vector<16xi32>
    %add3A_180 = arith.addi %scan3A_175#0, %add3A_179 : vector<16xi32>
    %swap3A_181 = arith.constant 0 : index
    %swap3A_182 = tpu.vector_load %arg10[%swap3A_181] {strides = array<i32>} : memref<128xi32, #tpu.memory_space<vmem>>, vector<16xi32>,
    tpu.vector_store %arg10[%swap3A_181], %add3A_180 {strides = array<i32>} : memref<128xi32, #tpu.memory_space<vmem>>, vector<16xi32>,
    %add3A_183 = vector.broadcast %mul3A_178 : i32 to vector<16xi32>
    %add3A_184 = arith.addi %scan3A_175#1, %add3A_183 : vector<16xi32>
    %swap3A_185 = arith.constant 16 : index
    %swap3A_186 = tpu.vector_load %arg10[%swap3A_185] {strides = array<i32>} : memref<128xi32, #tpu.memory_space<vmem>>, vector<16xi32>,
    tpu.vector_store %arg10[%swap3A_185], %add3A_184 {strides = array<i32>} : memref<128xi32, #tpu.memory_space<vmem>>, vector<16xi32>,
    %add3A_187 = vector.broadcast %mul3A_178 : i32 to vector<16xi32>
    %add3A_188 = arith.addi %scan3A_175#2, %add3A_187 : vector<16xi32>
    %swap3A_189 = arith.constant 32 : index
    %swap3A_190 = tpu.vector_load %arg10[%swap3A_189] {strides = array<i32>} : memref<128xi32, #tpu.memory_space<vmem>>, vector<16xi32>,
    tpu.vector_store %arg10[%swap3A_189], %add3A_188 {strides = array<i32>} : memref<128xi32, #tpu.memory_space<vmem>>, vector<16xi32>,
    %add3A_191 = vector.broadcast %mul3A_178 : i32 to vector<16xi32>
    %add3A_192 = arith.addi %scan3A_175#3, %add3A_191 : vector<16xi32>
    %swap3A_193 = arith.constant 48 : index
    %swap3A_194 = tpu.vector_load %arg10[%swap3A_193] {strides = array<i32>} : memref<128xi32, #tpu.memory_space<vmem>>, vector<16xi32>,
    tpu.vector_store %arg10[%swap3A_193], %add3A_192 {strides = array<i32>} : memref<128xi32, #tpu.memory_space<vmem>>, vector<16xi32>,
    %add3A_195 = vector.broadcast %mul3A_178 : i32 to vector<16xi32>
    %add3A_196 = arith.addi %scan3A_175#4, %add3A_195 : vector<16xi32>
    %swap3A_197 = arith.constant 64 : index
    %swap3A_198 = tpu.vector_load %arg10[%swap3A_197] {strides = array<i32>} : memref<128xi32, #tpu.memory_space<vmem>>, vector<16xi32>,
    tpu.vector_store %arg10[%swap3A_197], %add3A_196 {strides = array<i32>} : memref<128xi32, #tpu.memory_space<vmem>>, vector<16xi32>,
    %add3A_199 = vector.broadcast %mul3A_178 : i32 to vector<16xi32>
    %add3A_200 = arith.addi %scan3A_175#5, %add3A_199 : vector<16xi32>
    %swap3A_201 = arith.constant 80 : index
    %swap3A_202 = tpu.vector_load %arg10[%swap3A_201] {strides = array<i32>} : memref<128xi32, #tpu.memory_space<vmem>>, vector<16xi32>,
    tpu.vector_store %arg10[%swap3A_201], %add3A_200 {strides = array<i32>} : memref<128xi32, #tpu.memory_space<vmem>>, vector<16xi32>,
    %add3A_203 = vector.broadcast %mul3A_178 : i32 to vector<16xi32>
    %add3A_204 = arith.addi %scan3A_175#6, %add3A_203 : vector<16xi32>
    %swap3A_205 = arith.constant 96 : index
    %swap3A_206 = tpu.vector_load %arg10[%swap3A_205] {strides = array<i32>} : memref<128xi32, #tpu.memory_space<vmem>>, vector<16xi32>,
    tpu.vector_store %arg10[%swap3A_205], %add3A_204 {strides = array<i32>} : memref<128xi32, #tpu.memory_space<vmem>>, vector<16xi32>,
    %add3A_207 = vector.broadcast %mul3A_178 : i32 to vector<16xi32>
    %add3A_208 = arith.addi %scan3A_175#7, %add3A_207 : vector<16xi32>
    %swap3A_209 = arith.constant 112 : index
    %swap3A_210 = tpu.vector_load %arg10[%swap3A_209] {strides = array<i32>} : memref<128xi32, #tpu.memory_space<vmem>>, vector<16xi32>,
    tpu.vector_store %arg10[%swap3A_209], %add3A_208 {strides = array<i32>} : memref<128xi32, #tpu.memory_space<vmem>>, vector<16xi32>,
    %dma_start3A = arith.constant 0 : i32
    %dma_start3A_211 = arith.constant 0 : i32
    %dma_start3A_212 = tpu.memref_slice %arg4[%dma_start3A, %dma_start3A_211] : memref<49688x128xf32, #tpu.memory_space<hbm>> -> memref<49688x128xf32, #tpu.memory_space<hbm>>
    tpu.enqueue_indirect_dma source(%dma_start3A_212 : memref<49688x128xf32, #tpu.memory_space<hbm>>) target(%arg13 : memref<128x128xf32, #tpu.memory_space<vmem>>) offsets(%arg9 : memref<128xi32, #tpu.memory_space<vmem>>) semaphore(%arg17 : memref<!tpu.dma_semaphore, #tpu.memory_space<semaphore_mem>>)
    %dma_start3A_213 = arith.constant 0 : i32
    %dma_start3A_214 = arith.constant 0 : i32
    %dma_start3A_215 = tpu.memref_slice %arg3[%dma_start3A_213, %dma_start3A_214] : memref<4096x128xf32, #tpu.memory_space<hbm>> -> memref<4096x128xf32, #tpu.memory_space<hbm>>
    tpu.enqueue_indirect_dma source(%dma_start3A_215 : memref<4096x128xf32, #tpu.memory_space<hbm>>) target(%arg14 : memref<128x128xf32, #tpu.memory_space<vmem>>) offsets(%arg10 : memref<128xi32, #tpu.memory_space<vmem>>) semaphore(%arg18 : memref<!tpu.dma_semaphore, #tpu.memory_space<semaphore_mem>>)
    %dma_start3A_216 = arith.constant 0 : i32
    %dma_start3A_217 = arith.constant 0 : i32
    %dma_start3A_218 = tpu.memref_slice %arg5[%dma_start3A_216, %dma_start3A_217] : memref<448x128xf32, #tpu.memory_space<hbm>> -> memref<448x128xf32, #tpu.memory_space<hbm>>
    tpu.enqueue_indirect_dma source(%dma_start3A_218 : memref<448x128xf32, #tpu.memory_space<hbm>>) target(%arg15 : memref<128x128xf32, #tpu.memory_space<vmem>>) offsets(%arg12 : memref<128xi32, #tpu.memory_space<vmem>>) semaphore(%arg19 : memref<!tpu.dma_semaphore, #tpu.memory_space<semaphore_mem>>)
    %dma_wait3A = arith.constant 0 : i32
    %dma_wait3A_219 = arith.constant 0 : i32
    %dma_wait3A_220 = tpu.memref_slice %arg5[%dma_wait3A, %dma_wait3A_219] : memref<448x128xf32, #tpu.memory_space<hbm>> -> memref<448x128xf32, #tpu.memory_space<hbm>>
    tpu.wait_indirect_dma semaphore(%arg19 : memref<!tpu.dma_semaphore, #tpu.memory_space<semaphore_mem>>) src(%dma_wait3A_220 : memref<448x128xf32, #tpu.memory_space<hbm>>) dst(%arg15 : memref<128x128xf32, #tpu.memory_space<vmem>>)
    %iota3A = tpu.iota {dimensions = array<i32: 0>} : vector<16xi32>
    %add3A_221 = arith.constant 0 : i32
    %add3A_222 = vector.broadcast %add3A_221 : i32 to vector<16xi32>
    %add3A_223 = arith.addi %iota3A, %add3A_222 : vector<16xi32>
    %get3A_224 = arith.constant 0 : index
    %get3A_225 = tpu.vector_load %arg9[%get3A_224] {strides = array<i32>} : memref<128xi32, #tpu.memory_space<vmem>>, vector<16xi32>,
    %and3A_226 = arith.constant 127 : i32
    %and3A_227 = vector.broadcast %and3A_226 : i32 to vector<16xi32>
    %and3A_228 = arith.andi %get3A_225, %and3A_227 : vector<16xi32>
    %gather3A = tpu.vector_load_idx %arg15[%add3A_223, %and3A_228] : memref<128x128xf32, #tpu.memory_space<vmem>>[vector<16xi32>, vector<16xi32>], vector<16xf32>,
    %swap3A_229 = arith.constant 0 : index
    %swap3A_230 = tpu.vector_load %arg16[%swap3A_229] {strides = array<i32>} : memref<128xf32, #tpu.memory_space<vmem>>, vector<16xf32>,
    tpu.vector_store %arg16[%swap3A_229], %gather3A {strides = array<i32>} : memref<128xf32, #tpu.memory_space<vmem>>, vector<16xf32>,
    %iota3A_231 = tpu.iota {dimensions = array<i32: 0>} : vector<16xi32>
    %add3A_232 = arith.constant 16 : i32
    %add3A_233 = vector.broadcast %add3A_232 : i32 to vector<16xi32>
    %add3A_234 = arith.addi %iota3A_231, %add3A_233 : vector<16xi32>
    %get3A_235 = arith.constant 16 : index
    %get3A_236 = tpu.vector_load %arg9[%get3A_235] {strides = array<i32>} : memref<128xi32, #tpu.memory_space<vmem>>, vector<16xi32>,
    %and3A_237 = arith.constant 127 : i32
    %and3A_238 = vector.broadcast %and3A_237 : i32 to vector<16xi32>
    %and3A_239 = arith.andi %get3A_236, %and3A_238 : vector<16xi32>
    %gather3A_240 = tpu.vector_load_idx %arg15[%add3A_234, %and3A_239] : memref<128x128xf32, #tpu.memory_space<vmem>>[vector<16xi32>, vector<16xi32>], vector<16xf32>,
    %swap3A_241 = arith.constant 16 : index
    %swap3A_242 = tpu.vector_load %arg16[%swap3A_241] {strides = array<i32>} : memref<128xf32, #tpu.memory_space<vmem>>, vector<16xf32>,
    tpu.vector_store %arg16[%swap3A_241], %gather3A_240 {strides = array<i32>} : memref<128xf32, #tpu.memory_space<vmem>>, vector<16xf32>,
    %iota3A_243 = tpu.iota {dimensions = array<i32: 0>} : vector<16xi32>
    %add3A_244 = arith.constant 32 : i32
    %add3A_245 = vector.broadcast %add3A_244 : i32 to vector<16xi32>
    %add3A_246 = arith.addi %iota3A_243, %add3A_245 : vector<16xi32>
    %get3A_247 = arith.constant 32 : index
    %get3A_248 = tpu.vector_load %arg9[%get3A_247] {strides = array<i32>} : memref<128xi32, #tpu.memory_space<vmem>>, vector<16xi32>,
    %and3A_249 = arith.constant 127 : i32
    %and3A_250 = vector.broadcast %and3A_249 : i32 to vector<16xi32>
    %and3A_251 = arith.andi %get3A_248, %and3A_250 : vector<16xi32>
    %gather3A_252 = tpu.vector_load_idx %arg15[%add3A_246, %and3A_251] : memref<128x128xf32, #tpu.memory_space<vmem>>[vector<16xi32>, vector<16xi32>], vector<16xf32>,
    %swap3A_253 = arith.constant 32 : index
    %swap3A_254 = tpu.vector_load %arg16[%swap3A_253] {strides = array<i32>} : memref<128xf32, #tpu.memory_space<vmem>>, vector<16xf32>,
    tpu.vector_store %arg16[%swap3A_253], %gather3A_252 {strides = array<i32>} : memref<128xf32, #tpu.memory_space<vmem>>, vector<16xf32>,
    %iota3A_255 = tpu.iota {dimensions = array<i32: 0>} : vector<16xi32>
    %add3A_256 = arith.constant 48 : i32
    %add3A_257 = vector.broadcast %add3A_256 : i32 to vector<16xi32>
    %add3A_258 = arith.addi %iota3A_255, %add3A_257 : vector<16xi32>
    %get3A_259 = arith.constant 48 : index
    %get3A_260 = tpu.vector_load %arg9[%get3A_259] {strides = array<i32>} : memref<128xi32, #tpu.memory_space<vmem>>, vector<16xi32>,
    %and3A_261 = arith.constant 127 : i32
    %and3A_262 = vector.broadcast %and3A_261 : i32 to vector<16xi32>
    %and3A_263 = arith.andi %get3A_260, %and3A_262 : vector<16xi32>
    %gather3A_264 = tpu.vector_load_idx %arg15[%add3A_258, %and3A_263] : memref<128x128xf32, #tpu.memory_space<vmem>>[vector<16xi32>, vector<16xi32>], vector<16xf32>,
    %swap3A_265 = arith.constant 48 : index
    %swap3A_266 = tpu.vector_load %arg16[%swap3A_265] {strides = array<i32>} : memref<128xf32, #tpu.memory_space<vmem>>, vector<16xf32>,
    tpu.vector_store %arg16[%swap3A_265], %gather3A_264 {strides = array<i32>} : memref<128xf32, #tpu.memory_space<vmem>>, vector<16xf32>,
    %iota3A_267 = tpu.iota {dimensions = array<i32: 0>} : vector<16xi32>
    %add3A_268 = arith.constant 64 : i32
    %add3A_269 = vector.broadcast %add3A_268 : i32 to vector<16xi32>
    %add3A_270 = arith.addi %iota3A_267, %add3A_269 : vector<16xi32>
    %get3A_271 = arith.constant 64 : index
    %get3A_272 = tpu.vector_load %arg9[%get3A_271] {strides = array<i32>} : memref<128xi32, #tpu.memory_space<vmem>>, vector<16xi32>,
    %and3A_273 = arith.constant 127 : i32
    %and3A_274 = vector.broadcast %and3A_273 : i32 to vector<16xi32>
    %and3A_275 = arith.andi %get3A_272, %and3A_274 : vector<16xi32>
    %gather3A_276 = tpu.vector_load_idx %arg15[%add3A_270, %and3A_275] : memref<128x128xf32, #tpu.memory_space<vmem>>[vector<16xi32>, vector<16xi32>], vector<16xf32>,
    %swap3A_277 = arith.constant 64 : index
    %swap3A_278 = tpu.vector_load %arg16[%swap3A_277] {strides = array<i32>} : memref<128xf32, #tpu.memory_space<vmem>>, vector<16xf32>,
    tpu.vector_store %arg16[%swap3A_277], %gather3A_276 {strides = array<i32>} : memref<128xf32, #tpu.memory_space<vmem>>, vector<16xf32>,
    %iota3A_279 = tpu.iota {dimensions = array<i32: 0>} : vector<16xi32>
    %add3A_280 = arith.constant 80 : i32
    %add3A_281 = vector.broadcast %add3A_280 : i32 to vector<16xi32>
    %add3A_282 = arith.addi %iota3A_279, %add3A_281 : vector<16xi32>
    %get3A_283 = arith.constant 80 : index
    %get3A_284 = tpu.vector_load %arg9[%get3A_283] {strides = array<i32>} : memref<128xi32, #tpu.memory_space<vmem>>, vector<16xi32>,
    %and3A_285 = arith.constant 127 : i32
    %and3A_286 = vector.broadcast %and3A_285 : i32 to vector<16xi32>
    %and3A_287 = arith.andi %get3A_284, %and3A_286 : vector<16xi32>
    %gather3A_288 = tpu.vector_load_idx %arg15[%add3A_282, %and3A_287] : memref<128x128xf32, #tpu.memory_space<vmem>>[vector<16xi32>, vector<16xi32>], vector<16xf32>,
    %swap3A_289 = arith.constant 80 : index
    %swap3A_290 = tpu.vector_load %arg16[%swap3A_289] {strides = array<i32>} : memref<128xf32, #tpu.memory_space<vmem>>, vector<16xf32>,
    tpu.vector_store %arg16[%swap3A_289], %gather3A_288 {strides = array<i32>} : memref<128xf32, #tpu.memory_space<vmem>>, vector<16xf32>,
    %iota3A_291 = tpu.iota {dimensions = array<i32: 0>} : vector<16xi32>
    %add3A_292 = arith.constant 96 : i32
    %add3A_293 = vector.broadcast %add3A_292 : i32 to vector<16xi32>
    %add3A_294 = arith.addi %iota3A_291, %add3A_293 : vector<16xi32>
    %get3A_295 = arith.constant 96 : index
    %get3A_296 = tpu.vector_load %arg9[%get3A_295] {strides = array<i32>} : memref<128xi32, #tpu.memory_space<vmem>>, vector<16xi32>,
    %and3A_297 = arith.constant 127 : i32
    %and3A_298 = vector.broadcast %and3A_297 : i32 to vector<16xi32>
    %and3A_299 = arith.andi %get3A_296, %and3A_298 : vector<16xi32>
    %gather3A_300 = tpu.vector_load_idx %arg15[%add3A_294, %and3A_299] : memref<128x128xf32, #tpu.memory_space<vmem>>[vector<16xi32>, vector<16xi32>], vector<16xf32>,
    %swap3A_301 = arith.constant 96 : index
    %swap3A_302 = tpu.vector_load %arg16[%swap3A_301] {strides = array<i32>} : memref<128xf32, #tpu.memory_space<vmem>>, vector<16xf32>,
    tpu.vector_store %arg16[%swap3A_301], %gather3A_300 {strides = array<i32>} : memref<128xf32, #tpu.memory_space<vmem>>, vector<16xf32>,
    %iota3A_303 = tpu.iota {dimensions = array<i32: 0>} : vector<16xi32>
    %add3A_304 = arith.constant 112 : i32
    %add3A_305 = vector.broadcast %add3A_304 : i32 to vector<16xi32>
    %add3A_306 = arith.addi %iota3A_303, %add3A_305 : vector<16xi32>
    %get3A_307 = arith.constant 112 : index
    %get3A_308 = tpu.vector_load %arg9[%get3A_307] {strides = array<i32>} : memref<128xi32, #tpu.memory_space<vmem>>, vector<16xi32>,
    %and3A_309 = arith.constant 127 : i32
    %and3A_310 = vector.broadcast %and3A_309 : i32 to vector<16xi32>
    %and3A_311 = arith.andi %get3A_308, %and3A_310 : vector<16xi32>
    %gather3A_312 = tpu.vector_load_idx %arg15[%add3A_306, %and3A_311] : memref<128x128xf32, #tpu.memory_space<vmem>>[vector<16xi32>, vector<16xi32>], vector<16xf32>,
    %swap3A_313 = arith.constant 112 : index
    %swap3A_314 = tpu.vector_load %arg16[%swap3A_313] {strides = array<i32>} : memref<128xf32, #tpu.memory_space<vmem>>, vector<16xf32>,
    tpu.vector_store %arg16[%swap3A_313], %gather3A_312 {strides = array<i32>} : memref<128xf32, #tpu.memory_space<vmem>>, vector<16xf32>,
    %dma_wait3A_315 = arith.constant 0 : i32
    %dma_wait3A_316 = arith.constant 0 : i32
    %dma_wait3A_317 = tpu.memref_slice %arg4[%dma_wait3A_315, %dma_wait3A_316] : memref<49688x128xf32, #tpu.memory_space<hbm>> -> memref<49688x128xf32, #tpu.memory_space<hbm>>
    tpu.wait_indirect_dma semaphore(%arg17 : memref<!tpu.dma_semaphore, #tpu.memory_space<semaphore_mem>>) src(%dma_wait3A_317 : memref<49688x128xf32, #tpu.memory_space<hbm>>) dst(%arg13 : memref<128x128xf32, #tpu.memory_space<vmem>>)
    %dma_wait3A_318 = arith.constant 0 : i32
    %dma_wait3A_319 = arith.constant 0 : i32
    %dma_wait3A_320 = tpu.memref_slice %arg3[%dma_wait3A_318, %dma_wait3A_319] : memref<4096x128xf32, #tpu.memory_space<hbm>> -> memref<4096x128xf32, #tpu.memory_space<hbm>>
    tpu.wait_indirect_dma semaphore(%arg18 : memref<!tpu.dma_semaphore, #tpu.memory_space<semaphore_mem>>) src(%dma_wait3A_320 : memref<4096x128xf32, #tpu.memory_space<hbm>>) dst(%arg14 : memref<128x128xf32, #tpu.memory_space<vmem>>)
    %scan3A_321 = arith.constant 0 : i32
    %scan3A_322 = arith.constant 0 : i32
    %scan3A_323 = arith.constant 128 : i32
    %scan3A_324 = arith.addi %scan3A_322, %scan3A_323 : i32
    %scan3A_325 = arith.constant 1 : i32
    scf.for %scan3A_327 = %scan3A_322 to %scan3A_324 step %scan3A_325  : i32 {
      %broadcast_in_dim3A_328 = vector.broadcast %scan3A_327 : i32 to vector<16xi32>
      %gather3A_329 = tpu.vector_load_idx %arg16[%broadcast_in_dim3A_328] : memref<128xf32, #tpu.memory_space<vmem>>[vector<16xi32>], vector<16xf32>,
      %get3A_330 = arith.index_cast %scan3A_327 : i32 to index
      %get3A_331 = arith.constant 0 : index
      %get3A_332 = tpu.vector_load %arg13[%get3A_330, %get3A_331] {strides = array<i32>} : memref<128x128xf32, #tpu.memory_space<vmem>>, vector<16xf32>,
      %get3A_333 = arith.index_cast %scan3A_327 : i32 to index
      %get3A_334 = arith.constant 0 : index
      %get3A_335 = tpu.vector_load %arg14[%get3A_333, %get3A_334] {strides = array<i32>} : memref<128x128xf32, #tpu.memory_space<vmem>>, vector<16xf32>,
      %sub3A_336 = arith.subf %get3A_335, %get3A_332 : vector<16xf32>
      %mul3A_337 = arith.mulf %gather3A_329, %sub3A_336 : vector<16xf32>
      %add3A_338 = arith.addf %get3A_332, %mul3A_337 : vector<16xf32>
      %swap3A_339 = arith.index_cast %scan3A_327 : i32 to index
      %swap3A_340 = arith.constant 0 : index
      %swap3A_341 = tpu.vector_load %arg13[%swap3A_339, %swap3A_340] {strides = array<i32>} : memref<128x128xf32, #tpu.memory_space<vmem>>, vector<16xf32>,
      tpu.vector_store %arg13[%swap3A_339, %swap3A_340], %add3A_338 {strides = array<i32>} : memref<128x128xf32, #tpu.memory_space<vmem>>, vector<16xf32>,
      %get3A_342 = arith.index_cast %scan3A_327 : i32 to index
      %get3A_343 = arith.constant 16 : index
      %get3A_344 = tpu.vector_load %arg13[%get3A_342, %get3A_343] {strides = array<i32>} : memref<128x128xf32, #tpu.memory_space<vmem>>, vector<16xf32>,
      %get3A_345 = arith.index_cast %scan3A_327 : i32 to index
      %get3A_346 = arith.constant 16 : index
      %get3A_347 = tpu.vector_load %arg14[%get3A_345, %get3A_346] {strides = array<i32>} : memref<128x128xf32, #tpu.memory_space<vmem>>, vector<16xf32>,
      %sub3A_348 = arith.subf %get3A_347, %get3A_344 : vector<16xf32>
      %mul3A_349 = arith.mulf %gather3A_329, %sub3A_348 : vector<16xf32>
      %add3A_350 = arith.addf %get3A_344, %mul3A_349 : vector<16xf32>
      %swap3A_351 = arith.index_cast %scan3A_327 : i32 to index
      %swap3A_352 = arith.constant 16 : index
      %swap3A_353 = tpu.vector_load %arg13[%swap3A_351, %swap3A_352] {strides = array<i32>} : memref<128x128xf32, #tpu.memory_space<vmem>>, vector<16xf32>,
      tpu.vector_store %arg13[%swap3A_351, %swap3A_352], %add3A_350 {strides = array<i32>} : memref<128x128xf32, #tpu.memory_space<vmem>>, vector<16xf32>,
      %get3A_354 = arith.index_cast %scan3A_327 : i32 to index
      %get3A_355 = arith.constant 32 : index
      %get3A_356 = tpu.vector_load %arg13[%get3A_354, %get3A_355] {strides = array<i32>} : memref<128x128xf32, #tpu.memory_space<vmem>>, vector<16xf32>,
      %get3A_357 = arith.index_cast %scan3A_327 : i32 to index
      %get3A_358 = arith.constant 32 : index
      %get3A_359 = tpu.vector_load %arg14[%get3A_357, %get3A_358] {strides = array<i32>} : memref<128x128xf32, #tpu.memory_space<vmem>>, vector<16xf32>,
      %sub3A_360 = arith.subf %get3A_359, %get3A_356 : vector<16xf32>
      %mul3A_361 = arith.mulf %gather3A_329, %sub3A_360 : vector<16xf32>
      %add3A_362 = arith.addf %get3A_356, %mul3A_361 : vector<16xf32>
      %swap3A_363 = arith.index_cast %scan3A_327 : i32 to index
      %swap3A_364 = arith.constant 32 : index
      %swap3A_365 = tpu.vector_load %arg13[%swap3A_363, %swap3A_364] {strides = array<i32>} : memref<128x128xf32, #tpu.memory_space<vmem>>, vector<16xf32>,
      tpu.vector_store %arg13[%swap3A_363, %swap3A_364], %add3A_362 {strides = array<i32>} : memref<128x128xf32, #tpu.memory_space<vmem>>, vector<16xf32>,
      %get3A_366 = arith.index_cast %scan3A_327 : i32 to index
      %get3A_367 = arith.constant 48 : index
      %get3A_368 = tpu.vector_load %arg13[%get3A_366, %get3A_367] {strides = array<i32>} : memref<128x128xf32, #tpu.memory_space<vmem>>, vector<16xf32>,
      %get3A_369 = arith.index_cast %scan3A_327 : i32 to index
      %get3A_370 = arith.constant 48 : index
      %get3A_371 = tpu.vector_load %arg14[%get3A_369, %get3A_370] {strides = array<i32>} : memref<128x128xf32, #tpu.memory_space<vmem>>, vector<16xf32>,
      %sub3A_372 = arith.subf %get3A_371, %get3A_368 : vector<16xf32>
      %mul3A_373 = arith.mulf %gather3A_329, %sub3A_372 : vector<16xf32>
      %add3A_374 = arith.addf %get3A_368, %mul3A_373 : vector<16xf32>
      %swap3A_375 = arith.index_cast %scan3A_327 : i32 to index
      %swap3A_376 = arith.constant 48 : index
      %swap3A_377 = tpu.vector_load %arg13[%swap3A_375, %swap3A_376] {strides = array<i32>} : memref<128x128xf32, #tpu.memory_space<vmem>>, vector<16xf32>,
      tpu.vector_store %arg13[%swap3A_375, %swap3A_376], %add3A_374 {strides = array<i32>} : memref<128x128xf32, #tpu.memory_space<vmem>>, vector<16xf32>,
      %get3A_378 = arith.index_cast %scan3A_327 : i32 to index
      %get3A_379 = arith.constant 64 : index
      %get3A_380 = tpu.vector_load %arg13[%get3A_378, %get3A_379] {strides = array<i32>} : memref<128x128xf32, #tpu.memory_space<vmem>>, vector<16xf32>,
      %get3A_381 = arith.index_cast %scan3A_327 : i32 to index
      %get3A_382 = arith.constant 64 : index
      %get3A_383 = tpu.vector_load %arg14[%get3A_381, %get3A_382] {strides = array<i32>} : memref<128x128xf32, #tpu.memory_space<vmem>>, vector<16xf32>,
      %sub3A_384 = arith.subf %get3A_383, %get3A_380 : vector<16xf32>
      %mul3A_385 = arith.mulf %gather3A_329, %sub3A_384 : vector<16xf32>
      %add3A_386 = arith.addf %get3A_380, %mul3A_385 : vector<16xf32>
      %swap3A_387 = arith.index_cast %scan3A_327 : i32 to index
      %swap3A_388 = arith.constant 64 : index
      %swap3A_389 = tpu.vector_load %arg13[%swap3A_387, %swap3A_388] {strides = array<i32>} : memref<128x128xf32, #tpu.memory_space<vmem>>, vector<16xf32>,
      tpu.vector_store %arg13[%swap3A_387, %swap3A_388], %add3A_386 {strides = array<i32>} : memref<128x128xf32, #tpu.memory_space<vmem>>, vector<16xf32>,
      %get3A_390 = arith.index_cast %scan3A_327 : i32 to index
      %get3A_391 = arith.constant 80 : index
      %get3A_392 = tpu.vector_load %arg13[%get3A_390, %get3A_391] {strides = array<i32>} : memref<128x128xf32, #tpu.memory_space<vmem>>, vector<16xf32>,
      %get3A_393 = arith.index_cast %scan3A_327 : i32 to index
      %get3A_394 = arith.constant 80 : index
      %get3A_395 = tpu.vector_load %arg14[%get3A_393, %get3A_394] {strides = array<i32>} : memref<128x128xf32, #tpu.memory_space<vmem>>, vector<16xf32>,
      %sub3A_396 = arith.subf %get3A_395, %get3A_392 : vector<16xf32>
      %mul3A_397 = arith.mulf %gather3A_329, %sub3A_396 : vector<16xf32>
      %add3A_398 = arith.addf %get3A_392, %mul3A_397 : vector<16xf32>
      %swap3A_399 = arith.index_cast %scan3A_327 : i32 to index
      %swap3A_400 = arith.constant 80 : index
      %swap3A_401 = tpu.vector_load %arg13[%swap3A_399, %swap3A_400] {strides = array<i32>} : memref<128x128xf32, #tpu.memory_space<vmem>>, vector<16xf32>,
      tpu.vector_store %arg13[%swap3A_399, %swap3A_400], %add3A_398 {strides = array<i32>} : memref<128x128xf32, #tpu.memory_space<vmem>>, vector<16xf32>,
      %get3A_402 = arith.index_cast %scan3A_327 : i32 to index
      %get3A_403 = arith.constant 96 : index
      %get3A_404 = tpu.vector_load %arg13[%get3A_402, %get3A_403] {strides = array<i32>} : memref<128x128xf32, #tpu.memory_space<vmem>>, vector<16xf32>,
      %get3A_405 = arith.index_cast %scan3A_327 : i32 to index
      %get3A_406 = arith.constant 96 : index
      %get3A_407 = tpu.vector_load %arg14[%get3A_405, %get3A_406] {strides = array<i32>} : memref<128x128xf32, #tpu.memory_space<vmem>>, vector<16xf32>,
      %sub3A_408 = arith.subf %get3A_407, %get3A_404 : vector<16xf32>
      %mul3A_409 = arith.mulf %gather3A_329, %sub3A_408 : vector<16xf32>
      %add3A_410 = arith.addf %get3A_404, %mul3A_409 : vector<16xf32>
      %swap3A_411 = arith.index_cast %scan3A_327 : i32 to index
      %swap3A_412 = arith.constant 96 : index
      %swap3A_413 = tpu.vector_load %arg13[%swap3A_411, %swap3A_412] {strides = array<i32>} : memref<128x128xf32, #tpu.memory_space<vmem>>, vector<16xf32>,
      tpu.vector_store %arg13[%swap3A_411, %swap3A_412], %add3A_410 {strides = array<i32>} : memref<128x128xf32, #tpu.memory_space<vmem>>, vector<16xf32>,
      %get3A_414 = arith.index_cast %scan3A_327 : i32 to index
      %get3A_415 = arith.constant 112 : index
      %get3A_416 = tpu.vector_load %arg13[%get3A_414, %get3A_415] {strides = array<i32>} : memref<128x128xf32, #tpu.memory_space<vmem>>, vector<16xf32>,
      %get3A_417 = arith.index_cast %scan3A_327 : i32 to index
      %get3A_418 = arith.constant 112 : index
      %get3A_419 = tpu.vector_load %arg14[%get3A_417, %get3A_418] {strides = array<i32>} : memref<128x128xf32, #tpu.memory_space<vmem>>, vector<16xf32>,
      %sub3A_420 = arith.subf %get3A_419, %get3A_416 : vector<16xf32>
      %mul3A_421 = arith.mulf %gather3A_329, %sub3A_420 : vector<16xf32>
      %add3A_422 = arith.addf %get3A_416, %mul3A_421 : vector<16xf32>
      %swap3A_423 = arith.index_cast %scan3A_327 : i32 to index
      %swap3A_424 = arith.constant 112 : index
      %swap3A_425 = tpu.vector_load %arg13[%swap3A_423, %swap3A_424] {strides = array<i32>} : memref<128x128xf32, #tpu.memory_space<vmem>>, vector<16xf32>,
      tpu.vector_store %arg13[%swap3A_423, %swap3A_424], %add3A_422 {strides = array<i32>} : memref<128x128xf32, #tpu.memory_space<vmem>>, vector<16xf32>,
    }
    %scan3A_326 = arith.constant 128 : i32
    "tpu.region"() ({
      %run_scoped3A = tpu.sem_alloc : memref<!tpu.dma_semaphore, #tpu.memory_space<semaphore_mem>>
      %dma_start3A_327 = arith.constant 0 : i32
      %dma_start3A_328 = tpu.memref_slice %arg6[%mul3A_2, %dma_start3A_327] : memref<4096x128xf32, #tpu.memory_space<hbm>> -> memref<128x128xf32, #tpu.memory_space<hbm>>
      %dma_start3A_329 = arith.constant 0 : i32
      %dma_start3A_330 = tpu.memref_slice %arg6[%mul3A_2, %dma_start3A_329] : memref<4096x128xf32, #tpu.memory_space<hbm>> -> memref<128x128xf32, #tpu.memory_space<hbm>>
      tpu.enqueue_dma source(%arg13 : memref<128x128xf32, #tpu.memory_space<vmem>>) target(%dma_start3A_330 : memref<128x128xf32, #tpu.memory_space<hbm>>) target_semaphore(%run_scoped3A : memref<!tpu.dma_semaphore, #tpu.memory_space<semaphore_mem>>)
      %dma_wait3A_331 = arith.constant 0 : i32
      %dma_wait3A_332 = tpu.memref_slice %arg6[%mul3A_2, %dma_wait3A_331] : memref<4096x128xf32, #tpu.memory_space<hbm>> -> memref<128x128xf32, #tpu.memory_space<hbm>>
      %dma_wait3A_333 = arith.constant 0 : i32
      %dma_wait3A_334 = tpu.memref_slice %arg6[%mul3A_2, %dma_wait3A_333] : memref<4096x128xf32, #tpu.memory_space<hbm>> -> memref<128x128xf32, #tpu.memory_space<hbm>>
      tpu.wait_dma2 semaphore(%run_scoped3A : memref<!tpu.dma_semaphore, #tpu.memory_space<semaphore_mem>>) src(%arg13 : memref<128x128xf32, #tpu.memory_space<vmem>>) dst(%dma_wait3A_334 : memref<128x128xf32, #tpu.memory_space<hbm>>)
      tpu.yield
    }) : () -> ()
    return
  }
}

#map = affine_map<(d0, d1) -> (0, 0)>
#map1 = affine_map<(d0, d1) -> (0)>
module attributes {stable_mosaic.version = 14 : i64} {
  func.func @new_body(%arg0: i32, %arg1: i32, %arg2: memref<397504x128xf32, #tpu.memory_space<hbm>>, %arg3: memref<4096x128xf32, #tpu.memory_space<hbm>>, %arg4: memref<4096xi32, #tpu.memory_space<hbm>>, %arg5: memref<397504x128xf32, #tpu.memory_space<hbm>>, %arg6: memref<128xi32, #tpu.memory_space<vmem>>, %arg7: memref<128x128xf32, #tpu.memory_space<vmem>>, %arg8: memref<!tpu.dma_semaphore, #tpu.memory_space<semaphore_mem>>, %arg9: memref<!tpu.dma_semaphore, #tpu.memory_space<semaphore_mem>>) attributes {dimension_semantics = [#tpu.dimension_semantics<core_parallel>, #tpu.dimension_semantics<subcore_parallel>], iteration_bounds = array<i64: 2, 16>, scalar_prefetch = 0 : i64, scratch_operands = 4 : i64, tpu.core_type = #tpu.core_type<sc_vector_subcore>, window_params = [{transform_indices = #map}, {transform_indices = #map}, {transform_indices = #map1}, {transform_indices = #map}]} {
    %mul3A = arith.constant 2 : i32
    %mul3A_0 = arith.muli %arg1, %mul3A : i32
    %add3A = arith.addi %mul3A_0, %arg0 : i32
    %mul3A_1 = arith.constant 128 : i32
    %mul3A_2 = arith.muli %add3A, %mul3A_1 : i32
    %dma_start3A = arith.constant 0 : i32
    %dma_start3A_3 = tpu.memref_slice %arg3[%mul3A_2, %dma_start3A] : memref<4096x128xf32, #tpu.memory_space<hbm>> -> memref<128x128xf32, #tpu.memory_space<hbm>>
    %dma_start3A_4 = arith.constant 0 : i32
    %dma_start3A_5 = tpu.memref_slice %arg3[%mul3A_2, %dma_start3A_4] : memref<4096x128xf32, #tpu.memory_space<hbm>> -> memref<128x128xf32, #tpu.memory_space<hbm>>
    tpu.enqueue_dma source(%dma_start3A_5 : memref<128x128xf32, #tpu.memory_space<hbm>>) target(%arg7 : memref<128x128xf32, #tpu.memory_space<vmem>>) target_semaphore(%arg8 : memref<!tpu.dma_semaphore, #tpu.memory_space<semaphore_mem>>)
    "tpu.region"() ({
      %run_scoped3A = tpu.sem_alloc : memref<!tpu.dma_semaphore, #tpu.memory_space<semaphore_mem>>
      %dma_start3A_15 = tpu.memref_slice %arg4[%mul3A_2] : memref<4096xi32, #tpu.memory_space<hbm>> -> memref<128xi32, #tpu.memory_space<hbm>>
      %dma_start3A_16 = tpu.memref_slice %arg4[%mul3A_2] : memref<4096xi32, #tpu.memory_space<hbm>> -> memref<128xi32, #tpu.memory_space<hbm>>
      tpu.enqueue_dma source(%dma_start3A_16 : memref<128xi32, #tpu.memory_space<hbm>>) target(%arg6 : memref<128xi32, #tpu.memory_space<vmem>>) target_semaphore(%run_scoped3A : memref<!tpu.dma_semaphore, #tpu.memory_space<semaphore_mem>>)
      %dma_wait3A_17 = tpu.memref_slice %arg4[%mul3A_2] : memref<4096xi32, #tpu.memory_space<hbm>> -> memref<128xi32, #tpu.memory_space<hbm>>
      %dma_wait3A_18 = tpu.memref_slice %arg4[%mul3A_2] : memref<4096xi32, #tpu.memory_space<hbm>> -> memref<128xi32, #tpu.memory_space<hbm>>
      tpu.wait_dma2 semaphore(%run_scoped3A : memref<!tpu.dma_semaphore, #tpu.memory_space<semaphore_mem>>) src(%dma_wait3A_18 : memref<128xi32, #tpu.memory_space<hbm>>) dst(%arg6 : memref<128xi32, #tpu.memory_space<vmem>>)
      tpu.yield
    }) : () -> ()
    %dma_wait3A = arith.constant 0 : i32
    %dma_wait3A_6 = tpu.memref_slice %arg3[%mul3A_2, %dma_wait3A] : memref<4096x128xf32, #tpu.memory_space<hbm>> -> memref<128x128xf32, #tpu.memory_space<hbm>>
    %dma_wait3A_7 = arith.constant 0 : i32
    %dma_wait3A_8 = tpu.memref_slice %arg3[%mul3A_2, %dma_wait3A_7] : memref<4096x128xf32, #tpu.memory_space<hbm>> -> memref<128x128xf32, #tpu.memory_space<hbm>>
    tpu.wait_dma2 semaphore(%arg8 : memref<!tpu.dma_semaphore, #tpu.memory_space<semaphore_mem>>) src(%dma_wait3A_8 : memref<128x128xf32, #tpu.memory_space<hbm>>) dst(%arg7 : memref<128x128xf32, #tpu.memory_space<vmem>>)
    %dma_start3A_9 = arith.constant 0 : i32
    %dma_start3A_10 = arith.constant 0 : i32
    %dma_start3A_11 = tpu.memref_slice %arg2[%dma_start3A_9, %dma_start3A_10] : memref<397504x128xf32, #tpu.memory_space<hbm>> -> memref<397504x128xf32, #tpu.memory_space<hbm>>
    tpu.enqueue_indirect_dma source(%arg7 : memref<128x128xf32, #tpu.memory_space<vmem>>) target(%dma_start3A_11 : memref<397504x128xf32, #tpu.memory_space<hbm>>) offsets(%arg6 : memref<128xi32, #tpu.memory_space<vmem>>) semaphore(%arg9 : memref<!tpu.dma_semaphore, #tpu.memory_space<semaphore_mem>>)
    %dma_wait3A_12 = arith.constant 0 : i32
    %dma_wait3A_13 = arith.constant 0 : i32
    %dma_wait3A_14 = tpu.memref_slice %arg2[%dma_wait3A_12, %dma_wait3A_13] : memref<397504x128xf32, #tpu.memory_space<hbm>> -> memref<397504x128xf32, #tpu.memory_space<hbm>>
    tpu.wait_indirect_dma semaphore(%arg9 : memref<!tpu.dma_semaphore, #tpu.memory_space<semaphore_mem>>) src(%arg7 : memref<128x128xf32, #tpu.memory_space<vmem>>) dst(%dma_wait3A_14 : memref<397504x128xf32, #tpu.memory_space<hbm>>)
    return
  }
}

module attributes {stable_mosaic.version = 14 : i64} {
  func.func @_dense_body(%arg0: memref<49688x128xf32, #tpu.memory_space<any>>, %arg1: memref<8x49688x128xf32, #tpu.memory_space<any>>, %arg2: memref<6x8192x128xf32, #tpu.memory_space<vmem>>, %arg3: memref<6x!tpu.dma_semaphore, #tpu.memory_space<semaphore_mem>>, %arg4: memref<6x!tpu.dma_semaphore, #tpu.memory_space<semaphore_mem>>) attributes {dimension_semantics = [], scalar_prefetch = 0 : i64, scratch_operands = 3 : i64, tpu.core_type = #tpu.core_type<tc>} {
    %dma_start3A = arith.constant 0 : i32
    %dma_start3A_0 = arith.constant 0 : i32
    %dma_start3A_1 = tpu.memref_slice %arg3[%dma_start3A_0] : memref<6x!tpu.dma_semaphore, #tpu.memory_space<semaphore_mem>> -> memref<1x!tpu.dma_semaphore, #tpu.memory_space<semaphore_mem>>
    %dma_start3A_2 = tpu.memref_squeeze %dma_start3A_1 : memref<1x!tpu.dma_semaphore, #tpu.memory_space<semaphore_mem>> -> memref<!tpu.dma_semaphore, #tpu.memory_space<semaphore_mem>>
    %dma_start3A_3 = arith.constant 0 : i32
    %dma_start3A_4 = arith.constant 0 : i32
    %dma_start3A_5 = tpu.memref_slice %arg2[%dma_start3A, %dma_start3A_3, %dma_start3A_4] : memref<6x8192x128xf32, #tpu.memory_space<vmem>> -> memref<1x8192x128xf32, #tpu.memory_space<vmem>>
    %dma_start3A_6 = tpu.memref_squeeze %dma_start3A_5 : memref<1x8192x128xf32, #tpu.memory_space<vmem>> -> memref<8192x128xf32, #tpu.memory_space<vmem>>
    %dma_start3A_7 = arith.constant 0 : i32
    %dma_start3A_8 = arith.constant 0 : i32
    %dma_start3A_9 = tpu.memref_slice %arg0[%dma_start3A_7, %dma_start3A_8] : memref<49688x128xf32, #tpu.memory_space<any>> -> memref<8192x128xf32, #tpu.memory_space<any>>
    tpu.enqueue_dma source(%dma_start3A_9 : memref<8192x128xf32, #tpu.memory_space<any>>) target(%dma_start3A_6 : memref<8192x128xf32, #tpu.memory_space<vmem>>) target_semaphore(%dma_start3A_2 : memref<!tpu.dma_semaphore, #tpu.memory_space<semaphore_mem>>)
    %dma_start3A_10 = arith.constant 1 : i32
    %dma_start3A_11 = arith.constant 1 : i32
    %dma_start3A_12 = tpu.memref_slice %arg3[%dma_start3A_11] : memref<6x!tpu.dma_semaphore, #tpu.memory_space<semaphore_mem>> -> memref<1x!tpu.dma_semaphore, #tpu.memory_space<semaphore_mem>>
    %dma_start3A_13 = tpu.memref_squeeze %dma_start3A_12 : memref<1x!tpu.dma_semaphore, #tpu.memory_space<semaphore_mem>> -> memref<!tpu.dma_semaphore, #tpu.memory_space<semaphore_mem>>
    %dma_start3A_14 = arith.constant 0 : i32
    %dma_start3A_15 = arith.constant 0 : i32
    %dma_start3A_16 = tpu.memref_slice %arg2[%dma_start3A_10, %dma_start3A_14, %dma_start3A_15] : memref<6x8192x128xf32, #tpu.memory_space<vmem>> -> memref<1x8192x128xf32, #tpu.memory_space<vmem>>
    %dma_start3A_17 = tpu.memref_squeeze %dma_start3A_16 : memref<1x8192x128xf32, #tpu.memory_space<vmem>> -> memref<8192x128xf32, #tpu.memory_space<vmem>>
    %dma_start3A_18 = arith.constant 8192 : i32
    %dma_start3A_19 = arith.constant 0 : i32
    %dma_start3A_20 = tpu.memref_slice %arg0[%dma_start3A_18, %dma_start3A_19] : memref<49688x128xf32, #tpu.memory_space<any>> -> memref<8192x128xf32, #tpu.memory_space<any>>
    tpu.enqueue_dma source(%dma_start3A_20 : memref<8192x128xf32, #tpu.memory_space<any>>) target(%dma_start3A_17 : memref<8192x128xf32, #tpu.memory_space<vmem>>) target_semaphore(%dma_start3A_13 : memref<!tpu.dma_semaphore, #tpu.memory_space<semaphore_mem>>)
    %dma_start3A_21 = arith.constant 2 : i32
    %dma_start3A_22 = arith.constant 2 : i32
    %dma_start3A_23 = tpu.memref_slice %arg3[%dma_start3A_22] : memref<6x!tpu.dma_semaphore, #tpu.memory_space<semaphore_mem>> -> memref<1x!tpu.dma_semaphore, #tpu.memory_space<semaphore_mem>>
    %dma_start3A_24 = tpu.memref_squeeze %dma_start3A_23 : memref<1x!tpu.dma_semaphore, #tpu.memory_space<semaphore_mem>> -> memref<!tpu.dma_semaphore, #tpu.memory_space<semaphore_mem>>
    %dma_start3A_25 = arith.constant 0 : i32
    %dma_start3A_26 = arith.constant 0 : i32
    %dma_start3A_27 = tpu.memref_slice %arg2[%dma_start3A_21, %dma_start3A_25, %dma_start3A_26] : memref<6x8192x128xf32, #tpu.memory_space<vmem>> -> memref<1x8192x128xf32, #tpu.memory_space<vmem>>
    %dma_start3A_28 = tpu.memref_squeeze %dma_start3A_27 : memref<1x8192x128xf32, #tpu.memory_space<vmem>> -> memref<8192x128xf32, #tpu.memory_space<vmem>>
    %dma_start3A_29 = arith.constant 16384 : i32
    %dma_start3A_30 = arith.constant 0 : i32
    %dma_start3A_31 = tpu.memref_slice %arg0[%dma_start3A_29, %dma_start3A_30] : memref<49688x128xf32, #tpu.memory_space<any>> -> memref<8192x128xf32, #tpu.memory_space<any>>
    tpu.enqueue_dma source(%dma_start3A_31 : memref<8192x128xf32, #tpu.memory_space<any>>) target(%dma_start3A_28 : memref<8192x128xf32, #tpu.memory_space<vmem>>) target_semaphore(%dma_start3A_24 : memref<!tpu.dma_semaphore, #tpu.memory_space<semaphore_mem>>)
    %dma_start3A_32 = arith.constant 3 : i32
    %dma_start3A_33 = arith.constant 3 : i32
    %dma_start3A_34 = tpu.memref_slice %arg3[%dma_start3A_33] : memref<6x!tpu.dma_semaphore, #tpu.memory_space<semaphore_mem>> -> memref<1x!tpu.dma_semaphore, #tpu.memory_space<semaphore_mem>>
    %dma_start3A_35 = tpu.memref_squeeze %dma_start3A_34 : memref<1x!tpu.dma_semaphore, #tpu.memory_space<semaphore_mem>> -> memref<!tpu.dma_semaphore, #tpu.memory_space<semaphore_mem>>
    %dma_start3A_36 = arith.constant 0 : i32
    %dma_start3A_37 = arith.constant 0 : i32
    %dma_start3A_38 = tpu.memref_slice %arg2[%dma_start3A_32, %dma_start3A_36, %dma_start3A_37] : memref<6x8192x128xf32, #tpu.memory_space<vmem>> -> memref<1x8192x128xf32, #tpu.memory_space<vmem>>
    %dma_start3A_39 = tpu.memref_squeeze %dma_start3A_38 : memref<1x8192x128xf32, #tpu.memory_space<vmem>> -> memref<8192x128xf32, #tpu.memory_space<vmem>>
    %dma_start3A_40 = arith.constant 24576 : i32
    %dma_start3A_41 = arith.constant 0 : i32
    %dma_start3A_42 = tpu.memref_slice %arg0[%dma_start3A_40, %dma_start3A_41] : memref<49688x128xf32, #tpu.memory_space<any>> -> memref<8192x128xf32, #tpu.memory_space<any>>
    tpu.enqueue_dma source(%dma_start3A_42 : memref<8192x128xf32, #tpu.memory_space<any>>) target(%dma_start3A_39 : memref<8192x128xf32, #tpu.memory_space<vmem>>) target_semaphore(%dma_start3A_35 : memref<!tpu.dma_semaphore, #tpu.memory_space<semaphore_mem>>)
    %dma_wait3A = arith.constant 0 : i32
    %dma_wait3A_43 = arith.constant 0 : i32
    %dma_wait3A_44 = tpu.memref_slice %arg3[%dma_wait3A_43] : memref<6x!tpu.dma_semaphore, #tpu.memory_space<semaphore_mem>> -> memref<1x!tpu.dma_semaphore, #tpu.memory_space<semaphore_mem>>
    %dma_wait3A_45 = tpu.memref_squeeze %dma_wait3A_44 : memref<1x!tpu.dma_semaphore, #tpu.memory_space<semaphore_mem>> -> memref<!tpu.dma_semaphore, #tpu.memory_space<semaphore_mem>>
    %dma_wait3A_46 = arith.constant 0 : i32
    %dma_wait3A_47 = arith.constant 0 : i32
    %dma_wait3A_48 = tpu.memref_slice %arg2[%dma_wait3A, %dma_wait3A_46, %dma_wait3A_47] : memref<6x8192x128xf32, #tpu.memory_space<vmem>> -> memref<1x8192x128xf32, #tpu.memory_space<vmem>>
    %dma_wait3A_49 = tpu.memref_squeeze %dma_wait3A_48 : memref<1x8192x128xf32, #tpu.memory_space<vmem>> -> memref<8192x128xf32, #tpu.memory_space<vmem>>
    %dma_wait3A_50 = arith.constant 0 : i32
    %dma_wait3A_51 = arith.constant 0 : i32
    %dma_wait3A_52 = tpu.memref_slice %arg0[%dma_wait3A_50, %dma_wait3A_51] : memref<49688x128xf32, #tpu.memory_space<any>> -> memref<8192x128xf32, #tpu.memory_space<any>>
    tpu.wait_dma2 semaphore(%dma_wait3A_45 : memref<!tpu.dma_semaphore, #tpu.memory_space<semaphore_mem>>) src(%dma_wait3A_52 : memref<8192x128xf32, #tpu.memory_space<any>>) dst(%dma_wait3A_49 : memref<8192x128xf32, #tpu.memory_space<vmem>>)
    %dma_start3A_53 = arith.constant 0 : i32
    %dma_start3A_54 = arith.constant 0 : i32
    %dma_start3A_55 = arith.constant 0 : i32
    %dma_start3A_56 = tpu.memref_slice %arg4[%dma_start3A_55] : memref<6x!tpu.dma_semaphore, #tpu.memory_space<semaphore_mem>> -> memref<1x!tpu.dma_semaphore, #tpu.memory_space<semaphore_mem>>
    %dma_start3A_57 = tpu.memref_squeeze %dma_start3A_56 : memref<1x!tpu.dma_semaphore, #tpu.memory_space<semaphore_mem>> -> memref<!tpu.dma_semaphore, #tpu.memory_space<semaphore_mem>>
    %dma_start3A_58 = arith.constant 0 : i32
    %dma_start3A_59 = arith.constant 0 : i32
    %dma_start3A_60 = tpu.memref_slice %arg1[%dma_start3A_54, %dma_start3A_58, %dma_start3A_59] : memref<8x49688x128xf32, #tpu.memory_space<any>> -> memref<1x8192x128xf32, #tpu.memory_space<any>>
    %dma_start3A_61 = tpu.memref_squeeze %dma_start3A_60 : memref<1x8192x128xf32, #tpu.memory_space<any>> -> memref<8192x128xf32, #tpu.memory_space<any>>
    %dma_start3A_62 = arith.constant 0 : i32
    %dma_start3A_63 = arith.constant 0 : i32
    %dma_start3A_64 = tpu.memref_slice %arg2[%dma_start3A_53, %dma_start3A_62, %dma_start3A_63] : memref<6x8192x128xf32, #tpu.memory_space<vmem>> -> memref<1x8192x128xf32, #tpu.memory_space<vmem>>
    %dma_start3A_65 = tpu.memref_squeeze %dma_start3A_64 : memref<1x8192x128xf32, #tpu.memory_space<vmem>> -> memref<8192x128xf32, #tpu.memory_space<vmem>>
    tpu.enqueue_dma source(%dma_start3A_65 : memref<8192x128xf32, #tpu.memory_space<vmem>>) target(%dma_start3A_61 : memref<8192x128xf32, #tpu.memory_space<any>>) target_semaphore(%dma_start3A_57 : memref<!tpu.dma_semaphore, #tpu.memory_space<semaphore_mem>>)
    %dma_start3A_66 = arith.constant 0 : i32
    %dma_start3A_67 = arith.constant 1 : i32
    %dma_start3A_68 = arith.constant 0 : i32
    %dma_start3A_69 = tpu.memref_slice %arg4[%dma_start3A_68] : memref<6x!tpu.dma_semaphore, #tpu.memory_space<semaphore_mem>> -> memref<1x!tpu.dma_semaphore, #tpu.memory_space<semaphore_mem>>
    %dma_start3A_70 = tpu.memref_squeeze %dma_start3A_69 : memref<1x!tpu.dma_semaphore, #tpu.memory_space<semaphore_mem>> -> memref<!tpu.dma_semaphore, #tpu.memory_space<semaphore_mem>>
    %dma_start3A_71 = arith.constant 0 : i32
    %dma_start3A_72 = arith.constant 0 : i32
    %dma_start3A_73 = tpu.memref_slice %arg1[%dma_start3A_67, %dma_start3A_71, %dma_start3A_72] : memref<8x49688x128xf32, #tpu.memory_space<any>> -> memref<1x8192x128xf32, #tpu.memory_space<any>>
    %dma_start3A_74 = tpu.memref_squeeze %dma_start3A_73 : memref<1x8192x128xf32, #tpu.memory_space<any>> -> memref<8192x128xf32, #tpu.memory_space<any>>
    %dma_start3A_75 = arith.constant 0 : i32
    %dma_start3A_76 = arith.constant 0 : i32
    %dma_start3A_77 = tpu.memref_slice %arg2[%dma_start3A_66, %dma_start3A_75, %dma_start3A_76] : memref<6x8192x128xf32, #tpu.memory_space<vmem>> -> memref<1x8192x128xf32, #tpu.memory_space<vmem>>
    %dma_start3A_78 = tpu.memref_squeeze %dma_start3A_77 : memref<1x8192x128xf32, #tpu.memory_space<vmem>> -> memref<8192x128xf32, #tpu.memory_space<vmem>>
    tpu.enqueue_dma source(%dma_start3A_78 : memref<8192x128xf32, #tpu.memory_space<vmem>>) target(%dma_start3A_74 : memref<8192x128xf32, #tpu.memory_space<any>>) target_semaphore(%dma_start3A_70 : memref<!tpu.dma_semaphore, #tpu.memory_space<semaphore_mem>>)
    %dma_start3A_79 = arith.constant 0 : i32
    %dma_start3A_80 = arith.constant 2 : i32
    %dma_start3A_81 = arith.constant 0 : i32
    %dma_start3A_82 = tpu.memref_slice %arg4[%dma_start3A_81] : memref<6x!tpu.dma_semaphore, #tpu.memory_space<semaphore_mem>> -> memref<1x!tpu.dma_semaphore, #tpu.memory_space<semaphore_mem>>
    %dma_start3A_83 = tpu.memref_squeeze %dma_start3A_82 : memref<1x!tpu.dma_semaphore, #tpu.memory_space<semaphore_mem>> -> memref<!tpu.dma_semaphore, #tpu.memory_space<semaphore_mem>>
    %dma_start3A_84 = arith.constant 0 : i32
    %dma_start3A_85 = arith.constant 0 : i32
    %dma_start3A_86 = tpu.memref_slice %arg1[%dma_start3A_80, %dma_start3A_84, %dma_start3A_85] : memref<8x49688x128xf32, #tpu.memory_space<any>> -> memref<1x8192x128xf32, #tpu.memory_space<any>>
    %dma_start3A_87 = tpu.memref_squeeze %dma_start3A_86 : memref<1x8192x128xf32, #tpu.memory_space<any>> -> memref<8192x128xf32, #tpu.memory_space<any>>
    %dma_start3A_88 = arith.constant 0 : i32
    %dma_start3A_89 = arith.constant 0 : i32
    %dma_start3A_90 = tpu.memref_slice %arg2[%dma_start3A_79, %dma_start3A_88, %dma_start3A_89] : memref<6x8192x128xf32, #tpu.memory_space<vmem>> -> memref<1x8192x128xf32, #tpu.memory_space<vmem>>
    %dma_start3A_91 = tpu.memref_squeeze %dma_start3A_90 : memref<1x8192x128xf32, #tpu.memory_space<vmem>> -> memref<8192x128xf32, #tpu.memory_space<vmem>>
    tpu.enqueue_dma source(%dma_start3A_91 : memref<8192x128xf32, #tpu.memory_space<vmem>>) target(%dma_start3A_87 : memref<8192x128xf32, #tpu.memory_space<any>>) target_semaphore(%dma_start3A_83 : memref<!tpu.dma_semaphore, #tpu.memory_space<semaphore_mem>>)
    %dma_start3A_92 = arith.constant 0 : i32
    %dma_start3A_93 = arith.constant 3 : i32
    %dma_start3A_94 = arith.constant 0 : i32
    %dma_start3A_95 = tpu.memref_slice %arg4[%dma_start3A_94] : memref<6x!tpu.dma_semaphore, #tpu.memory_space<semaphore_mem>> -> memref<1x!tpu.dma_semaphore, #tpu.memory_space<semaphore_mem>>
    %dma_start3A_96 = tpu.memref_squeeze %dma_start3A_95 : memref<1x!tpu.dma_semaphore, #tpu.memory_space<semaphore_mem>> -> memref<!tpu.dma_semaphore, #tpu.memory_space<semaphore_mem>>
    %dma_start3A_97 = arith.constant 0 : i32
    %dma_start3A_98 = arith.constant 0 : i32
    %dma_start3A_99 = tpu.memref_slice %arg1[%dma_start3A_93, %dma_start3A_97, %dma_start3A_98] : memref<8x49688x128xf32, #tpu.memory_space<any>> -> memref<1x8192x128xf32, #tpu.memory_space<any>>
    %dma_start3A_100 = tpu.memref_squeeze %dma_start3A_99 : memref<1x8192x128xf32, #tpu.memory_space<any>> -> memref<8192x128xf32, #tpu.memory_space<any>>
    %dma_start3A_101 = arith.constant 0 : i32
    %dma_start3A_102 = arith.constant 0 : i32
    %dma_start3A_103 = tpu.memref_slice %arg2[%dma_start3A_92, %dma_start3A_101, %dma_start3A_102] : memref<6x8192x128xf32, #tpu.memory_space<vmem>> -> memref<1x8192x128xf32, #tpu.memory_space<vmem>>
    %dma_start3A_104 = tpu.memref_squeeze %dma_start3A_103 : memref<1x8192x128xf32, #tpu.memory_space<vmem>> -> memref<8192x128xf32, #tpu.memory_space<vmem>>
    tpu.enqueue_dma source(%dma_start3A_104 : memref<8192x128xf32, #tpu.memory_space<vmem>>) target(%dma_start3A_100 : memref<8192x128xf32, #tpu.memory_space<any>>) target_semaphore(%dma_start3A_96 : memref<!tpu.dma_semaphore, #tpu.memory_space<semaphore_mem>>)
    %dma_start3A_105 = arith.constant 0 : i32
    %dma_start3A_106 = arith.constant 4 : i32
    %dma_start3A_107 = arith.constant 0 : i32
    %dma_start3A_108 = tpu.memref_slice %arg4[%dma_start3A_107] : memref<6x!tpu.dma_semaphore, #tpu.memory_space<semaphore_mem>> -> memref<1x!tpu.dma_semaphore, #tpu.memory_space<semaphore_mem>>
    %dma_start3A_109 = tpu.memref_squeeze %dma_start3A_108 : memref<1x!tpu.dma_semaphore, #tpu.memory_space<semaphore_mem>> -> memref<!tpu.dma_semaphore, #tpu.memory_space<semaphore_mem>>
    %dma_start3A_110 = arith.constant 0 : i32
    %dma_start3A_111 = arith.constant 0 : i32
    %dma_start3A_112 = tpu.memref_slice %arg1[%dma_start3A_106, %dma_start3A_110, %dma_start3A_111] : memref<8x49688x128xf32, #tpu.memory_space<any>> -> memref<1x8192x128xf32, #tpu.memory_space<any>>
    %dma_start3A_113 = tpu.memref_squeeze %dma_start3A_112 : memref<1x8192x128xf32, #tpu.memory_space<any>> -> memref<8192x128xf32, #tpu.memory_space<any>>
    %dma_start3A_114 = arith.constant 0 : i32
    %dma_start3A_115 = arith.constant 0 : i32
    %dma_start3A_116 = tpu.memref_slice %arg2[%dma_start3A_105, %dma_start3A_114, %dma_start3A_115] : memref<6x8192x128xf32, #tpu.memory_space<vmem>> -> memref<1x8192x128xf32, #tpu.memory_space<vmem>>
    %dma_start3A_117 = tpu.memref_squeeze %dma_start3A_116 : memref<1x8192x128xf32, #tpu.memory_space<vmem>> -> memref<8192x128xf32, #tpu.memory_space<vmem>>
    tpu.enqueue_dma source(%dma_start3A_117 : memref<8192x128xf32, #tpu.memory_space<vmem>>) target(%dma_start3A_113 : memref<8192x128xf32, #tpu.memory_space<any>>) target_semaphore(%dma_start3A_109 : memref<!tpu.dma_semaphore, #tpu.memory_space<semaphore_mem>>)
    %dma_start3A_118 = arith.constant 0 : i32
    %dma_start3A_119 = arith.constant 5 : i32
    %dma_start3A_120 = arith.constant 0 : i32
    %dma_start3A_121 = tpu.memref_slice %arg4[%dma_start3A_120] : memref<6x!tpu.dma_semaphore, #tpu.memory_space<semaphore_mem>> -> memref<1x!tpu.dma_semaphore, #tpu.memory_space<semaphore_mem>>
    %dma_start3A_122 = tpu.memref_squeeze %dma_start3A_121 : memref<1x!tpu.dma_semaphore, #tpu.memory_space<semaphore_mem>> -> memref<!tpu.dma_semaphore, #tpu.memory_space<semaphore_mem>>
    %dma_start3A_123 = arith.constant 0 : i32
    %dma_start3A_124 = arith.constant 0 : i32
    %dma_start3A_125 = tpu.memref_slice %arg1[%dma_start3A_119, %dma_start3A_123, %dma_start3A_124] : memref<8x49688x128xf32, #tpu.memory_space<any>> -> memref<1x8192x128xf32, #tpu.memory_space<any>>
    %dma_start3A_126 = tpu.memref_squeeze %dma_start3A_125 : memref<1x8192x128xf32, #tpu.memory_space<any>> -> memref<8192x128xf32, #tpu.memory_space<any>>
    %dma_start3A_127 = arith.constant 0 : i32
    %dma_start3A_128 = arith.constant 0 : i32
    %dma_start3A_129 = tpu.memref_slice %arg2[%dma_start3A_118, %dma_start3A_127, %dma_start3A_128] : memref<6x8192x128xf32, #tpu.memory_space<vmem>> -> memref<1x8192x128xf32, #tpu.memory_space<vmem>>
    %dma_start3A_130 = tpu.memref_squeeze %dma_start3A_129 : memref<1x8192x128xf32, #tpu.memory_space<vmem>> -> memref<8192x128xf32, #tpu.memory_space<vmem>>
    tpu.enqueue_dma source(%dma_start3A_130 : memref<8192x128xf32, #tpu.memory_space<vmem>>) target(%dma_start3A_126 : memref<8192x128xf32, #tpu.memory_space<any>>) target_semaphore(%dma_start3A_122 : memref<!tpu.dma_semaphore, #tpu.memory_space<semaphore_mem>>)
    %dma_start3A_131 = arith.constant 0 : i32
    %dma_start3A_132 = arith.constant 6 : i32
    %dma_start3A_133 = arith.constant 0 : i32
    %dma_start3A_134 = tpu.memref_slice %arg4[%dma_start3A_133] : memref<6x!tpu.dma_semaphore, #tpu.memory_space<semaphore_mem>> -> memref<1x!tpu.dma_semaphore, #tpu.memory_space<semaphore_mem>>
    %dma_start3A_135 = tpu.memref_squeeze %dma_start3A_134 : memref<1x!tpu.dma_semaphore, #tpu.memory_space<semaphore_mem>> -> memref<!tpu.dma_semaphore, #tpu.memory_space<semaphore_mem>>
    %dma_start3A_136 = arith.constant 0 : i32
    %dma_start3A_137 = arith.constant 0 : i32
    %dma_start3A_138 = tpu.memref_slice %arg1[%dma_start3A_132, %dma_start3A_136, %dma_start3A_137] : memref<8x49688x128xf32, #tpu.memory_space<any>> -> memref<1x8192x128xf32, #tpu.memory_space<any>>
    %dma_start3A_139 = tpu.memref_squeeze %dma_start3A_138 : memref<1x8192x128xf32, #tpu.memory_space<any>> -> memref<8192x128xf32, #tpu.memory_space<any>>
    %dma_start3A_140 = arith.constant 0 : i32
    %dma_start3A_141 = arith.constant 0 : i32
    %dma_start3A_142 = tpu.memref_slice %arg2[%dma_start3A_131, %dma_start3A_140, %dma_start3A_141] : memref<6x8192x128xf32, #tpu.memory_space<vmem>> -> memref<1x8192x128xf32, #tpu.memory_space<vmem>>
    %dma_start3A_143 = tpu.memref_squeeze %dma_start3A_142 : memref<1x8192x128xf32, #tpu.memory_space<vmem>> -> memref<8192x128xf32, #tpu.memory_space<vmem>>
    tpu.enqueue_dma source(%dma_start3A_143 : memref<8192x128xf32, #tpu.memory_space<vmem>>) target(%dma_start3A_139 : memref<8192x128xf32, #tpu.memory_space<any>>) target_semaphore(%dma_start3A_135 : memref<!tpu.dma_semaphore, #tpu.memory_space<semaphore_mem>>)
    %dma_start3A_144 = arith.constant 0 : i32
    %dma_start3A_145 = arith.constant 7 : i32
    %dma_start3A_146 = arith.constant 0 : i32
    %dma_start3A_147 = tpu.memref_slice %arg4[%dma_start3A_146] : memref<6x!tpu.dma_semaphore, #tpu.memory_space<semaphore_mem>> -> memref<1x!tpu.dma_semaphore, #tpu.memory_space<semaphore_mem>>
    %dma_start3A_148 = tpu.memref_squeeze %dma_start3A_147 : memref<1x!tpu.dma_semaphore, #tpu.memory_space<semaphore_mem>> -> memref<!tpu.dma_semaphore, #tpu.memory_space<semaphore_mem>>
    %dma_start3A_149 = arith.constant 0 : i32
    %dma_start3A_150 = arith.constant 0 : i32
    %dma_start3A_151 = tpu.memref_slice %arg1[%dma_start3A_145, %dma_start3A_149, %dma_start3A_150] : memref<8x49688x128xf32, #tpu.memory_space<any>> -> memref<1x8192x128xf32, #tpu.memory_space<any>>
    %dma_start3A_152 = tpu.memref_squeeze %dma_start3A_151 : memref<1x8192x128xf32, #tpu.memory_space<any>> -> memref<8192x128xf32, #tpu.memory_space<any>>
    %dma_start3A_153 = arith.constant 0 : i32
    %dma_start3A_154 = arith.constant 0 : i32
    %dma_start3A_155 = tpu.memref_slice %arg2[%dma_start3A_144, %dma_start3A_153, %dma_start3A_154] : memref<6x8192x128xf32, #tpu.memory_space<vmem>> -> memref<1x8192x128xf32, #tpu.memory_space<vmem>>
    %dma_start3A_156 = tpu.memref_squeeze %dma_start3A_155 : memref<1x8192x128xf32, #tpu.memory_space<vmem>> -> memref<8192x128xf32, #tpu.memory_space<vmem>>
    tpu.enqueue_dma source(%dma_start3A_156 : memref<8192x128xf32, #tpu.memory_space<vmem>>) target(%dma_start3A_152 : memref<8192x128xf32, #tpu.memory_space<any>>) target_semaphore(%dma_start3A_148 : memref<!tpu.dma_semaphore, #tpu.memory_space<semaphore_mem>>)
    %dma_start3A_157 = arith.constant 4 : i32
    %dma_start3A_158 = arith.constant 4 : i32
    %dma_start3A_159 = tpu.memref_slice %arg3[%dma_start3A_158] : memref<6x!tpu.dma_semaphore, #tpu.memory_space<semaphore_mem>> -> memref<1x!tpu.dma_semaphore, #tpu.memory_space<semaphore_mem>>
    %dma_start3A_160 = tpu.memref_squeeze %dma_start3A_159 : memref<1x!tpu.dma_semaphore, #tpu.memory_space<semaphore_mem>> -> memref<!tpu.dma_semaphore, #tpu.memory_space<semaphore_mem>>
    %dma_start3A_161 = arith.constant 0 : i32
    %dma_start3A_162 = arith.constant 0 : i32
    %dma_start3A_163 = tpu.memref_slice %arg2[%dma_start3A_157, %dma_start3A_161, %dma_start3A_162] : memref<6x8192x128xf32, #tpu.memory_space<vmem>> -> memref<1x8192x128xf32, #tpu.memory_space<vmem>>
    %dma_start3A_164 = tpu.memref_squeeze %dma_start3A_163 : memref<1x8192x128xf32, #tpu.memory_space<vmem>> -> memref<8192x128xf32, #tpu.memory_space<vmem>>
    %dma_start3A_165 = arith.constant 32768 : i32
    %dma_start3A_166 = arith.constant 0 : i32
    %dma_start3A_167 = tpu.memref_slice %arg0[%dma_start3A_165, %dma_start3A_166] : memref<49688x128xf32, #tpu.memory_space<any>> -> memref<8192x128xf32, #tpu.memory_space<any>>
    tpu.enqueue_dma source(%dma_start3A_167 : memref<8192x128xf32, #tpu.memory_space<any>>) target(%dma_start3A_164 : memref<8192x128xf32, #tpu.memory_space<vmem>>) target_semaphore(%dma_start3A_160 : memref<!tpu.dma_semaphore, #tpu.memory_space<semaphore_mem>>)
    %dma_wait3A_168 = arith.constant 1 : i32
    %dma_wait3A_169 = arith.constant 1 : i32
    %dma_wait3A_170 = tpu.memref_slice %arg3[%dma_wait3A_169] : memref<6x!tpu.dma_semaphore, #tpu.memory_space<semaphore_mem>> -> memref<1x!tpu.dma_semaphore, #tpu.memory_space<semaphore_mem>>
    %dma_wait3A_171 = tpu.memref_squeeze %dma_wait3A_170 : memref<1x!tpu.dma_semaphore, #tpu.memory_space<semaphore_mem>> -> memref<!tpu.dma_semaphore, #tpu.memory_space<semaphore_mem>>
    %dma_wait3A_172 = arith.constant 0 : i32
    %dma_wait3A_173 = arith.constant 0 : i32
    %dma_wait3A_174 = tpu.memref_slice %arg2[%dma_wait3A_168, %dma_wait3A_172, %dma_wait3A_173] : memref<6x8192x128xf32, #tpu.memory_space<vmem>> -> memref<1x8192x128xf32, #tpu.memory_space<vmem>>
    %dma_wait3A_175 = tpu.memref_squeeze %dma_wait3A_174 : memref<1x8192x128xf32, #tpu.memory_space<vmem>> -> memref<8192x128xf32, #tpu.memory_space<vmem>>
    %dma_wait3A_176 = arith.constant 8192 : i32
    %dma_wait3A_177 = arith.constant 0 : i32
    %dma_wait3A_178 = tpu.memref_slice %arg0[%dma_wait3A_176, %dma_wait3A_177] : memref<49688x128xf32, #tpu.memory_space<any>> -> memref<8192x128xf32, #tpu.memory_space<any>>
    tpu.wait_dma2 semaphore(%dma_wait3A_171 : memref<!tpu.dma_semaphore, #tpu.memory_space<semaphore_mem>>) src(%dma_wait3A_178 : memref<8192x128xf32, #tpu.memory_space<any>>) dst(%dma_wait3A_175 : memref<8192x128xf32, #tpu.memory_space<vmem>>)
    %dma_start3A_179 = arith.constant 1 : i32
    %dma_start3A_180 = arith.constant 0 : i32
    %dma_start3A_181 = arith.constant 1 : i32
    %dma_start3A_182 = tpu.memref_slice %arg4[%dma_start3A_181] : memref<6x!tpu.dma_semaphore, #tpu.memory_space<semaphore_mem>> -> memref<1x!tpu.dma_semaphore, #tpu.memory_space<semaphore_mem>>
    %dma_start3A_183 = tpu.memref_squeeze %dma_start3A_182 : memref<1x!tpu.dma_semaphore, #tpu.memory_space<semaphore_mem>> -> memref<!tpu.dma_semaphore, #tpu.memory_space<semaphore_mem>>
    %dma_start3A_184 = arith.constant 8192 : i32
    %dma_start3A_185 = arith.constant 0 : i32
    %dma_start3A_186 = tpu.memref_slice %arg1[%dma_start3A_180, %dma_start3A_184, %dma_start3A_185] : memref<8x49688x128xf32, #tpu.memory_space<any>> -> memref<1x8192x128xf32, #tpu.memory_space<any>>
    %dma_start3A_187 = tpu.memref_squeeze %dma_start3A_186 : memref<1x8192x128xf32, #tpu.memory_space<any>> -> memref<8192x128xf32, #tpu.memory_space<any>>
    %dma_start3A_188 = arith.constant 0 : i32
    %dma_start3A_189 = arith.constant 0 : i32
    %dma_start3A_190 = tpu.memref_slice %arg2[%dma_start3A_179, %dma_start3A_188, %dma_start3A_189] : memref<6x8192x128xf32, #tpu.memory_space<vmem>> -> memref<1x8192x128xf32, #tpu.memory_space<vmem>>
    %dma_start3A_191 = tpu.memref_squeeze %dma_start3A_190 : memref<1x8192x128xf32, #tpu.memory_space<vmem>> -> memref<8192x128xf32, #tpu.memory_space<vmem>>
    tpu.enqueue_dma source(%dma_start3A_191 : memref<8192x128xf32, #tpu.memory_space<vmem>>) target(%dma_start3A_187 : memref<8192x128xf32, #tpu.memory_space<any>>) target_semaphore(%dma_start3A_183 : memref<!tpu.dma_semaphore, #tpu.memory_space<semaphore_mem>>)
    %dma_start3A_192 = arith.constant 1 : i32
    %dma_start3A_193 = arith.constant 1 : i32
    %dma_start3A_194 = arith.constant 1 : i32
    %dma_start3A_195 = tpu.memref_slice %arg4[%dma_start3A_194] : memref<6x!tpu.dma_semaphore, #tpu.memory_space<semaphore_mem>> -> memref<1x!tpu.dma_semaphore, #tpu.memory_space<semaphore_mem>>
    %dma_start3A_196 = tpu.memref_squeeze %dma_start3A_195 : memref<1x!tpu.dma_semaphore, #tpu.memory_space<semaphore_mem>> -> memref<!tpu.dma_semaphore, #tpu.memory_space<semaphore_mem>>
    %dma_start3A_197 = arith.constant 8192 : i32
    %dma_start3A_198 = arith.constant 0 : i32
    %dma_start3A_199 = tpu.memref_slice %arg1[%dma_start3A_193, %dma_start3A_197, %dma_start3A_198] : memref<8x49688x128xf32, #tpu.memory_space<any>> -> memref<1x8192x128xf32, #tpu.memory_space<any>>
    %dma_start3A_200 = tpu.memref_squeeze %dma_start3A_199 : memref<1x8192x128xf32, #tpu.memory_space<any>> -> memref<8192x128xf32, #tpu.memory_space<any>>
    %dma_start3A_201 = arith.constant 0 : i32
    %dma_start3A_202 = arith.constant 0 : i32
    %dma_start3A_203 = tpu.memref_slice %arg2[%dma_start3A_192, %dma_start3A_201, %dma_start3A_202] : memref<6x8192x128xf32, #tpu.memory_space<vmem>> -> memref<1x8192x128xf32, #tpu.memory_space<vmem>>
    %dma_start3A_204 = tpu.memref_squeeze %dma_start3A_203 : memref<1x8192x128xf32, #tpu.memory_space<vmem>> -> memref<8192x128xf32, #tpu.memory_space<vmem>>
    tpu.enqueue_dma source(%dma_start3A_204 : memref<8192x128xf32, #tpu.memory_space<vmem>>) target(%dma_start3A_200 : memref<8192x128xf32, #tpu.memory_space<any>>) target_semaphore(%dma_start3A_196 : memref<!tpu.dma_semaphore, #tpu.memory_space<semaphore_mem>>)
    %dma_start3A_205 = arith.constant 1 : i32
    %dma_start3A_206 = arith.constant 2 : i32
    %dma_start3A_207 = arith.constant 1 : i32
    %dma_start3A_208 = tpu.memref_slice %arg4[%dma_start3A_207] : memref<6x!tpu.dma_semaphore, #tpu.memory_space<semaphore_mem>> -> memref<1x!tpu.dma_semaphore, #tpu.memory_space<semaphore_mem>>
    %dma_start3A_209 = tpu.memref_squeeze %dma_start3A_208 : memref<1x!tpu.dma_semaphore, #tpu.memory_space<semaphore_mem>> -> memref<!tpu.dma_semaphore, #tpu.memory_space<semaphore_mem>>
    %dma_start3A_210 = arith.constant 8192 : i32
    %dma_start3A_211 = arith.constant 0 : i32
    %dma_start3A_212 = tpu.memref_slice %arg1[%dma_start3A_206, %dma_start3A_210, %dma_start3A_211] : memref<8x49688x128xf32, #tpu.memory_space<any>> -> memref<1x8192x128xf32, #tpu.memory_space<any>>
    %dma_start3A_213 = tpu.memref_squeeze %dma_start3A_212 : memref<1x8192x128xf32, #tpu.memory_space<any>> -> memref<8192x128xf32, #tpu.memory_space<any>>
    %dma_start3A_214 = arith.constant 0 : i32
    %dma_start3A_215 = arith.constant 0 : i32
    %dma_start3A_216 = tpu.memref_slice %arg2[%dma_start3A_205, %dma_start3A_214, %dma_start3A_215] : memref<6x8192x128xf32, #tpu.memory_space<vmem>> -> memref<1x8192x128xf32, #tpu.memory_space<vmem>>
    %dma_start3A_217 = tpu.memref_squeeze %dma_start3A_216 : memref<1x8192x128xf32, #tpu.memory_space<vmem>> -> memref<8192x128xf32, #tpu.memory_space<vmem>>
    tpu.enqueue_dma source(%dma_start3A_217 : memref<8192x128xf32, #tpu.memory_space<vmem>>) target(%dma_start3A_213 : memref<8192x128xf32, #tpu.memory_space<any>>) target_semaphore(%dma_start3A_209 : memref<!tpu.dma_semaphore, #tpu.memory_space<semaphore_mem>>)
    %dma_start3A_218 = arith.constant 1 : i32
    %dma_start3A_219 = arith.constant 3 : i32
    %dma_start3A_220 = arith.constant 1 : i32
    %dma_start3A_221 = tpu.memref_slice %arg4[%dma_start3A_220] : memref<6x!tpu.dma_semaphore, #tpu.memory_space<semaphore_mem>> -> memref<1x!tpu.dma_semaphore, #tpu.memory_space<semaphore_mem>>
    %dma_start3A_222 = tpu.memref_squeeze %dma_start3A_221 : memref<1x!tpu.dma_semaphore, #tpu.memory_space<semaphore_mem>> -> memref<!tpu.dma_semaphore, #tpu.memory_space<semaphore_mem>>
    %dma_start3A_223 = arith.constant 8192 : i32
    %dma_start3A_224 = arith.constant 0 : i32
    %dma_start3A_225 = tpu.memref_slice %arg1[%dma_start3A_219, %dma_start3A_223, %dma_start3A_224] : memref<8x49688x128xf32, #tpu.memory_space<any>> -> memref<1x8192x128xf32, #tpu.memory_space<any>>
    %dma_start3A_226 = tpu.memref_squeeze %dma_start3A_225 : memref<1x8192x128xf32, #tpu.memory_space<any>> -> memref<8192x128xf32, #tpu.memory_space<any>>
    %dma_start3A_227 = arith.constant 0 : i32
    %dma_start3A_228 = arith.constant 0 : i32
    %dma_start3A_229 = tpu.memref_slice %arg2[%dma_start3A_218, %dma_start3A_227, %dma_start3A_228] : memref<6x8192x128xf32, #tpu.memory_space<vmem>> -> memref<1x8192x128xf32, #tpu.memory_space<vmem>>
    %dma_start3A_230 = tpu.memref_squeeze %dma_start3A_229 : memref<1x8192x128xf32, #tpu.memory_space<vmem>> -> memref<8192x128xf32, #tpu.memory_space<vmem>>
    tpu.enqueue_dma source(%dma_start3A_230 : memref<8192x128xf32, #tpu.memory_space<vmem>>) target(%dma_start3A_226 : memref<8192x128xf32, #tpu.memory_space<any>>) target_semaphore(%dma_start3A_222 : memref<!tpu.dma_semaphore, #tpu.memory_space<semaphore_mem>>)
    %dma_start3A_231 = arith.constant 1 : i32
    %dma_start3A_232 = arith.constant 4 : i32
    %dma_start3A_233 = arith.constant 1 : i32
    %dma_start3A_234 = tpu.memref_slice %arg4[%dma_start3A_233] : memref<6x!tpu.dma_semaphore, #tpu.memory_space<semaphore_mem>> -> memref<1x!tpu.dma_semaphore, #tpu.memory_space<semaphore_mem>>
    %dma_start3A_235 = tpu.memref_squeeze %dma_start3A_234 : memref<1x!tpu.dma_semaphore, #tpu.memory_space<semaphore_mem>> -> memref<!tpu.dma_semaphore, #tpu.memory_space<semaphore_mem>>
    %dma_start3A_236 = arith.constant 8192 : i32
    %dma_start3A_237 = arith.constant 0 : i32
    %dma_start3A_238 = tpu.memref_slice %arg1[%dma_start3A_232, %dma_start3A_236, %dma_start3A_237] : memref<8x49688x128xf32, #tpu.memory_space<any>> -> memref<1x8192x128xf32, #tpu.memory_space<any>>
    %dma_start3A_239 = tpu.memref_squeeze %dma_start3A_238 : memref<1x8192x128xf32, #tpu.memory_space<any>> -> memref<8192x128xf32, #tpu.memory_space<any>>
    %dma_start3A_240 = arith.constant 0 : i32
    %dma_start3A_241 = arith.constant 0 : i32
    %dma_start3A_242 = tpu.memref_slice %arg2[%dma_start3A_231, %dma_start3A_240, %dma_start3A_241] : memref<6x8192x128xf32, #tpu.memory_space<vmem>> -> memref<1x8192x128xf32, #tpu.memory_space<vmem>>
    %dma_start3A_243 = tpu.memref_squeeze %dma_start3A_242 : memref<1x8192x128xf32, #tpu.memory_space<vmem>> -> memref<8192x128xf32, #tpu.memory_space<vmem>>
    tpu.enqueue_dma source(%dma_start3A_243 : memref<8192x128xf32, #tpu.memory_space<vmem>>) target(%dma_start3A_239 : memref<8192x128xf32, #tpu.memory_space<any>>) target_semaphore(%dma_start3A_235 : memref<!tpu.dma_semaphore, #tpu.memory_space<semaphore_mem>>)
    %dma_start3A_244 = arith.constant 1 : i32
    %dma_start3A_245 = arith.constant 5 : i32
    %dma_start3A_246 = arith.constant 1 : i32
    %dma_start3A_247 = tpu.memref_slice %arg4[%dma_start3A_246] : memref<6x!tpu.dma_semaphore, #tpu.memory_space<semaphore_mem>> -> memref<1x!tpu.dma_semaphore, #tpu.memory_space<semaphore_mem>>
    %dma_start3A_248 = tpu.memref_squeeze %dma_start3A_247 : memref<1x!tpu.dma_semaphore, #tpu.memory_space<semaphore_mem>> -> memref<!tpu.dma_semaphore, #tpu.memory_space<semaphore_mem>>
    %dma_start3A_249 = arith.constant 8192 : i32
    %dma_start3A_250 = arith.constant 0 : i32
    %dma_start3A_251 = tpu.memref_slice %arg1[%dma_start3A_245, %dma_start3A_249, %dma_start3A_250] : memref<8x49688x128xf32, #tpu.memory_space<any>> -> memref<1x8192x128xf32, #tpu.memory_space<any>>
    %dma_start3A_252 = tpu.memref_squeeze %dma_start3A_251 : memref<1x8192x128xf32, #tpu.memory_space<any>> -> memref<8192x128xf32, #tpu.memory_space<any>>
    %dma_start3A_253 = arith.constant 0 : i32
    %dma_start3A_254 = arith.constant 0 : i32
    %dma_start3A_255 = tpu.memref_slice %arg2[%dma_start3A_244, %dma_start3A_253, %dma_start3A_254] : memref<6x8192x128xf32, #tpu.memory_space<vmem>> -> memref<1x8192x128xf32, #tpu.memory_space<vmem>>
    %dma_start3A_256 = tpu.memref_squeeze %dma_start3A_255 : memref<1x8192x128xf32, #tpu.memory_space<vmem>> -> memref<8192x128xf32, #tpu.memory_space<vmem>>
    tpu.enqueue_dma source(%dma_start3A_256 : memref<8192x128xf32, #tpu.memory_space<vmem>>) target(%dma_start3A_252 : memref<8192x128xf32, #tpu.memory_space<any>>) target_semaphore(%dma_start3A_248 : memref<!tpu.dma_semaphore, #tpu.memory_space<semaphore_mem>>)
    %dma_start3A_257 = arith.constant 1 : i32
    %dma_start3A_258 = arith.constant 6 : i32
    %dma_start3A_259 = arith.constant 1 : i32
    %dma_start3A_260 = tpu.memref_slice %arg4[%dma_start3A_259] : memref<6x!tpu.dma_semaphore, #tpu.memory_space<semaphore_mem>> -> memref<1x!tpu.dma_semaphore, #tpu.memory_space<semaphore_mem>>
    %dma_start3A_261 = tpu.memref_squeeze %dma_start3A_260 : memref<1x!tpu.dma_semaphore, #tpu.memory_space<semaphore_mem>> -> memref<!tpu.dma_semaphore, #tpu.memory_space<semaphore_mem>>
    %dma_start3A_262 = arith.constant 8192 : i32
    %dma_start3A_263 = arith.constant 0 : i32
    %dma_start3A_264 = tpu.memref_slice %arg1[%dma_start3A_258, %dma_start3A_262, %dma_start3A_263] : memref<8x49688x128xf32, #tpu.memory_space<any>> -> memref<1x8192x128xf32, #tpu.memory_space<any>>
    %dma_start3A_265 = tpu.memref_squeeze %dma_start3A_264 : memref<1x8192x128xf32, #tpu.memory_space<any>> -> memref<8192x128xf32, #tpu.memory_space<any>>
    %dma_start3A_266 = arith.constant 0 : i32
    %dma_start3A_267 = arith.constant 0 : i32
    %dma_start3A_268 = tpu.memref_slice %arg2[%dma_start3A_257, %dma_start3A_266, %dma_start3A_267] : memref<6x8192x128xf32, #tpu.memory_space<vmem>> -> memref<1x8192x128xf32, #tpu.memory_space<vmem>>
    %dma_start3A_269 = tpu.memref_squeeze %dma_start3A_268 : memref<1x8192x128xf32, #tpu.memory_space<vmem>> -> memref<8192x128xf32, #tpu.memory_space<vmem>>
    tpu.enqueue_dma source(%dma_start3A_269 : memref<8192x128xf32, #tpu.memory_space<vmem>>) target(%dma_start3A_265 : memref<8192x128xf32, #tpu.memory_space<any>>) target_semaphore(%dma_start3A_261 : memref<!tpu.dma_semaphore, #tpu.memory_space<semaphore_mem>>)
    %dma_start3A_270 = arith.constant 1 : i32
    %dma_start3A_271 = arith.constant 7 : i32
    %dma_start3A_272 = arith.constant 1 : i32
    %dma_start3A_273 = tpu.memref_slice %arg4[%dma_start3A_272] : memref<6x!tpu.dma_semaphore, #tpu.memory_space<semaphore_mem>> -> memref<1x!tpu.dma_semaphore, #tpu.memory_space<semaphore_mem>>
    %dma_start3A_274 = tpu.memref_squeeze %dma_start3A_273 : memref<1x!tpu.dma_semaphore, #tpu.memory_space<semaphore_mem>> -> memref<!tpu.dma_semaphore, #tpu.memory_space<semaphore_mem>>
    %dma_start3A_275 = arith.constant 8192 : i32
    %dma_start3A_276 = arith.constant 0 : i32
    %dma_start3A_277 = tpu.memref_slice %arg1[%dma_start3A_271, %dma_start3A_275, %dma_start3A_276] : memref<8x49688x128xf32, #tpu.memory_space<any>> -> memref<1x8192x128xf32, #tpu.memory_space<any>>
    %dma_start3A_278 = tpu.memref_squeeze %dma_start3A_277 : memref<1x8192x128xf32, #tpu.memory_space<any>> -> memref<8192x128xf32, #tpu.memory_space<any>>
    %dma_start3A_279 = arith.constant 0 : i32
    %dma_start3A_280 = arith.constant 0 : i32
    %dma_start3A_281 = tpu.memref_slice %arg2[%dma_start3A_270, %dma_start3A_279, %dma_start3A_280] : memref<6x8192x128xf32, #tpu.memory_space<vmem>> -> memref<1x8192x128xf32, #tpu.memory_space<vmem>>
    %dma_start3A_282 = tpu.memref_squeeze %dma_start3A_281 : memref<1x8192x128xf32, #tpu.memory_space<vmem>> -> memref<8192x128xf32, #tpu.memory_space<vmem>>
    tpu.enqueue_dma source(%dma_start3A_282 : memref<8192x128xf32, #tpu.memory_space<vmem>>) target(%dma_start3A_278 : memref<8192x128xf32, #tpu.memory_space<any>>) target_semaphore(%dma_start3A_274 : memref<!tpu.dma_semaphore, #tpu.memory_space<semaphore_mem>>)
    %dma_start3A_283 = arith.constant 5 : i32
    %dma_start3A_284 = arith.constant 5 : i32
    %dma_start3A_285 = tpu.memref_slice %arg3[%dma_start3A_284] : memref<6x!tpu.dma_semaphore, #tpu.memory_space<semaphore_mem>> -> memref<1x!tpu.dma_semaphore, #tpu.memory_space<semaphore_mem>>
    %dma_start3A_286 = tpu.memref_squeeze %dma_start3A_285 : memref<1x!tpu.dma_semaphore, #tpu.memory_space<semaphore_mem>> -> memref<!tpu.dma_semaphore, #tpu.memory_space<semaphore_mem>>
    %dma_start3A_287 = arith.constant 0 : i32
    %dma_start3A_288 = arith.constant 0 : i32
    %dma_start3A_289 = tpu.memref_slice %arg2[%dma_start3A_283, %dma_start3A_287, %dma_start3A_288] : memref<6x8192x128xf32, #tpu.memory_space<vmem>> -> memref<1x8192x128xf32, #tpu.memory_space<vmem>>
    %dma_start3A_290 = tpu.memref_squeeze %dma_start3A_289 : memref<1x8192x128xf32, #tpu.memory_space<vmem>> -> memref<8192x128xf32, #tpu.memory_space<vmem>>
    %dma_start3A_291 = arith.constant 40960 : i32
    %dma_start3A_292 = arith.constant 0 : i32
    %dma_start3A_293 = tpu.memref_slice %arg0[%dma_start3A_291, %dma_start3A_292] : memref<49688x128xf32, #tpu.memory_space<any>> -> memref<8192x128xf32, #tpu.memory_space<any>>
    tpu.enqueue_dma source(%dma_start3A_293 : memref<8192x128xf32, #tpu.memory_space<any>>) target(%dma_start3A_290 : memref<8192x128xf32, #tpu.memory_space<vmem>>) target_semaphore(%dma_start3A_286 : memref<!tpu.dma_semaphore, #tpu.memory_space<semaphore_mem>>)
    %dma_wait3A_294 = arith.constant 2 : i32
    %dma_wait3A_295 = arith.constant 2 : i32
    %dma_wait3A_296 = tpu.memref_slice %arg3[%dma_wait3A_295] : memref<6x!tpu.dma_semaphore, #tpu.memory_space<semaphore_mem>> -> memref<1x!tpu.dma_semaphore, #tpu.memory_space<semaphore_mem>>
    %dma_wait3A_297 = tpu.memref_squeeze %dma_wait3A_296 : memref<1x!tpu.dma_semaphore, #tpu.memory_space<semaphore_mem>> -> memref<!tpu.dma_semaphore, #tpu.memory_space<semaphore_mem>>
    %dma_wait3A_298 = arith.constant 0 : i32
    %dma_wait3A_299 = arith.constant 0 : i32
    %dma_wait3A_300 = tpu.memref_slice %arg2[%dma_wait3A_294, %dma_wait3A_298, %dma_wait3A_299] : memref<6x8192x128xf32, #tpu.memory_space<vmem>> -> memref<1x8192x128xf32, #tpu.memory_space<vmem>>
    %dma_wait3A_301 = tpu.memref_squeeze %dma_wait3A_300 : memref<1x8192x128xf32, #tpu.memory_space<vmem>> -> memref<8192x128xf32, #tpu.memory_space<vmem>>
    %dma_wait3A_302 = arith.constant 16384 : i32
    %dma_wait3A_303 = arith.constant 0 : i32
    %dma_wait3A_304 = tpu.memref_slice %arg0[%dma_wait3A_302, %dma_wait3A_303] : memref<49688x128xf32, #tpu.memory_space<any>> -> memref<8192x128xf32, #tpu.memory_space<any>>
    tpu.wait_dma2 semaphore(%dma_wait3A_297 : memref<!tpu.dma_semaphore, #tpu.memory_space<semaphore_mem>>) src(%dma_wait3A_304 : memref<8192x128xf32, #tpu.memory_space<any>>) dst(%dma_wait3A_301 : memref<8192x128xf32, #tpu.memory_space<vmem>>)
    %dma_start3A_305 = arith.constant 2 : i32
    %dma_start3A_306 = arith.constant 0 : i32
    %dma_start3A_307 = arith.constant 2 : i32
    %dma_start3A_308 = tpu.memref_slice %arg4[%dma_start3A_307] : memref<6x!tpu.dma_semaphore, #tpu.memory_space<semaphore_mem>> -> memref<1x!tpu.dma_semaphore, #tpu.memory_space<semaphore_mem>>
    %dma_start3A_309 = tpu.memref_squeeze %dma_start3A_308 : memref<1x!tpu.dma_semaphore, #tpu.memory_space<semaphore_mem>> -> memref<!tpu.dma_semaphore, #tpu.memory_space<semaphore_mem>>
    %dma_start3A_310 = arith.constant 16384 : i32
    %dma_start3A_311 = arith.constant 0 : i32
    %dma_start3A_312 = tpu.memref_slice %arg1[%dma_start3A_306, %dma_start3A_310, %dma_start3A_311] : memref<8x49688x128xf32, #tpu.memory_space<any>> -> memref<1x8192x128xf32, #tpu.memory_space<any>>
    %dma_start3A_313 = tpu.memref_squeeze %dma_start3A_312 : memref<1x8192x128xf32, #tpu.memory_space<any>> -> memref<8192x128xf32, #tpu.memory_space<any>>
    %dma_start3A_314 = arith.constant 0 : i32
    %dma_start3A_315 = arith.constant 0 : i32
    %dma_start3A_316 = tpu.memref_slice %arg2[%dma_start3A_305, %dma_start3A_314, %dma_start3A_315] : memref<6x8192x128xf32, #tpu.memory_space<vmem>> -> memref<1x8192x128xf32, #tpu.memory_space<vmem>>
    %dma_start3A_317 = tpu.memref_squeeze %dma_start3A_316 : memref<1x8192x128xf32, #tpu.memory_space<vmem>> -> memref<8192x128xf32, #tpu.memory_space<vmem>>
    tpu.enqueue_dma source(%dma_start3A_317 : memref<8192x128xf32, #tpu.memory_space<vmem>>) target(%dma_start3A_313 : memref<8192x128xf32, #tpu.memory_space<any>>) target_semaphore(%dma_start3A_309 : memref<!tpu.dma_semaphore, #tpu.memory_space<semaphore_mem>>)
    %dma_start3A_318 = arith.constant 2 : i32
    %dma_start3A_319 = arith.constant 1 : i32
    %dma_start3A_320 = arith.constant 2 : i32
    %dma_start3A_321 = tpu.memref_slice %arg4[%dma_start3A_320] : memref<6x!tpu.dma_semaphore, #tpu.memory_space<semaphore_mem>> -> memref<1x!tpu.dma_semaphore, #tpu.memory_space<semaphore_mem>>
    %dma_start3A_322 = tpu.memref_squeeze %dma_start3A_321 : memref<1x!tpu.dma_semaphore, #tpu.memory_space<semaphore_mem>> -> memref<!tpu.dma_semaphore, #tpu.memory_space<semaphore_mem>>
    %dma_start3A_323 = arith.constant 16384 : i32
    %dma_start3A_324 = arith.constant 0 : i32
    %dma_start3A_325 = tpu.memref_slice %arg1[%dma_start3A_319, %dma_start3A_323, %dma_start3A_324] : memref<8x49688x128xf32, #tpu.memory_space<any>> -> memref<1x8192x128xf32, #tpu.memory_space<any>>
    %dma_start3A_326 = tpu.memref_squeeze %dma_start3A_325 : memref<1x8192x128xf32, #tpu.memory_space<any>> -> memref<8192x128xf32, #tpu.memory_space<any>>
    %dma_start3A_327 = arith.constant 0 : i32
    %dma_start3A_328 = arith.constant 0 : i32
    %dma_start3A_329 = tpu.memref_slice %arg2[%dma_start3A_318, %dma_start3A_327, %dma_start3A_328] : memref<6x8192x128xf32, #tpu.memory_space<vmem>> -> memref<1x8192x128xf32, #tpu.memory_space<vmem>>
    %dma_start3A_330 = tpu.memref_squeeze %dma_start3A_329 : memref<1x8192x128xf32, #tpu.memory_space<vmem>> -> memref<8192x128xf32, #tpu.memory_space<vmem>>
    tpu.enqueue_dma source(%dma_start3A_330 : memref<8192x128xf32, #tpu.memory_space<vmem>>) target(%dma_start3A_326 : memref<8192x128xf32, #tpu.memory_space<any>>) target_semaphore(%dma_start3A_322 : memref<!tpu.dma_semaphore, #tpu.memory_space<semaphore_mem>>)
    %dma_start3A_331 = arith.constant 2 : i32
    %dma_start3A_332 = arith.constant 2 : i32
    %dma_start3A_333 = arith.constant 2 : i32
    %dma_start3A_334 = tpu.memref_slice %arg4[%dma_start3A_333] : memref<6x!tpu.dma_semaphore, #tpu.memory_space<semaphore_mem>> -> memref<1x!tpu.dma_semaphore, #tpu.memory_space<semaphore_mem>>
    %dma_start3A_335 = tpu.memref_squeeze %dma_start3A_334 : memref<1x!tpu.dma_semaphore, #tpu.memory_space<semaphore_mem>> -> memref<!tpu.dma_semaphore, #tpu.memory_space<semaphore_mem>>
    %dma_start3A_336 = arith.constant 16384 : i32
    %dma_start3A_337 = arith.constant 0 : i32
    %dma_start3A_338 = tpu.memref_slice %arg1[%dma_start3A_332, %dma_start3A_336, %dma_start3A_337] : memref<8x49688x128xf32, #tpu.memory_space<any>> -> memref<1x8192x128xf32, #tpu.memory_space<any>>
    %dma_start3A_339 = tpu.memref_squeeze %dma_start3A_338 : memref<1x8192x128xf32, #tpu.memory_space<any>> -> memref<8192x128xf32, #tpu.memory_space<any>>
    %dma_start3A_340 = arith.constant 0 : i32
    %dma_start3A_341 = arith.constant 0 : i32
    %dma_start3A_342 = tpu.memref_slice %arg2[%dma_start3A_331, %dma_start3A_340, %dma_start3A_341] : memref<6x8192x128xf32, #tpu.memory_space<vmem>> -> memref<1x8192x128xf32, #tpu.memory_space<vmem>>
    %dma_start3A_343 = tpu.memref_squeeze %dma_start3A_342 : memref<1x8192x128xf32, #tpu.memory_space<vmem>> -> memref<8192x128xf32, #tpu.memory_space<vmem>>
    tpu.enqueue_dma source(%dma_start3A_343 : memref<8192x128xf32, #tpu.memory_space<vmem>>) target(%dma_start3A_339 : memref<8192x128xf32, #tpu.memory_space<any>>) target_semaphore(%dma_start3A_335 : memref<!tpu.dma_semaphore, #tpu.memory_space<semaphore_mem>>)
    %dma_start3A_344 = arith.constant 2 : i32
    %dma_start3A_345 = arith.constant 3 : i32
    %dma_start3A_346 = arith.constant 2 : i32
    %dma_start3A_347 = tpu.memref_slice %arg4[%dma_start3A_346] : memref<6x!tpu.dma_semaphore, #tpu.memory_space<semaphore_mem>> -> memref<1x!tpu.dma_semaphore, #tpu.memory_space<semaphore_mem>>
    %dma_start3A_348 = tpu.memref_squeeze %dma_start3A_347 : memref<1x!tpu.dma_semaphore, #tpu.memory_space<semaphore_mem>> -> memref<!tpu.dma_semaphore, #tpu.memory_space<semaphore_mem>>
    %dma_start3A_349 = arith.constant 16384 : i32
    %dma_start3A_350 = arith.constant 0 : i32
    %dma_start3A_351 = tpu.memref_slice %arg1[%dma_start3A_345, %dma_start3A_349, %dma_start3A_350] : memref<8x49688x128xf32, #tpu.memory_space<any>> -> memref<1x8192x128xf32, #tpu.memory_space<any>>
    %dma_start3A_352 = tpu.memref_squeeze %dma_start3A_351 : memref<1x8192x128xf32, #tpu.memory_space<any>> -> memref<8192x128xf32, #tpu.memory_space<any>>
    %dma_start3A_353 = arith.constant 0 : i32
    %dma_start3A_354 = arith.constant 0 : i32
    %dma_start3A_355 = tpu.memref_slice %arg2[%dma_start3A_344, %dma_start3A_353, %dma_start3A_354] : memref<6x8192x128xf32, #tpu.memory_space<vmem>> -> memref<1x8192x128xf32, #tpu.memory_space<vmem>>
    %dma_start3A_356 = tpu.memref_squeeze %dma_start3A_355 : memref<1x8192x128xf32, #tpu.memory_space<vmem>> -> memref<8192x128xf32, #tpu.memory_space<vmem>>
    tpu.enqueue_dma source(%dma_start3A_356 : memref<8192x128xf32, #tpu.memory_space<vmem>>) target(%dma_start3A_352 : memref<8192x128xf32, #tpu.memory_space<any>>) target_semaphore(%dma_start3A_348 : memref<!tpu.dma_semaphore, #tpu.memory_space<semaphore_mem>>)
    %dma_start3A_357 = arith.constant 2 : i32
    %dma_start3A_358 = arith.constant 4 : i32
    %dma_start3A_359 = arith.constant 2 : i32
    %dma_start3A_360 = tpu.memref_slice %arg4[%dma_start3A_359] : memref<6x!tpu.dma_semaphore, #tpu.memory_space<semaphore_mem>> -> memref<1x!tpu.dma_semaphore, #tpu.memory_space<semaphore_mem>>
    %dma_start3A_361 = tpu.memref_squeeze %dma_start3A_360 : memref<1x!tpu.dma_semaphore, #tpu.memory_space<semaphore_mem>> -> memref<!tpu.dma_semaphore, #tpu.memory_space<semaphore_mem>>
    %dma_start3A_362 = arith.constant 16384 : i32
    %dma_start3A_363 = arith.constant 0 : i32
    %dma_start3A_364 = tpu.memref_slice %arg1[%dma_start3A_358, %dma_start3A_362, %dma_start3A_363] : memref<8x49688x128xf32, #tpu.memory_space<any>> -> memref<1x8192x128xf32, #tpu.memory_space<any>>
    %dma_start3A_365 = tpu.memref_squeeze %dma_start3A_364 : memref<1x8192x128xf32, #tpu.memory_space<any>> -> memref<8192x128xf32, #tpu.memory_space<any>>
    %dma_start3A_366 = arith.constant 0 : i32
    %dma_start3A_367 = arith.constant 0 : i32
    %dma_start3A_368 = tpu.memref_slice %arg2[%dma_start3A_357, %dma_start3A_366, %dma_start3A_367] : memref<6x8192x128xf32, #tpu.memory_space<vmem>> -> memref<1x8192x128xf32, #tpu.memory_space<vmem>>
    %dma_start3A_369 = tpu.memref_squeeze %dma_start3A_368 : memref<1x8192x128xf32, #tpu.memory_space<vmem>> -> memref<8192x128xf32, #tpu.memory_space<vmem>>
    tpu.enqueue_dma source(%dma_start3A_369 : memref<8192x128xf32, #tpu.memory_space<vmem>>) target(%dma_start3A_365 : memref<8192x128xf32, #tpu.memory_space<any>>) target_semaphore(%dma_start3A_361 : memref<!tpu.dma_semaphore, #tpu.memory_space<semaphore_mem>>)
    %dma_start3A_370 = arith.constant 2 : i32
    %dma_start3A_371 = arith.constant 5 : i32
    %dma_start3A_372 = arith.constant 2 : i32
    %dma_start3A_373 = tpu.memref_slice %arg4[%dma_start3A_372] : memref<6x!tpu.dma_semaphore, #tpu.memory_space<semaphore_mem>> -> memref<1x!tpu.dma_semaphore, #tpu.memory_space<semaphore_mem>>
    %dma_start3A_374 = tpu.memref_squeeze %dma_start3A_373 : memref<1x!tpu.dma_semaphore, #tpu.memory_space<semaphore_mem>> -> memref<!tpu.dma_semaphore, #tpu.memory_space<semaphore_mem>>
    %dma_start3A_375 = arith.constant 16384 : i32
    %dma_start3A_376 = arith.constant 0 : i32
    %dma_start3A_377 = tpu.memref_slice %arg1[%dma_start3A_371, %dma_start3A_375, %dma_start3A_376] : memref<8x49688x128xf32, #tpu.memory_space<any>> -> memref<1x8192x128xf32, #tpu.memory_space<any>>
    %dma_start3A_378 = tpu.memref_squeeze %dma_start3A_377 : memref<1x8192x128xf32, #tpu.memory_space<any>> -> memref<8192x128xf32, #tpu.memory_space<any>>
    %dma_start3A_379 = arith.constant 0 : i32
    %dma_start3A_380 = arith.constant 0 : i32
    %dma_start3A_381 = tpu.memref_slice %arg2[%dma_start3A_370, %dma_start3A_379, %dma_start3A_380] : memref<6x8192x128xf32, #tpu.memory_space<vmem>> -> memref<1x8192x128xf32, #tpu.memory_space<vmem>>
    %dma_start3A_382 = tpu.memref_squeeze %dma_start3A_381 : memref<1x8192x128xf32, #tpu.memory_space<vmem>> -> memref<8192x128xf32, #tpu.memory_space<vmem>>
    tpu.enqueue_dma source(%dma_start3A_382 : memref<8192x128xf32, #tpu.memory_space<vmem>>) target(%dma_start3A_378 : memref<8192x128xf32, #tpu.memory_space<any>>) target_semaphore(%dma_start3A_374 : memref<!tpu.dma_semaphore, #tpu.memory_space<semaphore_mem>>)
    %dma_start3A_383 = arith.constant 2 : i32
    %dma_start3A_384 = arith.constant 6 : i32
    %dma_start3A_385 = arith.constant 2 : i32
    %dma_start3A_386 = tpu.memref_slice %arg4[%dma_start3A_385] : memref<6x!tpu.dma_semaphore, #tpu.memory_space<semaphore_mem>> -> memref<1x!tpu.dma_semaphore, #tpu.memory_space<semaphore_mem>>
    %dma_start3A_387 = tpu.memref_squeeze %dma_start3A_386 : memref<1x!tpu.dma_semaphore, #tpu.memory_space<semaphore_mem>> -> memref<!tpu.dma_semaphore, #tpu.memory_space<semaphore_mem>>
    %dma_start3A_388 = arith.constant 16384 : i32
    %dma_start3A_389 = arith.constant 0 : i32
    %dma_start3A_390 = tpu.memref_slice %arg1[%dma_start3A_384, %dma_start3A_388, %dma_start3A_389] : memref<8x49688x128xf32, #tpu.memory_space<any>> -> memref<1x8192x128xf32, #tpu.memory_space<any>>
    %dma_start3A_391 = tpu.memref_squeeze %dma_start3A_390 : memref<1x8192x128xf32, #tpu.memory_space<any>> -> memref<8192x128xf32, #tpu.memory_space<any>>
    %dma_start3A_392 = arith.constant 0 : i32
    %dma_start3A_393 = arith.constant 0 : i32
    %dma_start3A_394 = tpu.memref_slice %arg2[%dma_start3A_383, %dma_start3A_392, %dma_start3A_393] : memref<6x8192x128xf32, #tpu.memory_space<vmem>> -> memref<1x8192x128xf32, #tpu.memory_space<vmem>>
    %dma_start3A_395 = tpu.memref_squeeze %dma_start3A_394 : memref<1x8192x128xf32, #tpu.memory_space<vmem>> -> memref<8192x128xf32, #tpu.memory_space<vmem>>
    tpu.enqueue_dma source(%dma_start3A_395 : memref<8192x128xf32, #tpu.memory_space<vmem>>) target(%dma_start3A_391 : memref<8192x128xf32, #tpu.memory_space<any>>) target_semaphore(%dma_start3A_387 : memref<!tpu.dma_semaphore, #tpu.memory_space<semaphore_mem>>)
    %dma_start3A_396 = arith.constant 2 : i32
    %dma_start3A_397 = arith.constant 7 : i32
    %dma_start3A_398 = arith.constant 2 : i32
    %dma_start3A_399 = tpu.memref_slice %arg4[%dma_start3A_398] : memref<6x!tpu.dma_semaphore, #tpu.memory_space<semaphore_mem>> -> memref<1x!tpu.dma_semaphore, #tpu.memory_space<semaphore_mem>>
    %dma_start3A_400 = tpu.memref_squeeze %dma_start3A_399 : memref<1x!tpu.dma_semaphore, #tpu.memory_space<semaphore_mem>> -> memref<!tpu.dma_semaphore, #tpu.memory_space<semaphore_mem>>
    %dma_start3A_401 = arith.constant 16384 : i32
    %dma_start3A_402 = arith.constant 0 : i32
    %dma_start3A_403 = tpu.memref_slice %arg1[%dma_start3A_397, %dma_start3A_401, %dma_start3A_402] : memref<8x49688x128xf32, #tpu.memory_space<any>> -> memref<1x8192x128xf32, #tpu.memory_space<any>>
    %dma_start3A_404 = tpu.memref_squeeze %dma_start3A_403 : memref<1x8192x128xf32, #tpu.memory_space<any>> -> memref<8192x128xf32, #tpu.memory_space<any>>
    %dma_start3A_405 = arith.constant 0 : i32
    %dma_start3A_406 = arith.constant 0 : i32
    %dma_start3A_407 = tpu.memref_slice %arg2[%dma_start3A_396, %dma_start3A_405, %dma_start3A_406] : memref<6x8192x128xf32, #tpu.memory_space<vmem>> -> memref<1x8192x128xf32, #tpu.memory_space<vmem>>
    %dma_start3A_408 = tpu.memref_squeeze %dma_start3A_407 : memref<1x8192x128xf32, #tpu.memory_space<vmem>> -> memref<8192x128xf32, #tpu.memory_space<vmem>>
    tpu.enqueue_dma source(%dma_start3A_408 : memref<8192x128xf32, #tpu.memory_space<vmem>>) target(%dma_start3A_404 : memref<8192x128xf32, #tpu.memory_space<any>>) target_semaphore(%dma_start3A_400 : memref<!tpu.dma_semaphore, #tpu.memory_space<semaphore_mem>>)
    %dma_wait3A_409 = arith.constant 0 : i32
    %dma_wait3A_410 = arith.constant 0 : i32
    %dma_wait3A_411 = arith.constant 0 : i32
    %dma_wait3A_412 = tpu.memref_slice %arg4[%dma_wait3A_411] : memref<6x!tpu.dma_semaphore, #tpu.memory_space<semaphore_mem>> -> memref<1x!tpu.dma_semaphore, #tpu.memory_space<semaphore_mem>>
    %dma_wait3A_413 = tpu.memref_squeeze %dma_wait3A_412 : memref<1x!tpu.dma_semaphore, #tpu.memory_space<semaphore_mem>> -> memref<!tpu.dma_semaphore, #tpu.memory_space<semaphore_mem>>
    %dma_wait3A_414 = arith.constant 0 : i32
    %dma_wait3A_415 = arith.constant 0 : i32
    %dma_wait3A_416 = tpu.memref_slice %arg1[%dma_wait3A_410, %dma_wait3A_414, %dma_wait3A_415] : memref<8x49688x128xf32, #tpu.memory_space<any>> -> memref<1x8192x128xf32, #tpu.memory_space<any>>
    %dma_wait3A_417 = tpu.memref_squeeze %dma_wait3A_416 : memref<1x8192x128xf32, #tpu.memory_space<any>> -> memref<8192x128xf32, #tpu.memory_space<any>>
    %dma_wait3A_418 = arith.constant 0 : i32
    %dma_wait3A_419 = arith.constant 0 : i32
    %dma_wait3A_420 = tpu.memref_slice %arg2[%dma_wait3A_409, %dma_wait3A_418, %dma_wait3A_419] : memref<6x8192x128xf32, #tpu.memory_space<vmem>> -> memref<1x8192x128xf32, #tpu.memory_space<vmem>>
    %dma_wait3A_421 = tpu.memref_squeeze %dma_wait3A_420 : memref<1x8192x128xf32, #tpu.memory_space<vmem>> -> memref<8192x128xf32, #tpu.memory_space<vmem>>
    tpu.wait_dma2 semaphore(%dma_wait3A_413 : memref<!tpu.dma_semaphore, #tpu.memory_space<semaphore_mem>>) src(%dma_wait3A_421 : memref<8192x128xf32, #tpu.memory_space<vmem>>) dst(%dma_wait3A_417 : memref<8192x128xf32, #tpu.memory_space<any>>)
    %dma_wait3A_422 = arith.constant 0 : i32
    %dma_wait3A_423 = arith.constant 1 : i32
    %dma_wait3A_424 = arith.constant 0 : i32
    %dma_wait3A_425 = tpu.memref_slice %arg4[%dma_wait3A_424] : memref<6x!tpu.dma_semaphore, #tpu.memory_space<semaphore_mem>> -> memref<1x!tpu.dma_semaphore, #tpu.memory_space<semaphore_mem>>
    %dma_wait3A_426 = tpu.memref_squeeze %dma_wait3A_425 : memref<1x!tpu.dma_semaphore, #tpu.memory_space<semaphore_mem>> -> memref<!tpu.dma_semaphore, #tpu.memory_space<semaphore_mem>>
    %dma_wait3A_427 = arith.constant 0 : i32
    %dma_wait3A_428 = arith.constant 0 : i32
    %dma_wait3A_429 = tpu.memref_slice %arg1[%dma_wait3A_423, %dma_wait3A_427, %dma_wait3A_428] : memref<8x49688x128xf32, #tpu.memory_space<any>> -> memref<1x8192x128xf32, #tpu.memory_space<any>>
    %dma_wait3A_430 = tpu.memref_squeeze %dma_wait3A_429 : memref<1x8192x128xf32, #tpu.memory_space<any>> -> memref<8192x128xf32, #tpu.memory_space<any>>
    %dma_wait3A_431 = arith.constant 0 : i32
    %dma_wait3A_432 = arith.constant 0 : i32
    %dma_wait3A_433 = tpu.memref_slice %arg2[%dma_wait3A_422, %dma_wait3A_431, %dma_wait3A_432] : memref<6x8192x128xf32, #tpu.memory_space<vmem>> -> memref<1x8192x128xf32, #tpu.memory_space<vmem>>
    %dma_wait3A_434 = tpu.memref_squeeze %dma_wait3A_433 : memref<1x8192x128xf32, #tpu.memory_space<vmem>> -> memref<8192x128xf32, #tpu.memory_space<vmem>>
    tpu.wait_dma2 semaphore(%dma_wait3A_426 : memref<!tpu.dma_semaphore, #tpu.memory_space<semaphore_mem>>) src(%dma_wait3A_434 : memref<8192x128xf32, #tpu.memory_space<vmem>>) dst(%dma_wait3A_430 : memref<8192x128xf32, #tpu.memory_space<any>>)
    %dma_wait3A_435 = arith.constant 0 : i32
    %dma_wait3A_436 = arith.constant 2 : i32
    %dma_wait3A_437 = arith.constant 0 : i32
    %dma_wait3A_438 = tpu.memref_slice %arg4[%dma_wait3A_437] : memref<6x!tpu.dma_semaphore, #tpu.memory_space<semaphore_mem>> -> memref<1x!tpu.dma_semaphore, #tpu.memory_space<semaphore_mem>>
    %dma_wait3A_439 = tpu.memref_squeeze %dma_wait3A_438 : memref<1x!tpu.dma_semaphore, #tpu.memory_space<semaphore_mem>> -> memref<!tpu.dma_semaphore, #tpu.memory_space<semaphore_mem>>
    %dma_wait3A_440 = arith.constant 0 : i32
    %dma_wait3A_441 = arith.constant 0 : i32
    %dma_wait3A_442 = tpu.memref_slice %arg1[%dma_wait3A_436, %dma_wait3A_440, %dma_wait3A_441] : memref<8x49688x128xf32, #tpu.memory_space<any>> -> memref<1x8192x128xf32, #tpu.memory_space<any>>
    %dma_wait3A_443 = tpu.memref_squeeze %dma_wait3A_442 : memref<1x8192x128xf32, #tpu.memory_space<any>> -> memref<8192x128xf32, #tpu.memory_space<any>>
    %dma_wait3A_444 = arith.constant 0 : i32
    %dma_wait3A_445 = arith.constant 0 : i32
    %dma_wait3A_446 = tpu.memref_slice %arg2[%dma_wait3A_435, %dma_wait3A_444, %dma_wait3A_445] : memref<6x8192x128xf32, #tpu.memory_space<vmem>> -> memref<1x8192x128xf32, #tpu.memory_space<vmem>>
    %dma_wait3A_447 = tpu.memref_squeeze %dma_wait3A_446 : memref<1x8192x128xf32, #tpu.memory_space<vmem>> -> memref<8192x128xf32, #tpu.memory_space<vmem>>
    tpu.wait_dma2 semaphore(%dma_wait3A_439 : memref<!tpu.dma_semaphore, #tpu.memory_space<semaphore_mem>>) src(%dma_wait3A_447 : memref<8192x128xf32, #tpu.memory_space<vmem>>) dst(%dma_wait3A_443 : memref<8192x128xf32, #tpu.memory_space<any>>)
    %dma_wait3A_448 = arith.constant 0 : i32
    %dma_wait3A_449 = arith.constant 3 : i32
    %dma_wait3A_450 = arith.constant 0 : i32
    %dma_wait3A_451 = tpu.memref_slice %arg4[%dma_wait3A_450] : memref<6x!tpu.dma_semaphore, #tpu.memory_space<semaphore_mem>> -> memref<1x!tpu.dma_semaphore, #tpu.memory_space<semaphore_mem>>
    %dma_wait3A_452 = tpu.memref_squeeze %dma_wait3A_451 : memref<1x!tpu.dma_semaphore, #tpu.memory_space<semaphore_mem>> -> memref<!tpu.dma_semaphore, #tpu.memory_space<semaphore_mem>>
    %dma_wait3A_453 = arith.constant 0 : i32
    %dma_wait3A_454 = arith.constant 0 : i32
    %dma_wait3A_455 = tpu.memref_slice %arg1[%dma_wait3A_449, %dma_wait3A_453, %dma_wait3A_454] : memref<8x49688x128xf32, #tpu.memory_space<any>> -> memref<1x8192x128xf32, #tpu.memory_space<any>>
    %dma_wait3A_456 = tpu.memref_squeeze %dma_wait3A_455 : memref<1x8192x128xf32, #tpu.memory_space<any>> -> memref<8192x128xf32, #tpu.memory_space<any>>
    %dma_wait3A_457 = arith.constant 0 : i32
    %dma_wait3A_458 = arith.constant 0 : i32
    %dma_wait3A_459 = tpu.memref_slice %arg2[%dma_wait3A_448, %dma_wait3A_457, %dma_wait3A_458] : memref<6x8192x128xf32, #tpu.memory_space<vmem>> -> memref<1x8192x128xf32, #tpu.memory_space<vmem>>
    %dma_wait3A_460 = tpu.memref_squeeze %dma_wait3A_459 : memref<1x8192x128xf32, #tpu.memory_space<vmem>> -> memref<8192x128xf32, #tpu.memory_space<vmem>>
    tpu.wait_dma2 semaphore(%dma_wait3A_452 : memref<!tpu.dma_semaphore, #tpu.memory_space<semaphore_mem>>) src(%dma_wait3A_460 : memref<8192x128xf32, #tpu.memory_space<vmem>>) dst(%dma_wait3A_456 : memref<8192x128xf32, #tpu.memory_space<any>>)
    %dma_wait3A_461 = arith.constant 0 : i32
    %dma_wait3A_462 = arith.constant 4 : i32
    %dma_wait3A_463 = arith.constant 0 : i32
    %dma_wait3A_464 = tpu.memref_slice %arg4[%dma_wait3A_463] : memref<6x!tpu.dma_semaphore, #tpu.memory_space<semaphore_mem>> -> memref<1x!tpu.dma_semaphore, #tpu.memory_space<semaphore_mem>>
    %dma_wait3A_465 = tpu.memref_squeeze %dma_wait3A_464 : memref<1x!tpu.dma_semaphore, #tpu.memory_space<semaphore_mem>> -> memref<!tpu.dma_semaphore, #tpu.memory_space<semaphore_mem>>
    %dma_wait3A_466 = arith.constant 0 : i32
    %dma_wait3A_467 = arith.constant 0 : i32
    %dma_wait3A_468 = tpu.memref_slice %arg1[%dma_wait3A_462, %dma_wait3A_466, %dma_wait3A_467] : memref<8x49688x128xf32, #tpu.memory_space<any>> -> memref<1x8192x128xf32, #tpu.memory_space<any>>
    %dma_wait3A_469 = tpu.memref_squeeze %dma_wait3A_468 : memref<1x8192x128xf32, #tpu.memory_space<any>> -> memref<8192x128xf32, #tpu.memory_space<any>>
    %dma_wait3A_470 = arith.constant 0 : i32
    %dma_wait3A_471 = arith.constant 0 : i32
    %dma_wait3A_472 = tpu.memref_slice %arg2[%dma_wait3A_461, %dma_wait3A_470, %dma_wait3A_471] : memref<6x8192x128xf32, #tpu.memory_space<vmem>> -> memref<1x8192x128xf32, #tpu.memory_space<vmem>>
    %dma_wait3A_473 = tpu.memref_squeeze %dma_wait3A_472 : memref<1x8192x128xf32, #tpu.memory_space<vmem>> -> memref<8192x128xf32, #tpu.memory_space<vmem>>
    tpu.wait_dma2 semaphore(%dma_wait3A_465 : memref<!tpu.dma_semaphore, #tpu.memory_space<semaphore_mem>>) src(%dma_wait3A_473 : memref<8192x128xf32, #tpu.memory_space<vmem>>) dst(%dma_wait3A_469 : memref<8192x128xf32, #tpu.memory_space<any>>)
    %dma_wait3A_474 = arith.constant 0 : i32
    %dma_wait3A_475 = arith.constant 5 : i32
    %dma_wait3A_476 = arith.constant 0 : i32
    %dma_wait3A_477 = tpu.memref_slice %arg4[%dma_wait3A_476] : memref<6x!tpu.dma_semaphore, #tpu.memory_space<semaphore_mem>> -> memref<1x!tpu.dma_semaphore, #tpu.memory_space<semaphore_mem>>
    %dma_wait3A_478 = tpu.memref_squeeze %dma_wait3A_477 : memref<1x!tpu.dma_semaphore, #tpu.memory_space<semaphore_mem>> -> memref<!tpu.dma_semaphore, #tpu.memory_space<semaphore_mem>>
    %dma_wait3A_479 = arith.constant 0 : i32
    %dma_wait3A_480 = arith.constant 0 : i32
    %dma_wait3A_481 = tpu.memref_slice %arg1[%dma_wait3A_475, %dma_wait3A_479, %dma_wait3A_480] : memref<8x49688x128xf32, #tpu.memory_space<any>> -> memref<1x8192x128xf32, #tpu.memory_space<any>>
    %dma_wait3A_482 = tpu.memref_squeeze %dma_wait3A_481 : memref<1x8192x128xf32, #tpu.memory_space<any>> -> memref<8192x128xf32, #tpu.memory_space<any>>
    %dma_wait3A_483 = arith.constant 0 : i32
    %dma_wait3A_484 = arith.constant 0 : i32
    %dma_wait3A_485 = tpu.memref_slice %arg2[%dma_wait3A_474, %dma_wait3A_483, %dma_wait3A_484] : memref<6x8192x128xf32, #tpu.memory_space<vmem>> -> memref<1x8192x128xf32, #tpu.memory_space<vmem>>
    %dma_wait3A_486 = tpu.memref_squeeze %dma_wait3A_485 : memref<1x8192x128xf32, #tpu.memory_space<vmem>> -> memref<8192x128xf32, #tpu.memory_space<vmem>>
    tpu.wait_dma2 semaphore(%dma_wait3A_478 : memref<!tpu.dma_semaphore, #tpu.memory_space<semaphore_mem>>) src(%dma_wait3A_486 : memref<8192x128xf32, #tpu.memory_space<vmem>>) dst(%dma_wait3A_482 : memref<8192x128xf32, #tpu.memory_space<any>>)
    %dma_wait3A_487 = arith.constant 0 : i32
    %dma_wait3A_488 = arith.constant 6 : i32
    %dma_wait3A_489 = arith.constant 0 : i32
    %dma_wait3A_490 = tpu.memref_slice %arg4[%dma_wait3A_489] : memref<6x!tpu.dma_semaphore, #tpu.memory_space<semaphore_mem>> -> memref<1x!tpu.dma_semaphore, #tpu.memory_space<semaphore_mem>>
    %dma_wait3A_491 = tpu.memref_squeeze %dma_wait3A_490 : memref<1x!tpu.dma_semaphore, #tpu.memory_space<semaphore_mem>> -> memref<!tpu.dma_semaphore, #tpu.memory_space<semaphore_mem>>
    %dma_wait3A_492 = arith.constant 0 : i32
    %dma_wait3A_493 = arith.constant 0 : i32
    %dma_wait3A_494 = tpu.memref_slice %arg1[%dma_wait3A_488, %dma_wait3A_492, %dma_wait3A_493] : memref<8x49688x128xf32, #tpu.memory_space<any>> -> memref<1x8192x128xf32, #tpu.memory_space<any>>
    %dma_wait3A_495 = tpu.memref_squeeze %dma_wait3A_494 : memref<1x8192x128xf32, #tpu.memory_space<any>> -> memref<8192x128xf32, #tpu.memory_space<any>>
    %dma_wait3A_496 = arith.constant 0 : i32
    %dma_wait3A_497 = arith.constant 0 : i32
    %dma_wait3A_498 = tpu.memref_slice %arg2[%dma_wait3A_487, %dma_wait3A_496, %dma_wait3A_497] : memref<6x8192x128xf32, #tpu.memory_space<vmem>> -> memref<1x8192x128xf32, #tpu.memory_space<vmem>>
    %dma_wait3A_499 = tpu.memref_squeeze %dma_wait3A_498 : memref<1x8192x128xf32, #tpu.memory_space<vmem>> -> memref<8192x128xf32, #tpu.memory_space<vmem>>
    tpu.wait_dma2 semaphore(%dma_wait3A_491 : memref<!tpu.dma_semaphore, #tpu.memory_space<semaphore_mem>>) src(%dma_wait3A_499 : memref<8192x128xf32, #tpu.memory_space<vmem>>) dst(%dma_wait3A_495 : memref<8192x128xf32, #tpu.memory_space<any>>)
    %dma_wait3A_500 = arith.constant 0 : i32
    %dma_wait3A_501 = arith.constant 7 : i32
    %dma_wait3A_502 = arith.constant 0 : i32
    %dma_wait3A_503 = tpu.memref_slice %arg4[%dma_wait3A_502] : memref<6x!tpu.dma_semaphore, #tpu.memory_space<semaphore_mem>> -> memref<1x!tpu.dma_semaphore, #tpu.memory_space<semaphore_mem>>
    %dma_wait3A_504 = tpu.memref_squeeze %dma_wait3A_503 : memref<1x!tpu.dma_semaphore, #tpu.memory_space<semaphore_mem>> -> memref<!tpu.dma_semaphore, #tpu.memory_space<semaphore_mem>>
    %dma_wait3A_505 = arith.constant 0 : i32
    %dma_wait3A_506 = arith.constant 0 : i32
    %dma_wait3A_507 = tpu.memref_slice %arg1[%dma_wait3A_501, %dma_wait3A_505, %dma_wait3A_506] : memref<8x49688x128xf32, #tpu.memory_space<any>> -> memref<1x8192x128xf32, #tpu.memory_space<any>>
    %dma_wait3A_508 = tpu.memref_squeeze %dma_wait3A_507 : memref<1x8192x128xf32, #tpu.memory_space<any>> -> memref<8192x128xf32, #tpu.memory_space<any>>
    %dma_wait3A_509 = arith.constant 0 : i32
    %dma_wait3A_510 = arith.constant 0 : i32
    %dma_wait3A_511 = tpu.memref_slice %arg2[%dma_wait3A_500, %dma_wait3A_509, %dma_wait3A_510] : memref<6x8192x128xf32, #tpu.memory_space<vmem>> -> memref<1x8192x128xf32, #tpu.memory_space<vmem>>
    %dma_wait3A_512 = tpu.memref_squeeze %dma_wait3A_511 : memref<1x8192x128xf32, #tpu.memory_space<vmem>> -> memref<8192x128xf32, #tpu.memory_space<vmem>>
    tpu.wait_dma2 semaphore(%dma_wait3A_504 : memref<!tpu.dma_semaphore, #tpu.memory_space<semaphore_mem>>) src(%dma_wait3A_512 : memref<8192x128xf32, #tpu.memory_space<vmem>>) dst(%dma_wait3A_508 : memref<8192x128xf32, #tpu.memory_space<any>>)
    %dma_start3A_513 = arith.constant 0 : i32
    %dma_start3A_514 = arith.constant 0 : i32
    %dma_start3A_515 = tpu.memref_slice %arg3[%dma_start3A_514] : memref<6x!tpu.dma_semaphore, #tpu.memory_space<semaphore_mem>> -> memref<1x!tpu.dma_semaphore, #tpu.memory_space<semaphore_mem>>
    %dma_start3A_516 = tpu.memref_squeeze %dma_start3A_515 : memref<1x!tpu.dma_semaphore, #tpu.memory_space<semaphore_mem>> -> memref<!tpu.dma_semaphore, #tpu.memory_space<semaphore_mem>>
    %dma_start3A_517 = arith.constant 0 : i32
    %dma_start3A_518 = arith.constant 0 : i32
    %dma_start3A_519 = tpu.memref_slice %arg2[%dma_start3A_513, %dma_start3A_517, %dma_start3A_518] : memref<6x8192x128xf32, #tpu.memory_space<vmem>> -> memref<1x536x128xf32, #tpu.memory_space<vmem>>
    %dma_start3A_520 = tpu.memref_squeeze %dma_start3A_519 : memref<1x536x128xf32, #tpu.memory_space<vmem>> -> memref<536x128xf32, #tpu.memory_space<vmem>>
    %dma_start3A_521 = arith.constant 49152 : i32
    %dma_start3A_522 = arith.constant 0 : i32
    %dma_start3A_523 = tpu.memref_slice %arg0[%dma_start3A_521, %dma_start3A_522] : memref<49688x128xf32, #tpu.memory_space<any>> -> memref<536x128xf32, #tpu.memory_space<any>>
    tpu.enqueue_dma source(%dma_start3A_523 : memref<536x128xf32, #tpu.memory_space<any>>) target(%dma_start3A_520 : memref<536x128xf32, #tpu.memory_space<vmem>>) target_semaphore(%dma_start3A_516 : memref<!tpu.dma_semaphore, #tpu.memory_space<semaphore_mem>>)
    %dma_wait3A_524 = arith.constant 3 : i32
    %dma_wait3A_525 = arith.constant 3 : i32
    %dma_wait3A_526 = tpu.memref_slice %arg3[%dma_wait3A_525] : memref<6x!tpu.dma_semaphore, #tpu.memory_space<semaphore_mem>> -> memref<1x!tpu.dma_semaphore, #tpu.memory_space<semaphore_mem>>
    %dma_wait3A_527 = tpu.memref_squeeze %dma_wait3A_526 : memref<1x!tpu.dma_semaphore, #tpu.memory_space<semaphore_mem>> -> memref<!tpu.dma_semaphore, #tpu.memory_space<semaphore_mem>>
    %dma_wait3A_528 = arith.constant 0 : i32
    %dma_wait3A_529 = arith.constant 0 : i32
    %dma_wait3A_530 = tpu.memref_slice %arg2[%dma_wait3A_524, %dma_wait3A_528, %dma_wait3A_529] : memref<6x8192x128xf32, #tpu.memory_space<vmem>> -> memref<1x8192x128xf32, #tpu.memory_space<vmem>>
    %dma_wait3A_531 = tpu.memref_squeeze %dma_wait3A_530 : memref<1x8192x128xf32, #tpu.memory_space<vmem>> -> memref<8192x128xf32, #tpu.memory_space<vmem>>
    %dma_wait3A_532 = arith.constant 24576 : i32
    %dma_wait3A_533 = arith.constant 0 : i32
    %dma_wait3A_534 = tpu.memref_slice %arg0[%dma_wait3A_532, %dma_wait3A_533] : memref<49688x128xf32, #tpu.memory_space<any>> -> memref<8192x128xf32, #tpu.memory_space<any>>
    tpu.wait_dma2 semaphore(%dma_wait3A_527 : memref<!tpu.dma_semaphore, #tpu.memory_space<semaphore_mem>>) src(%dma_wait3A_534 : memref<8192x128xf32, #tpu.memory_space<any>>) dst(%dma_wait3A_531 : memref<8192x128xf32, #tpu.memory_space<vmem>>)
    %dma_start3A_535 = arith.constant 3 : i32
    %dma_start3A_536 = arith.constant 0 : i32
    %dma_start3A_537 = arith.constant 3 : i32
    %dma_start3A_538 = tpu.memref_slice %arg4[%dma_start3A_537] : memref<6x!tpu.dma_semaphore, #tpu.memory_space<semaphore_mem>> -> memref<1x!tpu.dma_semaphore, #tpu.memory_space<semaphore_mem>>
    %dma_start3A_539 = tpu.memref_squeeze %dma_start3A_538 : memref<1x!tpu.dma_semaphore, #tpu.memory_space<semaphore_mem>> -> memref<!tpu.dma_semaphore, #tpu.memory_space<semaphore_mem>>
    %dma_start3A_540 = arith.constant 24576 : i32
    %dma_start3A_541 = arith.constant 0 : i32
    %dma_start3A_542 = tpu.memref_slice %arg1[%dma_start3A_536, %dma_start3A_540, %dma_start3A_541] : memref<8x49688x128xf32, #tpu.memory_space<any>> -> memref<1x8192x128xf32, #tpu.memory_space<any>>
    %dma_start3A_543 = tpu.memref_squeeze %dma_start3A_542 : memref<1x8192x128xf32, #tpu.memory_space<any>> -> memref<8192x128xf32, #tpu.memory_space<any>>
    %dma_start3A_544 = arith.constant 0 : i32
    %dma_start3A_545 = arith.constant 0 : i32
    %dma_start3A_546 = tpu.memref_slice %arg2[%dma_start3A_535, %dma_start3A_544, %dma_start3A_545] : memref<6x8192x128xf32, #tpu.memory_space<vmem>> -> memref<1x8192x128xf32, #tpu.memory_space<vmem>>
    %dma_start3A_547 = tpu.memref_squeeze %dma_start3A_546 : memref<1x8192x128xf32, #tpu.memory_space<vmem>> -> memref<8192x128xf32, #tpu.memory_space<vmem>>
    tpu.enqueue_dma source(%dma_start3A_547 : memref<8192x128xf32, #tpu.memory_space<vmem>>) target(%dma_start3A_543 : memref<8192x128xf32, #tpu.memory_space<any>>) target_semaphore(%dma_start3A_539 : memref<!tpu.dma_semaphore, #tpu.memory_space<semaphore_mem>>)
    %dma_start3A_548 = arith.constant 3 : i32
    %dma_start3A_549 = arith.constant 1 : i32
    %dma_start3A_550 = arith.constant 3 : i32
    %dma_start3A_551 = tpu.memref_slice %arg4[%dma_start3A_550] : memref<6x!tpu.dma_semaphore, #tpu.memory_space<semaphore_mem>> -> memref<1x!tpu.dma_semaphore, #tpu.memory_space<semaphore_mem>>
    %dma_start3A_552 = tpu.memref_squeeze %dma_start3A_551 : memref<1x!tpu.dma_semaphore, #tpu.memory_space<semaphore_mem>> -> memref<!tpu.dma_semaphore, #tpu.memory_space<semaphore_mem>>
    %dma_start3A_553 = arith.constant 24576 : i32
    %dma_start3A_554 = arith.constant 0 : i32
    %dma_start3A_555 = tpu.memref_slice %arg1[%dma_start3A_549, %dma_start3A_553, %dma_start3A_554] : memref<8x49688x128xf32, #tpu.memory_space<any>> -> memref<1x8192x128xf32, #tpu.memory_space<any>>
    %dma_start3A_556 = tpu.memref_squeeze %dma_start3A_555 : memref<1x8192x128xf32, #tpu.memory_space<any>> -> memref<8192x128xf32, #tpu.memory_space<any>>
    %dma_start3A_557 = arith.constant 0 : i32
    %dma_start3A_558 = arith.constant 0 : i32
    %dma_start3A_559 = tpu.memref_slice %arg2[%dma_start3A_548, %dma_start3A_557, %dma_start3A_558] : memref<6x8192x128xf32, #tpu.memory_space<vmem>> -> memref<1x8192x128xf32, #tpu.memory_space<vmem>>
    %dma_start3A_560 = tpu.memref_squeeze %dma_start3A_559 : memref<1x8192x128xf32, #tpu.memory_space<vmem>> -> memref<8192x128xf32, #tpu.memory_space<vmem>>
    tpu.enqueue_dma source(%dma_start3A_560 : memref<8192x128xf32, #tpu.memory_space<vmem>>) target(%dma_start3A_556 : memref<8192x128xf32, #tpu.memory_space<any>>) target_semaphore(%dma_start3A_552 : memref<!tpu.dma_semaphore, #tpu.memory_space<semaphore_mem>>)
    %dma_start3A_561 = arith.constant 3 : i32
    %dma_start3A_562 = arith.constant 2 : i32
    %dma_start3A_563 = arith.constant 3 : i32
    %dma_start3A_564 = tpu.memref_slice %arg4[%dma_start3A_563] : memref<6x!tpu.dma_semaphore, #tpu.memory_space<semaphore_mem>> -> memref<1x!tpu.dma_semaphore, #tpu.memory_space<semaphore_mem>>
    %dma_start3A_565 = tpu.memref_squeeze %dma_start3A_564 : memref<1x!tpu.dma_semaphore, #tpu.memory_space<semaphore_mem>> -> memref<!tpu.dma_semaphore, #tpu.memory_space<semaphore_mem>>
    %dma_start3A_566 = arith.constant 24576 : i32
    %dma_start3A_567 = arith.constant 0 : i32
    %dma_start3A_568 = tpu.memref_slice %arg1[%dma_start3A_562, %dma_start3A_566, %dma_start3A_567] : memref<8x49688x128xf32, #tpu.memory_space<any>> -> memref<1x8192x128xf32, #tpu.memory_space<any>>
    %dma_start3A_569 = tpu.memref_squeeze %dma_start3A_568 : memref<1x8192x128xf32, #tpu.memory_space<any>> -> memref<8192x128xf32, #tpu.memory_space<any>>
    %dma_start3A_570 = arith.constant 0 : i32
    %dma_start3A_571 = arith.constant 0 : i32
    %dma_start3A_572 = tpu.memref_slice %arg2[%dma_start3A_561, %dma_start3A_570, %dma_start3A_571] : memref<6x8192x128xf32, #tpu.memory_space<vmem>> -> memref<1x8192x128xf32, #tpu.memory_space<vmem>>
    %dma_start3A_573 = tpu.memref_squeeze %dma_start3A_572 : memref<1x8192x128xf32, #tpu.memory_space<vmem>> -> memref<8192x128xf32, #tpu.memory_space<vmem>>
    tpu.enqueue_dma source(%dma_start3A_573 : memref<8192x128xf32, #tpu.memory_space<vmem>>) target(%dma_start3A_569 : memref<8192x128xf32, #tpu.memory_space<any>>) target_semaphore(%dma_start3A_565 : memref<!tpu.dma_semaphore, #tpu.memory_space<semaphore_mem>>)
    %dma_start3A_574 = arith.constant 3 : i32
    %dma_start3A_575 = arith.constant 3 : i32
    %dma_start3A_576 = arith.constant 3 : i32
    %dma_start3A_577 = tpu.memref_slice %arg4[%dma_start3A_576] : memref<6x!tpu.dma_semaphore, #tpu.memory_space<semaphore_mem>> -> memref<1x!tpu.dma_semaphore, #tpu.memory_space<semaphore_mem>>
    %dma_start3A_578 = tpu.memref_squeeze %dma_start3A_577 : memref<1x!tpu.dma_semaphore, #tpu.memory_space<semaphore_mem>> -> memref<!tpu.dma_semaphore, #tpu.memory_space<semaphore_mem>>
    %dma_start3A_579 = arith.constant 24576 : i32
    %dma_start3A_580 = arith.constant 0 : i32
    %dma_start3A_581 = tpu.memref_slice %arg1[%dma_start3A_575, %dma_start3A_579, %dma_start3A_580] : memref<8x49688x128xf32, #tpu.memory_space<any>> -> memref<1x8192x128xf32, #tpu.memory_space<any>>
    %dma_start3A_582 = tpu.memref_squeeze %dma_start3A_581 : memref<1x8192x128xf32, #tpu.memory_space<any>> -> memref<8192x128xf32, #tpu.memory_space<any>>
    %dma_start3A_583 = arith.constant 0 : i32
    %dma_start3A_584 = arith.constant 0 : i32
    %dma_start3A_585 = tpu.memref_slice %arg2[%dma_start3A_574, %dma_start3A_583, %dma_start3A_584] : memref<6x8192x128xf32, #tpu.memory_space<vmem>> -> memref<1x8192x128xf32, #tpu.memory_space<vmem>>
    %dma_start3A_586 = tpu.memref_squeeze %dma_start3A_585 : memref<1x8192x128xf32, #tpu.memory_space<vmem>> -> memref<8192x128xf32, #tpu.memory_space<vmem>>
    tpu.enqueue_dma source(%dma_start3A_586 : memref<8192x128xf32, #tpu.memory_space<vmem>>) target(%dma_start3A_582 : memref<8192x128xf32, #tpu.memory_space<any>>) target_semaphore(%dma_start3A_578 : memref<!tpu.dma_semaphore, #tpu.memory_space<semaphore_mem>>)
    %dma_start3A_587 = arith.constant 3 : i32
    %dma_start3A_588 = arith.constant 4 : i32
    %dma_start3A_589 = arith.constant 3 : i32
    %dma_start3A_590 = tpu.memref_slice %arg4[%dma_start3A_589] : memref<6x!tpu.dma_semaphore, #tpu.memory_space<semaphore_mem>> -> memref<1x!tpu.dma_semaphore, #tpu.memory_space<semaphore_mem>>
    %dma_start3A_591 = tpu.memref_squeeze %dma_start3A_590 : memref<1x!tpu.dma_semaphore, #tpu.memory_space<semaphore_mem>> -> memref<!tpu.dma_semaphore, #tpu.memory_space<semaphore_mem>>
    %dma_start3A_592 = arith.constant 24576 : i32
    %dma_start3A_593 = arith.constant 0 : i32
    %dma_start3A_594 = tpu.memref_slice %arg1[%dma_start3A_588, %dma_start3A_592, %dma_start3A_593] : memref<8x49688x128xf32, #tpu.memory_space<any>> -> memref<1x8192x128xf32, #tpu.memory_space<any>>
    %dma_start3A_595 = tpu.memref_squeeze %dma_start3A_594 : memref<1x8192x128xf32, #tpu.memory_space<any>> -> memref<8192x128xf32, #tpu.memory_space<any>>
    %dma_start3A_596 = arith.constant 0 : i32
    %dma_start3A_597 = arith.constant 0 : i32
    %dma_start3A_598 = tpu.memref_slice %arg2[%dma_start3A_587, %dma_start3A_596, %dma_start3A_597] : memref<6x8192x128xf32, #tpu.memory_space<vmem>> -> memref<1x8192x128xf32, #tpu.memory_space<vmem>>
    %dma_start3A_599 = tpu.memref_squeeze %dma_start3A_598 : memref<1x8192x128xf32, #tpu.memory_space<vmem>> -> memref<8192x128xf32, #tpu.memory_space<vmem>>
    tpu.enqueue_dma source(%dma_start3A_599 : memref<8192x128xf32, #tpu.memory_space<vmem>>) target(%dma_start3A_595 : memref<8192x128xf32, #tpu.memory_space<any>>) target_semaphore(%dma_start3A_591 : memref<!tpu.dma_semaphore, #tpu.memory_space<semaphore_mem>>)
    %dma_start3A_600 = arith.constant 3 : i32
    %dma_start3A_601 = arith.constant 5 : i32
    %dma_start3A_602 = arith.constant 3 : i32
    %dma_start3A_603 = tpu.memref_slice %arg4[%dma_start3A_602] : memref<6x!tpu.dma_semaphore, #tpu.memory_space<semaphore_mem>> -> memref<1x!tpu.dma_semaphore, #tpu.memory_space<semaphore_mem>>
    %dma_start3A_604 = tpu.memref_squeeze %dma_start3A_603 : memref<1x!tpu.dma_semaphore, #tpu.memory_space<semaphore_mem>> -> memref<!tpu.dma_semaphore, #tpu.memory_space<semaphore_mem>>
    %dma_start3A_605 = arith.constant 24576 : i32
    %dma_start3A_606 = arith.constant 0 : i32
    %dma_start3A_607 = tpu.memref_slice %arg1[%dma_start3A_601, %dma_start3A_605, %dma_start3A_606] : memref<8x49688x128xf32, #tpu.memory_space<any>> -> memref<1x8192x128xf32, #tpu.memory_space<any>>
    %dma_start3A_608 = tpu.memref_squeeze %dma_start3A_607 : memref<1x8192x128xf32, #tpu.memory_space<any>> -> memref<8192x128xf32, #tpu.memory_space<any>>
    %dma_start3A_609 = arith.constant 0 : i32
    %dma_start3A_610 = arith.constant 0 : i32
    %dma_start3A_611 = tpu.memref_slice %arg2[%dma_start3A_600, %dma_start3A_609, %dma_start3A_610] : memref<6x8192x128xf32, #tpu.memory_space<vmem>> -> memref<1x8192x128xf32, #tpu.memory_space<vmem>>
    %dma_start3A_612 = tpu.memref_squeeze %dma_start3A_611 : memref<1x8192x128xf32, #tpu.memory_space<vmem>> -> memref<8192x128xf32, #tpu.memory_space<vmem>>
    tpu.enqueue_dma source(%dma_start3A_612 : memref<8192x128xf32, #tpu.memory_space<vmem>>) target(%dma_start3A_608 : memref<8192x128xf32, #tpu.memory_space<any>>) target_semaphore(%dma_start3A_604 : memref<!tpu.dma_semaphore, #tpu.memory_space<semaphore_mem>>)
    %dma_start3A_613 = arith.constant 3 : i32
    %dma_start3A_614 = arith.constant 6 : i32
    %dma_start3A_615 = arith.constant 3 : i32
    %dma_start3A_616 = tpu.memref_slice %arg4[%dma_start3A_615] : memref<6x!tpu.dma_semaphore, #tpu.memory_space<semaphore_mem>> -> memref<1x!tpu.dma_semaphore, #tpu.memory_space<semaphore_mem>>
    %dma_start3A_617 = tpu.memref_squeeze %dma_start3A_616 : memref<1x!tpu.dma_semaphore, #tpu.memory_space<semaphore_mem>> -> memref<!tpu.dma_semaphore, #tpu.memory_space<semaphore_mem>>
    %dma_start3A_618 = arith.constant 24576 : i32
    %dma_start3A_619 = arith.constant 0 : i32
    %dma_start3A_620 = tpu.memref_slice %arg1[%dma_start3A_614, %dma_start3A_618, %dma_start3A_619] : memref<8x49688x128xf32, #tpu.memory_space<any>> -> memref<1x8192x128xf32, #tpu.memory_space<any>>
    %dma_start3A_621 = tpu.memref_squeeze %dma_start3A_620 : memref<1x8192x128xf32, #tpu.memory_space<any>> -> memref<8192x128xf32, #tpu.memory_space<any>>
    %dma_start3A_622 = arith.constant 0 : i32
    %dma_start3A_623 = arith.constant 0 : i32
    %dma_start3A_624 = tpu.memref_slice %arg2[%dma_start3A_613, %dma_start3A_622, %dma_start3A_623] : memref<6x8192x128xf32, #tpu.memory_space<vmem>> -> memref<1x8192x128xf32, #tpu.memory_space<vmem>>
    %dma_start3A_625 = tpu.memref_squeeze %dma_start3A_624 : memref<1x8192x128xf32, #tpu.memory_space<vmem>> -> memref<8192x128xf32, #tpu.memory_space<vmem>>
    tpu.enqueue_dma source(%dma_start3A_625 : memref<8192x128xf32, #tpu.memory_space<vmem>>) target(%dma_start3A_621 : memref<8192x128xf32, #tpu.memory_space<any>>) target_semaphore(%dma_start3A_617 : memref<!tpu.dma_semaphore, #tpu.memory_space<semaphore_mem>>)
    %dma_start3A_626 = arith.constant 3 : i32
    %dma_start3A_627 = arith.constant 7 : i32
    %dma_start3A_628 = arith.constant 3 : i32
    %dma_start3A_629 = tpu.memref_slice %arg4[%dma_start3A_628] : memref<6x!tpu.dma_semaphore, #tpu.memory_space<semaphore_mem>> -> memref<1x!tpu.dma_semaphore, #tpu.memory_space<semaphore_mem>>
    %dma_start3A_630 = tpu.memref_squeeze %dma_start3A_629 : memref<1x!tpu.dma_semaphore, #tpu.memory_space<semaphore_mem>> -> memref<!tpu.dma_semaphore, #tpu.memory_space<semaphore_mem>>
    %dma_start3A_631 = arith.constant 24576 : i32
    %dma_start3A_632 = arith.constant 0 : i32
    %dma_start3A_633 = tpu.memref_slice %arg1[%dma_start3A_627, %dma_start3A_631, %dma_start3A_632] : memref<8x49688x128xf32, #tpu.memory_space<any>> -> memref<1x8192x128xf32, #tpu.memory_space<any>>
    %dma_start3A_634 = tpu.memref_squeeze %dma_start3A_633 : memref<1x8192x128xf32, #tpu.memory_space<any>> -> memref<8192x128xf32, #tpu.memory_space<any>>
    %dma_start3A_635 = arith.constant 0 : i32
    %dma_start3A_636 = arith.constant 0 : i32
    %dma_start3A_637 = tpu.memref_slice %arg2[%dma_start3A_626, %dma_start3A_635, %dma_start3A_636] : memref<6x8192x128xf32, #tpu.memory_space<vmem>> -> memref<1x8192x128xf32, #tpu.memory_space<vmem>>
    %dma_start3A_638 = tpu.memref_squeeze %dma_start3A_637 : memref<1x8192x128xf32, #tpu.memory_space<vmem>> -> memref<8192x128xf32, #tpu.memory_space<vmem>>
    tpu.enqueue_dma source(%dma_start3A_638 : memref<8192x128xf32, #tpu.memory_space<vmem>>) target(%dma_start3A_634 : memref<8192x128xf32, #tpu.memory_space<any>>) target_semaphore(%dma_start3A_630 : memref<!tpu.dma_semaphore, #tpu.memory_space<semaphore_mem>>)
    %dma_wait3A_639 = arith.constant 4 : i32
    %dma_wait3A_640 = arith.constant 4 : i32
    %dma_wait3A_641 = tpu.memref_slice %arg3[%dma_wait3A_640] : memref<6x!tpu.dma_semaphore, #tpu.memory_space<semaphore_mem>> -> memref<1x!tpu.dma_semaphore, #tpu.memory_space<semaphore_mem>>
    %dma_wait3A_642 = tpu.memref_squeeze %dma_wait3A_641 : memref<1x!tpu.dma_semaphore, #tpu.memory_space<semaphore_mem>> -> memref<!tpu.dma_semaphore, #tpu.memory_space<semaphore_mem>>
    %dma_wait3A_643 = arith.constant 0 : i32
    %dma_wait3A_644 = arith.constant 0 : i32
    %dma_wait3A_645 = tpu.memref_slice %arg2[%dma_wait3A_639, %dma_wait3A_643, %dma_wait3A_644] : memref<6x8192x128xf32, #tpu.memory_space<vmem>> -> memref<1x8192x128xf32, #tpu.memory_space<vmem>>
    %dma_wait3A_646 = tpu.memref_squeeze %dma_wait3A_645 : memref<1x8192x128xf32, #tpu.memory_space<vmem>> -> memref<8192x128xf32, #tpu.memory_space<vmem>>
    %dma_wait3A_647 = arith.constant 32768 : i32
    %dma_wait3A_648 = arith.constant 0 : i32
    %dma_wait3A_649 = tpu.memref_slice %arg0[%dma_wait3A_647, %dma_wait3A_648] : memref<49688x128xf32, #tpu.memory_space<any>> -> memref<8192x128xf32, #tpu.memory_space<any>>
    tpu.wait_dma2 semaphore(%dma_wait3A_642 : memref<!tpu.dma_semaphore, #tpu.memory_space<semaphore_mem>>) src(%dma_wait3A_649 : memref<8192x128xf32, #tpu.memory_space<any>>) dst(%dma_wait3A_646 : memref<8192x128xf32, #tpu.memory_space<vmem>>)
    %dma_start3A_650 = arith.constant 4 : i32
    %dma_start3A_651 = arith.constant 0 : i32
    %dma_start3A_652 = arith.constant 4 : i32
    %dma_start3A_653 = tpu.memref_slice %arg4[%dma_start3A_652] : memref<6x!tpu.dma_semaphore, #tpu.memory_space<semaphore_mem>> -> memref<1x!tpu.dma_semaphore, #tpu.memory_space<semaphore_mem>>
    %dma_start3A_654 = tpu.memref_squeeze %dma_start3A_653 : memref<1x!tpu.dma_semaphore, #tpu.memory_space<semaphore_mem>> -> memref<!tpu.dma_semaphore, #tpu.memory_space<semaphore_mem>>
    %dma_start3A_655 = arith.constant 32768 : i32
    %dma_start3A_656 = arith.constant 0 : i32
    %dma_start3A_657 = tpu.memref_slice %arg1[%dma_start3A_651, %dma_start3A_655, %dma_start3A_656] : memref<8x49688x128xf32, #tpu.memory_space<any>> -> memref<1x8192x128xf32, #tpu.memory_space<any>>
    %dma_start3A_658 = tpu.memref_squeeze %dma_start3A_657 : memref<1x8192x128xf32, #tpu.memory_space<any>> -> memref<8192x128xf32, #tpu.memory_space<any>>
    %dma_start3A_659 = arith.constant 0 : i32
    %dma_start3A_660 = arith.constant 0 : i32
    %dma_start3A_661 = tpu.memref_slice %arg2[%dma_start3A_650, %dma_start3A_659, %dma_start3A_660] : memref<6x8192x128xf32, #tpu.memory_space<vmem>> -> memref<1x8192x128xf32, #tpu.memory_space<vmem>>
    %dma_start3A_662 = tpu.memref_squeeze %dma_start3A_661 : memref<1x8192x128xf32, #tpu.memory_space<vmem>> -> memref<8192x128xf32, #tpu.memory_space<vmem>>
    tpu.enqueue_dma source(%dma_start3A_662 : memref<8192x128xf32, #tpu.memory_space<vmem>>) target(%dma_start3A_658 : memref<8192x128xf32, #tpu.memory_space<any>>) target_semaphore(%dma_start3A_654 : memref<!tpu.dma_semaphore, #tpu.memory_space<semaphore_mem>>)
    %dma_start3A_663 = arith.constant 4 : i32
    %dma_start3A_664 = arith.constant 1 : i32
    %dma_start3A_665 = arith.constant 4 : i32
    %dma_start3A_666 = tpu.memref_slice %arg4[%dma_start3A_665] : memref<6x!tpu.dma_semaphore, #tpu.memory_space<semaphore_mem>> -> memref<1x!tpu.dma_semaphore, #tpu.memory_space<semaphore_mem>>
    %dma_start3A_667 = tpu.memref_squeeze %dma_start3A_666 : memref<1x!tpu.dma_semaphore, #tpu.memory_space<semaphore_mem>> -> memref<!tpu.dma_semaphore, #tpu.memory_space<semaphore_mem>>
    %dma_start3A_668 = arith.constant 32768 : i32
    %dma_start3A_669 = arith.constant 0 : i32
    %dma_start3A_670 = tpu.memref_slice %arg1[%dma_start3A_664, %dma_start3A_668, %dma_start3A_669] : memref<8x49688x128xf32, #tpu.memory_space<any>> -> memref<1x8192x128xf32, #tpu.memory_space<any>>
    %dma_start3A_671 = tpu.memref_squeeze %dma_start3A_670 : memref<1x8192x128xf32, #tpu.memory_space<any>> -> memref<8192x128xf32, #tpu.memory_space<any>>
    %dma_start3A_672 = arith.constant 0 : i32
    %dma_start3A_673 = arith.constant 0 : i32
    %dma_start3A_674 = tpu.memref_slice %arg2[%dma_start3A_663, %dma_start3A_672, %dma_start3A_673] : memref<6x8192x128xf32, #tpu.memory_space<vmem>> -> memref<1x8192x128xf32, #tpu.memory_space<vmem>>
    %dma_start3A_675 = tpu.memref_squeeze %dma_start3A_674 : memref<1x8192x128xf32, #tpu.memory_space<vmem>> -> memref<8192x128xf32, #tpu.memory_space<vmem>>
    tpu.enqueue_dma source(%dma_start3A_675 : memref<8192x128xf32, #tpu.memory_space<vmem>>) target(%dma_start3A_671 : memref<8192x128xf32, #tpu.memory_space<any>>) target_semaphore(%dma_start3A_667 : memref<!tpu.dma_semaphore, #tpu.memory_space<semaphore_mem>>)
    %dma_start3A_676 = arith.constant 4 : i32
    %dma_start3A_677 = arith.constant 2 : i32
    %dma_start3A_678 = arith.constant 4 : i32
    %dma_start3A_679 = tpu.memref_slice %arg4[%dma_start3A_678] : memref<6x!tpu.dma_semaphore, #tpu.memory_space<semaphore_mem>> -> memref<1x!tpu.dma_semaphore, #tpu.memory_space<semaphore_mem>>
    %dma_start3A_680 = tpu.memref_squeeze %dma_start3A_679 : memref<1x!tpu.dma_semaphore, #tpu.memory_space<semaphore_mem>> -> memref<!tpu.dma_semaphore, #tpu.memory_space<semaphore_mem>>
    %dma_start3A_681 = arith.constant 32768 : i32
    %dma_start3A_682 = arith.constant 0 : i32
    %dma_start3A_683 = tpu.memref_slice %arg1[%dma_start3A_677, %dma_start3A_681, %dma_start3A_682] : memref<8x49688x128xf32, #tpu.memory_space<any>> -> memref<1x8192x128xf32, #tpu.memory_space<any>>
    %dma_start3A_684 = tpu.memref_squeeze %dma_start3A_683 : memref<1x8192x128xf32, #tpu.memory_space<any>> -> memref<8192x128xf32, #tpu.memory_space<any>>
    %dma_start3A_685 = arith.constant 0 : i32
    %dma_start3A_686 = arith.constant 0 : i32
    %dma_start3A_687 = tpu.memref_slice %arg2[%dma_start3A_676, %dma_start3A_685, %dma_start3A_686] : memref<6x8192x128xf32, #tpu.memory_space<vmem>> -> memref<1x8192x128xf32, #tpu.memory_space<vmem>>
    %dma_start3A_688 = tpu.memref_squeeze %dma_start3A_687 : memref<1x8192x128xf32, #tpu.memory_space<vmem>> -> memref<8192x128xf32, #tpu.memory_space<vmem>>
    tpu.enqueue_dma source(%dma_start3A_688 : memref<8192x128xf32, #tpu.memory_space<vmem>>) target(%dma_start3A_684 : memref<8192x128xf32, #tpu.memory_space<any>>) target_semaphore(%dma_start3A_680 : memref<!tpu.dma_semaphore, #tpu.memory_space<semaphore_mem>>)
    %dma_start3A_689 = arith.constant 4 : i32
    %dma_start3A_690 = arith.constant 3 : i32
    %dma_start3A_691 = arith.constant 4 : i32
    %dma_start3A_692 = tpu.memref_slice %arg4[%dma_start3A_691] : memref<6x!tpu.dma_semaphore, #tpu.memory_space<semaphore_mem>> -> memref<1x!tpu.dma_semaphore, #tpu.memory_space<semaphore_mem>>
    %dma_start3A_693 = tpu.memref_squeeze %dma_start3A_692 : memref<1x!tpu.dma_semaphore, #tpu.memory_space<semaphore_mem>> -> memref<!tpu.dma_semaphore, #tpu.memory_space<semaphore_mem>>
    %dma_start3A_694 = arith.constant 32768 : i32
    %dma_start3A_695 = arith.constant 0 : i32
    %dma_start3A_696 = tpu.memref_slice %arg1[%dma_start3A_690, %dma_start3A_694, %dma_start3A_695] : memref<8x49688x128xf32, #tpu.memory_space<any>> -> memref<1x8192x128xf32, #tpu.memory_space<any>>
    %dma_start3A_697 = tpu.memref_squeeze %dma_start3A_696 : memref<1x8192x128xf32, #tpu.memory_space<any>> -> memref<8192x128xf32, #tpu.memory_space<any>>
    %dma_start3A_698 = arith.constant 0 : i32
    %dma_start3A_699 = arith.constant 0 : i32
    %dma_start3A_700 = tpu.memref_slice %arg2[%dma_start3A_689, %dma_start3A_698, %dma_start3A_699] : memref<6x8192x128xf32, #tpu.memory_space<vmem>> -> memref<1x8192x128xf32, #tpu.memory_space<vmem>>
    %dma_start3A_701 = tpu.memref_squeeze %dma_start3A_700 : memref<1x8192x128xf32, #tpu.memory_space<vmem>> -> memref<8192x128xf32, #tpu.memory_space<vmem>>
    tpu.enqueue_dma source(%dma_start3A_701 : memref<8192x128xf32, #tpu.memory_space<vmem>>) target(%dma_start3A_697 : memref<8192x128xf32, #tpu.memory_space<any>>) target_semaphore(%dma_start3A_693 : memref<!tpu.dma_semaphore, #tpu.memory_space<semaphore_mem>>)
    %dma_start3A_702 = arith.constant 4 : i32
    %dma_start3A_703 = arith.constant 4 : i32
    %dma_start3A_704 = arith.constant 4 : i32
    %dma_start3A_705 = tpu.memref_slice %arg4[%dma_start3A_704] : memref<6x!tpu.dma_semaphore, #tpu.memory_space<semaphore_mem>> -> memref<1x!tpu.dma_semaphore, #tpu.memory_space<semaphore_mem>>
    %dma_start3A_706 = tpu.memref_squeeze %dma_start3A_705 : memref<1x!tpu.dma_semaphore, #tpu.memory_space<semaphore_mem>> -> memref<!tpu.dma_semaphore, #tpu.memory_space<semaphore_mem>>
    %dma_start3A_707 = arith.constant 32768 : i32
    %dma_start3A_708 = arith.constant 0 : i32
    %dma_start3A_709 = tpu.memref_slice %arg1[%dma_start3A_703, %dma_start3A_707, %dma_start3A_708] : memref<8x49688x128xf32, #tpu.memory_space<any>> -> memref<1x8192x128xf32, #tpu.memory_space<any>>
    %dma_start3A_710 = tpu.memref_squeeze %dma_start3A_709 : memref<1x8192x128xf32, #tpu.memory_space<any>> -> memref<8192x128xf32, #tpu.memory_space<any>>
    %dma_start3A_711 = arith.constant 0 : i32
    %dma_start3A_712 = arith.constant 0 : i32
    %dma_start3A_713 = tpu.memref_slice %arg2[%dma_start3A_702, %dma_start3A_711, %dma_start3A_712] : memref<6x8192x128xf32, #tpu.memory_space<vmem>> -> memref<1x8192x128xf32, #tpu.memory_space<vmem>>
    %dma_start3A_714 = tpu.memref_squeeze %dma_start3A_713 : memref<1x8192x128xf32, #tpu.memory_space<vmem>> -> memref<8192x128xf32, #tpu.memory_space<vmem>>
    tpu.enqueue_dma source(%dma_start3A_714 : memref<8192x128xf32, #tpu.memory_space<vmem>>) target(%dma_start3A_710 : memref<8192x128xf32, #tpu.memory_space<any>>) target_semaphore(%dma_start3A_706 : memref<!tpu.dma_semaphore, #tpu.memory_space<semaphore_mem>>)
    %dma_start3A_715 = arith.constant 4 : i32
    %dma_start3A_716 = arith.constant 5 : i32
    %dma_start3A_717 = arith.constant 4 : i32
    %dma_start3A_718 = tpu.memref_slice %arg4[%dma_start3A_717] : memref<6x!tpu.dma_semaphore, #tpu.memory_space<semaphore_mem>> -> memref<1x!tpu.dma_semaphore, #tpu.memory_space<semaphore_mem>>
    %dma_start3A_719 = tpu.memref_squeeze %dma_start3A_718 : memref<1x!tpu.dma_semaphore, #tpu.memory_space<semaphore_mem>> -> memref<!tpu.dma_semaphore, #tpu.memory_space<semaphore_mem>>
    %dma_start3A_720 = arith.constant 32768 : i32
    %dma_start3A_721 = arith.constant 0 : i32
    %dma_start3A_722 = tpu.memref_slice %arg1[%dma_start3A_716, %dma_start3A_720, %dma_start3A_721] : memref<8x49688x128xf32, #tpu.memory_space<any>> -> memref<1x8192x128xf32, #tpu.memory_space<any>>
    %dma_start3A_723 = tpu.memref_squeeze %dma_start3A_722 : memref<1x8192x128xf32, #tpu.memory_space<any>> -> memref<8192x128xf32, #tpu.memory_space<any>>
    %dma_start3A_724 = arith.constant 0 : i32
    %dma_start3A_725 = arith.constant 0 : i32
    %dma_start3A_726 = tpu.memref_slice %arg2[%dma_start3A_715, %dma_start3A_724, %dma_start3A_725] : memref<6x8192x128xf32, #tpu.memory_space<vmem>> -> memref<1x8192x128xf32, #tpu.memory_space<vmem>>
    %dma_start3A_727 = tpu.memref_squeeze %dma_start3A_726 : memref<1x8192x128xf32, #tpu.memory_space<vmem>> -> memref<8192x128xf32, #tpu.memory_space<vmem>>
    tpu.enqueue_dma source(%dma_start3A_727 : memref<8192x128xf32, #tpu.memory_space<vmem>>) target(%dma_start3A_723 : memref<8192x128xf32, #tpu.memory_space<any>>) target_semaphore(%dma_start3A_719 : memref<!tpu.dma_semaphore, #tpu.memory_space<semaphore_mem>>)
    %dma_start3A_728 = arith.constant 4 : i32
    %dma_start3A_729 = arith.constant 6 : i32
    %dma_start3A_730 = arith.constant 4 : i32
    %dma_start3A_731 = tpu.memref_slice %arg4[%dma_start3A_730] : memref<6x!tpu.dma_semaphore, #tpu.memory_space<semaphore_mem>> -> memref<1x!tpu.dma_semaphore, #tpu.memory_space<semaphore_mem>>
    %dma_start3A_732 = tpu.memref_squeeze %dma_start3A_731 : memref<1x!tpu.dma_semaphore, #tpu.memory_space<semaphore_mem>> -> memref<!tpu.dma_semaphore, #tpu.memory_space<semaphore_mem>>
    %dma_start3A_733 = arith.constant 32768 : i32
    %dma_start3A_734 = arith.constant 0 : i32
    %dma_start3A_735 = tpu.memref_slice %arg1[%dma_start3A_729, %dma_start3A_733, %dma_start3A_734] : memref<8x49688x128xf32, #tpu.memory_space<any>> -> memref<1x8192x128xf32, #tpu.memory_space<any>>
    %dma_start3A_736 = tpu.memref_squeeze %dma_start3A_735 : memref<1x8192x128xf32, #tpu.memory_space<any>> -> memref<8192x128xf32, #tpu.memory_space<any>>
    %dma_start3A_737 = arith.constant 0 : i32
    %dma_start3A_738 = arith.constant 0 : i32
    %dma_start3A_739 = tpu.memref_slice %arg2[%dma_start3A_728, %dma_start3A_737, %dma_start3A_738] : memref<6x8192x128xf32, #tpu.memory_space<vmem>> -> memref<1x8192x128xf32, #tpu.memory_space<vmem>>
    %dma_start3A_740 = tpu.memref_squeeze %dma_start3A_739 : memref<1x8192x128xf32, #tpu.memory_space<vmem>> -> memref<8192x128xf32, #tpu.memory_space<vmem>>
    tpu.enqueue_dma source(%dma_start3A_740 : memref<8192x128xf32, #tpu.memory_space<vmem>>) target(%dma_start3A_736 : memref<8192x128xf32, #tpu.memory_space<any>>) target_semaphore(%dma_start3A_732 : memref<!tpu.dma_semaphore, #tpu.memory_space<semaphore_mem>>)
    %dma_start3A_741 = arith.constant 4 : i32
    %dma_start3A_742 = arith.constant 7 : i32
    %dma_start3A_743 = arith.constant 4 : i32
    %dma_start3A_744 = tpu.memref_slice %arg4[%dma_start3A_743] : memref<6x!tpu.dma_semaphore, #tpu.memory_space<semaphore_mem>> -> memref<1x!tpu.dma_semaphore, #tpu.memory_space<semaphore_mem>>
    %dma_start3A_745 = tpu.memref_squeeze %dma_start3A_744 : memref<1x!tpu.dma_semaphore, #tpu.memory_space<semaphore_mem>> -> memref<!tpu.dma_semaphore, #tpu.memory_space<semaphore_mem>>
    %dma_start3A_746 = arith.constant 32768 : i32
    %dma_start3A_747 = arith.constant 0 : i32
    %dma_start3A_748 = tpu.memref_slice %arg1[%dma_start3A_742, %dma_start3A_746, %dma_start3A_747] : memref<8x49688x128xf32, #tpu.memory_space<any>> -> memref<1x8192x128xf32, #tpu.memory_space<any>>
    %dma_start3A_749 = tpu.memref_squeeze %dma_start3A_748 : memref<1x8192x128xf32, #tpu.memory_space<any>> -> memref<8192x128xf32, #tpu.memory_space<any>>
    %dma_start3A_750 = arith.constant 0 : i32
    %dma_start3A_751 = arith.constant 0 : i32
    %dma_start3A_752 = tpu.memref_slice %arg2[%dma_start3A_741, %dma_start3A_750, %dma_start3A_751] : memref<6x8192x128xf32, #tpu.memory_space<vmem>> -> memref<1x8192x128xf32, #tpu.memory_space<vmem>>
    %dma_start3A_753 = tpu.memref_squeeze %dma_start3A_752 : memref<1x8192x128xf32, #tpu.memory_space<vmem>> -> memref<8192x128xf32, #tpu.memory_space<vmem>>
    tpu.enqueue_dma source(%dma_start3A_753 : memref<8192x128xf32, #tpu.memory_space<vmem>>) target(%dma_start3A_749 : memref<8192x128xf32, #tpu.memory_space<any>>) target_semaphore(%dma_start3A_745 : memref<!tpu.dma_semaphore, #tpu.memory_space<semaphore_mem>>)
    %dma_wait3A_754 = arith.constant 5 : i32
    %dma_wait3A_755 = arith.constant 5 : i32
    %dma_wait3A_756 = tpu.memref_slice %arg3[%dma_wait3A_755] : memref<6x!tpu.dma_semaphore, #tpu.memory_space<semaphore_mem>> -> memref<1x!tpu.dma_semaphore, #tpu.memory_space<semaphore_mem>>
    %dma_wait3A_757 = tpu.memref_squeeze %dma_wait3A_756 : memref<1x!tpu.dma_semaphore, #tpu.memory_space<semaphore_mem>> -> memref<!tpu.dma_semaphore, #tpu.memory_space<semaphore_mem>>
    %dma_wait3A_758 = arith.constant 0 : i32
    %dma_wait3A_759 = arith.constant 0 : i32
    %dma_wait3A_760 = tpu.memref_slice %arg2[%dma_wait3A_754, %dma_wait3A_758, %dma_wait3A_759] : memref<6x8192x128xf32, #tpu.memory_space<vmem>> -> memref<1x8192x128xf32, #tpu.memory_space<vmem>>
    %dma_wait3A_761 = tpu.memref_squeeze %dma_wait3A_760 : memref<1x8192x128xf32, #tpu.memory_space<vmem>> -> memref<8192x128xf32, #tpu.memory_space<vmem>>
    %dma_wait3A_762 = arith.constant 40960 : i32
    %dma_wait3A_763 = arith.constant 0 : i32
    %dma_wait3A_764 = tpu.memref_slice %arg0[%dma_wait3A_762, %dma_wait3A_763] : memref<49688x128xf32, #tpu.memory_space<any>> -> memref<8192x128xf32, #tpu.memory_space<any>>
    tpu.wait_dma2 semaphore(%dma_wait3A_757 : memref<!tpu.dma_semaphore, #tpu.memory_space<semaphore_mem>>) src(%dma_wait3A_764 : memref<8192x128xf32, #tpu.memory_space<any>>) dst(%dma_wait3A_761 : memref<8192x128xf32, #tpu.memory_space<vmem>>)
    %dma_start3A_765 = arith.constant 5 : i32
    %dma_start3A_766 = arith.constant 0 : i32
    %dma_start3A_767 = arith.constant 5 : i32
    %dma_start3A_768 = tpu.memref_slice %arg4[%dma_start3A_767] : memref<6x!tpu.dma_semaphore, #tpu.memory_space<semaphore_mem>> -> memref<1x!tpu.dma_semaphore, #tpu.memory_space<semaphore_mem>>
    %dma_start3A_769 = tpu.memref_squeeze %dma_start3A_768 : memref<1x!tpu.dma_semaphore, #tpu.memory_space<semaphore_mem>> -> memref<!tpu.dma_semaphore, #tpu.memory_space<semaphore_mem>>
    %dma_start3A_770 = arith.constant 40960 : i32
    %dma_start3A_771 = arith.constant 0 : i32
    %dma_start3A_772 = tpu.memref_slice %arg1[%dma_start3A_766, %dma_start3A_770, %dma_start3A_771] : memref<8x49688x128xf32, #tpu.memory_space<any>> -> memref<1x8192x128xf32, #tpu.memory_space<any>>
    %dma_start3A_773 = tpu.memref_squeeze %dma_start3A_772 : memref<1x8192x128xf32, #tpu.memory_space<any>> -> memref<8192x128xf32, #tpu.memory_space<any>>
    %dma_start3A_774 = arith.constant 0 : i32
    %dma_start3A_775 = arith.constant 0 : i32
    %dma_start3A_776 = tpu.memref_slice %arg2[%dma_start3A_765, %dma_start3A_774, %dma_start3A_775] : memref<6x8192x128xf32, #tpu.memory_space<vmem>> -> memref<1x8192x128xf32, #tpu.memory_space<vmem>>
    %dma_start3A_777 = tpu.memref_squeeze %dma_start3A_776 : memref<1x8192x128xf32, #tpu.memory_space<vmem>> -> memref<8192x128xf32, #tpu.memory_space<vmem>>
    tpu.enqueue_dma source(%dma_start3A_777 : memref<8192x128xf32, #tpu.memory_space<vmem>>) target(%dma_start3A_773 : memref<8192x128xf32, #tpu.memory_space<any>>) target_semaphore(%dma_start3A_769 : memref<!tpu.dma_semaphore, #tpu.memory_space<semaphore_mem>>)
    %dma_start3A_778 = arith.constant 5 : i32
    %dma_start3A_779 = arith.constant 1 : i32
    %dma_start3A_780 = arith.constant 5 : i32
    %dma_start3A_781 = tpu.memref_slice %arg4[%dma_start3A_780] : memref<6x!tpu.dma_semaphore, #tpu.memory_space<semaphore_mem>> -> memref<1x!tpu.dma_semaphore, #tpu.memory_space<semaphore_mem>>
    %dma_start3A_782 = tpu.memref_squeeze %dma_start3A_781 : memref<1x!tpu.dma_semaphore, #tpu.memory_space<semaphore_mem>> -> memref<!tpu.dma_semaphore, #tpu.memory_space<semaphore_mem>>
    %dma_start3A_783 = arith.constant 40960 : i32
    %dma_start3A_784 = arith.constant 0 : i32
    %dma_start3A_785 = tpu.memref_slice %arg1[%dma_start3A_779, %dma_start3A_783, %dma_start3A_784] : memref<8x49688x128xf32, #tpu.memory_space<any>> -> memref<1x8192x128xf32, #tpu.memory_space<any>>
    %dma_start3A_786 = tpu.memref_squeeze %dma_start3A_785 : memref<1x8192x128xf32, #tpu.memory_space<any>> -> memref<8192x128xf32, #tpu.memory_space<any>>
    %dma_start3A_787 = arith.constant 0 : i32
    %dma_start3A_788 = arith.constant 0 : i32
    %dma_start3A_789 = tpu.memref_slice %arg2[%dma_start3A_778, %dma_start3A_787, %dma_start3A_788] : memref<6x8192x128xf32, #tpu.memory_space<vmem>> -> memref<1x8192x128xf32, #tpu.memory_space<vmem>>
    %dma_start3A_790 = tpu.memref_squeeze %dma_start3A_789 : memref<1x8192x128xf32, #tpu.memory_space<vmem>> -> memref<8192x128xf32, #tpu.memory_space<vmem>>
    tpu.enqueue_dma source(%dma_start3A_790 : memref<8192x128xf32, #tpu.memory_space<vmem>>) target(%dma_start3A_786 : memref<8192x128xf32, #tpu.memory_space<any>>) target_semaphore(%dma_start3A_782 : memref<!tpu.dma_semaphore, #tpu.memory_space<semaphore_mem>>)
    %dma_start3A_791 = arith.constant 5 : i32
    %dma_start3A_792 = arith.constant 2 : i32
    %dma_start3A_793 = arith.constant 5 : i32
    %dma_start3A_794 = tpu.memref_slice %arg4[%dma_start3A_793] : memref<6x!tpu.dma_semaphore, #tpu.memory_space<semaphore_mem>> -> memref<1x!tpu.dma_semaphore, #tpu.memory_space<semaphore_mem>>
    %dma_start3A_795 = tpu.memref_squeeze %dma_start3A_794 : memref<1x!tpu.dma_semaphore, #tpu.memory_space<semaphore_mem>> -> memref<!tpu.dma_semaphore, #tpu.memory_space<semaphore_mem>>
    %dma_start3A_796 = arith.constant 40960 : i32
    %dma_start3A_797 = arith.constant 0 : i32
    %dma_start3A_798 = tpu.memref_slice %arg1[%dma_start3A_792, %dma_start3A_796, %dma_start3A_797] : memref<8x49688x128xf32, #tpu.memory_space<any>> -> memref<1x8192x128xf32, #tpu.memory_space<any>>
    %dma_start3A_799 = tpu.memref_squeeze %dma_start3A_798 : memref<1x8192x128xf32, #tpu.memory_space<any>> -> memref<8192x128xf32, #tpu.memory_space<any>>
    %dma_start3A_800 = arith.constant 0 : i32
    %dma_start3A_801 = arith.constant 0 : i32
    %dma_start3A_802 = tpu.memref_slice %arg2[%dma_start3A_791, %dma_start3A_800, %dma_start3A_801] : memref<6x8192x128xf32, #tpu.memory_space<vmem>> -> memref<1x8192x128xf32, #tpu.memory_space<vmem>>
    %dma_start3A_803 = tpu.memref_squeeze %dma_start3A_802 : memref<1x8192x128xf32, #tpu.memory_space<vmem>> -> memref<8192x128xf32, #tpu.memory_space<vmem>>
    tpu.enqueue_dma source(%dma_start3A_803 : memref<8192x128xf32, #tpu.memory_space<vmem>>) target(%dma_start3A_799 : memref<8192x128xf32, #tpu.memory_space<any>>) target_semaphore(%dma_start3A_795 : memref<!tpu.dma_semaphore, #tpu.memory_space<semaphore_mem>>)
    %dma_start3A_804 = arith.constant 5 : i32
    %dma_start3A_805 = arith.constant 3 : i32
    %dma_start3A_806 = arith.constant 5 : i32
    %dma_start3A_807 = tpu.memref_slice %arg4[%dma_start3A_806] : memref<6x!tpu.dma_semaphore, #tpu.memory_space<semaphore_mem>> -> memref<1x!tpu.dma_semaphore, #tpu.memory_space<semaphore_mem>>
    %dma_start3A_808 = tpu.memref_squeeze %dma_start3A_807 : memref<1x!tpu.dma_semaphore, #tpu.memory_space<semaphore_mem>> -> memref<!tpu.dma_semaphore, #tpu.memory_space<semaphore_mem>>
    %dma_start3A_809 = arith.constant 40960 : i32
    %dma_start3A_810 = arith.constant 0 : i32
    %dma_start3A_811 = tpu.memref_slice %arg1[%dma_start3A_805, %dma_start3A_809, %dma_start3A_810] : memref<8x49688x128xf32, #tpu.memory_space<any>> -> memref<1x8192x128xf32, #tpu.memory_space<any>>
    %dma_start3A_812 = tpu.memref_squeeze %dma_start3A_811 : memref<1x8192x128xf32, #tpu.memory_space<any>> -> memref<8192x128xf32, #tpu.memory_space<any>>
    %dma_start3A_813 = arith.constant 0 : i32
    %dma_start3A_814 = arith.constant 0 : i32
    %dma_start3A_815 = tpu.memref_slice %arg2[%dma_start3A_804, %dma_start3A_813, %dma_start3A_814] : memref<6x8192x128xf32, #tpu.memory_space<vmem>> -> memref<1x8192x128xf32, #tpu.memory_space<vmem>>
    %dma_start3A_816 = tpu.memref_squeeze %dma_start3A_815 : memref<1x8192x128xf32, #tpu.memory_space<vmem>> -> memref<8192x128xf32, #tpu.memory_space<vmem>>
    tpu.enqueue_dma source(%dma_start3A_816 : memref<8192x128xf32, #tpu.memory_space<vmem>>) target(%dma_start3A_812 : memref<8192x128xf32, #tpu.memory_space<any>>) target_semaphore(%dma_start3A_808 : memref<!tpu.dma_semaphore, #tpu.memory_space<semaphore_mem>>)
    %dma_start3A_817 = arith.constant 5 : i32
    %dma_start3A_818 = arith.constant 4 : i32
    %dma_start3A_819 = arith.constant 5 : i32
    %dma_start3A_820 = tpu.memref_slice %arg4[%dma_start3A_819] : memref<6x!tpu.dma_semaphore, #tpu.memory_space<semaphore_mem>> -> memref<1x!tpu.dma_semaphore, #tpu.memory_space<semaphore_mem>>
    %dma_start3A_821 = tpu.memref_squeeze %dma_start3A_820 : memref<1x!tpu.dma_semaphore, #tpu.memory_space<semaphore_mem>> -> memref<!tpu.dma_semaphore, #tpu.memory_space<semaphore_mem>>
    %dma_start3A_822 = arith.constant 40960 : i32
    %dma_start3A_823 = arith.constant 0 : i32
    %dma_start3A_824 = tpu.memref_slice %arg1[%dma_start3A_818, %dma_start3A_822, %dma_start3A_823] : memref<8x49688x128xf32, #tpu.memory_space<any>> -> memref<1x8192x128xf32, #tpu.memory_space<any>>
    %dma_start3A_825 = tpu.memref_squeeze %dma_start3A_824 : memref<1x8192x128xf32, #tpu.memory_space<any>> -> memref<8192x128xf32, #tpu.memory_space<any>>
    %dma_start3A_826 = arith.constant 0 : i32
    %dma_start3A_827 = arith.constant 0 : i32
    %dma_start3A_828 = tpu.memref_slice %arg2[%dma_start3A_817, %dma_start3A_826, %dma_start3A_827] : memref<6x8192x128xf32, #tpu.memory_space<vmem>> -> memref<1x8192x128xf32, #tpu.memory_space<vmem>>
    %dma_start3A_829 = tpu.memref_squeeze %dma_start3A_828 : memref<1x8192x128xf32, #tpu.memory_space<vmem>> -> memref<8192x128xf32, #tpu.memory_space<vmem>>
    tpu.enqueue_dma source(%dma_start3A_829 : memref<8192x128xf32, #tpu.memory_space<vmem>>) target(%dma_start3A_825 : memref<8192x128xf32, #tpu.memory_space<any>>) target_semaphore(%dma_start3A_821 : memref<!tpu.dma_semaphore, #tpu.memory_space<semaphore_mem>>)
    %dma_start3A_830 = arith.constant 5 : i32
    %dma_start3A_831 = arith.constant 5 : i32
    %dma_start3A_832 = arith.constant 5 : i32
    %dma_start3A_833 = tpu.memref_slice %arg4[%dma_start3A_832] : memref<6x!tpu.dma_semaphore, #tpu.memory_space<semaphore_mem>> -> memref<1x!tpu.dma_semaphore, #tpu.memory_space<semaphore_mem>>
    %dma_start3A_834 = tpu.memref_squeeze %dma_start3A_833 : memref<1x!tpu.dma_semaphore, #tpu.memory_space<semaphore_mem>> -> memref<!tpu.dma_semaphore, #tpu.memory_space<semaphore_mem>>
    %dma_start3A_835 = arith.constant 40960 : i32
    %dma_start3A_836 = arith.constant 0 : i32
    %dma_start3A_837 = tpu.memref_slice %arg1[%dma_start3A_831, %dma_start3A_835, %dma_start3A_836] : memref<8x49688x128xf32, #tpu.memory_space<any>> -> memref<1x8192x128xf32, #tpu.memory_space<any>>
    %dma_start3A_838 = tpu.memref_squeeze %dma_start3A_837 : memref<1x8192x128xf32, #tpu.memory_space<any>> -> memref<8192x128xf32, #tpu.memory_space<any>>
    %dma_start3A_839 = arith.constant 0 : i32
    %dma_start3A_840 = arith.constant 0 : i32
    %dma_start3A_841 = tpu.memref_slice %arg2[%dma_start3A_830, %dma_start3A_839, %dma_start3A_840] : memref<6x8192x128xf32, #tpu.memory_space<vmem>> -> memref<1x8192x128xf32, #tpu.memory_space<vmem>>
    %dma_start3A_842 = tpu.memref_squeeze %dma_start3A_841 : memref<1x8192x128xf32, #tpu.memory_space<vmem>> -> memref<8192x128xf32, #tpu.memory_space<vmem>>
    tpu.enqueue_dma source(%dma_start3A_842 : memref<8192x128xf32, #tpu.memory_space<vmem>>) target(%dma_start3A_838 : memref<8192x128xf32, #tpu.memory_space<any>>) target_semaphore(%dma_start3A_834 : memref<!tpu.dma_semaphore, #tpu.memory_space<semaphore_mem>>)
    %dma_start3A_843 = arith.constant 5 : i32
    %dma_start3A_844 = arith.constant 6 : i32
    %dma_start3A_845 = arith.constant 5 : i32
    %dma_start3A_846 = tpu.memref_slice %arg4[%dma_start3A_845] : memref<6x!tpu.dma_semaphore, #tpu.memory_space<semaphore_mem>> -> memref<1x!tpu.dma_semaphore, #tpu.memory_space<semaphore_mem>>
    %dma_start3A_847 = tpu.memref_squeeze %dma_start3A_846 : memref<1x!tpu.dma_semaphore, #tpu.memory_space<semaphore_mem>> -> memref<!tpu.dma_semaphore, #tpu.memory_space<semaphore_mem>>
    %dma_start3A_848 = arith.constant 40960 : i32
    %dma_start3A_849 = arith.constant 0 : i32
    %dma_start3A_850 = tpu.memref_slice %arg1[%dma_start3A_844, %dma_start3A_848, %dma_start3A_849] : memref<8x49688x128xf32, #tpu.memory_space<any>> -> memref<1x8192x128xf32, #tpu.memory_space<any>>
    %dma_start3A_851 = tpu.memref_squeeze %dma_start3A_850 : memref<1x8192x128xf32, #tpu.memory_space<any>> -> memref<8192x128xf32, #tpu.memory_space<any>>
    %dma_start3A_852 = arith.constant 0 : i32
    %dma_start3A_853 = arith.constant 0 : i32
    %dma_start3A_854 = tpu.memref_slice %arg2[%dma_start3A_843, %dma_start3A_852, %dma_start3A_853] : memref<6x8192x128xf32, #tpu.memory_space<vmem>> -> memref<1x8192x128xf32, #tpu.memory_space<vmem>>
    %dma_start3A_855 = tpu.memref_squeeze %dma_start3A_854 : memref<1x8192x128xf32, #tpu.memory_space<vmem>> -> memref<8192x128xf32, #tpu.memory_space<vmem>>
    tpu.enqueue_dma source(%dma_start3A_855 : memref<8192x128xf32, #tpu.memory_space<vmem>>) target(%dma_start3A_851 : memref<8192x128xf32, #tpu.memory_space<any>>) target_semaphore(%dma_start3A_847 : memref<!tpu.dma_semaphore, #tpu.memory_space<semaphore_mem>>)
    %dma_start3A_856 = arith.constant 5 : i32
    %dma_start3A_857 = arith.constant 7 : i32
    %dma_start3A_858 = arith.constant 5 : i32
    %dma_start3A_859 = tpu.memref_slice %arg4[%dma_start3A_858] : memref<6x!tpu.dma_semaphore, #tpu.memory_space<semaphore_mem>> -> memref<1x!tpu.dma_semaphore, #tpu.memory_space<semaphore_mem>>
    %dma_start3A_860 = tpu.memref_squeeze %dma_start3A_859 : memref<1x!tpu.dma_semaphore, #tpu.memory_space<semaphore_mem>> -> memref<!tpu.dma_semaphore, #tpu.memory_space<semaphore_mem>>
    %dma_start3A_861 = arith.constant 40960 : i32
    %dma_start3A_862 = arith.constant 0 : i32
    %dma_start3A_863 = tpu.memref_slice %arg1[%dma_start3A_857, %dma_start3A_861, %dma_start3A_862] : memref<8x49688x128xf32, #tpu.memory_space<any>> -> memref<1x8192x128xf32, #tpu.memory_space<any>>
    %dma_start3A_864 = tpu.memref_squeeze %dma_start3A_863 : memref<1x8192x128xf32, #tpu.memory_space<any>> -> memref<8192x128xf32, #tpu.memory_space<any>>
    %dma_start3A_865 = arith.constant 0 : i32
    %dma_start3A_866 = arith.constant 0 : i32
    %dma_start3A_867 = tpu.memref_slice %arg2[%dma_start3A_856, %dma_start3A_865, %dma_start3A_866] : memref<6x8192x128xf32, #tpu.memory_space<vmem>> -> memref<1x8192x128xf32, #tpu.memory_space<vmem>>
    %dma_start3A_868 = tpu.memref_squeeze %dma_start3A_867 : memref<1x8192x128xf32, #tpu.memory_space<vmem>> -> memref<8192x128xf32, #tpu.memory_space<vmem>>
    tpu.enqueue_dma source(%dma_start3A_868 : memref<8192x128xf32, #tpu.memory_space<vmem>>) target(%dma_start3A_864 : memref<8192x128xf32, #tpu.memory_space<any>>) target_semaphore(%dma_start3A_860 : memref<!tpu.dma_semaphore, #tpu.memory_space<semaphore_mem>>)
    %dma_wait3A_869 = arith.constant 0 : i32
    %dma_wait3A_870 = arith.constant 0 : i32
    %dma_wait3A_871 = tpu.memref_slice %arg3[%dma_wait3A_870] : memref<6x!tpu.dma_semaphore, #tpu.memory_space<semaphore_mem>> -> memref<1x!tpu.dma_semaphore, #tpu.memory_space<semaphore_mem>>
    %dma_wait3A_872 = tpu.memref_squeeze %dma_wait3A_871 : memref<1x!tpu.dma_semaphore, #tpu.memory_space<semaphore_mem>> -> memref<!tpu.dma_semaphore, #tpu.memory_space<semaphore_mem>>
    %dma_wait3A_873 = arith.constant 0 : i32
    %dma_wait3A_874 = arith.constant 0 : i32
    %dma_wait3A_875 = tpu.memref_slice %arg2[%dma_wait3A_869, %dma_wait3A_873, %dma_wait3A_874] : memref<6x8192x128xf32, #tpu.memory_space<vmem>> -> memref<1x536x128xf32, #tpu.memory_space<vmem>>
    %dma_wait3A_876 = tpu.memref_squeeze %dma_wait3A_875 : memref<1x536x128xf32, #tpu.memory_space<vmem>> -> memref<536x128xf32, #tpu.memory_space<vmem>>
    %dma_wait3A_877 = arith.constant 49152 : i32
    %dma_wait3A_878 = arith.constant 0 : i32
    %dma_wait3A_879 = tpu.memref_slice %arg0[%dma_wait3A_877, %dma_wait3A_878] : memref<49688x128xf32, #tpu.memory_space<any>> -> memref<536x128xf32, #tpu.memory_space<any>>
    tpu.wait_dma2 semaphore(%dma_wait3A_872 : memref<!tpu.dma_semaphore, #tpu.memory_space<semaphore_mem>>) src(%dma_wait3A_879 : memref<536x128xf32, #tpu.memory_space<any>>) dst(%dma_wait3A_876 : memref<536x128xf32, #tpu.memory_space<vmem>>)
    %dma_start3A_880 = arith.constant 0 : i32
    %dma_start3A_881 = arith.constant 0 : i32
    %dma_start3A_882 = arith.constant 0 : i32
    %dma_start3A_883 = tpu.memref_slice %arg4[%dma_start3A_882] : memref<6x!tpu.dma_semaphore, #tpu.memory_space<semaphore_mem>> -> memref<1x!tpu.dma_semaphore, #tpu.memory_space<semaphore_mem>>
    %dma_start3A_884 = tpu.memref_squeeze %dma_start3A_883 : memref<1x!tpu.dma_semaphore, #tpu.memory_space<semaphore_mem>> -> memref<!tpu.dma_semaphore, #tpu.memory_space<semaphore_mem>>
    %dma_start3A_885 = arith.constant 49152 : i32
    %dma_start3A_886 = arith.constant 0 : i32
    %dma_start3A_887 = tpu.memref_slice %arg1[%dma_start3A_881, %dma_start3A_885, %dma_start3A_886] : memref<8x49688x128xf32, #tpu.memory_space<any>> -> memref<1x536x128xf32, #tpu.memory_space<any>>
    %dma_start3A_888 = tpu.memref_squeeze %dma_start3A_887 : memref<1x536x128xf32, #tpu.memory_space<any>> -> memref<536x128xf32, #tpu.memory_space<any>>
    %dma_start3A_889 = arith.constant 0 : i32
    %dma_start3A_890 = arith.constant 0 : i32
    %dma_start3A_891 = tpu.memref_slice %arg2[%dma_start3A_880, %dma_start3A_889, %dma_start3A_890] : memref<6x8192x128xf32, #tpu.memory_space<vmem>> -> memref<1x536x128xf32, #tpu.memory_space<vmem>>
    %dma_start3A_892 = tpu.memref_squeeze %dma_start3A_891 : memref<1x536x128xf32, #tpu.memory_space<vmem>> -> memref<536x128xf32, #tpu.memory_space<vmem>>
    tpu.enqueue_dma source(%dma_start3A_892 : memref<536x128xf32, #tpu.memory_space<vmem>>) target(%dma_start3A_888 : memref<536x128xf32, #tpu.memory_space<any>>) target_semaphore(%dma_start3A_884 : memref<!tpu.dma_semaphore, #tpu.memory_space<semaphore_mem>>)
    %dma_start3A_893 = arith.constant 0 : i32
    %dma_start3A_894 = arith.constant 1 : i32
    %dma_start3A_895 = arith.constant 0 : i32
    %dma_start3A_896 = tpu.memref_slice %arg4[%dma_start3A_895] : memref<6x!tpu.dma_semaphore, #tpu.memory_space<semaphore_mem>> -> memref<1x!tpu.dma_semaphore, #tpu.memory_space<semaphore_mem>>
    %dma_start3A_897 = tpu.memref_squeeze %dma_start3A_896 : memref<1x!tpu.dma_semaphore, #tpu.memory_space<semaphore_mem>> -> memref<!tpu.dma_semaphore, #tpu.memory_space<semaphore_mem>>
    %dma_start3A_898 = arith.constant 49152 : i32
    %dma_start3A_899 = arith.constant 0 : i32
    %dma_start3A_900 = tpu.memref_slice %arg1[%dma_start3A_894, %dma_start3A_898, %dma_start3A_899] : memref<8x49688x128xf32, #tpu.memory_space<any>> -> memref<1x536x128xf32, #tpu.memory_space<any>>
    %dma_start3A_901 = tpu.memref_squeeze %dma_start3A_900 : memref<1x536x128xf32, #tpu.memory_space<any>> -> memref<536x128xf32, #tpu.memory_space<any>>
    %dma_start3A_902 = arith.constant 0 : i32
    %dma_start3A_903 = arith.constant 0 : i32
    %dma_start3A_904 = tpu.memref_slice %arg2[%dma_start3A_893, %dma_start3A_902, %dma_start3A_903] : memref<6x8192x128xf32, #tpu.memory_space<vmem>> -> memref<1x536x128xf32, #tpu.memory_space<vmem>>
    %dma_start3A_905 = tpu.memref_squeeze %dma_start3A_904 : memref<1x536x128xf32, #tpu.memory_space<vmem>> -> memref<536x128xf32, #tpu.memory_space<vmem>>
    tpu.enqueue_dma source(%dma_start3A_905 : memref<536x128xf32, #tpu.memory_space<vmem>>) target(%dma_start3A_901 : memref<536x128xf32, #tpu.memory_space<any>>) target_semaphore(%dma_start3A_897 : memref<!tpu.dma_semaphore, #tpu.memory_space<semaphore_mem>>)
    %dma_start3A_906 = arith.constant 0 : i32
    %dma_start3A_907 = arith.constant 2 : i32
    %dma_start3A_908 = arith.constant 0 : i32
    %dma_start3A_909 = tpu.memref_slice %arg4[%dma_start3A_908] : memref<6x!tpu.dma_semaphore, #tpu.memory_space<semaphore_mem>> -> memref<1x!tpu.dma_semaphore, #tpu.memory_space<semaphore_mem>>
    %dma_start3A_910 = tpu.memref_squeeze %dma_start3A_909 : memref<1x!tpu.dma_semaphore, #tpu.memory_space<semaphore_mem>> -> memref<!tpu.dma_semaphore, #tpu.memory_space<semaphore_mem>>
    %dma_start3A_911 = arith.constant 49152 : i32
    %dma_start3A_912 = arith.constant 0 : i32
    %dma_start3A_913 = tpu.memref_slice %arg1[%dma_start3A_907, %dma_start3A_911, %dma_start3A_912] : memref<8x49688x128xf32, #tpu.memory_space<any>> -> memref<1x536x128xf32, #tpu.memory_space<any>>
    %dma_start3A_914 = tpu.memref_squeeze %dma_start3A_913 : memref<1x536x128xf32, #tpu.memory_space<any>> -> memref<536x128xf32, #tpu.memory_space<any>>
    %dma_start3A_915 = arith.constant 0 : i32
    %dma_start3A_916 = arith.constant 0 : i32
    %dma_start3A_917 = tpu.memref_slice %arg2[%dma_start3A_906, %dma_start3A_915, %dma_start3A_916] : memref<6x8192x128xf32, #tpu.memory_space<vmem>> -> memref<1x536x128xf32, #tpu.memory_space<vmem>>
    %dma_start3A_918 = tpu.memref_squeeze %dma_start3A_917 : memref<1x536x128xf32, #tpu.memory_space<vmem>> -> memref<536x128xf32, #tpu.memory_space<vmem>>
    tpu.enqueue_dma source(%dma_start3A_918 : memref<536x128xf32, #tpu.memory_space<vmem>>) target(%dma_start3A_914 : memref<536x128xf32, #tpu.memory_space<any>>) target_semaphore(%dma_start3A_910 : memref<!tpu.dma_semaphore, #tpu.memory_space<semaphore_mem>>)
    %dma_start3A_919 = arith.constant 0 : i32
    %dma_start3A_920 = arith.constant 3 : i32
    %dma_start3A_921 = arith.constant 0 : i32
    %dma_start3A_922 = tpu.memref_slice %arg4[%dma_start3A_921] : memref<6x!tpu.dma_semaphore, #tpu.memory_space<semaphore_mem>> -> memref<1x!tpu.dma_semaphore, #tpu.memory_space<semaphore_mem>>
    %dma_start3A_923 = tpu.memref_squeeze %dma_start3A_922 : memref<1x!tpu.dma_semaphore, #tpu.memory_space<semaphore_mem>> -> memref<!tpu.dma_semaphore, #tpu.memory_space<semaphore_mem>>
    %dma_start3A_924 = arith.constant 49152 : i32
    %dma_start3A_925 = arith.constant 0 : i32
    %dma_start3A_926 = tpu.memref_slice %arg1[%dma_start3A_920, %dma_start3A_924, %dma_start3A_925] : memref<8x49688x128xf32, #tpu.memory_space<any>> -> memref<1x536x128xf32, #tpu.memory_space<any>>
    %dma_start3A_927 = tpu.memref_squeeze %dma_start3A_926 : memref<1x536x128xf32, #tpu.memory_space<any>> -> memref<536x128xf32, #tpu.memory_space<any>>
    %dma_start3A_928 = arith.constant 0 : i32
    %dma_start3A_929 = arith.constant 0 : i32
    %dma_start3A_930 = tpu.memref_slice %arg2[%dma_start3A_919, %dma_start3A_928, %dma_start3A_929] : memref<6x8192x128xf32, #tpu.memory_space<vmem>> -> memref<1x536x128xf32, #tpu.memory_space<vmem>>
    %dma_start3A_931 = tpu.memref_squeeze %dma_start3A_930 : memref<1x536x128xf32, #tpu.memory_space<vmem>> -> memref<536x128xf32, #tpu.memory_space<vmem>>
    tpu.enqueue_dma source(%dma_start3A_931 : memref<536x128xf32, #tpu.memory_space<vmem>>) target(%dma_start3A_927 : memref<536x128xf32, #tpu.memory_space<any>>) target_semaphore(%dma_start3A_923 : memref<!tpu.dma_semaphore, #tpu.memory_space<semaphore_mem>>)
    %dma_start3A_932 = arith.constant 0 : i32
    %dma_start3A_933 = arith.constant 4 : i32
    %dma_start3A_934 = arith.constant 0 : i32
    %dma_start3A_935 = tpu.memref_slice %arg4[%dma_start3A_934] : memref<6x!tpu.dma_semaphore, #tpu.memory_space<semaphore_mem>> -> memref<1x!tpu.dma_semaphore, #tpu.memory_space<semaphore_mem>>
    %dma_start3A_936 = tpu.memref_squeeze %dma_start3A_935 : memref<1x!tpu.dma_semaphore, #tpu.memory_space<semaphore_mem>> -> memref<!tpu.dma_semaphore, #tpu.memory_space<semaphore_mem>>
    %dma_start3A_937 = arith.constant 49152 : i32
    %dma_start3A_938 = arith.constant 0 : i32
    %dma_start3A_939 = tpu.memref_slice %arg1[%dma_start3A_933, %dma_start3A_937, %dma_start3A_938] : memref<8x49688x128xf32, #tpu.memory_space<any>> -> memref<1x536x128xf32, #tpu.memory_space<any>>
    %dma_start3A_940 = tpu.memref_squeeze %dma_start3A_939 : memref<1x536x128xf32, #tpu.memory_space<any>> -> memref<536x128xf32, #tpu.memory_space<any>>
    %dma_start3A_941 = arith.constant 0 : i32
    %dma_start3A_942 = arith.constant 0 : i32
    %dma_start3A_943 = tpu.memref_slice %arg2[%dma_start3A_932, %dma_start3A_941, %dma_start3A_942] : memref<6x8192x128xf32, #tpu.memory_space<vmem>> -> memref<1x536x128xf32, #tpu.memory_space<vmem>>
    %dma_start3A_944 = tpu.memref_squeeze %dma_start3A_943 : memref<1x536x128xf32, #tpu.memory_space<vmem>> -> memref<536x128xf32, #tpu.memory_space<vmem>>
    tpu.enqueue_dma source(%dma_start3A_944 : memref<536x128xf32, #tpu.memory_space<vmem>>) target(%dma_start3A_940 : memref<536x128xf32, #tpu.memory_space<any>>) target_semaphore(%dma_start3A_936 : memref<!tpu.dma_semaphore, #tpu.memory_space<semaphore_mem>>)
    %dma_start3A_945 = arith.constant 0 : i32
    %dma_start3A_946 = arith.constant 5 : i32
    %dma_start3A_947 = arith.constant 0 : i32
    %dma_start3A_948 = tpu.memref_slice %arg4[%dma_start3A_947] : memref<6x!tpu.dma_semaphore, #tpu.memory_space<semaphore_mem>> -> memref<1x!tpu.dma_semaphore, #tpu.memory_space<semaphore_mem>>
    %dma_start3A_949 = tpu.memref_squeeze %dma_start3A_948 : memref<1x!tpu.dma_semaphore, #tpu.memory_space<semaphore_mem>> -> memref<!tpu.dma_semaphore, #tpu.memory_space<semaphore_mem>>
    %dma_start3A_950 = arith.constant 49152 : i32
    %dma_start3A_951 = arith.constant 0 : i32
    %dma_start3A_952 = tpu.memref_slice %arg1[%dma_start3A_946, %dma_start3A_950, %dma_start3A_951] : memref<8x49688x128xf32, #tpu.memory_space<any>> -> memref<1x536x128xf32, #tpu.memory_space<any>>
    %dma_start3A_953 = tpu.memref_squeeze %dma_start3A_952 : memref<1x536x128xf32, #tpu.memory_space<any>> -> memref<536x128xf32, #tpu.memory_space<any>>
    %dma_start3A_954 = arith.constant 0 : i32
    %dma_start3A_955 = arith.constant 0 : i32
    %dma_start3A_956 = tpu.memref_slice %arg2[%dma_start3A_945, %dma_start3A_954, %dma_start3A_955] : memref<6x8192x128xf32, #tpu.memory_space<vmem>> -> memref<1x536x128xf32, #tpu.memory_space<vmem>>
    %dma_start3A_957 = tpu.memref_squeeze %dma_start3A_956 : memref<1x536x128xf32, #tpu.memory_space<vmem>> -> memref<536x128xf32, #tpu.memory_space<vmem>>
    tpu.enqueue_dma source(%dma_start3A_957 : memref<536x128xf32, #tpu.memory_space<vmem>>) target(%dma_start3A_953 : memref<536x128xf32, #tpu.memory_space<any>>) target_semaphore(%dma_start3A_949 : memref<!tpu.dma_semaphore, #tpu.memory_space<semaphore_mem>>)
    %dma_start3A_958 = arith.constant 0 : i32
    %dma_start3A_959 = arith.constant 6 : i32
    %dma_start3A_960 = arith.constant 0 : i32
    %dma_start3A_961 = tpu.memref_slice %arg4[%dma_start3A_960] : memref<6x!tpu.dma_semaphore, #tpu.memory_space<semaphore_mem>> -> memref<1x!tpu.dma_semaphore, #tpu.memory_space<semaphore_mem>>
    %dma_start3A_962 = tpu.memref_squeeze %dma_start3A_961 : memref<1x!tpu.dma_semaphore, #tpu.memory_space<semaphore_mem>> -> memref<!tpu.dma_semaphore, #tpu.memory_space<semaphore_mem>>
    %dma_start3A_963 = arith.constant 49152 : i32
    %dma_start3A_964 = arith.constant 0 : i32
    %dma_start3A_965 = tpu.memref_slice %arg1[%dma_start3A_959, %dma_start3A_963, %dma_start3A_964] : memref<8x49688x128xf32, #tpu.memory_space<any>> -> memref<1x536x128xf32, #tpu.memory_space<any>>
    %dma_start3A_966 = tpu.memref_squeeze %dma_start3A_965 : memref<1x536x128xf32, #tpu.memory_space<any>> -> memref<536x128xf32, #tpu.memory_space<any>>
    %dma_start3A_967 = arith.constant 0 : i32
    %dma_start3A_968 = arith.constant 0 : i32
    %dma_start3A_969 = tpu.memref_slice %arg2[%dma_start3A_958, %dma_start3A_967, %dma_start3A_968] : memref<6x8192x128xf32, #tpu.memory_space<vmem>> -> memref<1x536x128xf32, #tpu.memory_space<vmem>>
    %dma_start3A_970 = tpu.memref_squeeze %dma_start3A_969 : memref<1x536x128xf32, #tpu.memory_space<vmem>> -> memref<536x128xf32, #tpu.memory_space<vmem>>
    tpu.enqueue_dma source(%dma_start3A_970 : memref<536x128xf32, #tpu.memory_space<vmem>>) target(%dma_start3A_966 : memref<536x128xf32, #tpu.memory_space<any>>) target_semaphore(%dma_start3A_962 : memref<!tpu.dma_semaphore, #tpu.memory_space<semaphore_mem>>)
    %dma_start3A_971 = arith.constant 0 : i32
    %dma_start3A_972 = arith.constant 7 : i32
    %dma_start3A_973 = arith.constant 0 : i32
    %dma_start3A_974 = tpu.memref_slice %arg4[%dma_start3A_973] : memref<6x!tpu.dma_semaphore, #tpu.memory_space<semaphore_mem>> -> memref<1x!tpu.dma_semaphore, #tpu.memory_space<semaphore_mem>>
    %dma_start3A_975 = tpu.memref_squeeze %dma_start3A_974 : memref<1x!tpu.dma_semaphore, #tpu.memory_space<semaphore_mem>> -> memref<!tpu.dma_semaphore, #tpu.memory_space<semaphore_mem>>
    %dma_start3A_976 = arith.constant 49152 : i32
    %dma_start3A_977 = arith.constant 0 : i32
    %dma_start3A_978 = tpu.memref_slice %arg1[%dma_start3A_972, %dma_start3A_976, %dma_start3A_977] : memref<8x49688x128xf32, #tpu.memory_space<any>> -> memref<1x536x128xf32, #tpu.memory_space<any>>
    %dma_start3A_979 = tpu.memref_squeeze %dma_start3A_978 : memref<1x536x128xf32, #tpu.memory_space<any>> -> memref<536x128xf32, #tpu.memory_space<any>>
    %dma_start3A_980 = arith.constant 0 : i32
    %dma_start3A_981 = arith.constant 0 : i32
    %dma_start3A_982 = tpu.memref_slice %arg2[%dma_start3A_971, %dma_start3A_980, %dma_start3A_981] : memref<6x8192x128xf32, #tpu.memory_space<vmem>> -> memref<1x536x128xf32, #tpu.memory_space<vmem>>
    %dma_start3A_983 = tpu.memref_squeeze %dma_start3A_982 : memref<1x536x128xf32, #tpu.memory_space<vmem>> -> memref<536x128xf32, #tpu.memory_space<vmem>>
    tpu.enqueue_dma source(%dma_start3A_983 : memref<536x128xf32, #tpu.memory_space<vmem>>) target(%dma_start3A_979 : memref<536x128xf32, #tpu.memory_space<any>>) target_semaphore(%dma_start3A_975 : memref<!tpu.dma_semaphore, #tpu.memory_space<semaphore_mem>>)
    %dma_wait3A_984 = arith.constant 1 : i32
    %dma_wait3A_985 = arith.constant 0 : i32
    %dma_wait3A_986 = arith.constant 1 : i32
    %dma_wait3A_987 = tpu.memref_slice %arg4[%dma_wait3A_986] : memref<6x!tpu.dma_semaphore, #tpu.memory_space<semaphore_mem>> -> memref<1x!tpu.dma_semaphore, #tpu.memory_space<semaphore_mem>>
    %dma_wait3A_988 = tpu.memref_squeeze %dma_wait3A_987 : memref<1x!tpu.dma_semaphore, #tpu.memory_space<semaphore_mem>> -> memref<!tpu.dma_semaphore, #tpu.memory_space<semaphore_mem>>
    %dma_wait3A_989 = arith.constant 8192 : i32
    %dma_wait3A_990 = arith.constant 0 : i32
    %dma_wait3A_991 = tpu.memref_slice %arg1[%dma_wait3A_985, %dma_wait3A_989, %dma_wait3A_990] : memref<8x49688x128xf32, #tpu.memory_space<any>> -> memref<1x8192x128xf32, #tpu.memory_space<any>>
    %dma_wait3A_992 = tpu.memref_squeeze %dma_wait3A_991 : memref<1x8192x128xf32, #tpu.memory_space<any>> -> memref<8192x128xf32, #tpu.memory_space<any>>
    %dma_wait3A_993 = arith.constant 0 : i32
    %dma_wait3A_994 = arith.constant 0 : i32
    %dma_wait3A_995 = tpu.memref_slice %arg2[%dma_wait3A_984, %dma_wait3A_993, %dma_wait3A_994] : memref<6x8192x128xf32, #tpu.memory_space<vmem>> -> memref<1x8192x128xf32, #tpu.memory_space<vmem>>
    %dma_wait3A_996 = tpu.memref_squeeze %dma_wait3A_995 : memref<1x8192x128xf32, #tpu.memory_space<vmem>> -> memref<8192x128xf32, #tpu.memory_space<vmem>>
    tpu.wait_dma2 semaphore(%dma_wait3A_988 : memref<!tpu.dma_semaphore, #tpu.memory_space<semaphore_mem>>) src(%dma_wait3A_996 : memref<8192x128xf32, #tpu.memory_space<vmem>>) dst(%dma_wait3A_992 : memref<8192x128xf32, #tpu.memory_space<any>>)
    %dma_wait3A_997 = arith.constant 1 : i32
    %dma_wait3A_998 = arith.constant 1 : i32
    %dma_wait3A_999 = arith.constant 1 : i32
    %dma_wait3A_1000 = tpu.memref_slice %arg4[%dma_wait3A_999] : memref<6x!tpu.dma_semaphore, #tpu.memory_space<semaphore_mem>> -> memref<1x!tpu.dma_semaphore, #tpu.memory_space<semaphore_mem>>
    %dma_wait3A_1001 = tpu.memref_squeeze %dma_wait3A_1000 : memref<1x!tpu.dma_semaphore, #tpu.memory_space<semaphore_mem>> -> memref<!tpu.dma_semaphore, #tpu.memory_space<semaphore_mem>>
    %dma_wait3A_1002 = arith.constant 8192 : i32
    %dma_wait3A_1003 = arith.constant 0 : i32
    %dma_wait3A_1004 = tpu.memref_slice %arg1[%dma_wait3A_998, %dma_wait3A_1002, %dma_wait3A_1003] : memref<8x49688x128xf32, #tpu.memory_space<any>> -> memref<1x8192x128xf32, #tpu.memory_space<any>>
    %dma_wait3A_1005 = tpu.memref_squeeze %dma_wait3A_1004 : memref<1x8192x128xf32, #tpu.memory_space<any>> -> memref<8192x128xf32, #tpu.memory_space<any>>
    %dma_wait3A_1006 = arith.constant 0 : i32
    %dma_wait3A_1007 = arith.constant 0 : i32
    %dma_wait3A_1008 = tpu.memref_slice %arg2[%dma_wait3A_997, %dma_wait3A_1006, %dma_wait3A_1007] : memref<6x8192x128xf32, #tpu.memory_space<vmem>> -> memref<1x8192x128xf32, #tpu.memory_space<vmem>>
    %dma_wait3A_1009 = tpu.memref_squeeze %dma_wait3A_1008 : memref<1x8192x128xf32, #tpu.memory_space<vmem>> -> memref<8192x128xf32, #tpu.memory_space<vmem>>
    tpu.wait_dma2 semaphore(%dma_wait3A_1001 : memref<!tpu.dma_semaphore, #tpu.memory_space<semaphore_mem>>) src(%dma_wait3A_1009 : memref<8192x128xf32, #tpu.memory_space<vmem>>) dst(%dma_wait3A_1005 : memref<8192x128xf32, #tpu.memory_space<any>>)
    %dma_wait3A_1010 = arith.constant 1 : i32
    %dma_wait3A_1011 = arith.constant 2 : i32
    %dma_wait3A_1012 = arith.constant 1 : i32
    %dma_wait3A_1013 = tpu.memref_slice %arg4[%dma_wait3A_1012] : memref<6x!tpu.dma_semaphore, #tpu.memory_space<semaphore_mem>> -> memref<1x!tpu.dma_semaphore, #tpu.memory_space<semaphore_mem>>
    %dma_wait3A_1014 = tpu.memref_squeeze %dma_wait3A_1013 : memref<1x!tpu.dma_semaphore, #tpu.memory_space<semaphore_mem>> -> memref<!tpu.dma_semaphore, #tpu.memory_space<semaphore_mem>>
    %dma_wait3A_1015 = arith.constant 8192 : i32
    %dma_wait3A_1016 = arith.constant 0 : i32
    %dma_wait3A_1017 = tpu.memref_slice %arg1[%dma_wait3A_1011, %dma_wait3A_1015, %dma_wait3A_1016] : memref<8x49688x128xf32, #tpu.memory_space<any>> -> memref<1x8192x128xf32, #tpu.memory_space<any>>
    %dma_wait3A_1018 = tpu.memref_squeeze %dma_wait3A_1017 : memref<1x8192x128xf32, #tpu.memory_space<any>> -> memref<8192x128xf32, #tpu.memory_space<any>>
    %dma_wait3A_1019 = arith.constant 0 : i32
    %dma_wait3A_1020 = arith.constant 0 : i32
    %dma_wait3A_1021 = tpu.memref_slice %arg2[%dma_wait3A_1010, %dma_wait3A_1019, %dma_wait3A_1020] : memref<6x8192x128xf32, #tpu.memory_space<vmem>> -> memref<1x8192x128xf32, #tpu.memory_space<vmem>>
    %dma_wait3A_1022 = tpu.memref_squeeze %dma_wait3A_1021 : memref<1x8192x128xf32, #tpu.memory_space<vmem>> -> memref<8192x128xf32, #tpu.memory_space<vmem>>
    tpu.wait_dma2 semaphore(%dma_wait3A_1014 : memref<!tpu.dma_semaphore, #tpu.memory_space<semaphore_mem>>) src(%dma_wait3A_1022 : memref<8192x128xf32, #tpu.memory_space<vmem>>) dst(%dma_wait3A_1018 : memref<8192x128xf32, #tpu.memory_space<any>>)
    %dma_wait3A_1023 = arith.constant 1 : i32
    %dma_wait3A_1024 = arith.constant 3 : i32
    %dma_wait3A_1025 = arith.constant 1 : i32
    %dma_wait3A_1026 = tpu.memref_slice %arg4[%dma_wait3A_1025] : memref<6x!tpu.dma_semaphore, #tpu.memory_space<semaphore_mem>> -> memref<1x!tpu.dma_semaphore, #tpu.memory_space<semaphore_mem>>
    %dma_wait3A_1027 = tpu.memref_squeeze %dma_wait3A_1026 : memref<1x!tpu.dma_semaphore, #tpu.memory_space<semaphore_mem>> -> memref<!tpu.dma_semaphore, #tpu.memory_space<semaphore_mem>>
    %dma_wait3A_1028 = arith.constant 8192 : i32
    %dma_wait3A_1029 = arith.constant 0 : i32
    %dma_wait3A_1030 = tpu.memref_slice %arg1[%dma_wait3A_1024, %dma_wait3A_1028, %dma_wait3A_1029] : memref<8x49688x128xf32, #tpu.memory_space<any>> -> memref<1x8192x128xf32, #tpu.memory_space<any>>
    %dma_wait3A_1031 = tpu.memref_squeeze %dma_wait3A_1030 : memref<1x8192x128xf32, #tpu.memory_space<any>> -> memref<8192x128xf32, #tpu.memory_space<any>>
    %dma_wait3A_1032 = arith.constant 0 : i32
    %dma_wait3A_1033 = arith.constant 0 : i32
    %dma_wait3A_1034 = tpu.memref_slice %arg2[%dma_wait3A_1023, %dma_wait3A_1032, %dma_wait3A_1033] : memref<6x8192x128xf32, #tpu.memory_space<vmem>> -> memref<1x8192x128xf32, #tpu.memory_space<vmem>>
    %dma_wait3A_1035 = tpu.memref_squeeze %dma_wait3A_1034 : memref<1x8192x128xf32, #tpu.memory_space<vmem>> -> memref<8192x128xf32, #tpu.memory_space<vmem>>
    tpu.wait_dma2 semaphore(%dma_wait3A_1027 : memref<!tpu.dma_semaphore, #tpu.memory_space<semaphore_mem>>) src(%dma_wait3A_1035 : memref<8192x128xf32, #tpu.memory_space<vmem>>) dst(%dma_wait3A_1031 : memref<8192x128xf32, #tpu.memory_space<any>>)
    %dma_wait3A_1036 = arith.constant 1 : i32
    %dma_wait3A_1037 = arith.constant 4 : i32
    %dma_wait3A_1038 = arith.constant 1 : i32
    %dma_wait3A_1039 = tpu.memref_slice %arg4[%dma_wait3A_1038] : memref<6x!tpu.dma_semaphore, #tpu.memory_space<semaphore_mem>> -> memref<1x!tpu.dma_semaphore, #tpu.memory_space<semaphore_mem>>
    %dma_wait3A_1040 = tpu.memref_squeeze %dma_wait3A_1039 : memref<1x!tpu.dma_semaphore, #tpu.memory_space<semaphore_mem>> -> memref<!tpu.dma_semaphore, #tpu.memory_space<semaphore_mem>>
    %dma_wait3A_1041 = arith.constant 8192 : i32
    %dma_wait3A_1042 = arith.constant 0 : i32
    %dma_wait3A_1043 = tpu.memref_slice %arg1[%dma_wait3A_1037, %dma_wait3A_1041, %dma_wait3A_1042] : memref<8x49688x128xf32, #tpu.memory_space<any>> -> memref<1x8192x128xf32, #tpu.memory_space<any>>
    %dma_wait3A_1044 = tpu.memref_squeeze %dma_wait3A_1043 : memref<1x8192x128xf32, #tpu.memory_space<any>> -> memref<8192x128xf32, #tpu.memory_space<any>>
    %dma_wait3A_1045 = arith.constant 0 : i32
    %dma_wait3A_1046 = arith.constant 0 : i32
    %dma_wait3A_1047 = tpu.memref_slice %arg2[%dma_wait3A_1036, %dma_wait3A_1045, %dma_wait3A_1046] : memref<6x8192x128xf32, #tpu.memory_space<vmem>> -> memref<1x8192x128xf32, #tpu.memory_space<vmem>>
    %dma_wait3A_1048 = tpu.memref_squeeze %dma_wait3A_1047 : memref<1x8192x128xf32, #tpu.memory_space<vmem>> -> memref<8192x128xf32, #tpu.memory_space<vmem>>
    tpu.wait_dma2 semaphore(%dma_wait3A_1040 : memref<!tpu.dma_semaphore, #tpu.memory_space<semaphore_mem>>) src(%dma_wait3A_1048 : memref<8192x128xf32, #tpu.memory_space<vmem>>) dst(%dma_wait3A_1044 : memref<8192x128xf32, #tpu.memory_space<any>>)
    %dma_wait3A_1049 = arith.constant 1 : i32
    %dma_wait3A_1050 = arith.constant 5 : i32
    %dma_wait3A_1051 = arith.constant 1 : i32
    %dma_wait3A_1052 = tpu.memref_slice %arg4[%dma_wait3A_1051] : memref<6x!tpu.dma_semaphore, #tpu.memory_space<semaphore_mem>> -> memref<1x!tpu.dma_semaphore, #tpu.memory_space<semaphore_mem>>
    %dma_wait3A_1053 = tpu.memref_squeeze %dma_wait3A_1052 : memref<1x!tpu.dma_semaphore, #tpu.memory_space<semaphore_mem>> -> memref<!tpu.dma_semaphore, #tpu.memory_space<semaphore_mem>>
    %dma_wait3A_1054 = arith.constant 8192 : i32
    %dma_wait3A_1055 = arith.constant 0 : i32
    %dma_wait3A_1056 = tpu.memref_slice %arg1[%dma_wait3A_1050, %dma_wait3A_1054, %dma_wait3A_1055] : memref<8x49688x128xf32, #tpu.memory_space<any>> -> memref<1x8192x128xf32, #tpu.memory_space<any>>
    %dma_wait3A_1057 = tpu.memref_squeeze %dma_wait3A_1056 : memref<1x8192x128xf32, #tpu.memory_space<any>> -> memref<8192x128xf32, #tpu.memory_space<any>>
    %dma_wait3A_1058 = arith.constant 0 : i32
    %dma_wait3A_1059 = arith.constant 0 : i32
    %dma_wait3A_1060 = tpu.memref_slice %arg2[%dma_wait3A_1049, %dma_wait3A_1058, %dma_wait3A_1059] : memref<6x8192x128xf32, #tpu.memory_space<vmem>> -> memref<1x8192x128xf32, #tpu.memory_space<vmem>>
    %dma_wait3A_1061 = tpu.memref_squeeze %dma_wait3A_1060 : memref<1x8192x128xf32, #tpu.memory_space<vmem>> -> memref<8192x128xf32, #tpu.memory_space<vmem>>
    tpu.wait_dma2 semaphore(%dma_wait3A_1053 : memref<!tpu.dma_semaphore, #tpu.memory_space<semaphore_mem>>) src(%dma_wait3A_1061 : memref<8192x128xf32, #tpu.memory_space<vmem>>) dst(%dma_wait3A_1057 : memref<8192x128xf32, #tpu.memory_space<any>>)
    %dma_wait3A_1062 = arith.constant 1 : i32
    %dma_wait3A_1063 = arith.constant 6 : i32
    %dma_wait3A_1064 = arith.constant 1 : i32
    %dma_wait3A_1065 = tpu.memref_slice %arg4[%dma_wait3A_1064] : memref<6x!tpu.dma_semaphore, #tpu.memory_space<semaphore_mem>> -> memref<1x!tpu.dma_semaphore, #tpu.memory_space<semaphore_mem>>
    %dma_wait3A_1066 = tpu.memref_squeeze %dma_wait3A_1065 : memref<1x!tpu.dma_semaphore, #tpu.memory_space<semaphore_mem>> -> memref<!tpu.dma_semaphore, #tpu.memory_space<semaphore_mem>>
    %dma_wait3A_1067 = arith.constant 8192 : i32
    %dma_wait3A_1068 = arith.constant 0 : i32
    %dma_wait3A_1069 = tpu.memref_slice %arg1[%dma_wait3A_1063, %dma_wait3A_1067, %dma_wait3A_1068] : memref<8x49688x128xf32, #tpu.memory_space<any>> -> memref<1x8192x128xf32, #tpu.memory_space<any>>
    %dma_wait3A_1070 = tpu.memref_squeeze %dma_wait3A_1069 : memref<1x8192x128xf32, #tpu.memory_space<any>> -> memref<8192x128xf32, #tpu.memory_space<any>>
    %dma_wait3A_1071 = arith.constant 0 : i32
    %dma_wait3A_1072 = arith.constant 0 : i32
    %dma_wait3A_1073 = tpu.memref_slice %arg2[%dma_wait3A_1062, %dma_wait3A_1071, %dma_wait3A_1072] : memref<6x8192x128xf32, #tpu.memory_space<vmem>> -> memref<1x8192x128xf32, #tpu.memory_space<vmem>>
    %dma_wait3A_1074 = tpu.memref_squeeze %dma_wait3A_1073 : memref<1x8192x128xf32, #tpu.memory_space<vmem>> -> memref<8192x128xf32, #tpu.memory_space<vmem>>
    tpu.wait_dma2 semaphore(%dma_wait3A_1066 : memref<!tpu.dma_semaphore, #tpu.memory_space<semaphore_mem>>) src(%dma_wait3A_1074 : memref<8192x128xf32, #tpu.memory_space<vmem>>) dst(%dma_wait3A_1070 : memref<8192x128xf32, #tpu.memory_space<any>>)
    %dma_wait3A_1075 = arith.constant 1 : i32
    %dma_wait3A_1076 = arith.constant 7 : i32
    %dma_wait3A_1077 = arith.constant 1 : i32
    %dma_wait3A_1078 = tpu.memref_slice %arg4[%dma_wait3A_1077] : memref<6x!tpu.dma_semaphore, #tpu.memory_space<semaphore_mem>> -> memref<1x!tpu.dma_semaphore, #tpu.memory_space<semaphore_mem>>
    %dma_wait3A_1079 = tpu.memref_squeeze %dma_wait3A_1078 : memref<1x!tpu.dma_semaphore, #tpu.memory_space<semaphore_mem>> -> memref<!tpu.dma_semaphore, #tpu.memory_space<semaphore_mem>>
    %dma_wait3A_1080 = arith.constant 8192 : i32
    %dma_wait3A_1081 = arith.constant 0 : i32
    %dma_wait3A_1082 = tpu.memref_slice %arg1[%dma_wait3A_1076, %dma_wait3A_1080, %dma_wait3A_1081] : memref<8x49688x128xf32, #tpu.memory_space<any>> -> memref<1x8192x128xf32, #tpu.memory_space<any>>
    %dma_wait3A_1083 = tpu.memref_squeeze %dma_wait3A_1082 : memref<1x8192x128xf32, #tpu.memory_space<any>> -> memref<8192x128xf32, #tpu.memory_space<any>>
    %dma_wait3A_1084 = arith.constant 0 : i32
    %dma_wait3A_1085 = arith.constant 0 : i32
    %dma_wait3A_1086 = tpu.memref_slice %arg2[%dma_wait3A_1075, %dma_wait3A_1084, %dma_wait3A_1085] : memref<6x8192x128xf32, #tpu.memory_space<vmem>> -> memref<1x8192x128xf32, #tpu.memory_space<vmem>>
    %dma_wait3A_1087 = tpu.memref_squeeze %dma_wait3A_1086 : memref<1x8192x128xf32, #tpu.memory_space<vmem>> -> memref<8192x128xf32, #tpu.memory_space<vmem>>
    tpu.wait_dma2 semaphore(%dma_wait3A_1079 : memref<!tpu.dma_semaphore, #tpu.memory_space<semaphore_mem>>) src(%dma_wait3A_1087 : memref<8192x128xf32, #tpu.memory_space<vmem>>) dst(%dma_wait3A_1083 : memref<8192x128xf32, #tpu.memory_space<any>>)
    %dma_wait3A_1088 = arith.constant 2 : i32
    %dma_wait3A_1089 = arith.constant 0 : i32
    %dma_wait3A_1090 = arith.constant 2 : i32
    %dma_wait3A_1091 = tpu.memref_slice %arg4[%dma_wait3A_1090] : memref<6x!tpu.dma_semaphore, #tpu.memory_space<semaphore_mem>> -> memref<1x!tpu.dma_semaphore, #tpu.memory_space<semaphore_mem>>
    %dma_wait3A_1092 = tpu.memref_squeeze %dma_wait3A_1091 : memref<1x!tpu.dma_semaphore, #tpu.memory_space<semaphore_mem>> -> memref<!tpu.dma_semaphore, #tpu.memory_space<semaphore_mem>>
    %dma_wait3A_1093 = arith.constant 16384 : i32
    %dma_wait3A_1094 = arith.constant 0 : i32
    %dma_wait3A_1095 = tpu.memref_slice %arg1[%dma_wait3A_1089, %dma_wait3A_1093, %dma_wait3A_1094] : memref<8x49688x128xf32, #tpu.memory_space<any>> -> memref<1x8192x128xf32, #tpu.memory_space<any>>
    %dma_wait3A_1096 = tpu.memref_squeeze %dma_wait3A_1095 : memref<1x8192x128xf32, #tpu.memory_space<any>> -> memref<8192x128xf32, #tpu.memory_space<any>>
    %dma_wait3A_1097 = arith.constant 0 : i32
    %dma_wait3A_1098 = arith.constant 0 : i32
    %dma_wait3A_1099 = tpu.memref_slice %arg2[%dma_wait3A_1088, %dma_wait3A_1097, %dma_wait3A_1098] : memref<6x8192x128xf32, #tpu.memory_space<vmem>> -> memref<1x8192x128xf32, #tpu.memory_space<vmem>>
    %dma_wait3A_1100 = tpu.memref_squeeze %dma_wait3A_1099 : memref<1x8192x128xf32, #tpu.memory_space<vmem>> -> memref<8192x128xf32, #tpu.memory_space<vmem>>
    tpu.wait_dma2 semaphore(%dma_wait3A_1092 : memref<!tpu.dma_semaphore, #tpu.memory_space<semaphore_mem>>) src(%dma_wait3A_1100 : memref<8192x128xf32, #tpu.memory_space<vmem>>) dst(%dma_wait3A_1096 : memref<8192x128xf32, #tpu.memory_space<any>>)
    %dma_wait3A_1101 = arith.constant 2 : i32
    %dma_wait3A_1102 = arith.constant 1 : i32
    %dma_wait3A_1103 = arith.constant 2 : i32
    %dma_wait3A_1104 = tpu.memref_slice %arg4[%dma_wait3A_1103] : memref<6x!tpu.dma_semaphore, #tpu.memory_space<semaphore_mem>> -> memref<1x!tpu.dma_semaphore, #tpu.memory_space<semaphore_mem>>
    %dma_wait3A_1105 = tpu.memref_squeeze %dma_wait3A_1104 : memref<1x!tpu.dma_semaphore, #tpu.memory_space<semaphore_mem>> -> memref<!tpu.dma_semaphore, #tpu.memory_space<semaphore_mem>>
    %dma_wait3A_1106 = arith.constant 16384 : i32
    %dma_wait3A_1107 = arith.constant 0 : i32
    %dma_wait3A_1108 = tpu.memref_slice %arg1[%dma_wait3A_1102, %dma_wait3A_1106, %dma_wait3A_1107] : memref<8x49688x128xf32, #tpu.memory_space<any>> -> memref<1x8192x128xf32, #tpu.memory_space<any>>
    %dma_wait3A_1109 = tpu.memref_squeeze %dma_wait3A_1108 : memref<1x8192x128xf32, #tpu.memory_space<any>> -> memref<8192x128xf32, #tpu.memory_space<any>>
    %dma_wait3A_1110 = arith.constant 0 : i32
    %dma_wait3A_1111 = arith.constant 0 : i32
    %dma_wait3A_1112 = tpu.memref_slice %arg2[%dma_wait3A_1101, %dma_wait3A_1110, %dma_wait3A_1111] : memref<6x8192x128xf32, #tpu.memory_space<vmem>> -> memref<1x8192x128xf32, #tpu.memory_space<vmem>>
    %dma_wait3A_1113 = tpu.memref_squeeze %dma_wait3A_1112 : memref<1x8192x128xf32, #tpu.memory_space<vmem>> -> memref<8192x128xf32, #tpu.memory_space<vmem>>
    tpu.wait_dma2 semaphore(%dma_wait3A_1105 : memref<!tpu.dma_semaphore, #tpu.memory_space<semaphore_mem>>) src(%dma_wait3A_1113 : memref<8192x128xf32, #tpu.memory_space<vmem>>) dst(%dma_wait3A_1109 : memref<8192x128xf32, #tpu.memory_space<any>>)
    %dma_wait3A_1114 = arith.constant 2 : i32
    %dma_wait3A_1115 = arith.constant 2 : i32
    %dma_wait3A_1116 = arith.constant 2 : i32
    %dma_wait3A_1117 = tpu.memref_slice %arg4[%dma_wait3A_1116] : memref<6x!tpu.dma_semaphore, #tpu.memory_space<semaphore_mem>> -> memref<1x!tpu.dma_semaphore, #tpu.memory_space<semaphore_mem>>
    %dma_wait3A_1118 = tpu.memref_squeeze %dma_wait3A_1117 : memref<1x!tpu.dma_semaphore, #tpu.memory_space<semaphore_mem>> -> memref<!tpu.dma_semaphore, #tpu.memory_space<semaphore_mem>>
    %dma_wait3A_1119 = arith.constant 16384 : i32
    %dma_wait3A_1120 = arith.constant 0 : i32
    %dma_wait3A_1121 = tpu.memref_slice %arg1[%dma_wait3A_1115, %dma_wait3A_1119, %dma_wait3A_1120] : memref<8x49688x128xf32, #tpu.memory_space<any>> -> memref<1x8192x128xf32, #tpu.memory_space<any>>
    %dma_wait3A_1122 = tpu.memref_squeeze %dma_wait3A_1121 : memref<1x8192x128xf32, #tpu.memory_space<any>> -> memref<8192x128xf32, #tpu.memory_space<any>>
    %dma_wait3A_1123 = arith.constant 0 : i32
    %dma_wait3A_1124 = arith.constant 0 : i32
    %dma_wait3A_1125 = tpu.memref_slice %arg2[%dma_wait3A_1114, %dma_wait3A_1123, %dma_wait3A_1124] : memref<6x8192x128xf32, #tpu.memory_space<vmem>> -> memref<1x8192x128xf32, #tpu.memory_space<vmem>>
    %dma_wait3A_1126 = tpu.memref_squeeze %dma_wait3A_1125 : memref<1x8192x128xf32, #tpu.memory_space<vmem>> -> memref<8192x128xf32, #tpu.memory_space<vmem>>
    tpu.wait_dma2 semaphore(%dma_wait3A_1118 : memref<!tpu.dma_semaphore, #tpu.memory_space<semaphore_mem>>) src(%dma_wait3A_1126 : memref<8192x128xf32, #tpu.memory_space<vmem>>) dst(%dma_wait3A_1122 : memref<8192x128xf32, #tpu.memory_space<any>>)
    %dma_wait3A_1127 = arith.constant 2 : i32
    %dma_wait3A_1128 = arith.constant 3 : i32
    %dma_wait3A_1129 = arith.constant 2 : i32
    %dma_wait3A_1130 = tpu.memref_slice %arg4[%dma_wait3A_1129] : memref<6x!tpu.dma_semaphore, #tpu.memory_space<semaphore_mem>> -> memref<1x!tpu.dma_semaphore, #tpu.memory_space<semaphore_mem>>
    %dma_wait3A_1131 = tpu.memref_squeeze %dma_wait3A_1130 : memref<1x!tpu.dma_semaphore, #tpu.memory_space<semaphore_mem>> -> memref<!tpu.dma_semaphore, #tpu.memory_space<semaphore_mem>>
    %dma_wait3A_1132 = arith.constant 16384 : i32
    %dma_wait3A_1133 = arith.constant 0 : i32
    %dma_wait3A_1134 = tpu.memref_slice %arg1[%dma_wait3A_1128, %dma_wait3A_1132, %dma_wait3A_1133] : memref<8x49688x128xf32, #tpu.memory_space<any>> -> memref<1x8192x128xf32, #tpu.memory_space<any>>
    %dma_wait3A_1135 = tpu.memref_squeeze %dma_wait3A_1134 : memref<1x8192x128xf32, #tpu.memory_space<any>> -> memref<8192x128xf32, #tpu.memory_space<any>>
    %dma_wait3A_1136 = arith.constant 0 : i32
    %dma_wait3A_1137 = arith.constant 0 : i32
    %dma_wait3A_1138 = tpu.memref_slice %arg2[%dma_wait3A_1127, %dma_wait3A_1136, %dma_wait3A_1137] : memref<6x8192x128xf32, #tpu.memory_space<vmem>> -> memref<1x8192x128xf32, #tpu.memory_space<vmem>>
    %dma_wait3A_1139 = tpu.memref_squeeze %dma_wait3A_1138 : memref<1x8192x128xf32, #tpu.memory_space<vmem>> -> memref<8192x128xf32, #tpu.memory_space<vmem>>
    tpu.wait_dma2 semaphore(%dma_wait3A_1131 : memref<!tpu.dma_semaphore, #tpu.memory_space<semaphore_mem>>) src(%dma_wait3A_1139 : memref<8192x128xf32, #tpu.memory_space<vmem>>) dst(%dma_wait3A_1135 : memref<8192x128xf32, #tpu.memory_space<any>>)
    %dma_wait3A_1140 = arith.constant 2 : i32
    %dma_wait3A_1141 = arith.constant 4 : i32
    %dma_wait3A_1142 = arith.constant 2 : i32
    %dma_wait3A_1143 = tpu.memref_slice %arg4[%dma_wait3A_1142] : memref<6x!tpu.dma_semaphore, #tpu.memory_space<semaphore_mem>> -> memref<1x!tpu.dma_semaphore, #tpu.memory_space<semaphore_mem>>
    %dma_wait3A_1144 = tpu.memref_squeeze %dma_wait3A_1143 : memref<1x!tpu.dma_semaphore, #tpu.memory_space<semaphore_mem>> -> memref<!tpu.dma_semaphore, #tpu.memory_space<semaphore_mem>>
    %dma_wait3A_1145 = arith.constant 16384 : i32
    %dma_wait3A_1146 = arith.constant 0 : i32
    %dma_wait3A_1147 = tpu.memref_slice %arg1[%dma_wait3A_1141, %dma_wait3A_1145, %dma_wait3A_1146] : memref<8x49688x128xf32, #tpu.memory_space<any>> -> memref<1x8192x128xf32, #tpu.memory_space<any>>
    %dma_wait3A_1148 = tpu.memref_squeeze %dma_wait3A_1147 : memref<1x8192x128xf32, #tpu.memory_space<any>> -> memref<8192x128xf32, #tpu.memory_space<any>>
    %dma_wait3A_1149 = arith.constant 0 : i32
    %dma_wait3A_1150 = arith.constant 0 : i32
    %dma_wait3A_1151 = tpu.memref_slice %arg2[%dma_wait3A_1140, %dma_wait3A_1149, %dma_wait3A_1150] : memref<6x8192x128xf32, #tpu.memory_space<vmem>> -> memref<1x8192x128xf32, #tpu.memory_space<vmem>>
    %dma_wait3A_1152 = tpu.memref_squeeze %dma_wait3A_1151 : memref<1x8192x128xf32, #tpu.memory_space<vmem>> -> memref<8192x128xf32, #tpu.memory_space<vmem>>
    tpu.wait_dma2 semaphore(%dma_wait3A_1144 : memref<!tpu.dma_semaphore, #tpu.memory_space<semaphore_mem>>) src(%dma_wait3A_1152 : memref<8192x128xf32, #tpu.memory_space<vmem>>) dst(%dma_wait3A_1148 : memref<8192x128xf32, #tpu.memory_space<any>>)
    %dma_wait3A_1153 = arith.constant 2 : i32
    %dma_wait3A_1154 = arith.constant 5 : i32
    %dma_wait3A_1155 = arith.constant 2 : i32
    %dma_wait3A_1156 = tpu.memref_slice %arg4[%dma_wait3A_1155] : memref<6x!tpu.dma_semaphore, #tpu.memory_space<semaphore_mem>> -> memref<1x!tpu.dma_semaphore, #tpu.memory_space<semaphore_mem>>
    %dma_wait3A_1157 = tpu.memref_squeeze %dma_wait3A_1156 : memref<1x!tpu.dma_semaphore, #tpu.memory_space<semaphore_mem>> -> memref<!tpu.dma_semaphore, #tpu.memory_space<semaphore_mem>>
    %dma_wait3A_1158 = arith.constant 16384 : i32
    %dma_wait3A_1159 = arith.constant 0 : i32
    %dma_wait3A_1160 = tpu.memref_slice %arg1[%dma_wait3A_1154, %dma_wait3A_1158, %dma_wait3A_1159] : memref<8x49688x128xf32, #tpu.memory_space<any>> -> memref<1x8192x128xf32, #tpu.memory_space<any>>
    %dma_wait3A_1161 = tpu.memref_squeeze %dma_wait3A_1160 : memref<1x8192x128xf32, #tpu.memory_space<any>> -> memref<8192x128xf32, #tpu.memory_space<any>>
    %dma_wait3A_1162 = arith.constant 0 : i32
    %dma_wait3A_1163 = arith.constant 0 : i32
    %dma_wait3A_1164 = tpu.memref_slice %arg2[%dma_wait3A_1153, %dma_wait3A_1162, %dma_wait3A_1163] : memref<6x8192x128xf32, #tpu.memory_space<vmem>> -> memref<1x8192x128xf32, #tpu.memory_space<vmem>>
    %dma_wait3A_1165 = tpu.memref_squeeze %dma_wait3A_1164 : memref<1x8192x128xf32, #tpu.memory_space<vmem>> -> memref<8192x128xf32, #tpu.memory_space<vmem>>
    tpu.wait_dma2 semaphore(%dma_wait3A_1157 : memref<!tpu.dma_semaphore, #tpu.memory_space<semaphore_mem>>) src(%dma_wait3A_1165 : memref<8192x128xf32, #tpu.memory_space<vmem>>) dst(%dma_wait3A_1161 : memref<8192x128xf32, #tpu.memory_space<any>>)
    %dma_wait3A_1166 = arith.constant 2 : i32
    %dma_wait3A_1167 = arith.constant 6 : i32
    %dma_wait3A_1168 = arith.constant 2 : i32
    %dma_wait3A_1169 = tpu.memref_slice %arg4[%dma_wait3A_1168] : memref<6x!tpu.dma_semaphore, #tpu.memory_space<semaphore_mem>> -> memref<1x!tpu.dma_semaphore, #tpu.memory_space<semaphore_mem>>
    %dma_wait3A_1170 = tpu.memref_squeeze %dma_wait3A_1169 : memref<1x!tpu.dma_semaphore, #tpu.memory_space<semaphore_mem>> -> memref<!tpu.dma_semaphore, #tpu.memory_space<semaphore_mem>>
    %dma_wait3A_1171 = arith.constant 16384 : i32
    %dma_wait3A_1172 = arith.constant 0 : i32
    %dma_wait3A_1173 = tpu.memref_slice %arg1[%dma_wait3A_1167, %dma_wait3A_1171, %dma_wait3A_1172] : memref<8x49688x128xf32, #tpu.memory_space<any>> -> memref<1x8192x128xf32, #tpu.memory_space<any>>
    %dma_wait3A_1174 = tpu.memref_squeeze %dma_wait3A_1173 : memref<1x8192x128xf32, #tpu.memory_space<any>> -> memref<8192x128xf32, #tpu.memory_space<any>>
    %dma_wait3A_1175 = arith.constant 0 : i32
    %dma_wait3A_1176 = arith.constant 0 : i32
    %dma_wait3A_1177 = tpu.memref_slice %arg2[%dma_wait3A_1166, %dma_wait3A_1175, %dma_wait3A_1176] : memref<6x8192x128xf32, #tpu.memory_space<vmem>> -> memref<1x8192x128xf32, #tpu.memory_space<vmem>>
    %dma_wait3A_1178 = tpu.memref_squeeze %dma_wait3A_1177 : memref<1x8192x128xf32, #tpu.memory_space<vmem>> -> memref<8192x128xf32, #tpu.memory_space<vmem>>
    tpu.wait_dma2 semaphore(%dma_wait3A_1170 : memref<!tpu.dma_semaphore, #tpu.memory_space<semaphore_mem>>) src(%dma_wait3A_1178 : memref<8192x128xf32, #tpu.memory_space<vmem>>) dst(%dma_wait3A_1174 : memref<8192x128xf32, #tpu.memory_space<any>>)
    %dma_wait3A_1179 = arith.constant 2 : i32
    %dma_wait3A_1180 = arith.constant 7 : i32
    %dma_wait3A_1181 = arith.constant 2 : i32
    %dma_wait3A_1182 = tpu.memref_slice %arg4[%dma_wait3A_1181] : memref<6x!tpu.dma_semaphore, #tpu.memory_space<semaphore_mem>> -> memref<1x!tpu.dma_semaphore, #tpu.memory_space<semaphore_mem>>
    %dma_wait3A_1183 = tpu.memref_squeeze %dma_wait3A_1182 : memref<1x!tpu.dma_semaphore, #tpu.memory_space<semaphore_mem>> -> memref<!tpu.dma_semaphore, #tpu.memory_space<semaphore_mem>>
    %dma_wait3A_1184 = arith.constant 16384 : i32
    %dma_wait3A_1185 = arith.constant 0 : i32
    %dma_wait3A_1186 = tpu.memref_slice %arg1[%dma_wait3A_1180, %dma_wait3A_1184, %dma_wait3A_1185] : memref<8x49688x128xf32, #tpu.memory_space<any>> -> memref<1x8192x128xf32, #tpu.memory_space<any>>
    %dma_wait3A_1187 = tpu.memref_squeeze %dma_wait3A_1186 : memref<1x8192x128xf32, #tpu.memory_space<any>> -> memref<8192x128xf32, #tpu.memory_space<any>>
    %dma_wait3A_1188 = arith.constant 0 : i32
    %dma_wait3A_1189 = arith.constant 0 : i32
    %dma_wait3A_1190 = tpu.memref_slice %arg2[%dma_wait3A_1179, %dma_wait3A_1188, %dma_wait3A_1189] : memref<6x8192x128xf32, #tpu.memory_space<vmem>> -> memref<1x8192x128xf32, #tpu.memory_space<vmem>>
    %dma_wait3A_1191 = tpu.memref_squeeze %dma_wait3A_1190 : memref<1x8192x128xf32, #tpu.memory_space<vmem>> -> memref<8192x128xf32, #tpu.memory_space<vmem>>
    tpu.wait_dma2 semaphore(%dma_wait3A_1183 : memref<!tpu.dma_semaphore, #tpu.memory_space<semaphore_mem>>) src(%dma_wait3A_1191 : memref<8192x128xf32, #tpu.memory_space<vmem>>) dst(%dma_wait3A_1187 : memref<8192x128xf32, #tpu.memory_space<any>>)
    %dma_wait3A_1192 = arith.constant 3 : i32
    %dma_wait3A_1193 = arith.constant 0 : i32
    %dma_wait3A_1194 = arith.constant 3 : i32
    %dma_wait3A_1195 = tpu.memref_slice %arg4[%dma_wait3A_1194] : memref<6x!tpu.dma_semaphore, #tpu.memory_space<semaphore_mem>> -> memref<1x!tpu.dma_semaphore, #tpu.memory_space<semaphore_mem>>
    %dma_wait3A_1196 = tpu.memref_squeeze %dma_wait3A_1195 : memref<1x!tpu.dma_semaphore, #tpu.memory_space<semaphore_mem>> -> memref<!tpu.dma_semaphore, #tpu.memory_space<semaphore_mem>>
    %dma_wait3A_1197 = arith.constant 24576 : i32
    %dma_wait3A_1198 = arith.constant 0 : i32
    %dma_wait3A_1199 = tpu.memref_slice %arg1[%dma_wait3A_1193, %dma_wait3A_1197, %dma_wait3A_1198] : memref<8x49688x128xf32, #tpu.memory_space<any>> -> memref<1x8192x128xf32, #tpu.memory_space<any>>
    %dma_wait3A_1200 = tpu.memref_squeeze %dma_wait3A_1199 : memref<1x8192x128xf32, #tpu.memory_space<any>> -> memref<8192x128xf32, #tpu.memory_space<any>>
    %dma_wait3A_1201 = arith.constant 0 : i32
    %dma_wait3A_1202 = arith.constant 0 : i32
    %dma_wait3A_1203 = tpu.memref_slice %arg2[%dma_wait3A_1192, %dma_wait3A_1201, %dma_wait3A_1202] : memref<6x8192x128xf32, #tpu.memory_space<vmem>> -> memref<1x8192x128xf32, #tpu.memory_space<vmem>>
    %dma_wait3A_1204 = tpu.memref_squeeze %dma_wait3A_1203 : memref<1x8192x128xf32, #tpu.memory_space<vmem>> -> memref<8192x128xf32, #tpu.memory_space<vmem>>
    tpu.wait_dma2 semaphore(%dma_wait3A_1196 : memref<!tpu.dma_semaphore, #tpu.memory_space<semaphore_mem>>) src(%dma_wait3A_1204 : memref<8192x128xf32, #tpu.memory_space<vmem>>) dst(%dma_wait3A_1200 : memref<8192x128xf32, #tpu.memory_space<any>>)
    %dma_wait3A_1205 = arith.constant 3 : i32
    %dma_wait3A_1206 = arith.constant 1 : i32
    %dma_wait3A_1207 = arith.constant 3 : i32
    %dma_wait3A_1208 = tpu.memref_slice %arg4[%dma_wait3A_1207] : memref<6x!tpu.dma_semaphore, #tpu.memory_space<semaphore_mem>> -> memref<1x!tpu.dma_semaphore, #tpu.memory_space<semaphore_mem>>
    %dma_wait3A_1209 = tpu.memref_squeeze %dma_wait3A_1208 : memref<1x!tpu.dma_semaphore, #tpu.memory_space<semaphore_mem>> -> memref<!tpu.dma_semaphore, #tpu.memory_space<semaphore_mem>>
    %dma_wait3A_1210 = arith.constant 24576 : i32
    %dma_wait3A_1211 = arith.constant 0 : i32
    %dma_wait3A_1212 = tpu.memref_slice %arg1[%dma_wait3A_1206, %dma_wait3A_1210, %dma_wait3A_1211] : memref<8x49688x128xf32, #tpu.memory_space<any>> -> memref<1x8192x128xf32, #tpu.memory_space<any>>
    %dma_wait3A_1213 = tpu.memref_squeeze %dma_wait3A_1212 : memref<1x8192x128xf32, #tpu.memory_space<any>> -> memref<8192x128xf32, #tpu.memory_space<any>>
    %dma_wait3A_1214 = arith.constant 0 : i32
    %dma_wait3A_1215 = arith.constant 0 : i32
    %dma_wait3A_1216 = tpu.memref_slice %arg2[%dma_wait3A_1205, %dma_wait3A_1214, %dma_wait3A_1215] : memref<6x8192x128xf32, #tpu.memory_space<vmem>> -> memref<1x8192x128xf32, #tpu.memory_space<vmem>>
    %dma_wait3A_1217 = tpu.memref_squeeze %dma_wait3A_1216 : memref<1x8192x128xf32, #tpu.memory_space<vmem>> -> memref<8192x128xf32, #tpu.memory_space<vmem>>
    tpu.wait_dma2 semaphore(%dma_wait3A_1209 : memref<!tpu.dma_semaphore, #tpu.memory_space<semaphore_mem>>) src(%dma_wait3A_1217 : memref<8192x128xf32, #tpu.memory_space<vmem>>) dst(%dma_wait3A_1213 : memref<8192x128xf32, #tpu.memory_space<any>>)
    %dma_wait3A_1218 = arith.constant 3 : i32
    %dma_wait3A_1219 = arith.constant 2 : i32
    %dma_wait3A_1220 = arith.constant 3 : i32
    %dma_wait3A_1221 = tpu.memref_slice %arg4[%dma_wait3A_1220] : memref<6x!tpu.dma_semaphore, #tpu.memory_space<semaphore_mem>> -> memref<1x!tpu.dma_semaphore, #tpu.memory_space<semaphore_mem>>
    %dma_wait3A_1222 = tpu.memref_squeeze %dma_wait3A_1221 : memref<1x!tpu.dma_semaphore, #tpu.memory_space<semaphore_mem>> -> memref<!tpu.dma_semaphore, #tpu.memory_space<semaphore_mem>>
    %dma_wait3A_1223 = arith.constant 24576 : i32
    %dma_wait3A_1224 = arith.constant 0 : i32
    %dma_wait3A_1225 = tpu.memref_slice %arg1[%dma_wait3A_1219, %dma_wait3A_1223, %dma_wait3A_1224] : memref<8x49688x128xf32, #tpu.memory_space<any>> -> memref<1x8192x128xf32, #tpu.memory_space<any>>
    %dma_wait3A_1226 = tpu.memref_squeeze %dma_wait3A_1225 : memref<1x8192x128xf32, #tpu.memory_space<any>> -> memref<8192x128xf32, #tpu.memory_space<any>>
    %dma_wait3A_1227 = arith.constant 0 : i32
    %dma_wait3A_1228 = arith.constant 0 : i32
    %dma_wait3A_1229 = tpu.memref_slice %arg2[%dma_wait3A_1218, %dma_wait3A_1227, %dma_wait3A_1228] : memref<6x8192x128xf32, #tpu.memory_space<vmem>> -> memref<1x8192x128xf32, #tpu.memory_space<vmem>>
    %dma_wait3A_1230 = tpu.memref_squeeze %dma_wait3A_1229 : memref<1x8192x128xf32, #tpu.memory_space<vmem>> -> memref<8192x128xf32, #tpu.memory_space<vmem>>
    tpu.wait_dma2 semaphore(%dma_wait3A_1222 : memref<!tpu.dma_semaphore, #tpu.memory_space<semaphore_mem>>) src(%dma_wait3A_1230 : memref<8192x128xf32, #tpu.memory_space<vmem>>) dst(%dma_wait3A_1226 : memref<8192x128xf32, #tpu.memory_space<any>>)
    %dma_wait3A_1231 = arith.constant 3 : i32
    %dma_wait3A_1232 = arith.constant 3 : i32
    %dma_wait3A_1233 = arith.constant 3 : i32
    %dma_wait3A_1234 = tpu.memref_slice %arg4[%dma_wait3A_1233] : memref<6x!tpu.dma_semaphore, #tpu.memory_space<semaphore_mem>> -> memref<1x!tpu.dma_semaphore, #tpu.memory_space<semaphore_mem>>
    %dma_wait3A_1235 = tpu.memref_squeeze %dma_wait3A_1234 : memref<1x!tpu.dma_semaphore, #tpu.memory_space<semaphore_mem>> -> memref<!tpu.dma_semaphore, #tpu.memory_space<semaphore_mem>>
    %dma_wait3A_1236 = arith.constant 24576 : i32
    %dma_wait3A_1237 = arith.constant 0 : i32
    %dma_wait3A_1238 = tpu.memref_slice %arg1[%dma_wait3A_1232, %dma_wait3A_1236, %dma_wait3A_1237] : memref<8x49688x128xf32, #tpu.memory_space<any>> -> memref<1x8192x128xf32, #tpu.memory_space<any>>
    %dma_wait3A_1239 = tpu.memref_squeeze %dma_wait3A_1238 : memref<1x8192x128xf32, #tpu.memory_space<any>> -> memref<8192x128xf32, #tpu.memory_space<any>>
    %dma_wait3A_1240 = arith.constant 0 : i32
    %dma_wait3A_1241 = arith.constant 0 : i32
    %dma_wait3A_1242 = tpu.memref_slice %arg2[%dma_wait3A_1231, %dma_wait3A_1240, %dma_wait3A_1241] : memref<6x8192x128xf32, #tpu.memory_space<vmem>> -> memref<1x8192x128xf32, #tpu.memory_space<vmem>>
    %dma_wait3A_1243 = tpu.memref_squeeze %dma_wait3A_1242 : memref<1x8192x128xf32, #tpu.memory_space<vmem>> -> memref<8192x128xf32, #tpu.memory_space<vmem>>
    tpu.wait_dma2 semaphore(%dma_wait3A_1235 : memref<!tpu.dma_semaphore, #tpu.memory_space<semaphore_mem>>) src(%dma_wait3A_1243 : memref<8192x128xf32, #tpu.memory_space<vmem>>) dst(%dma_wait3A_1239 : memref<8192x128xf32, #tpu.memory_space<any>>)
    %dma_wait3A_1244 = arith.constant 3 : i32
    %dma_wait3A_1245 = arith.constant 4 : i32
    %dma_wait3A_1246 = arith.constant 3 : i32
    %dma_wait3A_1247 = tpu.memref_slice %arg4[%dma_wait3A_1246] : memref<6x!tpu.dma_semaphore, #tpu.memory_space<semaphore_mem>> -> memref<1x!tpu.dma_semaphore, #tpu.memory_space<semaphore_mem>>
    %dma_wait3A_1248 = tpu.memref_squeeze %dma_wait3A_1247 : memref<1x!tpu.dma_semaphore, #tpu.memory_space<semaphore_mem>> -> memref<!tpu.dma_semaphore, #tpu.memory_space<semaphore_mem>>
    %dma_wait3A_1249 = arith.constant 24576 : i32
    %dma_wait3A_1250 = arith.constant 0 : i32
    %dma_wait3A_1251 = tpu.memref_slice %arg1[%dma_wait3A_1245, %dma_wait3A_1249, %dma_wait3A_1250] : memref<8x49688x128xf32, #tpu.memory_space<any>> -> memref<1x8192x128xf32, #tpu.memory_space<any>>
    %dma_wait3A_1252 = tpu.memref_squeeze %dma_wait3A_1251 : memref<1x8192x128xf32, #tpu.memory_space<any>> -> memref<8192x128xf32, #tpu.memory_space<any>>
    %dma_wait3A_1253 = arith.constant 0 : i32
    %dma_wait3A_1254 = arith.constant 0 : i32
    %dma_wait3A_1255 = tpu.memref_slice %arg2[%dma_wait3A_1244, %dma_wait3A_1253, %dma_wait3A_1254] : memref<6x8192x128xf32, #tpu.memory_space<vmem>> -> memref<1x8192x128xf32, #tpu.memory_space<vmem>>
    %dma_wait3A_1256 = tpu.memref_squeeze %dma_wait3A_1255 : memref<1x8192x128xf32, #tpu.memory_space<vmem>> -> memref<8192x128xf32, #tpu.memory_space<vmem>>
    tpu.wait_dma2 semaphore(%dma_wait3A_1248 : memref<!tpu.dma_semaphore, #tpu.memory_space<semaphore_mem>>) src(%dma_wait3A_1256 : memref<8192x128xf32, #tpu.memory_space<vmem>>) dst(%dma_wait3A_1252 : memref<8192x128xf32, #tpu.memory_space<any>>)
    %dma_wait3A_1257 = arith.constant 3 : i32
    %dma_wait3A_1258 = arith.constant 5 : i32
    %dma_wait3A_1259 = arith.constant 3 : i32
    %dma_wait3A_1260 = tpu.memref_slice %arg4[%dma_wait3A_1259] : memref<6x!tpu.dma_semaphore, #tpu.memory_space<semaphore_mem>> -> memref<1x!tpu.dma_semaphore, #tpu.memory_space<semaphore_mem>>
    %dma_wait3A_1261 = tpu.memref_squeeze %dma_wait3A_1260 : memref<1x!tpu.dma_semaphore, #tpu.memory_space<semaphore_mem>> -> memref<!tpu.dma_semaphore, #tpu.memory_space<semaphore_mem>>
    %dma_wait3A_1262 = arith.constant 24576 : i32
    %dma_wait3A_1263 = arith.constant 0 : i32
    %dma_wait3A_1264 = tpu.memref_slice %arg1[%dma_wait3A_1258, %dma_wait3A_1262, %dma_wait3A_1263] : memref<8x49688x128xf32, #tpu.memory_space<any>> -> memref<1x8192x128xf32, #tpu.memory_space<any>>
    %dma_wait3A_1265 = tpu.memref_squeeze %dma_wait3A_1264 : memref<1x8192x128xf32, #tpu.memory_space<any>> -> memref<8192x128xf32, #tpu.memory_space<any>>
    %dma_wait3A_1266 = arith.constant 0 : i32
    %dma_wait3A_1267 = arith.constant 0 : i32
    %dma_wait3A_1268 = tpu.memref_slice %arg2[%dma_wait3A_1257, %dma_wait3A_1266, %dma_wait3A_1267] : memref<6x8192x128xf32, #tpu.memory_space<vmem>> -> memref<1x8192x128xf32, #tpu.memory_space<vmem>>
    %dma_wait3A_1269 = tpu.memref_squeeze %dma_wait3A_1268 : memref<1x8192x128xf32, #tpu.memory_space<vmem>> -> memref<8192x128xf32, #tpu.memory_space<vmem>>
    tpu.wait_dma2 semaphore(%dma_wait3A_1261 : memref<!tpu.dma_semaphore, #tpu.memory_space<semaphore_mem>>) src(%dma_wait3A_1269 : memref<8192x128xf32, #tpu.memory_space<vmem>>) dst(%dma_wait3A_1265 : memref<8192x128xf32, #tpu.memory_space<any>>)
    %dma_wait3A_1270 = arith.constant 3 : i32
    %dma_wait3A_1271 = arith.constant 6 : i32
    %dma_wait3A_1272 = arith.constant 3 : i32
    %dma_wait3A_1273 = tpu.memref_slice %arg4[%dma_wait3A_1272] : memref<6x!tpu.dma_semaphore, #tpu.memory_space<semaphore_mem>> -> memref<1x!tpu.dma_semaphore, #tpu.memory_space<semaphore_mem>>
    %dma_wait3A_1274 = tpu.memref_squeeze %dma_wait3A_1273 : memref<1x!tpu.dma_semaphore, #tpu.memory_space<semaphore_mem>> -> memref<!tpu.dma_semaphore, #tpu.memory_space<semaphore_mem>>
    %dma_wait3A_1275 = arith.constant 24576 : i32
    %dma_wait3A_1276 = arith.constant 0 : i32
    %dma_wait3A_1277 = tpu.memref_slice %arg1[%dma_wait3A_1271, %dma_wait3A_1275, %dma_wait3A_1276] : memref<8x49688x128xf32, #tpu.memory_space<any>> -> memref<1x8192x128xf32, #tpu.memory_space<any>>
    %dma_wait3A_1278 = tpu.memref_squeeze %dma_wait3A_1277 : memref<1x8192x128xf32, #tpu.memory_space<any>> -> memref<8192x128xf32, #tpu.memory_space<any>>
    %dma_wait3A_1279 = arith.constant 0 : i32
    %dma_wait3A_1280 = arith.constant 0 : i32
    %dma_wait3A_1281 = tpu.memref_slice %arg2[%dma_wait3A_1270, %dma_wait3A_1279, %dma_wait3A_1280] : memref<6x8192x128xf32, #tpu.memory_space<vmem>> -> memref<1x8192x128xf32, #tpu.memory_space<vmem>>
    %dma_wait3A_1282 = tpu.memref_squeeze %dma_wait3A_1281 : memref<1x8192x128xf32, #tpu.memory_space<vmem>> -> memref<8192x128xf32, #tpu.memory_space<vmem>>
    tpu.wait_dma2 semaphore(%dma_wait3A_1274 : memref<!tpu.dma_semaphore, #tpu.memory_space<semaphore_mem>>) src(%dma_wait3A_1282 : memref<8192x128xf32, #tpu.memory_space<vmem>>) dst(%dma_wait3A_1278 : memref<8192x128xf32, #tpu.memory_space<any>>)
    %dma_wait3A_1283 = arith.constant 3 : i32
    %dma_wait3A_1284 = arith.constant 7 : i32
    %dma_wait3A_1285 = arith.constant 3 : i32
    %dma_wait3A_1286 = tpu.memref_slice %arg4[%dma_wait3A_1285] : memref<6x!tpu.dma_semaphore, #tpu.memory_space<semaphore_mem>> -> memref<1x!tpu.dma_semaphore, #tpu.memory_space<semaphore_mem>>
    %dma_wait3A_1287 = tpu.memref_squeeze %dma_wait3A_1286 : memref<1x!tpu.dma_semaphore, #tpu.memory_space<semaphore_mem>> -> memref<!tpu.dma_semaphore, #tpu.memory_space<semaphore_mem>>
    %dma_wait3A_1288 = arith.constant 24576 : i32
    %dma_wait3A_1289 = arith.constant 0 : i32
    %dma_wait3A_1290 = tpu.memref_slice %arg1[%dma_wait3A_1284, %dma_wait3A_1288, %dma_wait3A_1289] : memref<8x49688x128xf32, #tpu.memory_space<any>> -> memref<1x8192x128xf32, #tpu.memory_space<any>>
    %dma_wait3A_1291 = tpu.memref_squeeze %dma_wait3A_1290 : memref<1x8192x128xf32, #tpu.memory_space<any>> -> memref<8192x128xf32, #tpu.memory_space<any>>
    %dma_wait3A_1292 = arith.constant 0 : i32
    %dma_wait3A_1293 = arith.constant 0 : i32
    %dma_wait3A_1294 = tpu.memref_slice %arg2[%dma_wait3A_1283, %dma_wait3A_1292, %dma_wait3A_1293] : memref<6x8192x128xf32, #tpu.memory_space<vmem>> -> memref<1x8192x128xf32, #tpu.memory_space<vmem>>
    %dma_wait3A_1295 = tpu.memref_squeeze %dma_wait3A_1294 : memref<1x8192x128xf32, #tpu.memory_space<vmem>> -> memref<8192x128xf32, #tpu.memory_space<vmem>>
    tpu.wait_dma2 semaphore(%dma_wait3A_1287 : memref<!tpu.dma_semaphore, #tpu.memory_space<semaphore_mem>>) src(%dma_wait3A_1295 : memref<8192x128xf32, #tpu.memory_space<vmem>>) dst(%dma_wait3A_1291 : memref<8192x128xf32, #tpu.memory_space<any>>)
    %dma_wait3A_1296 = arith.constant 4 : i32
    %dma_wait3A_1297 = arith.constant 0 : i32
    %dma_wait3A_1298 = arith.constant 4 : i32
    %dma_wait3A_1299 = tpu.memref_slice %arg4[%dma_wait3A_1298] : memref<6x!tpu.dma_semaphore, #tpu.memory_space<semaphore_mem>> -> memref<1x!tpu.dma_semaphore, #tpu.memory_space<semaphore_mem>>
    %dma_wait3A_1300 = tpu.memref_squeeze %dma_wait3A_1299 : memref<1x!tpu.dma_semaphore, #tpu.memory_space<semaphore_mem>> -> memref<!tpu.dma_semaphore, #tpu.memory_space<semaphore_mem>>
    %dma_wait3A_1301 = arith.constant 32768 : i32
    %dma_wait3A_1302 = arith.constant 0 : i32
    %dma_wait3A_1303 = tpu.memref_slice %arg1[%dma_wait3A_1297, %dma_wait3A_1301, %dma_wait3A_1302] : memref<8x49688x128xf32, #tpu.memory_space<any>> -> memref<1x8192x128xf32, #tpu.memory_space<any>>
    %dma_wait3A_1304 = tpu.memref_squeeze %dma_wait3A_1303 : memref<1x8192x128xf32, #tpu.memory_space<any>> -> memref<8192x128xf32, #tpu.memory_space<any>>
    %dma_wait3A_1305 = arith.constant 0 : i32
    %dma_wait3A_1306 = arith.constant 0 : i32
    %dma_wait3A_1307 = tpu.memref_slice %arg2[%dma_wait3A_1296, %dma_wait3A_1305, %dma_wait3A_1306] : memref<6x8192x128xf32, #tpu.memory_space<vmem>> -> memref<1x8192x128xf32, #tpu.memory_space<vmem>>
    %dma_wait3A_1308 = tpu.memref_squeeze %dma_wait3A_1307 : memref<1x8192x128xf32, #tpu.memory_space<vmem>> -> memref<8192x128xf32, #tpu.memory_space<vmem>>
    tpu.wait_dma2 semaphore(%dma_wait3A_1300 : memref<!tpu.dma_semaphore, #tpu.memory_space<semaphore_mem>>) src(%dma_wait3A_1308 : memref<8192x128xf32, #tpu.memory_space<vmem>>) dst(%dma_wait3A_1304 : memref<8192x128xf32, #tpu.memory_space<any>>)
    %dma_wait3A_1309 = arith.constant 4 : i32
    %dma_wait3A_1310 = arith.constant 1 : i32
    %dma_wait3A_1311 = arith.constant 4 : i32
    %dma_wait3A_1312 = tpu.memref_slice %arg4[%dma_wait3A_1311] : memref<6x!tpu.dma_semaphore, #tpu.memory_space<semaphore_mem>> -> memref<1x!tpu.dma_semaphore, #tpu.memory_space<semaphore_mem>>
    %dma_wait3A_1313 = tpu.memref_squeeze %dma_wait3A_1312 : memref<1x!tpu.dma_semaphore, #tpu.memory_space<semaphore_mem>> -> memref<!tpu.dma_semaphore, #tpu.memory_space<semaphore_mem>>
    %dma_wait3A_1314 = arith.constant 32768 : i32
    %dma_wait3A_1315 = arith.constant 0 : i32
    %dma_wait3A_1316 = tpu.memref_slice %arg1[%dma_wait3A_1310, %dma_wait3A_1314, %dma_wait3A_1315] : memref<8x49688x128xf32, #tpu.memory_space<any>> -> memref<1x8192x128xf32, #tpu.memory_space<any>>
    %dma_wait3A_1317 = tpu.memref_squeeze %dma_wait3A_1316 : memref<1x8192x128xf32, #tpu.memory_space<any>> -> memref<8192x128xf32, #tpu.memory_space<any>>
    %dma_wait3A_1318 = arith.constant 0 : i32
    %dma_wait3A_1319 = arith.constant 0 : i32
    %dma_wait3A_1320 = tpu.memref_slice %arg2[%dma_wait3A_1309, %dma_wait3A_1318, %dma_wait3A_1319] : memref<6x8192x128xf32, #tpu.memory_space<vmem>> -> memref<1x8192x128xf32, #tpu.memory_space<vmem>>
    %dma_wait3A_1321 = tpu.memref_squeeze %dma_wait3A_1320 : memref<1x8192x128xf32, #tpu.memory_space<vmem>> -> memref<8192x128xf32, #tpu.memory_space<vmem>>
    tpu.wait_dma2 semaphore(%dma_wait3A_1313 : memref<!tpu.dma_semaphore, #tpu.memory_space<semaphore_mem>>) src(%dma_wait3A_1321 : memref<8192x128xf32, #tpu.memory_space<vmem>>) dst(%dma_wait3A_1317 : memref<8192x128xf32, #tpu.memory_space<any>>)
    %dma_wait3A_1322 = arith.constant 4 : i32
    %dma_wait3A_1323 = arith.constant 2 : i32
    %dma_wait3A_1324 = arith.constant 4 : i32
    %dma_wait3A_1325 = tpu.memref_slice %arg4[%dma_wait3A_1324] : memref<6x!tpu.dma_semaphore, #tpu.memory_space<semaphore_mem>> -> memref<1x!tpu.dma_semaphore, #tpu.memory_space<semaphore_mem>>
    %dma_wait3A_1326 = tpu.memref_squeeze %dma_wait3A_1325 : memref<1x!tpu.dma_semaphore, #tpu.memory_space<semaphore_mem>> -> memref<!tpu.dma_semaphore, #tpu.memory_space<semaphore_mem>>
    %dma_wait3A_1327 = arith.constant 32768 : i32
    %dma_wait3A_1328 = arith.constant 0 : i32
    %dma_wait3A_1329 = tpu.memref_slice %arg1[%dma_wait3A_1323, %dma_wait3A_1327, %dma_wait3A_1328] : memref<8x49688x128xf32, #tpu.memory_space<any>> -> memref<1x8192x128xf32, #tpu.memory_space<any>>
    %dma_wait3A_1330 = tpu.memref_squeeze %dma_wait3A_1329 : memref<1x8192x128xf32, #tpu.memory_space<any>> -> memref<8192x128xf32, #tpu.memory_space<any>>
    %dma_wait3A_1331 = arith.constant 0 : i32
    %dma_wait3A_1332 = arith.constant 0 : i32
    %dma_wait3A_1333 = tpu.memref_slice %arg2[%dma_wait3A_1322, %dma_wait3A_1331, %dma_wait3A_1332] : memref<6x8192x128xf32, #tpu.memory_space<vmem>> -> memref<1x8192x128xf32, #tpu.memory_space<vmem>>
    %dma_wait3A_1334 = tpu.memref_squeeze %dma_wait3A_1333 : memref<1x8192x128xf32, #tpu.memory_space<vmem>> -> memref<8192x128xf32, #tpu.memory_space<vmem>>
    tpu.wait_dma2 semaphore(%dma_wait3A_1326 : memref<!tpu.dma_semaphore, #tpu.memory_space<semaphore_mem>>) src(%dma_wait3A_1334 : memref<8192x128xf32, #tpu.memory_space<vmem>>) dst(%dma_wait3A_1330 : memref<8192x128xf32, #tpu.memory_space<any>>)
    %dma_wait3A_1335 = arith.constant 4 : i32
    %dma_wait3A_1336 = arith.constant 3 : i32
    %dma_wait3A_1337 = arith.constant 4 : i32
    %dma_wait3A_1338 = tpu.memref_slice %arg4[%dma_wait3A_1337] : memref<6x!tpu.dma_semaphore, #tpu.memory_space<semaphore_mem>> -> memref<1x!tpu.dma_semaphore, #tpu.memory_space<semaphore_mem>>
    %dma_wait3A_1339 = tpu.memref_squeeze %dma_wait3A_1338 : memref<1x!tpu.dma_semaphore, #tpu.memory_space<semaphore_mem>> -> memref<!tpu.dma_semaphore, #tpu.memory_space<semaphore_mem>>
    %dma_wait3A_1340 = arith.constant 32768 : i32
    %dma_wait3A_1341 = arith.constant 0 : i32
    %dma_wait3A_1342 = tpu.memref_slice %arg1[%dma_wait3A_1336, %dma_wait3A_1340, %dma_wait3A_1341] : memref<8x49688x128xf32, #tpu.memory_space<any>> -> memref<1x8192x128xf32, #tpu.memory_space<any>>
    %dma_wait3A_1343 = tpu.memref_squeeze %dma_wait3A_1342 : memref<1x8192x128xf32, #tpu.memory_space<any>> -> memref<8192x128xf32, #tpu.memory_space<any>>
    %dma_wait3A_1344 = arith.constant 0 : i32
    %dma_wait3A_1345 = arith.constant 0 : i32
    %dma_wait3A_1346 = tpu.memref_slice %arg2[%dma_wait3A_1335, %dma_wait3A_1344, %dma_wait3A_1345] : memref<6x8192x128xf32, #tpu.memory_space<vmem>> -> memref<1x8192x128xf32, #tpu.memory_space<vmem>>
    %dma_wait3A_1347 = tpu.memref_squeeze %dma_wait3A_1346 : memref<1x8192x128xf32, #tpu.memory_space<vmem>> -> memref<8192x128xf32, #tpu.memory_space<vmem>>
    tpu.wait_dma2 semaphore(%dma_wait3A_1339 : memref<!tpu.dma_semaphore, #tpu.memory_space<semaphore_mem>>) src(%dma_wait3A_1347 : memref<8192x128xf32, #tpu.memory_space<vmem>>) dst(%dma_wait3A_1343 : memref<8192x128xf32, #tpu.memory_space<any>>)
    %dma_wait3A_1348 = arith.constant 4 : i32
    %dma_wait3A_1349 = arith.constant 4 : i32
    %dma_wait3A_1350 = arith.constant 4 : i32
    %dma_wait3A_1351 = tpu.memref_slice %arg4[%dma_wait3A_1350] : memref<6x!tpu.dma_semaphore, #tpu.memory_space<semaphore_mem>> -> memref<1x!tpu.dma_semaphore, #tpu.memory_space<semaphore_mem>>
    %dma_wait3A_1352 = tpu.memref_squeeze %dma_wait3A_1351 : memref<1x!tpu.dma_semaphore, #tpu.memory_space<semaphore_mem>> -> memref<!tpu.dma_semaphore, #tpu.memory_space<semaphore_mem>>
    %dma_wait3A_1353 = arith.constant 32768 : i32
    %dma_wait3A_1354 = arith.constant 0 : i32
    %dma_wait3A_1355 = tpu.memref_slice %arg1[%dma_wait3A_1349, %dma_wait3A_1353, %dma_wait3A_1354] : memref<8x49688x128xf32, #tpu.memory_space<any>> -> memref<1x8192x128xf32, #tpu.memory_space<any>>
    %dma_wait3A_1356 = tpu.memref_squeeze %dma_wait3A_1355 : memref<1x8192x128xf32, #tpu.memory_space<any>> -> memref<8192x128xf32, #tpu.memory_space<any>>
    %dma_wait3A_1357 = arith.constant 0 : i32
    %dma_wait3A_1358 = arith.constant 0 : i32
    %dma_wait3A_1359 = tpu.memref_slice %arg2[%dma_wait3A_1348, %dma_wait3A_1357, %dma_wait3A_1358] : memref<6x8192x128xf32, #tpu.memory_space<vmem>> -> memref<1x8192x128xf32, #tpu.memory_space<vmem>>
    %dma_wait3A_1360 = tpu.memref_squeeze %dma_wait3A_1359 : memref<1x8192x128xf32, #tpu.memory_space<vmem>> -> memref<8192x128xf32, #tpu.memory_space<vmem>>
    tpu.wait_dma2 semaphore(%dma_wait3A_1352 : memref<!tpu.dma_semaphore, #tpu.memory_space<semaphore_mem>>) src(%dma_wait3A_1360 : memref<8192x128xf32, #tpu.memory_space<vmem>>) dst(%dma_wait3A_1356 : memref<8192x128xf32, #tpu.memory_space<any>>)
    %dma_wait3A_1361 = arith.constant 4 : i32
    %dma_wait3A_1362 = arith.constant 5 : i32
    %dma_wait3A_1363 = arith.constant 4 : i32
    %dma_wait3A_1364 = tpu.memref_slice %arg4[%dma_wait3A_1363] : memref<6x!tpu.dma_semaphore, #tpu.memory_space<semaphore_mem>> -> memref<1x!tpu.dma_semaphore, #tpu.memory_space<semaphore_mem>>
    %dma_wait3A_1365 = tpu.memref_squeeze %dma_wait3A_1364 : memref<1x!tpu.dma_semaphore, #tpu.memory_space<semaphore_mem>> -> memref<!tpu.dma_semaphore, #tpu.memory_space<semaphore_mem>>
    %dma_wait3A_1366 = arith.constant 32768 : i32
    %dma_wait3A_1367 = arith.constant 0 : i32
    %dma_wait3A_1368 = tpu.memref_slice %arg1[%dma_wait3A_1362, %dma_wait3A_1366, %dma_wait3A_1367] : memref<8x49688x128xf32, #tpu.memory_space<any>> -> memref<1x8192x128xf32, #tpu.memory_space<any>>
    %dma_wait3A_1369 = tpu.memref_squeeze %dma_wait3A_1368 : memref<1x8192x128xf32, #tpu.memory_space<any>> -> memref<8192x128xf32, #tpu.memory_space<any>>
    %dma_wait3A_1370 = arith.constant 0 : i32
    %dma_wait3A_1371 = arith.constant 0 : i32
    %dma_wait3A_1372 = tpu.memref_slice %arg2[%dma_wait3A_1361, %dma_wait3A_1370, %dma_wait3A_1371] : memref<6x8192x128xf32, #tpu.memory_space<vmem>> -> memref<1x8192x128xf32, #tpu.memory_space<vmem>>
    %dma_wait3A_1373 = tpu.memref_squeeze %dma_wait3A_1372 : memref<1x8192x128xf32, #tpu.memory_space<vmem>> -> memref<8192x128xf32, #tpu.memory_space<vmem>>
    tpu.wait_dma2 semaphore(%dma_wait3A_1365 : memref<!tpu.dma_semaphore, #tpu.memory_space<semaphore_mem>>) src(%dma_wait3A_1373 : memref<8192x128xf32, #tpu.memory_space<vmem>>) dst(%dma_wait3A_1369 : memref<8192x128xf32, #tpu.memory_space<any>>)
    %dma_wait3A_1374 = arith.constant 4 : i32
    %dma_wait3A_1375 = arith.constant 6 : i32
    %dma_wait3A_1376 = arith.constant 4 : i32
    %dma_wait3A_1377 = tpu.memref_slice %arg4[%dma_wait3A_1376] : memref<6x!tpu.dma_semaphore, #tpu.memory_space<semaphore_mem>> -> memref<1x!tpu.dma_semaphore, #tpu.memory_space<semaphore_mem>>
    %dma_wait3A_1378 = tpu.memref_squeeze %dma_wait3A_1377 : memref<1x!tpu.dma_semaphore, #tpu.memory_space<semaphore_mem>> -> memref<!tpu.dma_semaphore, #tpu.memory_space<semaphore_mem>>
    %dma_wait3A_1379 = arith.constant 32768 : i32
    %dma_wait3A_1380 = arith.constant 0 : i32
    %dma_wait3A_1381 = tpu.memref_slice %arg1[%dma_wait3A_1375, %dma_wait3A_1379, %dma_wait3A_1380] : memref<8x49688x128xf32, #tpu.memory_space<any>> -> memref<1x8192x128xf32, #tpu.memory_space<any>>
    %dma_wait3A_1382 = tpu.memref_squeeze %dma_wait3A_1381 : memref<1x8192x128xf32, #tpu.memory_space<any>> -> memref<8192x128xf32, #tpu.memory_space<any>>
    %dma_wait3A_1383 = arith.constant 0 : i32
    %dma_wait3A_1384 = arith.constant 0 : i32
    %dma_wait3A_1385 = tpu.memref_slice %arg2[%dma_wait3A_1374, %dma_wait3A_1383, %dma_wait3A_1384] : memref<6x8192x128xf32, #tpu.memory_space<vmem>> -> memref<1x8192x128xf32, #tpu.memory_space<vmem>>
    %dma_wait3A_1386 = tpu.memref_squeeze %dma_wait3A_1385 : memref<1x8192x128xf32, #tpu.memory_space<vmem>> -> memref<8192x128xf32, #tpu.memory_space<vmem>>
    tpu.wait_dma2 semaphore(%dma_wait3A_1378 : memref<!tpu.dma_semaphore, #tpu.memory_space<semaphore_mem>>) src(%dma_wait3A_1386 : memref<8192x128xf32, #tpu.memory_space<vmem>>) dst(%dma_wait3A_1382 : memref<8192x128xf32, #tpu.memory_space<any>>)
    %dma_wait3A_1387 = arith.constant 4 : i32
    %dma_wait3A_1388 = arith.constant 7 : i32
    %dma_wait3A_1389 = arith.constant 4 : i32
    %dma_wait3A_1390 = tpu.memref_slice %arg4[%dma_wait3A_1389] : memref<6x!tpu.dma_semaphore, #tpu.memory_space<semaphore_mem>> -> memref<1x!tpu.dma_semaphore, #tpu.memory_space<semaphore_mem>>
    %dma_wait3A_1391 = tpu.memref_squeeze %dma_wait3A_1390 : memref<1x!tpu.dma_semaphore, #tpu.memory_space<semaphore_mem>> -> memref<!tpu.dma_semaphore, #tpu.memory_space<semaphore_mem>>
    %dma_wait3A_1392 = arith.constant 32768 : i32
    %dma_wait3A_1393 = arith.constant 0 : i32
    %dma_wait3A_1394 = tpu.memref_slice %arg1[%dma_wait3A_1388, %dma_wait3A_1392, %dma_wait3A_1393] : memref<8x49688x128xf32, #tpu.memory_space<any>> -> memref<1x8192x128xf32, #tpu.memory_space<any>>
    %dma_wait3A_1395 = tpu.memref_squeeze %dma_wait3A_1394 : memref<1x8192x128xf32, #tpu.memory_space<any>> -> memref<8192x128xf32, #tpu.memory_space<any>>
    %dma_wait3A_1396 = arith.constant 0 : i32
    %dma_wait3A_1397 = arith.constant 0 : i32
    %dma_wait3A_1398 = tpu.memref_slice %arg2[%dma_wait3A_1387, %dma_wait3A_1396, %dma_wait3A_1397] : memref<6x8192x128xf32, #tpu.memory_space<vmem>> -> memref<1x8192x128xf32, #tpu.memory_space<vmem>>
    %dma_wait3A_1399 = tpu.memref_squeeze %dma_wait3A_1398 : memref<1x8192x128xf32, #tpu.memory_space<vmem>> -> memref<8192x128xf32, #tpu.memory_space<vmem>>
    tpu.wait_dma2 semaphore(%dma_wait3A_1391 : memref<!tpu.dma_semaphore, #tpu.memory_space<semaphore_mem>>) src(%dma_wait3A_1399 : memref<8192x128xf32, #tpu.memory_space<vmem>>) dst(%dma_wait3A_1395 : memref<8192x128xf32, #tpu.memory_space<any>>)
    %dma_wait3A_1400 = arith.constant 5 : i32
    %dma_wait3A_1401 = arith.constant 0 : i32
    %dma_wait3A_1402 = arith.constant 5 : i32
    %dma_wait3A_1403 = tpu.memref_slice %arg4[%dma_wait3A_1402] : memref<6x!tpu.dma_semaphore, #tpu.memory_space<semaphore_mem>> -> memref<1x!tpu.dma_semaphore, #tpu.memory_space<semaphore_mem>>
    %dma_wait3A_1404 = tpu.memref_squeeze %dma_wait3A_1403 : memref<1x!tpu.dma_semaphore, #tpu.memory_space<semaphore_mem>> -> memref<!tpu.dma_semaphore, #tpu.memory_space<semaphore_mem>>
    %dma_wait3A_1405 = arith.constant 40960 : i32
    %dma_wait3A_1406 = arith.constant 0 : i32
    %dma_wait3A_1407 = tpu.memref_slice %arg1[%dma_wait3A_1401, %dma_wait3A_1405, %dma_wait3A_1406] : memref<8x49688x128xf32, #tpu.memory_space<any>> -> memref<1x8192x128xf32, #tpu.memory_space<any>>
    %dma_wait3A_1408 = tpu.memref_squeeze %dma_wait3A_1407 : memref<1x8192x128xf32, #tpu.memory_space<any>> -> memref<8192x128xf32, #tpu.memory_space<any>>
    %dma_wait3A_1409 = arith.constant 0 : i32
    %dma_wait3A_1410 = arith.constant 0 : i32
    %dma_wait3A_1411 = tpu.memref_slice %arg2[%dma_wait3A_1400, %dma_wait3A_1409, %dma_wait3A_1410] : memref<6x8192x128xf32, #tpu.memory_space<vmem>> -> memref<1x8192x128xf32, #tpu.memory_space<vmem>>
    %dma_wait3A_1412 = tpu.memref_squeeze %dma_wait3A_1411 : memref<1x8192x128xf32, #tpu.memory_space<vmem>> -> memref<8192x128xf32, #tpu.memory_space<vmem>>
    tpu.wait_dma2 semaphore(%dma_wait3A_1404 : memref<!tpu.dma_semaphore, #tpu.memory_space<semaphore_mem>>) src(%dma_wait3A_1412 : memref<8192x128xf32, #tpu.memory_space<vmem>>) dst(%dma_wait3A_1408 : memref<8192x128xf32, #tpu.memory_space<any>>)
    %dma_wait3A_1413 = arith.constant 5 : i32
    %dma_wait3A_1414 = arith.constant 1 : i32
    %dma_wait3A_1415 = arith.constant 5 : i32
    %dma_wait3A_1416 = tpu.memref_slice %arg4[%dma_wait3A_1415] : memref<6x!tpu.dma_semaphore, #tpu.memory_space<semaphore_mem>> -> memref<1x!tpu.dma_semaphore, #tpu.memory_space<semaphore_mem>>
    %dma_wait3A_1417 = tpu.memref_squeeze %dma_wait3A_1416 : memref<1x!tpu.dma_semaphore, #tpu.memory_space<semaphore_mem>> -> memref<!tpu.dma_semaphore, #tpu.memory_space<semaphore_mem>>
    %dma_wait3A_1418 = arith.constant 40960 : i32
    %dma_wait3A_1419 = arith.constant 0 : i32
    %dma_wait3A_1420 = tpu.memref_slice %arg1[%dma_wait3A_1414, %dma_wait3A_1418, %dma_wait3A_1419] : memref<8x49688x128xf32, #tpu.memory_space<any>> -> memref<1x8192x128xf32, #tpu.memory_space<any>>
    %dma_wait3A_1421 = tpu.memref_squeeze %dma_wait3A_1420 : memref<1x8192x128xf32, #tpu.memory_space<any>> -> memref<8192x128xf32, #tpu.memory_space<any>>
    %dma_wait3A_1422 = arith.constant 0 : i32
    %dma_wait3A_1423 = arith.constant 0 : i32
    %dma_wait3A_1424 = tpu.memref_slice %arg2[%dma_wait3A_1413, %dma_wait3A_1422, %dma_wait3A_1423] : memref<6x8192x128xf32, #tpu.memory_space<vmem>> -> memref<1x8192x128xf32, #tpu.memory_space<vmem>>
    %dma_wait3A_1425 = tpu.memref_squeeze %dma_wait3A_1424 : memref<1x8192x128xf32, #tpu.memory_space<vmem>> -> memref<8192x128xf32, #tpu.memory_space<vmem>>
    tpu.wait_dma2 semaphore(%dma_wait3A_1417 : memref<!tpu.dma_semaphore, #tpu.memory_space<semaphore_mem>>) src(%dma_wait3A_1425 : memref<8192x128xf32, #tpu.memory_space<vmem>>) dst(%dma_wait3A_1421 : memref<8192x128xf32, #tpu.memory_space<any>>)
    %dma_wait3A_1426 = arith.constant 5 : i32
    %dma_wait3A_1427 = arith.constant 2 : i32
    %dma_wait3A_1428 = arith.constant 5 : i32
    %dma_wait3A_1429 = tpu.memref_slice %arg4[%dma_wait3A_1428] : memref<6x!tpu.dma_semaphore, #tpu.memory_space<semaphore_mem>> -> memref<1x!tpu.dma_semaphore, #tpu.memory_space<semaphore_mem>>
    %dma_wait3A_1430 = tpu.memref_squeeze %dma_wait3A_1429 : memref<1x!tpu.dma_semaphore, #tpu.memory_space<semaphore_mem>> -> memref<!tpu.dma_semaphore, #tpu.memory_space<semaphore_mem>>
    %dma_wait3A_1431 = arith.constant 40960 : i32
    %dma_wait3A_1432 = arith.constant 0 : i32
    %dma_wait3A_1433 = tpu.memref_slice %arg1[%dma_wait3A_1427, %dma_wait3A_1431, %dma_wait3A_1432] : memref<8x49688x128xf32, #tpu.memory_space<any>> -> memref<1x8192x128xf32, #tpu.memory_space<any>>
    %dma_wait3A_1434 = tpu.memref_squeeze %dma_wait3A_1433 : memref<1x8192x128xf32, #tpu.memory_space<any>> -> memref<8192x128xf32, #tpu.memory_space<any>>
    %dma_wait3A_1435 = arith.constant 0 : i32
    %dma_wait3A_1436 = arith.constant 0 : i32
    %dma_wait3A_1437 = tpu.memref_slice %arg2[%dma_wait3A_1426, %dma_wait3A_1435, %dma_wait3A_1436] : memref<6x8192x128xf32, #tpu.memory_space<vmem>> -> memref<1x8192x128xf32, #tpu.memory_space<vmem>>
    %dma_wait3A_1438 = tpu.memref_squeeze %dma_wait3A_1437 : memref<1x8192x128xf32, #tpu.memory_space<vmem>> -> memref<8192x128xf32, #tpu.memory_space<vmem>>
    tpu.wait_dma2 semaphore(%dma_wait3A_1430 : memref<!tpu.dma_semaphore, #tpu.memory_space<semaphore_mem>>) src(%dma_wait3A_1438 : memref<8192x128xf32, #tpu.memory_space<vmem>>) dst(%dma_wait3A_1434 : memref<8192x128xf32, #tpu.memory_space<any>>)
    %dma_wait3A_1439 = arith.constant 5 : i32
    %dma_wait3A_1440 = arith.constant 3 : i32
    %dma_wait3A_1441 = arith.constant 5 : i32
    %dma_wait3A_1442 = tpu.memref_slice %arg4[%dma_wait3A_1441] : memref<6x!tpu.dma_semaphore, #tpu.memory_space<semaphore_mem>> -> memref<1x!tpu.dma_semaphore, #tpu.memory_space<semaphore_mem>>
    %dma_wait3A_1443 = tpu.memref_squeeze %dma_wait3A_1442 : memref<1x!tpu.dma_semaphore, #tpu.memory_space<semaphore_mem>> -> memref<!tpu.dma_semaphore, #tpu.memory_space<semaphore_mem>>
    %dma_wait3A_1444 = arith.constant 40960 : i32
    %dma_wait3A_1445 = arith.constant 0 : i32
    %dma_wait3A_1446 = tpu.memref_slice %arg1[%dma_wait3A_1440, %dma_wait3A_1444, %dma_wait3A_1445] : memref<8x49688x128xf32, #tpu.memory_space<any>> -> memref<1x8192x128xf32, #tpu.memory_space<any>>
    %dma_wait3A_1447 = tpu.memref_squeeze %dma_wait3A_1446 : memref<1x8192x128xf32, #tpu.memory_space<any>> -> memref<8192x128xf32, #tpu.memory_space<any>>
    %dma_wait3A_1448 = arith.constant 0 : i32
    %dma_wait3A_1449 = arith.constant 0 : i32
    %dma_wait3A_1450 = tpu.memref_slice %arg2[%dma_wait3A_1439, %dma_wait3A_1448, %dma_wait3A_1449] : memref<6x8192x128xf32, #tpu.memory_space<vmem>> -> memref<1x8192x128xf32, #tpu.memory_space<vmem>>
    %dma_wait3A_1451 = tpu.memref_squeeze %dma_wait3A_1450 : memref<1x8192x128xf32, #tpu.memory_space<vmem>> -> memref<8192x128xf32, #tpu.memory_space<vmem>>
    tpu.wait_dma2 semaphore(%dma_wait3A_1443 : memref<!tpu.dma_semaphore, #tpu.memory_space<semaphore_mem>>) src(%dma_wait3A_1451 : memref<8192x128xf32, #tpu.memory_space<vmem>>) dst(%dma_wait3A_1447 : memref<8192x128xf32, #tpu.memory_space<any>>)
    %dma_wait3A_1452 = arith.constant 5 : i32
    %dma_wait3A_1453 = arith.constant 4 : i32
    %dma_wait3A_1454 = arith.constant 5 : i32
    %dma_wait3A_1455 = tpu.memref_slice %arg4[%dma_wait3A_1454] : memref<6x!tpu.dma_semaphore, #tpu.memory_space<semaphore_mem>> -> memref<1x!tpu.dma_semaphore, #tpu.memory_space<semaphore_mem>>
    %dma_wait3A_1456 = tpu.memref_squeeze %dma_wait3A_1455 : memref<1x!tpu.dma_semaphore, #tpu.memory_space<semaphore_mem>> -> memref<!tpu.dma_semaphore, #tpu.memory_space<semaphore_mem>>
    %dma_wait3A_1457 = arith.constant 40960 : i32
    %dma_wait3A_1458 = arith.constant 0 : i32
    %dma_wait3A_1459 = tpu.memref_slice %arg1[%dma_wait3A_1453, %dma_wait3A_1457, %dma_wait3A_1458] : memref<8x49688x128xf32, #tpu.memory_space<any>> -> memref<1x8192x128xf32, #tpu.memory_space<any>>
    %dma_wait3A_1460 = tpu.memref_squeeze %dma_wait3A_1459 : memref<1x8192x128xf32, #tpu.memory_space<any>> -> memref<8192x128xf32, #tpu.memory_space<any>>
    %dma_wait3A_1461 = arith.constant 0 : i32
    %dma_wait3A_1462 = arith.constant 0 : i32
    %dma_wait3A_1463 = tpu.memref_slice %arg2[%dma_wait3A_1452, %dma_wait3A_1461, %dma_wait3A_1462] : memref<6x8192x128xf32, #tpu.memory_space<vmem>> -> memref<1x8192x128xf32, #tpu.memory_space<vmem>>
    %dma_wait3A_1464 = tpu.memref_squeeze %dma_wait3A_1463 : memref<1x8192x128xf32, #tpu.memory_space<vmem>> -> memref<8192x128xf32, #tpu.memory_space<vmem>>
    tpu.wait_dma2 semaphore(%dma_wait3A_1456 : memref<!tpu.dma_semaphore, #tpu.memory_space<semaphore_mem>>) src(%dma_wait3A_1464 : memref<8192x128xf32, #tpu.memory_space<vmem>>) dst(%dma_wait3A_1460 : memref<8192x128xf32, #tpu.memory_space<any>>)
    %dma_wait3A_1465 = arith.constant 5 : i32
    %dma_wait3A_1466 = arith.constant 5 : i32
    %dma_wait3A_1467 = arith.constant 5 : i32
    %dma_wait3A_1468 = tpu.memref_slice %arg4[%dma_wait3A_1467] : memref<6x!tpu.dma_semaphore, #tpu.memory_space<semaphore_mem>> -> memref<1x!tpu.dma_semaphore, #tpu.memory_space<semaphore_mem>>
    %dma_wait3A_1469 = tpu.memref_squeeze %dma_wait3A_1468 : memref<1x!tpu.dma_semaphore, #tpu.memory_space<semaphore_mem>> -> memref<!tpu.dma_semaphore, #tpu.memory_space<semaphore_mem>>
    %dma_wait3A_1470 = arith.constant 40960 : i32
    %dma_wait3A_1471 = arith.constant 0 : i32
    %dma_wait3A_1472 = tpu.memref_slice %arg1[%dma_wait3A_1466, %dma_wait3A_1470, %dma_wait3A_1471] : memref<8x49688x128xf32, #tpu.memory_space<any>> -> memref<1x8192x128xf32, #tpu.memory_space<any>>
    %dma_wait3A_1473 = tpu.memref_squeeze %dma_wait3A_1472 : memref<1x8192x128xf32, #tpu.memory_space<any>> -> memref<8192x128xf32, #tpu.memory_space<any>>
    %dma_wait3A_1474 = arith.constant 0 : i32
    %dma_wait3A_1475 = arith.constant 0 : i32
    %dma_wait3A_1476 = tpu.memref_slice %arg2[%dma_wait3A_1465, %dma_wait3A_1474, %dma_wait3A_1475] : memref<6x8192x128xf32, #tpu.memory_space<vmem>> -> memref<1x8192x128xf32, #tpu.memory_space<vmem>>
    %dma_wait3A_1477 = tpu.memref_squeeze %dma_wait3A_1476 : memref<1x8192x128xf32, #tpu.memory_space<vmem>> -> memref<8192x128xf32, #tpu.memory_space<vmem>>
    tpu.wait_dma2 semaphore(%dma_wait3A_1469 : memref<!tpu.dma_semaphore, #tpu.memory_space<semaphore_mem>>) src(%dma_wait3A_1477 : memref<8192x128xf32, #tpu.memory_space<vmem>>) dst(%dma_wait3A_1473 : memref<8192x128xf32, #tpu.memory_space<any>>)
    %dma_wait3A_1478 = arith.constant 5 : i32
    %dma_wait3A_1479 = arith.constant 6 : i32
    %dma_wait3A_1480 = arith.constant 5 : i32
    %dma_wait3A_1481 = tpu.memref_slice %arg4[%dma_wait3A_1480] : memref<6x!tpu.dma_semaphore, #tpu.memory_space<semaphore_mem>> -> memref<1x!tpu.dma_semaphore, #tpu.memory_space<semaphore_mem>>
    %dma_wait3A_1482 = tpu.memref_squeeze %dma_wait3A_1481 : memref<1x!tpu.dma_semaphore, #tpu.memory_space<semaphore_mem>> -> memref<!tpu.dma_semaphore, #tpu.memory_space<semaphore_mem>>
    %dma_wait3A_1483 = arith.constant 40960 : i32
    %dma_wait3A_1484 = arith.constant 0 : i32
    %dma_wait3A_1485 = tpu.memref_slice %arg1[%dma_wait3A_1479, %dma_wait3A_1483, %dma_wait3A_1484] : memref<8x49688x128xf32, #tpu.memory_space<any>> -> memref<1x8192x128xf32, #tpu.memory_space<any>>
    %dma_wait3A_1486 = tpu.memref_squeeze %dma_wait3A_1485 : memref<1x8192x128xf32, #tpu.memory_space<any>> -> memref<8192x128xf32, #tpu.memory_space<any>>
    %dma_wait3A_1487 = arith.constant 0 : i32
    %dma_wait3A_1488 = arith.constant 0 : i32
    %dma_wait3A_1489 = tpu.memref_slice %arg2[%dma_wait3A_1478, %dma_wait3A_1487, %dma_wait3A_1488] : memref<6x8192x128xf32, #tpu.memory_space<vmem>> -> memref<1x8192x128xf32, #tpu.memory_space<vmem>>
    %dma_wait3A_1490 = tpu.memref_squeeze %dma_wait3A_1489 : memref<1x8192x128xf32, #tpu.memory_space<vmem>> -> memref<8192x128xf32, #tpu.memory_space<vmem>>
    tpu.wait_dma2 semaphore(%dma_wait3A_1482 : memref<!tpu.dma_semaphore, #tpu.memory_space<semaphore_mem>>) src(%dma_wait3A_1490 : memref<8192x128xf32, #tpu.memory_space<vmem>>) dst(%dma_wait3A_1486 : memref<8192x128xf32, #tpu.memory_space<any>>)
    %dma_wait3A_1491 = arith.constant 5 : i32
    %dma_wait3A_1492 = arith.constant 7 : i32
    %dma_wait3A_1493 = arith.constant 5 : i32
    %dma_wait3A_1494 = tpu.memref_slice %arg4[%dma_wait3A_1493] : memref<6x!tpu.dma_semaphore, #tpu.memory_space<semaphore_mem>> -> memref<1x!tpu.dma_semaphore, #tpu.memory_space<semaphore_mem>>
    %dma_wait3A_1495 = tpu.memref_squeeze %dma_wait3A_1494 : memref<1x!tpu.dma_semaphore, #tpu.memory_space<semaphore_mem>> -> memref<!tpu.dma_semaphore, #tpu.memory_space<semaphore_mem>>
    %dma_wait3A_1496 = arith.constant 40960 : i32
    %dma_wait3A_1497 = arith.constant 0 : i32
    %dma_wait3A_1498 = tpu.memref_slice %arg1[%dma_wait3A_1492, %dma_wait3A_1496, %dma_wait3A_1497] : memref<8x49688x128xf32, #tpu.memory_space<any>> -> memref<1x8192x128xf32, #tpu.memory_space<any>>
    %dma_wait3A_1499 = tpu.memref_squeeze %dma_wait3A_1498 : memref<1x8192x128xf32, #tpu.memory_space<any>> -> memref<8192x128xf32, #tpu.memory_space<any>>
    %dma_wait3A_1500 = arith.constant 0 : i32
    %dma_wait3A_1501 = arith.constant 0 : i32
    %dma_wait3A_1502 = tpu.memref_slice %arg2[%dma_wait3A_1491, %dma_wait3A_1500, %dma_wait3A_1501] : memref<6x8192x128xf32, #tpu.memory_space<vmem>> -> memref<1x8192x128xf32, #tpu.memory_space<vmem>>
    %dma_wait3A_1503 = tpu.memref_squeeze %dma_wait3A_1502 : memref<1x8192x128xf32, #tpu.memory_space<vmem>> -> memref<8192x128xf32, #tpu.memory_space<vmem>>
    tpu.wait_dma2 semaphore(%dma_wait3A_1495 : memref<!tpu.dma_semaphore, #tpu.memory_space<semaphore_mem>>) src(%dma_wait3A_1503 : memref<8192x128xf32, #tpu.memory_space<vmem>>) dst(%dma_wait3A_1499 : memref<8192x128xf32, #tpu.memory_space<any>>)
    %dma_wait3A_1504 = arith.constant 0 : i32
    %dma_wait3A_1505 = arith.constant 0 : i32
    %dma_wait3A_1506 = arith.constant 0 : i32
    %dma_wait3A_1507 = tpu.memref_slice %arg4[%dma_wait3A_1506] : memref<6x!tpu.dma_semaphore, #tpu.memory_space<semaphore_mem>> -> memref<1x!tpu.dma_semaphore, #tpu.memory_space<semaphore_mem>>
    %dma_wait3A_1508 = tpu.memref_squeeze %dma_wait3A_1507 : memref<1x!tpu.dma_semaphore, #tpu.memory_space<semaphore_mem>> -> memref<!tpu.dma_semaphore, #tpu.memory_space<semaphore_mem>>
    %dma_wait3A_1509 = arith.constant 49152 : i32
    %dma_wait3A_1510 = arith.constant 0 : i32
    %dma_wait3A_1511 = tpu.memref_slice %arg1[%dma_wait3A_1505, %dma_wait3A_1509, %dma_wait3A_1510] : memref<8x49688x128xf32, #tpu.memory_space<any>> -> memref<1x536x128xf32, #tpu.memory_space<any>>
    %dma_wait3A_1512 = tpu.memref_squeeze %dma_wait3A_1511 : memref<1x536x128xf32, #tpu.memory_space<any>> -> memref<536x128xf32, #tpu.memory_space<any>>
    %dma_wait3A_1513 = arith.constant 0 : i32
    %dma_wait3A_1514 = arith.constant 0 : i32
    %dma_wait3A_1515 = tpu.memref_slice %arg2[%dma_wait3A_1504, %dma_wait3A_1513, %dma_wait3A_1514] : memref<6x8192x128xf32, #tpu.memory_space<vmem>> -> memref<1x536x128xf32, #tpu.memory_space<vmem>>
    %dma_wait3A_1516 = tpu.memref_squeeze %dma_wait3A_1515 : memref<1x536x128xf32, #tpu.memory_space<vmem>> -> memref<536x128xf32, #tpu.memory_space<vmem>>
    tpu.wait_dma2 semaphore(%dma_wait3A_1508 : memref<!tpu.dma_semaphore, #tpu.memory_space<semaphore_mem>>) src(%dma_wait3A_1516 : memref<536x128xf32, #tpu.memory_space<vmem>>) dst(%dma_wait3A_1512 : memref<536x128xf32, #tpu.memory_space<any>>)
    %dma_wait3A_1517 = arith.constant 0 : i32
    %dma_wait3A_1518 = arith.constant 1 : i32
    %dma_wait3A_1519 = arith.constant 0 : i32
    %dma_wait3A_1520 = tpu.memref_slice %arg4[%dma_wait3A_1519] : memref<6x!tpu.dma_semaphore, #tpu.memory_space<semaphore_mem>> -> memref<1x!tpu.dma_semaphore, #tpu.memory_space<semaphore_mem>>
    %dma_wait3A_1521 = tpu.memref_squeeze %dma_wait3A_1520 : memref<1x!tpu.dma_semaphore, #tpu.memory_space<semaphore_mem>> -> memref<!tpu.dma_semaphore, #tpu.memory_space<semaphore_mem>>
    %dma_wait3A_1522 = arith.constant 49152 : i32
    %dma_wait3A_1523 = arith.constant 0 : i32
    %dma_wait3A_1524 = tpu.memref_slice %arg1[%dma_wait3A_1518, %dma_wait3A_1522, %dma_wait3A_1523] : memref<8x49688x128xf32, #tpu.memory_space<any>> -> memref<1x536x128xf32, #tpu.memory_space<any>>
    %dma_wait3A_1525 = tpu.memref_squeeze %dma_wait3A_1524 : memref<1x536x128xf32, #tpu.memory_space<any>> -> memref<536x128xf32, #tpu.memory_space<any>>
    %dma_wait3A_1526 = arith.constant 0 : i32
    %dma_wait3A_1527 = arith.constant 0 : i32
    %dma_wait3A_1528 = tpu.memref_slice %arg2[%dma_wait3A_1517, %dma_wait3A_1526, %dma_wait3A_1527] : memref<6x8192x128xf32, #tpu.memory_space<vmem>> -> memref<1x536x128xf32, #tpu.memory_space<vmem>>
    %dma_wait3A_1529 = tpu.memref_squeeze %dma_wait3A_1528 : memref<1x536x128xf32, #tpu.memory_space<vmem>> -> memref<536x128xf32, #tpu.memory_space<vmem>>
    tpu.wait_dma2 semaphore(%dma_wait3A_1521 : memref<!tpu.dma_semaphore, #tpu.memory_space<semaphore_mem>>) src(%dma_wait3A_1529 : memref<536x128xf32, #tpu.memory_space<vmem>>) dst(%dma_wait3A_1525 : memref<536x128xf32, #tpu.memory_space<any>>)
    %dma_wait3A_1530 = arith.constant 0 : i32
    %dma_wait3A_1531 = arith.constant 2 : i32
    %dma_wait3A_1532 = arith.constant 0 : i32
    %dma_wait3A_1533 = tpu.memref_slice %arg4[%dma_wait3A_1532] : memref<6x!tpu.dma_semaphore, #tpu.memory_space<semaphore_mem>> -> memref<1x!tpu.dma_semaphore, #tpu.memory_space<semaphore_mem>>
    %dma_wait3A_1534 = tpu.memref_squeeze %dma_wait3A_1533 : memref<1x!tpu.dma_semaphore, #tpu.memory_space<semaphore_mem>> -> memref<!tpu.dma_semaphore, #tpu.memory_space<semaphore_mem>>
    %dma_wait3A_1535 = arith.constant 49152 : i32
    %dma_wait3A_1536 = arith.constant 0 : i32
    %dma_wait3A_1537 = tpu.memref_slice %arg1[%dma_wait3A_1531, %dma_wait3A_1535, %dma_wait3A_1536] : memref<8x49688x128xf32, #tpu.memory_space<any>> -> memref<1x536x128xf32, #tpu.memory_space<any>>
    %dma_wait3A_1538 = tpu.memref_squeeze %dma_wait3A_1537 : memref<1x536x128xf32, #tpu.memory_space<any>> -> memref<536x128xf32, #tpu.memory_space<any>>
    %dma_wait3A_1539 = arith.constant 0 : i32
    %dma_wait3A_1540 = arith.constant 0 : i32
    %dma_wait3A_1541 = tpu.memref_slice %arg2[%dma_wait3A_1530, %dma_wait3A_1539, %dma_wait3A_1540] : memref<6x8192x128xf32, #tpu.memory_space<vmem>> -> memref<1x536x128xf32, #tpu.memory_space<vmem>>
    %dma_wait3A_1542 = tpu.memref_squeeze %dma_wait3A_1541 : memref<1x536x128xf32, #tpu.memory_space<vmem>> -> memref<536x128xf32, #tpu.memory_space<vmem>>
    tpu.wait_dma2 semaphore(%dma_wait3A_1534 : memref<!tpu.dma_semaphore, #tpu.memory_space<semaphore_mem>>) src(%dma_wait3A_1542 : memref<536x128xf32, #tpu.memory_space<vmem>>) dst(%dma_wait3A_1538 : memref<536x128xf32, #tpu.memory_space<any>>)
    %dma_wait3A_1543 = arith.constant 0 : i32
    %dma_wait3A_1544 = arith.constant 3 : i32
    %dma_wait3A_1545 = arith.constant 0 : i32
    %dma_wait3A_1546 = tpu.memref_slice %arg4[%dma_wait3A_1545] : memref<6x!tpu.dma_semaphore, #tpu.memory_space<semaphore_mem>> -> memref<1x!tpu.dma_semaphore, #tpu.memory_space<semaphore_mem>>
    %dma_wait3A_1547 = tpu.memref_squeeze %dma_wait3A_1546 : memref<1x!tpu.dma_semaphore, #tpu.memory_space<semaphore_mem>> -> memref<!tpu.dma_semaphore, #tpu.memory_space<semaphore_mem>>
    %dma_wait3A_1548 = arith.constant 49152 : i32
    %dma_wait3A_1549 = arith.constant 0 : i32
    %dma_wait3A_1550 = tpu.memref_slice %arg1[%dma_wait3A_1544, %dma_wait3A_1548, %dma_wait3A_1549] : memref<8x49688x128xf32, #tpu.memory_space<any>> -> memref<1x536x128xf32, #tpu.memory_space<any>>
    %dma_wait3A_1551 = tpu.memref_squeeze %dma_wait3A_1550 : memref<1x536x128xf32, #tpu.memory_space<any>> -> memref<536x128xf32, #tpu.memory_space<any>>
    %dma_wait3A_1552 = arith.constant 0 : i32
    %dma_wait3A_1553 = arith.constant 0 : i32
    %dma_wait3A_1554 = tpu.memref_slice %arg2[%dma_wait3A_1543, %dma_wait3A_1552, %dma_wait3A_1553] : memref<6x8192x128xf32, #tpu.memory_space<vmem>> -> memref<1x536x128xf32, #tpu.memory_space<vmem>>
    %dma_wait3A_1555 = tpu.memref_squeeze %dma_wait3A_1554 : memref<1x536x128xf32, #tpu.memory_space<vmem>> -> memref<536x128xf32, #tpu.memory_space<vmem>>
    tpu.wait_dma2 semaphore(%dma_wait3A_1547 : memref<!tpu.dma_semaphore, #tpu.memory_space<semaphore_mem>>) src(%dma_wait3A_1555 : memref<536x128xf32, #tpu.memory_space<vmem>>) dst(%dma_wait3A_1551 : memref<536x128xf32, #tpu.memory_space<any>>)
    %dma_wait3A_1556 = arith.constant 0 : i32
    %dma_wait3A_1557 = arith.constant 4 : i32
    %dma_wait3A_1558 = arith.constant 0 : i32
    %dma_wait3A_1559 = tpu.memref_slice %arg4[%dma_wait3A_1558] : memref<6x!tpu.dma_semaphore, #tpu.memory_space<semaphore_mem>> -> memref<1x!tpu.dma_semaphore, #tpu.memory_space<semaphore_mem>>
    %dma_wait3A_1560 = tpu.memref_squeeze %dma_wait3A_1559 : memref<1x!tpu.dma_semaphore, #tpu.memory_space<semaphore_mem>> -> memref<!tpu.dma_semaphore, #tpu.memory_space<semaphore_mem>>
    %dma_wait3A_1561 = arith.constant 49152 : i32
    %dma_wait3A_1562 = arith.constant 0 : i32
    %dma_wait3A_1563 = tpu.memref_slice %arg1[%dma_wait3A_1557, %dma_wait3A_1561, %dma_wait3A_1562] : memref<8x49688x128xf32, #tpu.memory_space<any>> -> memref<1x536x128xf32, #tpu.memory_space<any>>
    %dma_wait3A_1564 = tpu.memref_squeeze %dma_wait3A_1563 : memref<1x536x128xf32, #tpu.memory_space<any>> -> memref<536x128xf32, #tpu.memory_space<any>>
    %dma_wait3A_1565 = arith.constant 0 : i32
    %dma_wait3A_1566 = arith.constant 0 : i32
    %dma_wait3A_1567 = tpu.memref_slice %arg2[%dma_wait3A_1556, %dma_wait3A_1565, %dma_wait3A_1566] : memref<6x8192x128xf32, #tpu.memory_space<vmem>> -> memref<1x536x128xf32, #tpu.memory_space<vmem>>
    %dma_wait3A_1568 = tpu.memref_squeeze %dma_wait3A_1567 : memref<1x536x128xf32, #tpu.memory_space<vmem>> -> memref<536x128xf32, #tpu.memory_space<vmem>>
    tpu.wait_dma2 semaphore(%dma_wait3A_1560 : memref<!tpu.dma_semaphore, #tpu.memory_space<semaphore_mem>>) src(%dma_wait3A_1568 : memref<536x128xf32, #tpu.memory_space<vmem>>) dst(%dma_wait3A_1564 : memref<536x128xf32, #tpu.memory_space<any>>)
    %dma_wait3A_1569 = arith.constant 0 : i32
    %dma_wait3A_1570 = arith.constant 5 : i32
    %dma_wait3A_1571 = arith.constant 0 : i32
    %dma_wait3A_1572 = tpu.memref_slice %arg4[%dma_wait3A_1571] : memref<6x!tpu.dma_semaphore, #tpu.memory_space<semaphore_mem>> -> memref<1x!tpu.dma_semaphore, #tpu.memory_space<semaphore_mem>>
    %dma_wait3A_1573 = tpu.memref_squeeze %dma_wait3A_1572 : memref<1x!tpu.dma_semaphore, #tpu.memory_space<semaphore_mem>> -> memref<!tpu.dma_semaphore, #tpu.memory_space<semaphore_mem>>
    %dma_wait3A_1574 = arith.constant 49152 : i32
    %dma_wait3A_1575 = arith.constant 0 : i32
    %dma_wait3A_1576 = tpu.memref_slice %arg1[%dma_wait3A_1570, %dma_wait3A_1574, %dma_wait3A_1575] : memref<8x49688x128xf32, #tpu.memory_space<any>> -> memref<1x536x128xf32, #tpu.memory_space<any>>
    %dma_wait3A_1577 = tpu.memref_squeeze %dma_wait3A_1576 : memref<1x536x128xf32, #tpu.memory_space<any>> -> memref<536x128xf32, #tpu.memory_space<any>>
    %dma_wait3A_1578 = arith.constant 0 : i32
    %dma_wait3A_1579 = arith.constant 0 : i32
    %dma_wait3A_1580 = tpu.memref_slice %arg2[%dma_wait3A_1569, %dma_wait3A_1578, %dma_wait3A_1579] : memref<6x8192x128xf32, #tpu.memory_space<vmem>> -> memref<1x536x128xf32, #tpu.memory_space<vmem>>
    %dma_wait3A_1581 = tpu.memref_squeeze %dma_wait3A_1580 : memref<1x536x128xf32, #tpu.memory_space<vmem>> -> memref<536x128xf32, #tpu.memory_space<vmem>>
    tpu.wait_dma2 semaphore(%dma_wait3A_1573 : memref<!tpu.dma_semaphore, #tpu.memory_space<semaphore_mem>>) src(%dma_wait3A_1581 : memref<536x128xf32, #tpu.memory_space<vmem>>) dst(%dma_wait3A_1577 : memref<536x128xf32, #tpu.memory_space<any>>)
    %dma_wait3A_1582 = arith.constant 0 : i32
    %dma_wait3A_1583 = arith.constant 6 : i32
    %dma_wait3A_1584 = arith.constant 0 : i32
    %dma_wait3A_1585 = tpu.memref_slice %arg4[%dma_wait3A_1584] : memref<6x!tpu.dma_semaphore, #tpu.memory_space<semaphore_mem>> -> memref<1x!tpu.dma_semaphore, #tpu.memory_space<semaphore_mem>>
    %dma_wait3A_1586 = tpu.memref_squeeze %dma_wait3A_1585 : memref<1x!tpu.dma_semaphore, #tpu.memory_space<semaphore_mem>> -> memref<!tpu.dma_semaphore, #tpu.memory_space<semaphore_mem>>
    %dma_wait3A_1587 = arith.constant 49152 : i32
    %dma_wait3A_1588 = arith.constant 0 : i32
    %dma_wait3A_1589 = tpu.memref_slice %arg1[%dma_wait3A_1583, %dma_wait3A_1587, %dma_wait3A_1588] : memref<8x49688x128xf32, #tpu.memory_space<any>> -> memref<1x536x128xf32, #tpu.memory_space<any>>
    %dma_wait3A_1590 = tpu.memref_squeeze %dma_wait3A_1589 : memref<1x536x128xf32, #tpu.memory_space<any>> -> memref<536x128xf32, #tpu.memory_space<any>>
    %dma_wait3A_1591 = arith.constant 0 : i32
    %dma_wait3A_1592 = arith.constant 0 : i32
    %dma_wait3A_1593 = tpu.memref_slice %arg2[%dma_wait3A_1582, %dma_wait3A_1591, %dma_wait3A_1592] : memref<6x8192x128xf32, #tpu.memory_space<vmem>> -> memref<1x536x128xf32, #tpu.memory_space<vmem>>
    %dma_wait3A_1594 = tpu.memref_squeeze %dma_wait3A_1593 : memref<1x536x128xf32, #tpu.memory_space<vmem>> -> memref<536x128xf32, #tpu.memory_space<vmem>>
    tpu.wait_dma2 semaphore(%dma_wait3A_1586 : memref<!tpu.dma_semaphore, #tpu.memory_space<semaphore_mem>>) src(%dma_wait3A_1594 : memref<536x128xf32, #tpu.memory_space<vmem>>) dst(%dma_wait3A_1590 : memref<536x128xf32, #tpu.memory_space<any>>)
    %dma_wait3A_1595 = arith.constant 0 : i32
    %dma_wait3A_1596 = arith.constant 7 : i32
    %dma_wait3A_1597 = arith.constant 0 : i32
    %dma_wait3A_1598 = tpu.memref_slice %arg4[%dma_wait3A_1597] : memref<6x!tpu.dma_semaphore, #tpu.memory_space<semaphore_mem>> -> memref<1x!tpu.dma_semaphore, #tpu.memory_space<semaphore_mem>>
    %dma_wait3A_1599 = tpu.memref_squeeze %dma_wait3A_1598 : memref<1x!tpu.dma_semaphore, #tpu.memory_space<semaphore_mem>> -> memref<!tpu.dma_semaphore, #tpu.memory_space<semaphore_mem>>
    %dma_wait3A_1600 = arith.constant 49152 : i32
    %dma_wait3A_1601 = arith.constant 0 : i32
    %dma_wait3A_1602 = tpu.memref_slice %arg1[%dma_wait3A_1596, %dma_wait3A_1600, %dma_wait3A_1601] : memref<8x49688x128xf32, #tpu.memory_space<any>> -> memref<1x536x128xf32, #tpu.memory_space<any>>
    %dma_wait3A_1603 = tpu.memref_squeeze %dma_wait3A_1602 : memref<1x536x128xf32, #tpu.memory_space<any>> -> memref<536x128xf32, #tpu.memory_space<any>>
    %dma_wait3A_1604 = arith.constant 0 : i32
    %dma_wait3A_1605 = arith.constant 0 : i32
    %dma_wait3A_1606 = tpu.memref_slice %arg2[%dma_wait3A_1595, %dma_wait3A_1604, %dma_wait3A_1605] : memref<6x8192x128xf32, #tpu.memory_space<vmem>> -> memref<1x536x128xf32, #tpu.memory_space<vmem>>
    %dma_wait3A_1607 = tpu.memref_squeeze %dma_wait3A_1606 : memref<1x536x128xf32, #tpu.memory_space<vmem>> -> memref<536x128xf32, #tpu.memory_space<vmem>>
    tpu.wait_dma2 semaphore(%dma_wait3A_1599 : memref<!tpu.dma_semaphore, #tpu.memory_space<semaphore_mem>>) src(%dma_wait3A_1607 : memref<536x128xf32, #tpu.memory_space<vmem>>) dst(%dma_wait3A_1603 : memref<536x128xf32, #tpu.memory_space<any>>)
    return
  }
}

</mosaic_0001>

<sc_bundles>
// kernel: kernel.5.cloned.1.call-start
scs
__scs_entry_jumppad:
0x0: {  	(pc) =	sbr.rel $0x88, $3  }
0x1: {  	(tag) =	ssettag $0x0;
	lr =	simm.s32 $0x1  }
0x2: {  	[smem:$0x3F9D] =	sst lr;
	_ =	strace $0xD0000000  }
0x3: {  	_ = 	snop  }
0x4: {  	_ = 	snop  }
0x5: {  	_ = 	snop  }
0x6: {  	_ = 	snop  }
0x7: {  	_ = 	snop  }
__scs_overlays_trampoline_lowered:
0x8: {  	[smem:$0x3FAC] =	sst s0  }
0x9: {  	[smem:$0x3FAD] =	sst s1  }
0xa: {  	[smem:$0x3FAE] =	sst s2  }
0xb: {  	[smem:$0x3FAF] =	sst s3  }
0xc: {  	[smem:$0x3FB0] =	sst s4  }
0xd: {  	[smem:$0x3FB1] =	sst s5  }
0xe: {  	[smem:$0x3FB2] =	sst s6  }
0xf: {  	[smem:$0x3FB3] =	sst s7  }
0x10: {  	[smem:$0x3FB4] =	sst s8  }
0x11: {  	[smem:$0x3FB5] =	sst s9;
	s0 =	simm.s32 @!p0 $0x0  }
0x12: {  	s1 =	sld [smem:$0x3F9B];
	s0 =	simm.s32 @p0 $0x1  }
0x13: {  	[smem:$0x3FB6] =	sst s0;
	s0 =	simm.s32 @!p1 $0x0  }
0x14: {  	s2 =	sld [smem:$0x3F9A];
	s0 =	simm.s32 @p1 $0x1  }
0x15: {  	[smem:$0x3FB7] =	sst s0;
	s0 =	simm.s32 @!p2 $0x0  }
0x16: {  	s3 =	sld [smem:$0x3FDB];
	s0 =	simm.s32 @p2 $0x1  }
0x17: {  	s4 =	simm.s32 $0x1BF5;
	[smem:$0x3FB9] =	sst s0  }
0x18: {  	s0 =	sld [smem:$0x3F9C];
	_ =	swait.ge [sflag:s4], $0x0  }
0x19: {  	s7 =	sld [smem:$0x3F9D]  }
0x1a: {  	s8 =	sadd.s32 $0xFFFFE003, lr  }
0x1b: {  	s9 =	sadd.s32 $0xFFFFFEF7, lr;
	s5 =	simm.s32 $0xFFFFFFFF;
	p2 =	slt.u32 s8, $0xFFFFF086  }
0x1c: {  	p1 =	slt.u32 s9, $0xF7A;
	s5 =	simm.s32 @!p2 $0x0  }
0x1d: {  	s5 =	simm.s32 @p1 $0x1;
	p0 =	seq.s32 s7, s2  }
0x1e: {  	s7 =	smul.u32 @!p0 $0xF7A, s2;
	p2 =	seq.s32 @!p0 s5, $0x0  }
0x1f: {  	s9 =	smul.u32 $0xF7A, s1;
	s8 =	simm.s32 @!p0 $0x1BF5;
	p2 =	por !p2, p0  }
0x20: {  	[sflag:s8] =	ssyncset.s32 @!p0 $0xFFFFF086;
	s6 =	sadd.s32 @!p0 s3, s7;
	s7 =	simm.s32 @!p0 $0x108  }
0x21: {  	s3 =	sadd.s32 s3, s9;
	s6 =	sadd.s32 @!p0 $0x88, s6;
	s7 =	simm.s32 @p2 $0x1082  }
0x22: {  	[simem:s7], [sflag:s8] =	dma.local @!p0 [hbm:s6], $0xF7A  }
0x23: {  	s9 =	sor.u32 $0xD0000000, s2;
	s6 =	simm.s32 $0x108;
	_ =	swait.ge @!p0 [sflag:s8], $0x0  }
0x24: {  	s3 =	sadd.s32 $0x88, s3;
	s6 =	simm.s32 @!p1 $0x1082;
	[sflag:s4] =	ssyncset.s32 $0xFFFFF086  }
0x25: {  	[simem:s6], [sflag:s4] =	dma.local [hbm:s3], $0xF7A  }
0x26: {  	[smem:$0x3F9D] =	sst s1;
	(tag) =	ssettag s2;
	_ =	strace s9  }
0x27: {  	s1 =	sld [smem:$0x3FAD]  }
0x28: {  	s2 =	sld [smem:$0x3FAE]  }
0x29: {  	s4 =	sld [smem:$0x3FB0]  }
0x2a: {  	p0 =	seq.s32 s5, $0x0;
	s5 =	sld [smem:$0x3FB1]  }
0x2b: {  	s6 =	sld [smem:$0x3FB2]  }
0x2c: {  	s7 =	sld [smem:$0x3FB3]  }
0x2d: {  	s3 =	simm.s32 $0x108;
	s8 =	sld [smem:$0x3FB4]  }
0x2e: {  	s3 =	simm.s32 @!p0 $0x1082;
	s9 =	sld [smem:$0x3FB5]  }
0x2f: {  	lr =	sadd.s32 s0, s3;
	s0 =	sld [smem:$0x3FAC]  }
0x30: {  	s3 =	sld [smem:$0x3FAF]  }
0x31: {  	[smem:$0x3FB8] =	sst s10  }
0x32: {  	s10 =	sld [smem:$0x3FB6];
	_ =	sdelay $0x3  }
0x33: {  	p0 =	seq.s32 s10, $0x1;
	s10 =	sld [smem:$0x3FB8];
	_ =	sdelay $0x3  }
0x34: {  	[smem:$0x3FB8] =	sst s10  }
0x35: {  	s10 =	sld [smem:$0x3FB7];
	_ =	sdelay $0x3  }
0x36: {  	p1 =	seq.s32 s10, $0x1;
	s10 =	sld [smem:$0x3FB8];
	_ =	sdelay $0x3  }
0x37: {  	[smem:$0x3FB8] =	sst s10  }
0x38: {  	s10 =	sld [smem:$0x3FB9]  }
0x39: {  	_ = 	snop;
	(pc) =	sbr.ind lr, $3  }
0x3a: {  	_ = 	snop  }
0x3b: {  	_ = 	snop  }
0x3c: {  	p2 =	seq.s32 s10, $0x1;
	s10 =	sld [smem:$0x3FB8]  }
0x3d: {  	_ =	shalt  }
0x3e: {  	_ =	shalt  }
0x3f: {  	_ =	shalt  }
0x40: {  	_ =	shalt  }
0x41: {  	_ =	shalt  }
0x42: {  	_ =	shalt  }
0x43: {  	_ =	shalt  }
0x44: {  	_ =	shalt  }
0x45: {  	_ =	shalt  }
0x46: {  	_ =	shalt  }
0x47: {  	_ =	shalt  }
0x48: {  	_ =	shalt  }
0x49: {  	_ =	shalt  }
0x4a: {  	_ =	shalt  }
0x4b: {  	_ =	shalt  }
0x4c: {  	_ =	shalt  }
0x4d: {  	_ =	shalt  }
0x4e: {  	_ =	shalt  }
0x4f: {  	_ =	shalt  }
0x50: {  	_ =	shalt  }
0x51: {  	_ =	shalt  }
0x52: {  	_ =	shalt  }
0x53: {  	_ =	shalt  }
0x54: {  	_ =	shalt  }
0x55: {  	_ =	shalt  }
0x56: {  	_ =	shalt  }
0x57: {  	_ =	shalt  }
0x58: {  	_ =	shalt  }
0x59: {  	_ =	shalt  }
0x5a: {  	_ =	shalt  }
0x5b: {  	_ =	shalt  }
0x5c: {  	_ =	shalt  }
0x5d: {  	_ =	shalt  }
0x5e: {  	_ =	shalt  }
0x5f: {  	_ =	shalt  }
0x60: {  	_ =	shalt  }
0x61: {  	_ =	shalt  }
0x62: {  	_ =	shalt  }
0x63: {  	_ =	shalt  }
0x64: {  	_ =	shalt  }
0x65: {  	_ =	shalt  }
0x66: {  	_ =	shalt  }
0x67: {  	_ =	shalt  }
0x68: {  	_ =	shalt  }
0x69: {  	_ =	shalt  }
0x6a: {  	_ =	shalt  }
0x6b: {  	_ =	shalt  }
0x6c: {  	_ =	shalt  }
0x6d: {  	_ =	shalt  }
0x6e: {  	_ =	shalt  }
0x6f: {  	_ =	shalt  }
0x70: {  	_ =	shalt  }
0x71: {  	_ =	shalt  }
0x72: {  	_ =	shalt  }
0x73: {  	_ =	shalt  }
0x74: {  	_ =	shalt  }
0x75: {  	_ =	shalt  }
0x76: {  	_ =	shalt  }
0x77: {  	_ =	shalt  }
0x78: {  	_ =	shalt  }
0x79: {  	_ =	shalt  }
0x7a: {  	_ =	shalt  }
0x7b: {  	_ =	shalt  }
0x7c: {  	_ =	shalt  }
0x7d: {  	_ =	shalt  }
0x7e: {  	_ =	shalt  }
0x7f: {  	_ =	shalt  }
0x80: {  	_ =	shalt  }
0x81: {  	_ =	shalt  }
0x82: {  	_ =	shalt  }
0x83: {  	_ =	shalt  }
0x84: {  	_ =	shalt  }
0x85: {  	_ =	shalt  }
0x86: {  	_ =	shalt  }
0x87: {  	_ =	shalt  }
.Lfunc_end0:
.L_simem_size_0:
called_computation_lowered:
.L_overlay_start_0:
0x88: {  	s2 =	sld [smem:$0x3FD9]  }
0x89: {  	s3 =	sld [smem:$0x3FFE];
	_ =	sdelay $0x1  }
0x8a: {  	s1 =	srdreg.scid  }
0x8b: {  	s0 =	sand.u32 $0x1, s1  }
0x8c: {  	s17 =	sshll.u32 s0, $0xA;
	s2 =	sadd.s32 s3, s2  }
0x8d: {  	s2 =	sadd.s32 s2, s17  }
0x8e: {  	[smem:$0x3FC4] =	sst s2  }
0x8f: {  	_ = 	snop  }
0x90: {  	s2 =	sld [smem:$0x3FC9]  }
0x91: {  	s18 =	sld [smem:$0x3FC8]  }
0x92: {  	s4 =	sld [smem:$0x3FC7];
	(tm) =	ssettm $0x1  }
0x93: {  	s5 =	sld [smem:$0x3FFB];
	_ =	sdelay $0x3  }
0x94: {  	_ =	strace s5  }
0x95: {  	s5 =	sld [smem:$0x3FFC];
	_ =	sdelay $0x3  }
0x96: {  	_ =	strace s5  }
0x97: {  	s5 =	sld [smem:$0x3FFD];
	_ =	sdelay $0x3  }
0x98: {  	_ =	strace s5  }
0x99: {  	_ =	strace $0x8FFFFFFF  }
0x9a: {  	s19 =	sld [smem:$0x3FDB];
	_ =	sdelay $0x1  }
0x9b: {  	s6 =	simm.s32 $_scs_section_size  }
0x9c: {  	s7 =	simm.s32 $_size__tile_overlayer_lowered;
	s8 =	simm.s32 $_tile_overlayer_lowered  }
0x9d: {  	s22 =	simm.s32 $0x1BFF;
	s21 =	sshll.u32 s8, $0x1;
	s5 =	sadd.s32 s6, s19  }
0x9e: {  	s9 =	simm.s32 $0x0;
	s20 =	sshll.u32 s7, $0x1;
	s7 =	sadd.s32 s21, s5  }
0x9f: {  	[timem:s9], [sflag:s22] =	dma.local [hbm:s7], s20  }
0xa0: {  	_ =	swait.ge [sflag:s22], s20  }
0xa1: {  	s6 =	ssub.s32 $0x0, s20;
	[sflag:s22] =	ssyncset.done $0x0  }
0xa2: {  	[sflag:s22] =	ssyncadd.s32 s6;
	_ =	sdelay $0x1  }
0xa3: {  	s23 =	simm.s32 $0x1B8B  }
0xa4: {  	_ =	swait.ge [sflag:s23], $0x1  }
0xa5: {  	[sflag:s23] =	ssyncset.done $0x0  }
0xa6: {  	s25 =	simm.s32 $0x1B8E;
	s24 =	sld [smem:$0x3FFE];
	[sflag:s23] =	ssyncadd.s32 $0xFFFFFFFF  }
0xa7: {  	s26 =	simm.s32 $execute0_lowered;
	[smem:$0x3FD2] =	sst s25  }
0xa8: {  	s7 =	sshll.u32 s26, $0x1;
	_ =	strace $0x80000046;
	[dreg:$0x1] =	wrdreg $0xFFFFFFFF  }
0xa9: {  	s28 =	simm.s32 $_size_execute0_lowered;
	s5 =	sadd.s32 s5, s7;
	[dreg:$0x0] =	wrdreg $0x0  }
0xaa: {  	s7 =	sshll.u32 s28, $0x1;
	[dreg:$0x2] =	wrdreg s5  }
0xab: {  	[dreg:$0x3] =	wrdreg s7  }
0xac: {  	[dreg:$0x4] =	wrdreg $0xC0  }
0xad: {  	_ =	task [dreg:s9], $0x5FFFF  }
0xae: {  	[dreg:$0x1] =	wrdreg $0xFFFFFFFF  }
0xaf: {  	[dreg:$0x0] =	wrdreg $0x60  }
0xb0: {  	[dreg:$0x2] =	wrdreg s2  }
0xb1: {  	[dreg:$0x3] =	wrdreg s18  }
0xb2: {  	[dreg:$0x4] =	wrdreg s4  }
0xb3: {  	[dreg:$0x5] =	wrdreg s24  }
0xb4: {  	[dreg:$0x6] =	wrdreg $0x9  }
0xb5: {  	_ =	task.clear_ibuf [dreg:s9], $0x7FFFF;
	_ =	strace $0x90000046  }
0xb6: {  	s29 =	simm.s32 $0x9;
	_ =	strace $0x80000048  }
0xb7: {  	_ =	swait.ge [sflag:s29], $0x1  }
0xb8: {  	[sflag:s29] =	ssyncadd.s32 $0xFFFFFFFF  }
0xb9: {  	_ =	strace $0x90000048  }
0xba: {  	_ =	sfence  }
0xbb: {  	s30 =	sld [smem:$0x0];
	_ =	sdelay $0x2  }
0xbc: {  	s31 =	sshll.u32 s1, $0xD;
	s1 =	sshrl.u32 s1, $0x2  }
0xbd: {  	s3 =	sand.u32 $0x4000, s31;
	s1 =	sadd.s32 s1, s30  }
0xbe: {  	s0 =	sor.u32 s3, s0;
	s1 =	sshll.u32 s1, $0x11  }
0xbf: {  	s0 =	sor.u32 s1, s0  }
0xc0: {  	s0 =	sadd.s32 $0x8F2B, s0  }
0xc1: {  	[sflag:s0] =	ssyncadd.remote.s32 $0x1  }
0xc2: {  	_ =	sfence.sel $0xFFFF  }
0xc3: {  	[dreg:$0x0] =	wrdreg $0xFFFFFFFF;
	(pc) =	sbr.abs _section_cstart, $3  }
0xc4: {  	[dreg:$0x1] =	wrdreg $0xFFFFFFFF  }
0xc5: {  	_ =	task.clear_ibuf [dreg:s9], $0x2FFFF;
	_ =	strace $0x9FFFFFFF  }
0xc6: {  	(tm) =	ssettm $0x7FFFFFFF  }
0xc7: {  	_ =	shalt  }
tec
execute0_lowered:
.L_overlay_start_1:
0x0: {  	(tag) =	ssettag $0x1  }
0x1: {  	s7 =	rddreg [dreg:$0x0]  }
0x2: {  	s1 =	rddreg [dreg:$0x1]  }
0x3: {  	s3 =	rddreg [dreg:$0x2]  }
0x4: {  	s6 =	rddreg [dreg:$0x3]  }
0x5: {  	s4 =	srdreg.scid;
	s0 =	rddreg [dreg:$0x4]  }
0x6: {  	s2 =	stileid.u32;
	s15 =	simm.s32 $0x200;
	s18 =	simm.s32 $0x380  }
0x7: {  	s19 =	simm.s32 $0x8400;
	s20 =	simm.s32 $0x3;
	s21 =	simm.s32 $0x1  }
0x8: {  	s22 =	simm.s32 $0x2;
	s23 =	simm.s32 $0xC400;
	s24 =	simm.s32 $0x0  }
0x9: {  	s8 =	sand.u32 $0x1, s4;
	s4 =	simm.s32 $0x0;
	s9 =	sshll.u32 s2, $0x8  }
0xa: {  	s14 =	sshrl.u32 s2, $0x1;
	s5 =	sshll.u32 s8, $0x7;
	[smem:$0x7FF] =	sst s4  }
0xb: {  	s8 =	ssub.s32 $0x2, s8;
	s31 =	sshll.u32 s14, $0x4;
	s16 =	sand.u32 $0xE00, s9  }
0xc: {  	s17 =	smul.u32 $0xC218, s14;
	s14 =	simm.s32 $0x300;
	s10 =	sor.u32 s5, s9  }
0xd: {  	v0 =	vlaneseq.u32;
	_ =	strace $0x80000047;
	s5 =	sadd.s32 $0x800, s6;
	s13 =	sshrl.u32 s8, $0x1  }
0xe: {  	v0 =	vmul.u32 $0x80, v0;
	s7 =	sadd.s32 s7, s31;
	v2 =	vmov s16;
	s16 =	simm.s32 $0x280;
	s11 =	sshll.u32 s10, $0x4  }
0xf: {  	s12 =	sshrl.u32 s10, $0x3;
	s13 =	ssub.s32 s8, s13;
	v1 =	vmov s17;
	s17 =	simm.s32 $0x4400  }
0x10: {  	v3 =	vor.u32 $0x800, v0;
	s11 =	sadd.s32 s11, s6;
	s12 =	sadd.s32 s12, s6;
	s6 =	sand.u32 $0x180, s10  }
0x11: {  	v4 =	vor.u32 $0x1000, v0;
	v5 =	vor.u32 $0x1800, v0;
	v6 =	vor.u32 $0x2000, v0;
	s10 =	smax.u32 s13, $0x1;
	s13 =	simm.s32 $0x4;
	s8 =	sadd.s32 $0x12400, s12  }
0x12: {  	v7 =	vor.u32 $0x2800, v0;
	v8 =	vor.u32 $0x3000, v0;
	v9 =	vor.u32 $0x3800, v0;
	s9 =	sadd.s32 $0x2400, s11;
	s11 =	simm.s32 $0x80;
	s12 =	simm.s32 $0x400  }
.LBB2_1:
0x13: {  	[tilespmem:s4], [sflag:$0x4] =	stream.strided.gather [hbm4b:s7+s11], $0x200, s12, s11, $0x38;
	[tilespmem:$0xC480] =	vst v63  }
0x14: {  	_ =	swait.ge [sflag:s13], $0x200  }
0x15: {  	[sflag:s13] =	ssyncset.done $0x0  }
0x16: {  	[sflag:s13] =	ssyncadd.s32 $0xFFFFFE00  }
0x17: {  	v10 =	vld [tilespmem:s6+$0x0];
	_ =	sdelay $0x4  }
0x18: {  	[tilespmem:$0x200] =	vst v10;
	v11 =	vadd.s32 v1, v10  }
0x19: {  	v10 =	vshrl.u32 v10, $0x7;
	[tilespmem:$0x300] =	vst v11  }
0x1a: {  	[tilespmem:$0x380] =	vst v10  }
0x1b: {  	v10 =	vld [tilespmem:s6+$0x10];
	_ =	sdelay $0x4  }
0x1c: {  	[tilespmem:$0x210] =	vst v10;
	v11 =	vadd.s32 v1, v10  }
0x1d: {  	v10 =	vshrl.u32 v10, $0x7;
	[tilespmem:$0x310] =	vst v11  }
0x1e: {  	[tilespmem:$0x390] =	vst v10  }
0x1f: {  	v10 =	vld [tilespmem:s6+$0x20];
	_ =	sdelay $0x4  }
0x20: {  	[tilespmem:$0x220] =	vst v10;
	v11 =	vadd.s32 v1, v10  }
0x21: {  	v10 =	vshrl.u32 v10, $0x7;
	[tilespmem:$0x320] =	vst v11  }
0x22: {  	[tilespmem:$0x3A0] =	vst v10  }
0x23: {  	v10 =	vld [tilespmem:s6+$0x30];
	_ =	sdelay $0x4  }
0x24: {  	[tilespmem:$0x230] =	vst v10;
	v11 =	vadd.s32 v1, v10  }
0x25: {  	v10 =	vshrl.u32 v10, $0x7;
	[tilespmem:$0x330] =	vst v11  }
0x26: {  	[tilespmem:$0x3B0] =	vst v10  }
0x27: {  	v10 =	vld [tilespmem:s6+$0x40];
	_ =	sdelay $0x4  }
0x28: {  	[tilespmem:$0x240] =	vst v10;
	v11 =	vadd.s32 v1, v10  }
0x29: {  	v10 =	vshrl.u32 v10, $0x7;
	[tilespmem:$0x340] =	vst v11  }
0x2a: {  	[tilespmem:$0x3C0] =	vst v10  }
0x2b: {  	v10 =	vld [tilespmem:s6+$0x50];
	_ =	sdelay $0x4  }
0x2c: {  	[tilespmem:$0x250] =	vst v10;
	v11 =	vadd.s32 v1, v10  }
0x2d: {  	v10 =	vshrl.u32 v10, $0x7;
	[tilespmem:$0x350] =	vst v11  }
0x2e: {  	[tilespmem:$0x3D0] =	vst v10  }
0x2f: {  	v10 =	vld [tilespmem:s6+$0x60];
	_ =	sdelay $0x4  }
0x30: {  	[tilespmem:$0x260] =	vst v10;
	v11 =	vadd.s32 v1, v10  }
0x31: {  	v10 =	vshrl.u32 v10, $0x7;
	[tilespmem:$0x360] =	vst v11  }
0x32: {  	[tilespmem:$0x3E0] =	vst v10  }
0x33: {  	v10 =	vld [tilespmem:s6+$0x70];
	_ =	sdelay $0x4  }
0x34: {  	[tilespmem:$0x270] =	vst v10;
	v11 =	vadd.s32 v1, v10  }
0x35: {  	v10 =	vshrl.u32 v10, $0x7;
	[tilespmem:$0x370] =	vst v11  }
0x36: {  	[tilespmem:$0x3F0] =	vst v10  }
0x37: {  	[hbm4b:s8+s4] =	stream.linear.scatter [tilespmem:s14], [sflag:$0x4], $0x80, $0x38;
	[tilespmem:$0xC480] =	vst v63  }
0x38: {  	_ =	swait.ge [sflag:s13], $0x80  }
0x39: {  	[sflag:s13] =	ssyncset.done $0x0  }
0x3a: {  	[sflag:s13] =	ssyncadd.s32 $0xFFFFFF80  }
0x3b: {  	v10 =	vmov s4;
	v16 =	vld [tilespmem:$0x200]  }
0x3c: {  	v17 =	vld [tilespmem:$0x210]  }
0x3d: {  	v15 =	vld [tilespmem:$0x220]  }
0x3e: {  	v14 =	vld [tilespmem:$0x230]  }
0x3f: {  	v13 =	vld [tilespmem:$0x240]  }
0x40: {  	v19 =	vld.idx.msk [tilespmem:v10+s4+$0x0], $0xffff  }
0x41: {  	s26 =	simm.s32 $0x1;
	v10 =	vld [tilespmem:$0x270]  }
0x42: {  	v22 =	vmov s26;
	v11 =	vld [tilespmem:$0x260]  }
0x43: {  	v21 =	vimm.s32 $0x0;
	v23 =	vimm.s32 $0x0;
	v12 =	vld [tilespmem:$0x250]  }
0x44: {  	s25 =	simm.s32 $0x2;
	v25 =	vimm.s32 $0x0;
	v26 =	vimm.s32 $0x0;
	v27 =	vimm.s32 $0x0  }
0x45: {  	v24 =	vmov s25;
	vm5 =	veq.s32 v16, v19;
	vm6 =	veq.s32 v17, v19  }
0x46: {  	vm2 =	veq.s32 v10, v19;
	vm0 =	veq.s32 v15, v19;
	vm1 =	veq.s32 v14, v19  }
0x47: {  	v22 =	vld.idx.msk [tilespmem:v22+s4+$0x0], $0xffff;
	vm4 =	veq.s32 v13, v19;
	vm3 =	veq.s32 v11, v19;
	v18 =	vsel vm2, s4, v21  }
0x48: {  	s29 =	simm.s32 $0x3;
	s28 =	simm.s32 $0x0;
	vm2 =	veq.s32 v12, v19;
	v19 =	vsel vm5, s4, v21;
	v20 =	vsel vm6, s4, v21  }
.LBB2_2:
0x49: {  	p0 =	sne.s32 s29, $0x1FF;
	v21 =	vsel vm0, s28, v21;
	v23 =	vsel vm1, s28, v23;
	v25 =	vsel vm4, s28, v25  }
0x4a: {  	v26 =	vsel vm2, s28, v26;
	v27 =	vsel vm3, s28, v27;
	s28 =	smov.u32 s26;
	s26 =	smov.u32 s25;
	s25 =	smov.u32 s29  }
.Ltmp0:
0x4b: {  	(pc) =	sbr.rel @p0 .LBB2_2-.Ltmp0, $4  }
0x4c: {  	vm5 =	veq.s32 v16, v22;
	vm6 =	veq.s32 v17, v22;
	vm2 =	veq.s32 v10, v22;
	v28 =	vmovc v22  }
0x4d: {  	vm0 =	veq.s32 v15, v28;
	vm1 =	veq.s32 v14, v28;
	v18 =	vsel vm2, s28, v18;
	v22 =	vld.idx.msk [tilespmem:v24+s4+$0x0], $0xffff  }
0x4e: {  	vm4 =	veq.s32 v13, v28;
	vm2 =	veq.s32 v12, v28;
	vm3 =	veq.s32 v11, v28  }
0x4f: {  	s29 =	sadd.s32 $0x1, s29;
	v19 =	vsel vm5, s28, v19;
	v20 =	vsel vm6, s28, v20;
	v24 =	vmov s25  }
0x50: {  	_ =	sdelay $0x2  }
0x51: {  	v21 =	vsel vm0, s28, v21;
	v23 =	vsel vm1, s28, v23;
	v25 =	vsel vm4, s28, v25  }
0x52: {  	v26 =	vsel vm2, s28, v26;
	v27 =	vsel vm3, s28, v27;
	v24 =	vld.idx.msk [tilespmem:v24+s4+$0x0], $0xffff;
	vm10 =	veq.s32 v16, v22  }
0x53: {  	vm11 =	veq.s32 v17, v22;
	vm12 =	veq.s32 v10, v22;
	vm13 =	veq.s32 v15, v22  }
0x54: {  	vm14 =	veq.s32 v14, v22;
	vm15 =	veq.s32 v13, v22;
	vm5 =	veq.s32 v12, v22  }
0x55: {  	vm6 =	veq.s32 v11, v22;
	v18 =	vsel vm12, s26, v18;
	v19 =	vsel vm10, s26, v19  }
0x56: {  	v20 =	vsel vm11, s26, v20;
	v21 =	vsel vm13, s26, v21;
	v59 =	vsel vm14, s26, v23  }
0x57: {  	v60 =	vsel vm15, s26, v25;
	v61 =	vsel vm5, s26, v26;
	vm8 =	veq.s32 v16, v24  }
0x58: {  	v62 =	vsel vm6, s26, v27;
	vm9 =	veq.s32 v17, v24;
	v63 =	vsel vm8, s25, v19  }
0x59: {  	vm10 =	veq.s32 v15, v24;
	v15 =	vsel vm9, s25, v20;
	v17 =	vadd.s32 v2, v63  }
0x5a: {  	vm11 =	veq.s32 v14, v24;
	v14 =	vsel vm10, s25, v21;
	v15 =	vadd.s32 v2, v15;
	[tilespmem:$0x280] =	vst v17  }
0x5b: {  	vm12 =	veq.s32 v13, v24;
	v13 =	vsel vm11, s25, v59;
	v14 =	vadd.s32 v2, v14;
	[tilespmem:$0x290] =	vst v15  }
0x5c: {  	vm13 =	veq.s32 v12, v24;
	v12 =	vsel vm12, s25, v60;
	v13 =	vadd.s32 v2, v13;
	[tilespmem:$0x2A0] =	vst v14  }
0x5d: {  	vm14 =	veq.s32 v11, v24;
	v11 =	vsel vm13, s25, v61;
	v12 =	vadd.s32 v2, v12;
	[tilespmem:$0x2B0] =	vst v13  }
0x5e: {  	vm15 =	veq.s32 v10, v24;
	v10 =	vsel vm14, s25, v62;
	v11 =	vadd.s32 v2, v11;
	[tilespmem:$0x2C0] =	vst v12  }
0x5f: {  	v10 =	vadd.s32 v2, v10;
	v12 =	vsel vm15, s25, v18;
	[tilespmem:$0x2D0] =	vst v11  }
0x60: {  	[tilespmem:$0x2E0] =	vst v10;
	v10 =	vadd.s32 v2, v12  }
0x61: {  	[tilespmem:$0x2F0] =	vst v10  }
0x62: {  	[tilespmem:s12], [sflag:$0x1] =	stream.indirect.gather [hbm4b:s3+s11], $0x80, s15, s11, $0xb8;
	[tilespmem:$0xC480] =	vst v63  }
0x63: {  	_ = 	snop  }
0x64: {  	[tilespmem:s17], [sflag:$0x2] =	stream.indirect.gather [hbm4b:s1+s11], $0x80, s16, s11, $0xb8;
	[tilespmem:$0xC480] =	vst v63  }
0x65: {  	_ = 	snop  }
0x66: {  	[tilespmem:s19], [sflag:$0x3] =	stream.indirect.gather [hbm4b:s5+s11], $0x80, s18, s11, $0xb8;
	[tilespmem:$0xC480] =	vst v63  }
0x67: {  	_ =	swait.ge [sflag:s20], $0x4000  }
0x68: {  	[sflag:s20] =	ssyncset.done $0x0  }
0x69: {  	[sflag:s20] =	ssyncadd.s32 $0xFFFFC000  }
0x6a: {  	v10 =	vld [tilespmem:$0x200];
	_ =	sdelay $0x4  }
0x6b: {  	v10 =	vand.u32 $0x7F, v10  }
0x6c: {  	v11 =	vld [tilespmem:$0x210];
	v10 =	vor.u32 v0, v10;
	_ =	sdelay $0x4  }
0x6d: {  	v11 =	vand.u32 $0x7F, v11;
	v10 =	vld.idx.msk [tilespmem:v10+s19+$0x0], $0xffff  }
0x6e: {  	v12 =	vld [tilespmem:$0x220];
	v11 =	vor.u32 v3, v11;
	_ =	sdelay $0x3  }
0x6f: {  	[tilespmem:$0xC400] =	vst v10  }
0x70: {  	v10 =	vld.idx.msk [tilespmem:v11+s19+$0x0], $0xffff;
	v11 =	vand.u32 $0x7F, v12  }
0x71: {  	v12 =	vld [tilespmem:$0x230];
	v11 =	vor.u32 v4, v11;
	_ =	sdelay $0x3  }
0x72: {  	[tilespmem:$0xC410] =	vst v10  }
0x73: {  	v10 =	vld.idx.msk [tilespmem:v11+s19+$0x0], $0xffff;
	v11 =	vand.u32 $0x7F, v12  }
0x74: {  	v12 =	vld [tilespmem:$0x240];
	v11 =	vor.u32 v5, v11;
	_ =	sdelay $0x3  }
0x75: {  	[tilespmem:$0xC420] =	vst v10  }
0x76: {  	v10 =	vld.idx.msk [tilespmem:v11+s19+$0x0], $0xffff;
	v11 =	vand.u32 $0x7F, v12  }
0x77: {  	v12 =	vld [tilespmem:$0x250];
	v11 =	vor.u32 v6, v11;
	_ =	sdelay $0x3  }
0x78: {  	[tilespmem:$0xC430] =	vst v10  }
0x79: {  	v10 =	vld.idx.msk [tilespmem:v11+s19+$0x0], $0xffff;
	v11 =	vand.u32 $0x7F, v12  }
0x7a: {  	v12 =	vld [tilespmem:$0x260];
	v11 =	vor.u32 v7, v11;
	_ =	sdelay $0x3  }
0x7b: {  	[tilespmem:$0xC440] =	vst v10  }
0x7c: {  	v10 =	vld.idx.msk [tilespmem:v11+s19+$0x0], $0xffff;
	v11 =	vand.u32 $0x7F, v12  }
0x7d: {  	v12 =	vld [tilespmem:$0x270];
	v11 =	vor.u32 v8, v11;
	_ =	sdelay $0x3  }
0x7e: {  	[tilespmem:$0xC450] =	vst v10  }
0x7f: {  	v10 =	vld.idx.msk [tilespmem:v11+s19+$0x0], $0xffff;
	v11 =	vand.u32 $0x7F, v12  }
0x80: {  	v11 =	vor.u32 v9, v11;
	_ =	sdelay $0x3  }
0x81: {  	[tilespmem:$0xC460] =	vst v10  }
0x82: {  	v10 =	vld.idx.msk [tilespmem:v11+s19+$0x0], $0xffff;
	_ =	sdelay $0x4  }
0x83: {  	[tilespmem:$0xC470] =	vst v10  }
0x84: {  	_ =	swait.ge [sflag:s21], $0x4000  }
0x85: {  	[sflag:s21] =	ssyncset.done $0x0  }
0x86: {  	[sflag:s21] =	ssyncadd.s32 $0xFFFFC000  }
0x87: {  	s31 =	simm.s32 $0x0;
	_ =	swait.ge [sflag:s22], $0x4000  }
0x88: {  	v10 =	vmov s31;
	[sflag:s22] =	ssyncset.done $0x0  }
0x89: {  	s26 =	simm.s32 $0x440;
	[sflag:s22] =	ssyncadd.s32 $0xFFFFC000  }
0x8a: {  	s25 =	simm.s32 $0x4440;
	v11 =	vld [tilespmem:s26+$0xFFFFFFC0]  }
0x8b: {  	v12 =	vld [tilespmem:s25+$0xFFFFFFC0];
	_ =	sdelay $0x1  }
0x8c: {  	v10 =	vld.idx.msk [tilespmem:v10+s23+$0x0], $0xffff;
	_ =	sdelay $0x2  }
0x8d: {  	v12 =	vsub.f32 v12, v11;
	_ =	sdelay $0x1  }
0x8e: {  	v12 =	vmul.f32 v12, v10;
	_ =	sdelay $0x1  }
0x8f: {  	v11 =	vadd.f32 v12, v11;
	_ =	sdelay $0x1  }
0x90: {  	[tilespmem:s26+$0xFFFFFFC0] =	vst v11;
	v11 =	vld [tilespmem:s26+$0xFFFFFFD0]  }
0x91: {  	v12 =	vld [tilespmem:s25+$0xFFFFFFD0];
	_ =	sdelay $0x4  }
0x92: {  	v12 =	vsub.f32 v12, v11;
	_ =	sdelay $0x1  }
0x93: {  	v12 =	vmul.f32 v12, v10;
	_ =	sdelay $0x1  }
0x94: {  	v11 =	vadd.f32 v12, v11;
	_ =	sdelay $0x1  }
0x95: {  	[tilespmem:s26+$0xFFFFFFD0] =	vst v11;
	v11 =	vld [tilespmem:s26+$0xFFFFFFE0]  }
0x96: {  	v12 =	vld [tilespmem:s25+$0xFFFFFFE0];
	_ =	sdelay $0x4  }
0x97: {  	v12 =	vsub.f32 v12, v11;
	_ =	sdelay $0x1  }
0x98: {  	v12 =	vmul.f32 v12, v10;
	_ =	sdelay $0x1  }
0x99: {  	v11 =	vadd.f32 v12, v11;
	_ =	sdelay $0x1  }
0x9a: {  	[tilespmem:s26+$0xFFFFFFE0] =	vst v11;
	v11 =	vld [tilespmem:s26+$0xFFFFFFF0]  }
0x9b: {  	v12 =	vld [tilespmem:s25+$0xFFFFFFF0];
	_ =	sdelay $0x4  }
0x9c: {  	v12 =	vsub.f32 v12, v11;
	_ =	sdelay $0x1  }
0x9d: {  	v12 =	vmul.f32 v12, v10;
	_ =	sdelay $0x1  }
0x9e: {  	v11 =	vadd.f32 v12, v11;
	_ =	sdelay $0x1  }
0x9f: {  	[tilespmem:s26+$0xFFFFFFF0] =	vst v11;
	v11 =	vld [tilespmem:s26+$0x0]  }
0xa0: {  	v12 =	vld [tilespmem:s25+$0x0];
	_ =	sdelay $0x4  }
0xa1: {  	v12 =	vsub.f32 v12, v11;
	_ =	sdelay $0x1  }
0xa2: {  	v12 =	vmul.f32 v12, v10;
	_ =	sdelay $0x1  }
0xa3: {  	v11 =	vadd.f32 v12, v11;
	_ =	sdelay $0x1  }
0xa4: {  	[tilespmem:s26+$0x0] =	vst v11;
	v11 =	vld [tilespmem:s26+$0x10]  }
0xa5: {  	v12 =	vld [tilespmem:s25+$0x10];
	_ =	sdelay $0x4  }
0xa6: {  	v12 =	vsub.f32 v12, v11;
	_ =	sdelay $0x1  }
0xa7: {  	v12 =	vmul.f32 v12, v10;
	_ =	sdelay $0x1  }
0xa8: {  	v11 =	vadd.f32 v12, v11;
	_ =	sdelay $0x1  }
0xa9: {  	[tilespmem:s26+$0x10] =	vst v11;
	v11 =	vld [tilespmem:s26+$0x20]  }
0xaa: {  	v12 =	vld [tilespmem:s25+$0x20];
	_ =	sdelay $0x4  }
0xab: {  	v12 =	vsub.f32 v12, v11;
	_ =	sdelay $0x1  }
0xac: {  	v12 =	vmul.f32 v12, v10;
	_ =	sdelay $0x1  }
0xad: {  	v11 =	vadd.f32 v12, v11;
	_ =	sdelay $0x1  }
0xae: {  	[tilespmem:s26+$0x20] =	vst v11;
	v11 =	vld [tilespmem:s26+$0x30]  }
0xaf: {  	v12 =	vld [tilespmem:s25+$0x30];
	_ =	sdelay $0x4  }
0xb0: {  	v12 =	vsub.f32 v12, v11;
	_ =	sdelay $0x1  }
0xb1: {  	s28 =	simm.s32 $0x1;
	v12 =	vmul.f32 v12, v10  }
0xb2: {  	s29 =	simm.s32 $0x2;
	v10 =	vmov s28;
	s28 =	simm.s32 $0x440  }
.LBB2_4:
0xb3: {  	p0 =	sne.s32 s29, $0x7F;
	v11 =	vadd.f32 v12, v11  }
0xb4: {  	s26 =	sadd.s32 $0x80, s26  }
0xb5: {  	s25 =	sadd.s32 $0x80, s25;
	v12 =	vld [tilespmem:s26+$0xFFFFFFC0];
	[tilespmem:s28+$0x30] =	vst v11;
	s28 =	smov.u32 s26  }
0xb6: {  	v11 =	vld [tilespmem:s25+$0xFFFFFFC0]  }
0xb7: {  	v10 =	vld.idx.msk [tilespmem:v10+s23+$0x0], $0xffff;
	_ =	sdelay $0x3  }
0xb8: {  	v11 =	vsub.f32 v11, v12;
	_ =	sdelay $0x1  }
0xb9: {  	v11 =	vmul.f32 v11, v10;
	_ =	sdelay $0x1  }
0xba: {  	v11 =	vadd.f32 v11, v12;
	_ =	sdelay $0x1  }
0xbb: {  	[tilespmem:s26+$0xFFFFFFC0] =	vst v11;
	v11 =	vld [tilespmem:s26+$0xFFFFFFD0]  }
0xbc: {  	v12 =	vld [tilespmem:s25+$0xFFFFFFD0];
	_ =	sdelay $0x4  }
0xbd: {  	v12 =	vsub.f32 v12, v11;
	_ =	sdelay $0x1  }
0xbe: {  	v12 =	vmul.f32 v12, v10;
	_ =	sdelay $0x1  }
0xbf: {  	v11 =	vadd.f32 v12, v11;
	_ =	sdelay $0x1  }
0xc0: {  	[tilespmem:s26+$0xFFFFFFD0] =	vst v11;
	v11 =	vld [tilespmem:s26+$0xFFFFFFE0]  }
0xc1: {  	v12 =	vld [tilespmem:s25+$0xFFFFFFE0];
	_ =	sdelay $0x4  }
0xc2: {  	v12 =	vsub.f32 v12, v11;
	_ =	sdelay $0x1  }
0xc3: {  	v12 =	vmul.f32 v12, v10;
	_ =	sdelay $0x1  }
0xc4: {  	v11 =	vadd.f32 v12, v11;
	_ =	sdelay $0x1  }
0xc5: {  	[tilespmem:s26+$0xFFFFFFE0] =	vst v11;
	v11 =	vld [tilespmem:s26+$0xFFFFFFF0]  }
0xc6: {  	v12 =	vld [tilespmem:s25+$0xFFFFFFF0];
	_ =	sdelay $0x4  }
0xc7: {  	v12 =	vsub.f32 v12, v11;
	_ =	sdelay $0x1  }
0xc8: {  	v12 =	vmul.f32 v12, v10;
	_ =	sdelay $0x1  }
0xc9: {  	v11 =	vadd.f32 v12, v11;
	_ =	sdelay $0x1  }
0xca: {  	[tilespmem:s26+$0xFFFFFFF0] =	vst v11;
	v11 =	vld [tilespmem:s26+$0x0]  }
0xcb: {  	v12 =	vld [tilespmem:s25+$0x0];
	_ =	sdelay $0x4  }
0xcc: {  	v12 =	vsub.f32 v12, v11;
	_ =	sdelay $0x1  }
0xcd: {  	v12 =	vmul.f32 v12, v10;
	_ =	sdelay $0x1  }
0xce: {  	v11 =	vadd.f32 v12, v11;
	_ =	sdelay $0x1  }
0xcf: {  	[tilespmem:s26+$0x0] =	vst v11;
	v11 =	vld [tilespmem:s26+$0x10]  }
0xd0: {  	v12 =	vld [tilespmem:s25+$0x10];
	_ =	sdelay $0x4  }
0xd1: {  	v12 =	vsub.f32 v12, v11;
	_ =	sdelay $0x1  }
0xd2: {  	v12 =	vmul.f32 v12, v10;
	_ =	sdelay $0x1  }
0xd3: {  	v11 =	vadd.f32 v12, v11;
	_ =	sdelay $0x1  }
0xd4: {  	[tilespmem:s26+$0x10] =	vst v11;
	v11 =	vld [tilespmem:s26+$0x20]  }
0xd5: {  	v12 =	vld [tilespmem:s25+$0x20];
	_ =	sdelay $0x4  }
0xd6: {  	v12 =	vsub.f32 v12, v11;
	_ =	sdelay $0x1  }
0xd7: {  	v12 =	vmul.f32 v12, v10;
	_ =	sdelay $0x1  }
0xd8: {  	v11 =	vadd.f32 v12, v11;
	_ =	sdelay $0x1  }
0xd9: {  	[tilespmem:s26+$0x20] =	vst v11;
	v11 =	vld [tilespmem:s26+$0x30]  }
0xda: {  	v12 =	vld [tilespmem:s25+$0x30];
	_ =	sdelay $0x3  }
.Ltmp1:
0xdb: {  	(pc) =	sbr.rel @p0 .LBB2_4-.Ltmp1, $3  }
0xdc: {  	v12 =	vsub.f32 v12, v11;
	_ =	sdelay $0x1  }
0xdd: {  	v12 =	vmul.f32 v12, v10  }
0xde: {  	v10 =	vmov s29;
	s29 =	sadd.s32 $0x1, s29  }
0xdf: {  	v11 =	vadd.f32 v12, v11  }
0xe0: {  	s26 =	sadd.s32 $0x80, s26  }
0xe1: {  	s25 =	sadd.s32 $0x80, s25;
	v56 =	vld [tilespmem:s26+$0xFFFFFFC0];
	[tilespmem:s28+$0x30] =	vst v11  }
0xe2: {  	v11 =	vld [tilespmem:s25+$0xFFFFFFC0];
	_ =	sdelay $0x1  }
0xe3: {  	v10 =	vld.idx.msk [tilespmem:v10+s23+$0x0], $0xffff;
	_ =	sdelay $0x2  }
0xe4: {  	v11 =	vsub.f32 v11, v56;
	_ =	sdelay $0x1  }
0xe5: {  	v11 =	vmul.f32 v11, v10;
	_ =	sdelay $0x1  }
0xe6: {  	v11 =	vadd.f32 v11, v56;
	_ =	sdelay $0x1  }
0xe7: {  	[tilespmem:s26+$0xFFFFFFC0] =	vst v11;
	v11 =	vld [tilespmem:s26+$0xFFFFFFD0]  }
0xe8: {  	v57 =	vld [tilespmem:s25+$0xFFFFFFD0];
	_ =	sdelay $0x4  }
0xe9: {  	v12 =	vsub.f32 v57, v11;
	_ =	sdelay $0x1  }
0xea: {  	v12 =	vmul.f32 v12, v10;
	_ =	sdelay $0x1  }
0xeb: {  	v11 =	vadd.f32 v12, v11;
	_ =	sdelay $0x1  }
0xec: {  	[tilespmem:s26+$0xFFFFFFD0] =	vst v11;
	v11 =	vld [tilespmem:s26+$0xFFFFFFE0]  }
0xed: {  	v58 =	vld [tilespmem:s25+$0xFFFFFFE0];
	_ =	sdelay $0x4  }
0xee: {  	v12 =	vsub.f32 v58, v11;
	_ =	sdelay $0x1  }
0xef: {  	v12 =	vmul.f32 v12, v10;
	_ =	sdelay $0x1  }
0xf0: {  	v11 =	vadd.f32 v12, v11;
	_ =	sdelay $0x1  }
0xf1: {  	[tilespmem:s26+$0xFFFFFFE0] =	vst v11;
	v11 =	vld [tilespmem:s26+$0xFFFFFFF0]  }
0xf2: {  	v59 =	vld [tilespmem:s25+$0xFFFFFFF0];
	_ =	sdelay $0x4  }
0xf3: {  	v12 =	vsub.f32 v59, v11;
	_ =	sdelay $0x1  }
0xf4: {  	v12 =	vmul.f32 v12, v10;
	_ =	sdelay $0x1  }
0xf5: {  	v11 =	vadd.f32 v12, v11;
	_ =	sdelay $0x1  }
0xf6: {  	[tilespmem:s26+$0xFFFFFFF0] =	vst v11;
	v11 =	vld [tilespmem:s26+$0x0]  }
0xf7: {  	v60 =	vld [tilespmem:s25+$0x0];
	_ =	sdelay $0x4  }
0xf8: {  	v12 =	vsub.f32 v60, v11;
	_ =	sdelay $0x1  }
0xf9: {  	v12 =	vmul.f32 v12, v10;
	_ =	sdelay $0x1  }
0xfa: {  	v11 =	vadd.f32 v12, v11;
	_ =	sdelay $0x1  }
0xfb: {  	[tilespmem:s26+$0x0] =	vst v11;
	v11 =	vld [tilespmem:s26+$0x10]  }
0xfc: {  	v61 =	vld [tilespmem:s25+$0x10];
	_ =	sdelay $0x4  }
0xfd: {  	v12 =	vsub.f32 v61, v11;
	_ =	sdelay $0x1  }
0xfe: {  	v12 =	vmul.f32 v12, v10;
	_ =	sdelay $0x1  }
0xff: {  	v11 =	vadd.f32 v12, v11;
	_ =	sdelay $0x1  }
0x100: {  	[tilespmem:s26+$0x10] =	vst v11;
	v11 =	vld [tilespmem:s26+$0x20]  }
0x101: {  	v62 =	vld [tilespmem:s25+$0x20];
	_ =	sdelay $0x4  }
0x102: {  	v12 =	vsub.f32 v62, v11;
	_ =	sdelay $0x1  }
0x103: {  	v12 =	vmul.f32 v12, v10;
	_ =	sdelay $0x1  }
0x104: {  	v11 =	vadd.f32 v12, v11;
	_ =	sdelay $0x1  }
0x105: {  	[tilespmem:s26+$0x20] =	vst v11;
	v11 =	vld [tilespmem:s26+$0x30]  }
0x106: {  	v63 =	vld [tilespmem:s25+$0x30];
	_ =	sdelay $0x4  }
0x107: {  	v12 =	vsub.f32 v63, v11;
	_ =	sdelay $0x1  }
0x108: {  	v10 =	vmul.f32 v12, v10;
	_ =	sdelay $0x1  }
0x109: {  	s24 =	sadd.s32 $0x1, s24;
	v10 =	vadd.f32 v10, v11  }
0x10a: {  	p0 =	sne.s32 s24, s10  }
.Ltmp2:
0x10b: {  	[tilespmem:s26+$0x30] =	vst v10;
	(pc) =	sbr.rel @p0 .LBB2_1-.Ltmp2, $4  }
0x10c: {  	[hbm4b:s9+s4] =	stream.linear.scatter [tilespmem:s12], [sflag:$0x4], $0x4000, $0x38;
	[tilespmem:$0xC480] =	vst v63  }
0x10d: {  	_ =	swait.ge [sflag:s13], $0x4000  }
0x10e: {  	[sflag:s13] =	ssyncset.done $0x0  }
0x10f: {  	[sflag:s13] =	ssyncadd.s32 $0xFFFFC000  }
0x110: {  	_ =	sfence.sel $0x180000  }
0x111: {  	[bflag:$0x0] =	sbarrier.arrive $0xFFFF  }
0x112: {  	p0 =	sne.s32 s2, $0x0;
	_ =	strace $0x90000047  }
0x113: {  	s0 =	sadd.s32 @!p0 $0x100000, s0;
	[bflag:$0x2] =	sbarrier.arrive $0xFFFF  }
0x114: {  	[sflag:s0] =	ssyncadd.tile.s32 @!p0 $0x1;
	_ =	shalt  }
.Lfunc_end2:
_tile_overlayer_lowered:
.L_overlay_start_2:
0x115: {  	(tag) =	ssettag $0x2  }
0x116: {  	s0 =	rddreg [dreg:$0x0];
	s2 =	stileid.u32  }
0x117: {  	s1 =	rddreg [dreg:$0x1];
	p0 =	sne.s32 s2, $0x0  }
0x118: {  	s3 =	rddreg [dreg:$0x2];
	[bflag:$0x3] =	sbarrier.arrive $0xFFFF;
	s2 =	simm.s32 @!p0 $0x1C04  }
0x119: {  	[timem:s3], [sflag:s2] =	dma.local @!p0 [hbm:s0], s1  }
0x11a: {  	s0 =	simm.s32 @!p0 $0x4  }
0x11b: {  	_ =	swait.ge @!p0 [sflag:s0], s1  }
0x11c: {  	s1 =	ssub.s32 @!p0 $0x0, s1;
	[sflag:s0] =	ssyncset.done @!p0 $0x0  }
0x11d: {  	[sflag:s0] =	ssyncadd.s32 @!p0 s1  }
0x11e: {  	[bflag:$0x3] =	sbarrier.arrive $0xFFFF  }
0x11f: {  	_ =	shalt  }

// kernel: kernel.8.cloned.1.call-start
scs
__scs_entry_jumppad:
0x0: {  	(pc) =	sbr.rel $0x88, $3  }
0x1: {  	(tag) =	ssettag $0x0;
	lr =	simm.s32 $0x1  }
0x2: {  	[smem:$0x3F9D] =	sst lr;
	_ =	strace $0xD0000000  }
0x3: {  	_ = 	snop  }
0x4: {  	_ = 	snop  }
0x5: {  	_ = 	snop  }
0x6: {  	_ = 	snop  }
0x7: {  	_ = 	snop  }
__scs_overlays_trampoline_lowered:
0x8: {  	[smem:$0x3FAC] =	sst s0  }
0x9: {  	[smem:$0x3FAD] =	sst s1  }
0xa: {  	[smem:$0x3FAE] =	sst s2  }
0xb: {  	[smem:$0x3FAF] =	sst s3  }
0xc: {  	[smem:$0x3FB0] =	sst s4  }
0xd: {  	[smem:$0x3FB1] =	sst s5  }
0xe: {  	[smem:$0x3FB2] =	sst s6  }
0xf: {  	[smem:$0x3FB3] =	sst s7  }
0x10: {  	[smem:$0x3FB4] =	sst s8  }
0x11: {  	[smem:$0x3FB5] =	sst s9;
	s0 =	simm.s32 @!p0 $0x0  }
0x12: {  	s1 =	sld [smem:$0x3F9B];
	s0 =	simm.s32 @p0 $0x1  }
0x13: {  	[smem:$0x3FB6] =	sst s0;
	s0 =	simm.s32 @!p1 $0x0  }
0x14: {  	s2 =	sld [smem:$0x3F9A];
	s0 =	simm.s32 @p1 $0x1  }
0x15: {  	[smem:$0x3FB7] =	sst s0;
	s0 =	simm.s32 @!p2 $0x0  }
0x16: {  	s3 =	sld [smem:$0x3FDB];
	s0 =	simm.s32 @p2 $0x1  }
0x17: {  	s4 =	simm.s32 $0x1BF5;
	[smem:$0x3FB9] =	sst s0  }
0x18: {  	s0 =	sld [smem:$0x3F9C];
	_ =	swait.ge [sflag:s4], $0x0  }
0x19: {  	s7 =	sld [smem:$0x3F9D]  }
0x1a: {  	s8 =	sadd.s32 $0xFFFFE003, lr  }
0x1b: {  	s9 =	sadd.s32 $0xFFFFFEF7, lr;
	s5 =	simm.s32 $0xFFFFFFFF;
	p2 =	slt.u32 s8, $0xFFFFF086  }
0x1c: {  	p1 =	slt.u32 s9, $0xF7A;
	s5 =	simm.s32 @!p2 $0x0  }
0x1d: {  	s5 =	simm.s32 @p1 $0x1;
	p0 =	seq.s32 s7, s2  }
0x1e: {  	s7 =	smul.u32 @!p0 $0xF7A, s2;
	p2 =	seq.s32 @!p0 s5, $0x0  }
0x1f: {  	s9 =	smul.u32 $0xF7A, s1;
	s8 =	simm.s32 @!p0 $0x1BF5;
	p2 =	por !p2, p0  }
0x20: {  	[sflag:s8] =	ssyncset.s32 @!p0 $0xFFFFF086;
	s6 =	sadd.s32 @!p0 s3, s7;
	s7 =	simm.s32 @!p0 $0x108  }
0x21: {  	s3 =	sadd.s32 s3, s9;
	s6 =	sadd.s32 @!p0 $0x88, s6;
	s7 =	simm.s32 @p2 $0x1082  }
0x22: {  	[simem:s7], [sflag:s8] =	dma.local @!p0 [hbm:s6], $0xF7A  }
0x23: {  	s9 =	sor.u32 $0xD0000000, s2;
	s6 =	simm.s32 $0x108;
	_ =	swait.ge @!p0 [sflag:s8], $0x0  }
0x24: {  	s3 =	sadd.s32 $0x88, s3;
	s6 =	simm.s32 @!p1 $0x1082;
	[sflag:s4] =	ssyncset.s32 $0xFFFFF086  }
0x25: {  	[simem:s6], [sflag:s4] =	dma.local [hbm:s3], $0xF7A  }
0x26: {  	[smem:$0x3F9D] =	sst s1;
	(tag) =	ssettag s2;
	_ =	strace s9  }
0x27: {  	s1 =	sld [smem:$0x3FAD]  }
0x28: {  	s2 =	sld [smem:$0x3FAE]  }
0x29: {  	s4 =	sld [smem:$0x3FB0]  }
0x2a: {  	p0 =	seq.s32 s5, $0x0;
	s5 =	sld [smem:$0x3FB1]  }
0x2b: {  	s6 =	sld [smem:$0x3FB2]  }
0x2c: {  	s7 =	sld [smem:$0x3FB3]  }
0x2d: {  	s3 =	simm.s32 $0x108;
	s8 =	sld [smem:$0x3FB4]  }
0x2e: {  	s3 =	simm.s32 @!p0 $0x1082;
	s9 =	sld [smem:$0x3FB5]  }
0x2f: {  	lr =	sadd.s32 s0, s3;
	s0 =	sld [smem:$0x3FAC]  }
0x30: {  	s3 =	sld [smem:$0x3FAF]  }
0x31: {  	[smem:$0x3FB8] =	sst s10  }
0x32: {  	s10 =	sld [smem:$0x3FB6];
	_ =	sdelay $0x3  }
0x33: {  	p0 =	seq.s32 s10, $0x1;
	s10 =	sld [smem:$0x3FB8];
	_ =	sdelay $0x3  }
0x34: {  	[smem:$0x3FB8] =	sst s10  }
0x35: {  	s10 =	sld [smem:$0x3FB7];
	_ =	sdelay $0x3  }
0x36: {  	p1 =	seq.s32 s10, $0x1;
	s10 =	sld [smem:$0x3FB8];
	_ =	sdelay $0x3  }
0x37: {  	[smem:$0x3FB8] =	sst s10  }
0x38: {  	s10 =	sld [smem:$0x3FB9]  }
0x39: {  	_ = 	snop;
	(pc) =	sbr.ind lr, $3  }
0x3a: {  	_ = 	snop  }
0x3b: {  	_ = 	snop  }
0x3c: {  	p2 =	seq.s32 s10, $0x1;
	s10 =	sld [smem:$0x3FB8]  }
0x3d: {  	_ =	shalt  }
0x3e: {  	_ =	shalt  }
0x3f: {  	_ =	shalt  }
0x40: {  	_ =	shalt  }
0x41: {  	_ =	shalt  }
0x42: {  	_ =	shalt  }
0x43: {  	_ =	shalt  }
0x44: {  	_ =	shalt  }
0x45: {  	_ =	shalt  }
0x46: {  	_ =	shalt  }
0x47: {  	_ =	shalt  }
0x48: {  	_ =	shalt  }
0x49: {  	_ =	shalt  }
0x4a: {  	_ =	shalt  }
0x4b: {  	_ =	shalt  }
0x4c: {  	_ =	shalt  }
0x4d: {  	_ =	shalt  }
0x4e: {  	_ =	shalt  }
0x4f: {  	_ =	shalt  }
0x50: {  	_ =	shalt  }
0x51: {  	_ =	shalt  }
0x52: {  	_ =	shalt  }
0x53: {  	_ =	shalt  }
0x54: {  	_ =	shalt  }
0x55: {  	_ =	shalt  }
0x56: {  	_ =	shalt  }
0x57: {  	_ =	shalt  }
0x58: {  	_ =	shalt  }
0x59: {  	_ =	shalt  }
0x5a: {  	_ =	shalt  }
0x5b: {  	_ =	shalt  }
0x5c: {  	_ =	shalt  }
0x5d: {  	_ =	shalt  }
0x5e: {  	_ =	shalt  }
0x5f: {  	_ =	shalt  }
0x60: {  	_ =	shalt  }
0x61: {  	_ =	shalt  }
0x62: {  	_ =	shalt  }
0x63: {  	_ =	shalt  }
0x64: {  	_ =	shalt  }
0x65: {  	_ =	shalt  }
0x66: {  	_ =	shalt  }
0x67: {  	_ =	shalt  }
0x68: {  	_ =	shalt  }
0x69: {  	_ =	shalt  }
0x6a: {  	_ =	shalt  }
0x6b: {  	_ =	shalt  }
0x6c: {  	_ =	shalt  }
0x6d: {  	_ =	shalt  }
0x6e: {  	_ =	shalt  }
0x6f: {  	_ =	shalt  }
0x70: {  	_ =	shalt  }
0x71: {  	_ =	shalt  }
0x72: {  	_ =	shalt  }
0x73: {  	_ =	shalt  }
0x74: {  	_ =	shalt  }
0x75: {  	_ =	shalt  }
0x76: {  	_ =	shalt  }
0x77: {  	_ =	shalt  }
0x78: {  	_ =	shalt  }
0x79: {  	_ =	shalt  }
0x7a: {  	_ =	shalt  }
0x7b: {  	_ =	shalt  }
0x7c: {  	_ =	shalt  }
0x7d: {  	_ =	shalt  }
0x7e: {  	_ =	shalt  }
0x7f: {  	_ =	shalt  }
0x80: {  	_ =	shalt  }
0x81: {  	_ =	shalt  }
0x82: {  	_ =	shalt  }
0x83: {  	_ =	shalt  }
0x84: {  	_ =	shalt  }
0x85: {  	_ =	shalt  }
0x86: {  	_ =	shalt  }
0x87: {  	_ =	shalt  }
.Lfunc_end0:
.L_simem_size_0:
called_computation.1_lowered:
.L_overlay_start_0:
0x88: {  	s2 =	sld [smem:$0x3FD9]  }
0x89: {  	s3 =	sld [smem:$0x3FFE];
	_ =	sdelay $0x1  }
0x8a: {  	s1 =	srdreg.scid  }
0x8b: {  	s0 =	sand.u32 $0x1, s1  }
0x8c: {  	s17 =	sshll.u32 s0, $0xA;
	s2 =	sadd.s32 s3, s2  }
0x8d: {  	s2 =	sadd.s32 s2, s17  }
0x8e: {  	[smem:$0x3FC4] =	sst s2  }
0x8f: {  	_ = 	snop  }
0x90: {  	s2 =	sld [smem:$0x3FD0];
	(tm) =	ssettm $0x1  }
0x91: {  	s18 =	sld [smem:$0x3FFB];
	_ =	sdelay $0x3  }
0x92: {  	_ =	strace s18  }
0x93: {  	s3 =	sld [smem:$0x3FFC];
	_ =	sdelay $0x3  }
0x94: {  	_ =	strace s3  }
0x95: {  	s3 =	sld [smem:$0x3FFD];
	_ =	sdelay $0x3  }
0x96: {  	_ =	strace s3  }
0x97: {  	_ =	strace $0x8FFFFFFF  }
0x98: {  	s19 =	sld [smem:$0x3FDB];
	_ =	sdelay $0x1  }
0x99: {  	s4 =	simm.s32 $_scs_section_size  }
0x9a: {  	s5 =	simm.s32 $_size__tile_overlayer_lowered;
	s6 =	simm.s32 $_tile_overlayer_lowered  }
0x9b: {  	s22 =	simm.s32 $0x1BFF;
	s21 =	sshll.u32 s6, $0x1;
	s3 =	sadd.s32 s4, s19  }
0x9c: {  	s7 =	simm.s32 $0x0;
	s20 =	sshll.u32 s5, $0x1;
	s5 =	sadd.s32 s21, s3  }
0x9d: {  	[timem:s7], [sflag:s22] =	dma.local [hbm:s5], s20  }
0x9e: {  	_ =	swait.ge [sflag:s22], s20  }
0x9f: {  	s4 =	ssub.s32 $0x0, s20;
	[sflag:s22] =	ssyncset.done $0x0  }
0xa0: {  	[sflag:s22] =	ssyncadd.s32 s4;
	_ =	sdelay $0x1  }
0xa1: {  	s23 =	simm.s32 $0x1B8B  }
0xa2: {  	_ =	swait.ge [sflag:s23], $0x1  }
0xa3: {  	[sflag:s23] =	ssyncset.done $0x0  }
0xa4: {  	s25 =	simm.s32 $0x1B8E;
	s24 =	sld [smem:$0x3FFE];
	[sflag:s23] =	ssyncadd.s32 $0xFFFFFFFF  }
0xa5: {  	s26 =	simm.s32 $execute0_lowered;
	[smem:$0x3FD2] =	sst s25  }
0xa6: {  	s5 =	sshll.u32 s26, $0x1;
	_ =	strace $0x80000049;
	[dreg:$0x1] =	wrdreg $0xFFFFFFFF  }
0xa7: {  	s28 =	simm.s32 $_size_execute0_lowered;
	s3 =	sadd.s32 s3, s5;
	[dreg:$0x0] =	wrdreg $0x0  }
0xa8: {  	s5 =	sshll.u32 s28, $0x1;
	[dreg:$0x2] =	wrdreg s3  }
0xa9: {  	[dreg:$0x3] =	wrdreg s5  }
0xaa: {  	[dreg:$0x4] =	wrdreg $0xC0  }
0xab: {  	_ =	task [dreg:s7], $0x5FFFF  }
0xac: {  	[dreg:$0x1] =	wrdreg $0xFFFFFFFF  }
0xad: {  	[dreg:$0x0] =	wrdreg $0x60  }
0xae: {  	[dreg:$0x2] =	wrdreg s2  }
0xaf: {  	[dreg:$0x3] =	wrdreg s24  }
0xb0: {  	[dreg:$0x4] =	wrdreg $0x9  }
0xb1: {  	_ =	task.clear_ibuf [dreg:s7], $0x5FFFF;
	_ =	strace $0x90000049  }
0xb2: {  	s29 =	simm.s32 $0x9;
	_ =	strace $0x8000004B  }
0xb3: {  	_ =	swait.ge [sflag:s29], $0x1  }
0xb4: {  	[sflag:s29] =	ssyncadd.s32 $0xFFFFFFFF  }
0xb5: {  	_ =	strace $0x9000004B  }
0xb6: {  	_ =	sfence  }
0xb7: {  	s30 =	sld [smem:$0x0];
	_ =	sdelay $0x2  }
0xb8: {  	s31 =	sshll.u32 s1, $0xD;
	s1 =	sshrl.u32 s1, $0x2  }
0xb9: {  	s3 =	sand.u32 $0x4000, s31;
	s1 =	sadd.s32 s1, s30  }
0xba: {  	s0 =	sor.u32 s3, s0;
	s1 =	sshll.u32 s1, $0x11  }
0xbb: {  	s0 =	sor.u32 s1, s0  }
0xbc: {  	s0 =	sadd.s32 $0x8F2B, s0  }
0xbd: {  	[sflag:s0] =	ssyncadd.remote.s32 $0x1  }
0xbe: {  	_ =	sfence.sel $0xFFFF  }
0xbf: {  	[dreg:$0x0] =	wrdreg $0xFFFFFFFF;
	(pc) =	sbr.abs _section_cstart, $3  }
0xc0: {  	[dreg:$0x1] =	wrdreg $0xFFFFFFFF  }
0xc1: {  	_ =	task.clear_ibuf [dreg:s7], $0x2FFFF;
	_ =	strace $0x9FFFFFFF  }
0xc2: {  	(tm) =	ssettm $0x7FFFFFFF  }
0xc3: {  	_ =	shalt  }
tec
execute0_lowered:
.L_overlay_start_1:
0x0: {  	(tag) =	ssettag $0x1  }
0x1: {  	s1 =	srdreg.scid  }
0x2: {  	s2 =	rddreg [dreg:$0x0];
	s0 =	stileid.u32;
	s8 =	sand.u32 $0x1, s1  }
0x3: {  	s4 =	rddreg [dreg:$0x1];
	s5 =	sshll.u32 s0, $0x8;
	s6 =	sshll.u32 s8, $0x7  }
0x4: {  	s3 =	simm.s32 $0x0;
	s1 =	rddreg [dreg:$0x2];
	s5 =	sor.u32 s6, s5  }
0x5: {  	[smem:$0x7FF] =	sst s3;
	s6 =	sshll.u32 s5, $0x4  }
0x6: {  	_ =	strace $0x8000004A;
	s5 =	sshrl.u32 s5, $0x3;
	s6 =	sadd.s32 s6, s4  }
0x7: {  	s7 =	sadd.s32 s5, s4;
	s5 =	simm.s32 $0x80;
	s4 =	sadd.s32 $0x2400, s6  }
0x8: {  	[tilespmem:s5], [sflag:$0x1] =	stream.linear.gather [hbm4b:s4+s3], $0x4000, $0x38;
	[tilespmem:$0x4080] =	vst v63  }
0x9: {  	s9 =	ssub.s32 $0x2, s8;
	s6 =	sadd.s32 $0x12400, s7;
	s7 =	simm.s32 $0x3  }
0xa: {  	[tilespmem:s3], [sflag:$0x3] =	stream.linear.gather [hbm4b:s6+s3], $0x80, $0x38;
	[tilespmem:$0x4080] =	vst v63  }
0xb: {  	s10 =	sshrl.u32 s9, $0x1;
	_ =	swait.ge [sflag:s7], $0x80  }
0xc: {  	s9 =	ssub.s32 s9, s10;
	[sflag:s7] =	ssyncset.done $0x0  }
0xd: {  	s8 =	simm.s32 $0x1;
	s10 =	smax.u32 s9, $0x1;
	[sflag:s7] =	ssyncadd.s32 $0xFFFFFF80  }
0xe: {  	p0 =	sne.s32 s10, $0x1;
	_ =	swait.ge [sflag:s8], $0x4000  }
.Ltmp0:
0xf: {  	[sflag:s8] =	ssyncset.done $0x0;
	(pc) =	sbr.rel @!p0 .LBB2_2-.Ltmp0, $4  }
0x10: {  	s9 =	simm.s32 $0x2;
	[sflag:s8] =	ssyncadd.s32 $0xFFFFC000  }
0x11: {  	[hbm4b:s2+s5] =	stream.indirect.scatter [tilespmem:s5], [sflag:$0x2], $0x80, s3, s5, $0xb8;
	[tilespmem:$0x4080] =	vst v63  }
0x12: {  	_ =	swait.ge [sflag:s9], $0x4000  }
0x13: {  	s10 =	sadd.s32 $0xFFFFFFFF, s10;
	[sflag:s9] =	ssyncset.done $0x0  }
.LBB2_1:
0x14: {  	p0 =	sne.s32 s10, $0x1;
	s10 =	sadd.s32 $0xFFFFFFFF, s10;
	[sflag:s9] =	ssyncadd.s32 $0xFFFFC000  }
0x15: {  	[tilespmem:s5], [sflag:$0x1] =	stream.linear.gather [hbm4b:s4+s3], $0x4000, $0x38;
	[tilespmem:$0x4080] =	vst v63  }
0x16: {  	_ = 	snop  }
0x17: {  	[tilespmem:s3], [sflag:$0x3] =	stream.linear.gather [hbm4b:s6+s3], $0x80, $0x38;
	[tilespmem:$0x4080] =	vst v63  }
0x18: {  	_ =	swait.ge [sflag:s7], $0x80  }
0x19: {  	[sflag:s7] =	ssyncset.done $0x0  }
0x1a: {  	[sflag:s7] =	ssyncadd.s32 $0xFFFFFF80  }
0x1b: {  	_ =	swait.ge [sflag:s8], $0x4000  }
.Ltmp1:
0x1c: {  	[sflag:s8] =	ssyncset.done $0x0;
	(pc) =	sbr.rel @p0 .LBB2_1-.Ltmp1, $4  }
0x1d: {  	[sflag:s8] =	ssyncadd.s32 $0xFFFFC000  }
0x1e: {  	[hbm4b:s2+s5] =	stream.indirect.scatter [tilespmem:s5], [sflag:$0x2], $0x80, s3, s5, $0xb8;
	[tilespmem:$0x4080] =	vst v63  }
0x1f: {  	_ =	swait.ge [sflag:s9], $0x4000  }
0x20: {  	[sflag:s9] =	ssyncset.done $0x0  }
.LBB2_2:
0x21: {  	[sflag:s9] =	ssyncadd.s32 $0xFFFFC000  }
0x22: {  	_ =	sfence.sel $0x180000  }
0x23: {  	[bflag:$0x0] =	sbarrier.arrive $0xFFFF  }
0x24: {  	p0 =	sne.s32 s0, $0x0;
	_ =	strace $0x9000004A  }
0x25: {  	s0 =	sadd.s32 @!p0 $0x100000, s1;
	[bflag:$0x2] =	sbarrier.arrive $0xFFFF  }
0x26: {  	[sflag:s0] =	ssyncadd.tile.s32 @!p0 $0x1;
	_ =	shalt  }
.Lfunc_end2:
_tile_overlayer_lowered:
.L_overlay_start_2:
0x27: {  	(tag) =	ssettag $0x2  }
0x28: {  	s0 =	rddreg [dreg:$0x0];
	s2 =	stileid.u32  }
0x29: {  	s1 =	rddreg [dreg:$0x1];
	p0 =	sne.s32 s2, $0x0  }
0x2a: {  	s3 =	rddreg [dreg:$0x2];
	[bflag:$0x3] =	sbarrier.arrive $0xFFFF;
	s2 =	simm.s32 @!p0 $0x1C03  }
0x2b: {  	[timem:s3], [sflag:s2] =	dma.local @!p0 [hbm:s0], s1  }
0x2c: {  	s0 =	simm.s32 @!p0 $0x3  }
0x2d: {  	_ =	swait.ge @!p0 [sflag:s0], s1  }
0x2e: {  	s1 =	ssub.s32 @!p0 $0x0, s1;
	[sflag:s0] =	ssyncset.done @!p0 $0x0  }
0x2f: {  	[sflag:s0] =	ssyncadd.s32 @!p0 s1  }
0x30: {  	[bflag:$0x3] =	sbarrier.arrive $0xFFFF  }
0x31: {  	_ =	shalt  }

</sc_bundles>
